<compile_context>
chip_gen: v7x
topology: tpu7x:2x2x1
jax: 0.10.2.dev20260603
libtpu: 0.0.44.dev20260713+nightly
codegen_flags: <defaults>
</compile_context>

<pallas_src>
import functools

import jax
import jax.numpy as jnp
from jax import lax
from jax.experimental import pallas as pl
from jax.experimental.pallas import tpu as pltpu
from jax.experimental.pallas import tpu_sc as plsc

N = 10000
D = 128
E = 320000

NCORE = 2
NSUB = 16
CHUNK = 64
NBUF = 4
NCHUNK = 160
ROUNDS = NCHUNK // NBUF
EPT = CHUNK * NCHUNK
ETOT = NCORE * NSUB * EPT
NSH = 10144
ROWS_PER_TILE = NSH // NSUB

BLK = 2000
_BN = float(1.0 / (1.0 + 1e-5) ** 0.5)


_sc_mesh = plsc.VectorSubcoreMesh(core_axis_name="c", subcore_axis_name="s")


@functools.partial(
    pl.kernel,
    out_type=jax.ShapeDtypeStruct((NCORE, NSH, D), jnp.float32),
    mesh=_sc_mesh,
    scratch_types=[
        pltpu.VMEM((EPT,), jnp.int32),
        [pltpu.VMEM((CHUNK, D), jnp.float32) for _ in range(NBUF)],
        [pltpu.VMEM((CHUNK,), jnp.int32) for _ in range(NBUF)],
        [pltpu.VMEM((CHUNK,), jnp.int32) for _ in range(NBUF)],
        [pltpu.VMEM((CHUNK,), jnp.float32) for _ in range(NBUF)],
        [pltpu.VMEM((CHUNK,), jnp.float32) for _ in range(NBUF)],
        pltpu.VMEM((CHUNK,), jnp.float32),
        pltpu.VMEM_SHARED((NSH, D), jnp.float32),
        [pltpu.SemaphoreType.DMA for _ in range(NBUF)],
        [pltpu.SemaphoreType.DMA for _ in range(NBUF)],
    ],
    compiler_params=pltpu.CompilerParams(needs_layout_passes=False,
                                         use_tc_tiling_on_sc=False),
)
def _sc_edge_agg(h_hbm, packed_hbm, ai_hbm, aj_hbm, out_hbm,
                 packed_v, rows, srcb, dstb, aib, ajb, att_v, agg_sh,
                 sem_g, sem_s):
    c = lax.axis_index("c")
    s = lax.axis_index("s")

    pltpu.sync_copy(packed_hbm.at[c, s], packed_v)

    zero16 = jnp.zeros((16,), jnp.float32)

    def _zrow(i, _):
        for g in range(D // 16):
            rows[0][i, pl.ds(g * 16, 16)] = zero16
        return 0

    lax.fori_loop(0, CHUNK, _zrow, 0)
    base_r = s * ROWS_PER_TILE
    for k in range(ROWS_PER_TILE // CHUNK):
        pltpu.sync_copy(rows[0].at[pl.ds(0, CHUNK)],
                        agg_sh.at[pl.ds(base_r + k * CHUNK, CHUNK)])
    rem = ROWS_PER_TILE % CHUNK
    if rem:
        pltpu.sync_copy(
            rows[0].at[pl.ds(0, rem)],
            agg_sh.at[pl.ds(base_r + (ROWS_PER_TILE // CHUNK) * CHUNK, rem)])
    plsc.subcore_barrier()

    def _unpack(j, b):
        def _g(g, _):
            pk = packed_v[pl.ds(j * CHUNK + g * 16, 16)]
            srcb[b][pl.ds(g * 16, 16)] = pk & 0xFFFF
            dstb[b][pl.ds(g * 16, 16)] = lax.shift_right_logical(pk, 16)
            return 0
        lax.fori_loop(0, CHUNK // 16, _g, 0)

    def _issue_gathers(b):
        pltpu.async_copy(h_hbm.at[srcb[b]], rows[b], sem_g[b])
        pltpu.async_copy(ai_hbm.at[dstb[b]], aib[b], sem_g[b])
        pltpu.async_copy(aj_hbm.at[srcb[b]], ajb[b], sem_g[b])

    def _drain_gathers(b):
        pltpu.make_async_copy(h_hbm.at[pl.ds(0, CHUNK)], rows[b],
                              sem_g[b]).wait()
        pltpu.make_async_copy(ai_hbm.at[pl.ds(0, CHUNK)], aib[b],
                              sem_g[b]).wait()
        pltpu.make_async_copy(aj_hbm.at[pl.ds(0, CHUNK)], ajb[b],
                              sem_g[b]).wait()

    def _drain_scatter(b):
        pltpu.make_async_copy(rows[b], agg_sh.at[dstb[b]], sem_s[b]).wait()

    for j0 in range(2):
        _unpack(j0, j0)
        _issue_gathers(j0)

    def _round(r, _):
        for k in range(NBUF):
            j = r * NBUF + k
            b = k
            b2 = (k + 2) % NBUF

            if k >= 2:
                _drain_scatter(b2)
            else:
                @pl.when(r > 0)
                def _(b2=b2):
                    _drain_scatter(b2)

            @pl.when(j + 2 < NCHUNK)
            def _(j=j, b2=b2):
                _unpack(j + 2, b2)
                _issue_gathers(b2)

            _drain_gathers(b)

            def _att(g, _):
                sl = pl.ds(g * 16, 16)
                a = aib[b][sl] + ajb[b][sl]
                att_v[sl] = 1.0 / (1.0 + jnp.exp(-a))
                return 0
            lax.fori_loop(0, CHUNK // 16, _att, 0)

            @plsc.parallel_loop(0, CHUNK, step=1, unroll=4)
            def _scale(e):
                g16 = e & ~jnp.int32(15)
                lane = e & 15
                att16 = att_v[pl.ds(g16, 16)]
                w = jnp.take_along_axis(
                    att16, jnp.full((16,), lane, jnp.int32), axis=0,
                    mode=lax.GatherScatterMode.PROMISE_IN_BOUNDS)
                for g2 in range(D // 16):
                    sl = pl.ds(g2 * 16, 16)
                    rows[b][e, sl] = rows[b][e, sl] * w

            pltpu.async_copy(rows[b], agg_sh.at[dstb[b]], sem_s[b],
                             add=True)
        return 0

    lax.fori_loop(0, ROUNDS, _round, 0)
    _drain_scatter((NCHUNK - 2) % NBUF)
    _drain_scatter((NCHUNK - 1) % NBUF)
    plsc.subcore_barrier()
    pltpu.sync_copy(agg_sh.at[pl.ds(base_r, ROWS_PER_TILE)],
                    out_hbm.at[c, pl.ds(base_r, ROWS_PER_TILE)])


def _pre_body(x_ref, wl_ref, bl_ref, wai_ref, waj_ref, batt_ref,
              h_ref, ai_ref, aj_ref):
    h = jnp.dot(x_ref[...], wl_ref[...], preferred_element_type=jnp.float32)
    h = h + bl_ref[...]
    h_ref[...] = h
    ai_ref[...] = jnp.dot(h, wai_ref[...],
                          preferred_element_type=jnp.float32) + batt_ref[...]
    aj_ref[...] = jnp.dot(h, waj_ref[...], preferred_element_type=jnp.float32)


def _tc_pre(x, wl_t, bl, wai, waj, batt):
    grid = (N // BLK,)
    return pl.pallas_call(
        _pre_body,
        grid=grid,
        in_specs=[
            pl.BlockSpec((BLK, D), lambda i: (i, 0)),
            pl.BlockSpec((D, D), lambda i: (0, 0)),
            pl.BlockSpec((1, D), lambda i: (0, 0)),
            pl.BlockSpec((D, 1), lambda i: (0, 0)),
            pl.BlockSpec((D, 1), lambda i: (0, 0)),
            pl.BlockSpec((1, 1), lambda i: (0, 0)),
        ],
        out_specs=[
            pl.BlockSpec((BLK, D), lambda i: (i, 0)),
            pl.BlockSpec((BLK, 1), lambda i: (i, 0)),
            pl.BlockSpec((BLK, 1), lambda i: (i, 0)),
        ],
        out_shape=[
            jax.ShapeDtypeStruct((N, D), jnp.float32),
            jax.ShapeDtypeStruct((NSH, 1), jnp.float32),
            jax.ShapeDtypeStruct((NSH, 1), jnp.float32),
        ],
    )(x, wl_t, bl, wai, waj, batt)


def _tail_core(aggp, h, ai, aj, ap, wagg_t, bagg, wupd_t, bupd,
               gamma, beta):
    att_self = jax.nn.sigmoid(ai + aj)
    agg = (aggp[0] + aggp[1] + att_self * h) * ap
    z = jnp.dot(agg, wagg_t, preferred_element_type=jnp.float32) + bagg
    t = jnp.where(z > 0, z, jnp.exp(jnp.minimum(z, 0.0)) - 1.0)
    u = t + h
    o = jax.nn.relu(jnp.dot(u, wupd_t, preferred_element_type=jnp.float32)
                    + bupd)
    return o * (gamma * _BN) + beta


def _mid_body(aggp_ref, h_ref, ai_ref, aj_ref, ap_ref, wagg_ref,
              bagg_ref, wupd_ref, bupd_ref, gamma_ref, beta_ref,
              wl2_ref, bl2_ref, wai2_ref, waj2_ref, batt2_ref,
              h2_ref, ai2_ref, aj2_ref):
    o = _tail_core(aggp_ref[...], h_ref[...], ai_ref[...],
                   aj_ref[...], ap_ref[...], wagg_ref[...], bagg_ref[...],
                   wupd_ref[...], bupd_ref[...], gamma_ref[...], beta_ref[...])
    x2 = jax.nn.relu(o)
    h2 = jnp.dot(x2, wl2_ref[...], preferred_element_type=jnp.float32)
    h2 = h2 + bl2_ref[...]
    h2_ref[...] = h2
    ai2_ref[...] = jnp.dot(h2, wai2_ref[...],
                           preferred_element_type=jnp.float32) + batt2_ref[...]
    aj2_ref[...] = jnp.dot(h2, waj2_ref[...],
                           preferred_element_type=jnp.float32)


def _tc_mid(aggp, h, ai, aj, ap, wagg_t, bagg, wupd_t, bupd, gamma,
            beta, wl2_t, bl2, wai2, waj2, batt2):
    grid = (N // BLK,)
    rblk = lambda i: (i, 0)
    zblk = lambda i: (0, 0)
    return pl.pallas_call(
        _mid_body,
        grid=grid,
        in_specs=[
            pl.BlockSpec((2, BLK, D), lambda i: (0, i, 0)),
            pl.BlockSpec((BLK, D), rblk),
            pl.BlockSpec((BLK, 1), rblk),
            pl.BlockSpec((BLK, 1), rblk),
            pl.BlockSpec((1, D), zblk),
            pl.BlockSpec((D, D), zblk),
            pl.BlockSpec((1, D), zblk),
            pl.BlockSpec((D, D), zblk),
            pl.BlockSpec((1, D), zblk),
            pl.BlockSpec((1, D), zblk),
            pl.BlockSpec((1, D), zblk),
            pl.BlockSpec((D, D), zblk),
            pl.BlockSpec((1, D), zblk),
            pl.BlockSpec((D, 1), zblk),
            pl.BlockSpec((D, 1), zblk),
            pl.BlockSpec((1, 1), zblk),
        ],
        out_specs=[
            pl.BlockSpec((BLK, D), rblk),
            pl.BlockSpec((BLK, 1), rblk),
            pl.BlockSpec((BLK, 1), rblk),
        ],
        out_shape=[
            jax.ShapeDtypeStruct((N, D), jnp.float32),
            jax.ShapeDtypeStruct((NSH, 1), jnp.float32),
            jax.ShapeDtypeStruct((NSH, 1), jnp.float32),
        ],
    )(aggp, h, ai, aj, ap, wagg_t, bagg, wupd_t, bupd, gamma, beta,
      wl2_t, bl2, wai2, waj2, batt2)


def _post_body(aggp_ref, h_ref, ai_ref, aj_ref, ap_ref, wagg_ref,
               bagg_ref, wupd_ref, bupd_ref, gamma_ref, beta_ref, out_ref):
    out_ref[...] = _tail_core(
        aggp_ref[...], h_ref[...], ai_ref[...], aj_ref[...],
        ap_ref[...], wagg_ref[...], bagg_ref[...], wupd_ref[...],
        bupd_ref[...], gamma_ref[...], beta_ref[...])


def _tc_post(aggp, h, ai, aj, ap, wagg_t, bagg, wupd_t, bupd, gamma,
             beta):
    grid = (N // BLK,)
    rblk = lambda i: (i, 0)
    zblk = lambda i: (0, 0)
    return pl.pallas_call(
        _post_body,
        grid=grid,
        in_specs=[
            pl.BlockSpec((2, BLK, D), lambda i: (0, i, 0)),
            pl.BlockSpec((BLK, D), rblk),
            pl.BlockSpec((BLK, 1), rblk),
            pl.BlockSpec((BLK, 1), rblk),
            pl.BlockSpec((1, D), zblk),
            pl.BlockSpec((D, D), zblk),
            pl.BlockSpec((1, D), zblk),
            pl.BlockSpec((D, D), zblk),
            pl.BlockSpec((1, D), zblk),
            pl.BlockSpec((1, D), zblk),
            pl.BlockSpec((1, D), zblk),
        ],
        out_specs=pl.BlockSpec((BLK, D), rblk),
        out_shape=jax.ShapeDtypeStruct((N, D), jnp.float32),
    )(aggp, h, ai, aj, ap, wagg_t, bagg, wupd_t, bupd, gamma, beta)


def kernel(x, edge_index,
           W_lin1, b_lin1, W_att1, b_att1, W_agg1, b_agg1, W_upd1, b_upd1,
           agg_param1, gamma1, beta1,
           W_lin2, b_lin2, W_att2, b_att2, W_agg2, b_agg2, W_upd2, b_upd2,
           agg_param2, gamma2, beta2):
    pad = ETOT - E
    pad_lane = jnp.arange(pad, dtype=jnp.int32) % 128
    src = jnp.concatenate([edge_index[0], pad_lane])
    dst = jnp.concatenate([edge_index[1], N + pad_lane])
    packed = (src + (dst << 16)).reshape(NCORE, NSUB, EPT)

    def half_layer_edges(h, ai, aj):
        return _sc_edge_agg(h, packed, ai.reshape(NSH), aj.reshape(NSH))

    r2 = lambda v: v.reshape(1, D)
    wai1 = W_att1[0, :D].reshape(D, 1)
    waj1 = W_att1[0, D:].reshape(D, 1)
    wai2 = W_att2[0, :D].reshape(D, 1)
    waj2 = W_att2[0, D:].reshape(D, 1)

    h1, ai1, aj1 = _tc_pre(x, W_lin1.T, r2(b_lin1), wai1, waj1,
                           b_att1.reshape(1, 1))
    aggp1 = half_layer_edges(h1, ai1, aj1)
    h2, ai2, aj2 = _tc_mid(aggp1, h1, ai1, aj1, r2(agg_param1[0]),
                           W_agg1.T, r2(b_agg1), W_upd1.T, r2(b_upd1),
                           r2(gamma1), r2(beta1), W_lin2.T, r2(b_lin2),
                           wai2, waj2, b_att2.reshape(1, 1))
    aggp2 = half_layer_edges(h2, ai2, aj2)
    out = _tc_post(aggp2, h2, ai2, aj2, r2(agg_param2[0]),
                   W_agg2.T, r2(b_agg2), W_upd2.T, r2(b_upd2),
                   r2(gamma2), r2(beta2))
    return out

# --- scband reference (transcript-rebuilt; emitter-appended) ---
"""Pipeline reference for scband-gnn-60069412602164 (READ-ONLY COPY).

The authoritative reference and input builder live on the scoring server;
editing this copy changes nothing except your own understanding.
"""

import jax, jax.numpy as jnp
import numpy as np

N = 10000
E = 320000
D = 128


def setup_inputs(seed: int = 0) -> dict:
    key = jax.random.key(seed)
    ks = jax.random.split(key, 20)
    inp = {}
    inp["x"] = jax.random.normal(ks[0], (N, D), dtype=jnp.float32)
    inp["edge_index"] = jax.random.randint(ks[1], (2, E), 0, N, dtype=jnp.int32)
    for li, base in [(1, 2), (2, 10)]:
        s = str(li)
        inp["W_lin" + s] = jax.random.normal(ks[base], (D, D), dtype=jnp.float32) * 0.05
        inp["b_lin" + s] = jnp.zeros((D,), dtype=jnp.float32)
        inp["W_att" + s] = jax.random.normal(ks[base + 1], (1, 2 * D), dtype=jnp.float32) * 0.05
        inp["b_att" + s] = jnp.zeros((1,), dtype=jnp.float32)
        inp["W_agg" + s] = jax.random.normal(ks[base + 2], (D, D), dtype=jnp.float32) * 0.05
        inp["b_agg" + s] = jnp.zeros((D,), dtype=jnp.float32)
        inp["W_upd" + s] = jax.random.normal(ks[base + 3], (D, D), dtype=jnp.float32) * 0.05
        inp["b_upd" + s] = jnp.zeros((D,), dtype=jnp.float32)
        inp["agg_param" + s] = jax.random.normal(ks[base + 4], (1, D), dtype=jnp.float32) * 0.05
        inp["gamma" + s] = jnp.ones((D,), dtype=jnp.float32)
        inp["beta" + s] = jnp.zeros((D,), dtype=jnp.float32)
    return inp


def _conv(x, src, dst, W_lin, b_lin, W_att, b_att, W_agg, b_agg, W_upd, b_upd, agg_param, gamma, beta):
    # x = self.lin(x)
    h = x @ W_lin.T + b_lin
    # message(x_i, x_j): attention-weighted source features
    x_j = jnp.take(h, src, axis=0)
    x_i = jnp.take(h, dst, axis=0)
    att = jax.nn.sigmoid(jnp.concatenate([x_i, x_j], axis=-1) @ W_att.T + b_att)
    # dropout on att is identity in eval mode
    msg = x_j * att
    # aggregate: scatter_add over destination index
    agg = jnp.zeros_like(h).at[dst].add(msg)
    agg = agg * agg_param
    agg = jax.nn.elu(agg @ W_agg.T + b_agg)
    # update: residual + linear + relu + BatchNorm1d (eval mode: running_mean=0, running_var=1)
    out = agg + h
    out = jax.nn.relu(out @ W_upd.T + b_upd)
    return (out / jnp.sqrt(1.0 + 1e-5)) * gamma + beta


def reference(x, edge_index, W_lin1, b_lin1, W_att1, b_att1, W_agg1, b_agg1, W_upd1, b_upd1, agg_param1, gamma1, beta1, W_lin2, b_lin2, W_att2, b_att2, W_agg2, b_agg2, W_upd2, b_upd2, agg_param2, gamma2, beta2):
    # add_self_loops (done once per conv in torch; identical augmented edge set both times)
    loop = jnp.arange(N, dtype=edge_index.dtype)
    ei = jnp.concatenate([edge_index, jnp.stack([loop, loop])], axis=1)
    src, dst = ei[0], ei[1]
    h = _conv(x, src, dst, W_lin1, b_lin1, W_att1, b_att1, W_agg1, b_agg1, W_upd1, b_upd1, agg_param1, gamma1, beta1)
    h = jax.nn.relu(h)
    # F.dropout(p=0.5) is identity in eval mode
    out = _conv(h, src, dst, W_lin2, b_lin2, W_att2, b_att2, W_agg2, b_agg2, W_upd2, b_upd2, agg_param2, gamma2, beta2)
    return out

if __name__ == "__main__":
    import jax
    _d = setup_inputs()
    print(jax.jit(kernel)(*tuple(_d.values())))

</pallas_src>

<mosaic_0001>
#map = affine_map<(d0, d1) -> (0, 0)>
#map1 = affine_map<(d0, d1) -> (0, 0, 0)>
#map2 = affine_map<(d0, d1) -> (0)>
module attributes {stable_mosaic.version = 14 : i64} {
  func.func @_sc_edge_agg(%arg0: i32, %arg1: i32, %arg2: memref<10000x128xf32, #tpu.memory_space<hbm>>, %arg3: memref<2x16x10240xi32, #tpu.memory_space<hbm>>, %arg4: memref<10144xf32, #tpu.memory_space<hbm>>, %arg5: memref<10144xf32, #tpu.memory_space<hbm>>, %arg6: memref<2x10144x128xf32, #tpu.memory_space<hbm>>, %arg7: memref<10240xi32, #tpu.memory_space<vmem>>, %arg8: memref<64x128xf32, #tpu.memory_space<vmem>>, %arg9: memref<64x128xf32, #tpu.memory_space<vmem>>, %arg10: memref<64x128xf32, #tpu.memory_space<vmem>>, %arg11: memref<64x128xf32, #tpu.memory_space<vmem>>, %arg12: memref<64xi32, #tpu.memory_space<vmem>>, %arg13: memref<64xi32, #tpu.memory_space<vmem>>, %arg14: memref<64xi32, #tpu.memory_space<vmem>>, %arg15: memref<64xi32, #tpu.memory_space<vmem>>, %arg16: memref<64xi32, #tpu.memory_space<vmem>>, %arg17: memref<64xi32, #tpu.memory_space<vmem>>, %arg18: memref<64xi32, #tpu.memory_space<vmem>>, %arg19: memref<64xi32, #tpu.memory_space<vmem>>, %arg20: memref<64xf32, #tpu.memory_space<vmem>>, %arg21: memref<64xf32, #tpu.memory_space<vmem>>, %arg22: memref<64xf32, #tpu.memory_space<vmem>>, %arg23: memref<64xf32, #tpu.memory_space<vmem>>, %arg24: memref<64xf32, #tpu.memory_space<vmem>>, %arg25: memref<64xf32, #tpu.memory_space<vmem>>, %arg26: memref<64xf32, #tpu.memory_space<vmem>>, %arg27: memref<64xf32, #tpu.memory_space<vmem>>, %arg28: memref<64xf32, #tpu.memory_space<vmem>>, %arg29: memref<10144x128xf32, #tpu.memory_space<vmem_shared>>, %arg30: memref<!tpu.dma_semaphore, #tpu.memory_space<semaphore_mem>>, %arg31: memref<!tpu.dma_semaphore, #tpu.memory_space<semaphore_mem>>, %arg32: memref<!tpu.dma_semaphore, #tpu.memory_space<semaphore_mem>>, %arg33: memref<!tpu.dma_semaphore, #tpu.memory_space<semaphore_mem>>, %arg34: memref<!tpu.dma_semaphore, #tpu.memory_space<semaphore_mem>>, %arg35: memref<!tpu.dma_semaphore, #tpu.memory_space<semaphore_mem>>, %arg36: memref<!tpu.dma_semaphore, #tpu.memory_space<semaphore_mem>>, %arg37: memref<!tpu.dma_semaphore, #tpu.memory_space<semaphore_mem>>) attributes {dimension_semantics = [#tpu.dimension_semantics<core_parallel>, #tpu.dimension_semantics<subcore_parallel>], iteration_bounds = array<i64: 2, 16>, scalar_prefetch = 0 : i64, scratch_operands = 31 : i64, tpu.core_type = #tpu.core_type<sc_vector_subcore>, window_params = [{transform_indices = #map}, {transform_indices = #map1}, {transform_indices = #map2}, {transform_indices = #map2}, {transform_indices = #map1}]} {
    "tpu.region"() ({
      %run_scoped3A = tpu.sem_alloc : memref<!tpu.dma_semaphore, #tpu.memory_space<semaphore_mem>>
      %dma_start3A_67 = arith.constant 0 : i32
      %dma_start3A_68 = tpu.memref_slice %arg3[%arg0, %arg1, %dma_start3A_67] : memref<2x16x10240xi32, #tpu.memory_space<hbm>> -> memref<1x1x10240xi32, #tpu.memory_space<hbm>>
      %dma_start3A_69 = tpu.memref_squeeze %dma_start3A_68 : memref<1x1x10240xi32, #tpu.memory_space<hbm>> -> memref<10240xi32, #tpu.memory_space<hbm>>
      %dma_start3A_70 = arith.constant 0 : i32
      %dma_start3A_71 = tpu.memref_slice %arg3[%arg0, %arg1, %dma_start3A_70] : memref<2x16x10240xi32, #tpu.memory_space<hbm>> -> memref<1x1x10240xi32, #tpu.memory_space<hbm>>
      %dma_start3A_72 = tpu.memref_squeeze %dma_start3A_71 : memref<1x1x10240xi32, #tpu.memory_space<hbm>> -> memref<10240xi32, #tpu.memory_space<hbm>>
      tpu.enqueue_dma source(%dma_start3A_72 : memref<10240xi32, #tpu.memory_space<hbm>>) target(%arg7 : memref<10240xi32, #tpu.memory_space<vmem>>) target_semaphore(%run_scoped3A : memref<!tpu.dma_semaphore, #tpu.memory_space<semaphore_mem>>)
      %dma_wait3A_73 = arith.constant 0 : i32
      %dma_wait3A_74 = tpu.memref_slice %arg3[%arg0, %arg1, %dma_wait3A_73] : memref<2x16x10240xi32, #tpu.memory_space<hbm>> -> memref<1x1x10240xi32, #tpu.memory_space<hbm>>
      %dma_wait3A_75 = tpu.memref_squeeze %dma_wait3A_74 : memref<1x1x10240xi32, #tpu.memory_space<hbm>> -> memref<10240xi32, #tpu.memory_space<hbm>>
      %dma_wait3A_76 = arith.constant 0 : i32
      %dma_wait3A_77 = tpu.memref_slice %arg3[%arg0, %arg1, %dma_wait3A_76] : memref<2x16x10240xi32, #tpu.memory_space<hbm>> -> memref<1x1x10240xi32, #tpu.memory_space<hbm>>
      %dma_wait3A_78 = tpu.memref_squeeze %dma_wait3A_77 : memref<1x1x10240xi32, #tpu.memory_space<hbm>> -> memref<10240xi32, #tpu.memory_space<hbm>>
      tpu.wait_dma2 semaphore(%run_scoped3A : memref<!tpu.dma_semaphore, #tpu.memory_space<semaphore_mem>>) src(%dma_wait3A_78 : memref<10240xi32, #tpu.memory_space<hbm>>) dst(%arg7 : memref<10240xi32, #tpu.memory_space<vmem>>)
      tpu.yield
    }) : () -> ()
    %broadcast_in_dim3A = arith.constant 0.000000e+00 : f32
    %broadcast_in_dim3A_0 = vector.broadcast %broadcast_in_dim3A : f32 to vector<16xf32>
    %scan3A = arith.constant 0 : i32
    %scan3A_1 = arith.constant 0 : i32
    %scan3A_2 = arith.constant 64 : i32
    %scan3A_3 = arith.addi %scan3A_1, %scan3A_2 : i32
    %scan3A_4 = arith.constant 1 : i32
    %scan3A_5 = scf.for %scan3A_67 = %scan3A_1 to %scan3A_3 step %scan3A_4 iter_args(%scan3A_68 = %scan3A) -> (i32)  : i32 {
      %swap3A = arith.index_cast %scan3A_67 : i32 to index
      %swap3A_69 = arith.constant 0 : index
      %swap3A_70 = tpu.vector_load %arg8[%swap3A, %swap3A_69] {strides = array<i32>} : memref<64x128xf32, #tpu.memory_space<vmem>>, vector<16xf32>,
      tpu.vector_store %arg8[%swap3A, %swap3A_69], %broadcast_in_dim3A_0 {strides = array<i32>} : memref<64x128xf32, #tpu.memory_space<vmem>>, vector<16xf32>,
      %swap3A_71 = arith.index_cast %scan3A_67 : i32 to index
      %swap3A_72 = arith.constant 16 : index
      %swap3A_73 = tpu.vector_load %arg8[%swap3A_71, %swap3A_72] {strides = array<i32>} : memref<64x128xf32, #tpu.memory_space<vmem>>, vector<16xf32>,
      tpu.vector_store %arg8[%swap3A_71, %swap3A_72], %broadcast_in_dim3A_0 {strides = array<i32>} : memref<64x128xf32, #tpu.memory_space<vmem>>, vector<16xf32>,
      %swap3A_74 = arith.index_cast %scan3A_67 : i32 to index
      %swap3A_75 = arith.constant 32 : index
      %swap3A_76 = tpu.vector_load %arg8[%swap3A_74, %swap3A_75] {strides = array<i32>} : memref<64x128xf32, #tpu.memory_space<vmem>>, vector<16xf32>,
      tpu.vector_store %arg8[%swap3A_74, %swap3A_75], %broadcast_in_dim3A_0 {strides = array<i32>} : memref<64x128xf32, #tpu.memory_space<vmem>>, vector<16xf32>,
      %swap3A_77 = arith.index_cast %scan3A_67 : i32 to index
      %swap3A_78 = arith.constant 48 : index
      %swap3A_79 = tpu.vector_load %arg8[%swap3A_77, %swap3A_78] {strides = array<i32>} : memref<64x128xf32, #tpu.memory_space<vmem>>, vector<16xf32>,
      tpu.vector_store %arg8[%swap3A_77, %swap3A_78], %broadcast_in_dim3A_0 {strides = array<i32>} : memref<64x128xf32, #tpu.memory_space<vmem>>, vector<16xf32>,
      %swap3A_80 = arith.index_cast %scan3A_67 : i32 to index
      %swap3A_81 = arith.constant 64 : index
      %swap3A_82 = tpu.vector_load %arg8[%swap3A_80, %swap3A_81] {strides = array<i32>} : memref<64x128xf32, #tpu.memory_space<vmem>>, vector<16xf32>,
      tpu.vector_store %arg8[%swap3A_80, %swap3A_81], %broadcast_in_dim3A_0 {strides = array<i32>} : memref<64x128xf32, #tpu.memory_space<vmem>>, vector<16xf32>,
      %swap3A_83 = arith.index_cast %scan3A_67 : i32 to index
      %swap3A_84 = arith.constant 80 : index
      %swap3A_85 = tpu.vector_load %arg8[%swap3A_83, %swap3A_84] {strides = array<i32>} : memref<64x128xf32, #tpu.memory_space<vmem>>, vector<16xf32>,
      tpu.vector_store %arg8[%swap3A_83, %swap3A_84], %broadcast_in_dim3A_0 {strides = array<i32>} : memref<64x128xf32, #tpu.memory_space<vmem>>, vector<16xf32>,
      %swap3A_86 = arith.index_cast %scan3A_67 : i32 to index
      %swap3A_87 = arith.constant 96 : index
      %swap3A_88 = tpu.vector_load %arg8[%swap3A_86, %swap3A_87] {strides = array<i32>} : memref<64x128xf32, #tpu.memory_space<vmem>>, vector<16xf32>,
      tpu.vector_store %arg8[%swap3A_86, %swap3A_87], %broadcast_in_dim3A_0 {strides = array<i32>} : memref<64x128xf32, #tpu.memory_space<vmem>>, vector<16xf32>,
      %swap3A_89 = arith.index_cast %scan3A_67 : i32 to index
      %swap3A_90 = arith.constant 112 : index
      %swap3A_91 = tpu.vector_load %arg8[%swap3A_89, %swap3A_90] {strides = array<i32>} : memref<64x128xf32, #tpu.memory_space<vmem>>, vector<16xf32>,
      tpu.vector_store %arg8[%swap3A_89, %swap3A_90], %broadcast_in_dim3A_0 {strides = array<i32>} : memref<64x128xf32, #tpu.memory_space<vmem>>, vector<16xf32>,
      %scan3A_92 = arith.constant 0 : i32
      scf.yield %scan3A_92 : i32
    }
    %scan3A_6 = arith.constant 64 : i32
    %mul3A = arith.constant 634 : i32
    %mul3A_7 = arith.muli %arg1, %mul3A : i32
    %add3A = arith.constant 0 : i32
    %add3A_8 = arith.addi %mul3A_7, %add3A : i32
    "tpu.region"() ({
      %run_scoped3A = tpu.sem_alloc : memref<!tpu.dma_semaphore, #tpu.memory_space<semaphore_mem>>
      %dma_start3A_67 = arith.constant 0 : i32
      %dma_start3A_68 = arith.constant 0 : i32
      %dma_start3A_69 = tpu.memref_slice %arg8[%dma_start3A_67, %dma_start3A_68] : memref<64x128xf32, #tpu.memory_space<vmem>> -> memref<64x128xf32, #tpu.memory_space<vmem>>
      %dma_start3A_70 = arith.constant 0 : i32
      %dma_start3A_71 = tpu.memref_slice %arg29[%add3A_8, %dma_start3A_70] : memref<10144x128xf32, #tpu.memory_space<vmem_shared>> -> memref<64x128xf32, #tpu.memory_space<vmem_shared>>
      %dma_start3A_72 = arith.constant 0 : i32
      %dma_start3A_73 = tpu.memref_slice %arg29[%add3A_8, %dma_start3A_72] : memref<10144x128xf32, #tpu.memory_space<vmem_shared>> -> memref<64x128xf32, #tpu.memory_space<vmem_shared>>
      %dma_start3A_74 = arith.constant 0 : i32
      %dma_start3A_75 = arith.constant 0 : i32
      %dma_start3A_76 = tpu.memref_slice %arg8[%dma_start3A_74, %dma_start3A_75] : memref<64x128xf32, #tpu.memory_space<vmem>> -> memref<64x128xf32, #tpu.memory_space<vmem>>
      tpu.enqueue_dma source(%dma_start3A_76 : memref<64x128xf32, #tpu.memory_space<vmem>>) target(%dma_start3A_73 : memref<64x128xf32, #tpu.memory_space<vmem_shared>>) target_semaphore(%run_scoped3A : memref<!tpu.dma_semaphore, #tpu.memory_space<semaphore_mem>>)
      %dma_wait3A_77 = arith.constant 0 : i32
      %dma_wait3A_78 = arith.constant 0 : i32
      %dma_wait3A_79 = tpu.memref_slice %arg8[%dma_wait3A_77, %dma_wait3A_78] : memref<64x128xf32, #tpu.memory_space<vmem>> -> memref<64x128xf32, #tpu.memory_space<vmem>>
      %dma_wait3A_80 = arith.constant 0 : i32
      %dma_wait3A_81 = tpu.memref_slice %arg29[%add3A_8, %dma_wait3A_80] : memref<10144x128xf32, #tpu.memory_space<vmem_shared>> -> memref<64x128xf32, #tpu.memory_space<vmem_shared>>
      %dma_wait3A_82 = arith.constant 0 : i32
      %dma_wait3A_83 = tpu.memref_slice %arg29[%add3A_8, %dma_wait3A_82] : memref<10144x128xf32, #tpu.memory_space<vmem_shared>> -> memref<64x128xf32, #tpu.memory_space<vmem_shared>>
      %dma_wait3A_84 = arith.constant 0 : i32
      %dma_wait3A_85 = arith.constant 0 : i32
      %dma_wait3A_86 = tpu.memref_slice %arg8[%dma_wait3A_84, %dma_wait3A_85] : memref<64x128xf32, #tpu.memory_space<vmem>> -> memref<64x128xf32, #tpu.memory_space<vmem>>
      tpu.wait_dma2 semaphore(%run_scoped3A : memref<!tpu.dma_semaphore, #tpu.memory_space<semaphore_mem>>) src(%dma_wait3A_86 : memref<64x128xf32, #tpu.memory_space<vmem>>) dst(%dma_wait3A_83 : memref<64x128xf32, #tpu.memory_space<vmem_shared>>)
      tpu.yield
    }) : () -> ()
    %add3A_9 = arith.constant 64 : i32
    %add3A_10 = arith.addi %mul3A_7, %add3A_9 : i32
    "tpu.region"() ({
      %run_scoped3A = tpu.sem_alloc : memref<!tpu.dma_semaphore, #tpu.memory_space<semaphore_mem>>
      %dma_start3A_67 = arith.constant 0 : i32
      %dma_start3A_68 = arith.constant 0 : i32
      %dma_start3A_69 = tpu.memref_slice %arg8[%dma_start3A_67, %dma_start3A_68] : memref<64x128xf32, #tpu.memory_space<vmem>> -> memref<64x128xf32, #tpu.memory_space<vmem>>
      %dma_start3A_70 = arith.constant 0 : i32
      %dma_start3A_71 = tpu.memref_slice %arg29[%add3A_10, %dma_start3A_70] : memref<10144x128xf32, #tpu.memory_space<vmem_shared>> -> memref<64x128xf32, #tpu.memory_space<vmem_shared>>
      %dma_start3A_72 = arith.constant 0 : i32
      %dma_start3A_73 = tpu.memref_slice %arg29[%add3A_10, %dma_start3A_72] : memref<10144x128xf32, #tpu.memory_space<vmem_shared>> -> memref<64x128xf32, #tpu.memory_space<vmem_shared>>
      %dma_start3A_74 = arith.constant 0 : i32
      %dma_start3A_75 = arith.constant 0 : i32
      %dma_start3A_76 = tpu.memref_slice %arg8[%dma_start3A_74, %dma_start3A_75] : memref<64x128xf32, #tpu.memory_space<vmem>> -> memref<64x128xf32, #tpu.memory_space<vmem>>
      tpu.enqueue_dma source(%dma_start3A_76 : memref<64x128xf32, #tpu.memory_space<vmem>>) target(%dma_start3A_73 : memref<64x128xf32, #tpu.memory_space<vmem_shared>>) target_semaphore(%run_scoped3A : memref<!tpu.dma_semaphore, #tpu.memory_space<semaphore_mem>>)
      %dma_wait3A_77 = arith.constant 0 : i32
      %dma_wait3A_78 = arith.constant 0 : i32
      %dma_wait3A_79 = tpu.memref_slice %arg8[%dma_wait3A_77, %dma_wait3A_78] : memref<64x128xf32, #tpu.memory_space<vmem>> -> memref<64x128xf32, #tpu.memory_space<vmem>>
      %dma_wait3A_80 = arith.constant 0 : i32
      %dma_wait3A_81 = tpu.memref_slice %arg29[%add3A_10, %dma_wait3A_80] : memref<10144x128xf32, #tpu.memory_space<vmem_shared>> -> memref<64x128xf32, #tpu.memory_space<vmem_shared>>
      %dma_wait3A_82 = arith.constant 0 : i32
      %dma_wait3A_83 = tpu.memref_slice %arg29[%add3A_10, %dma_wait3A_82] : memref<10144x128xf32, #tpu.memory_space<vmem_shared>> -> memref<64x128xf32, #tpu.memory_space<vmem_shared>>
      %dma_wait3A_84 = arith.constant 0 : i32
      %dma_wait3A_85 = arith.constant 0 : i32
      %dma_wait3A_86 = tpu.memref_slice %arg8[%dma_wait3A_84, %dma_wait3A_85] : memref<64x128xf32, #tpu.memory_space<vmem>> -> memref<64x128xf32, #tpu.memory_space<vmem>>
      tpu.wait_dma2 semaphore(%run_scoped3A : memref<!tpu.dma_semaphore, #tpu.memory_space<semaphore_mem>>) src(%dma_wait3A_86 : memref<64x128xf32, #tpu.memory_space<vmem>>) dst(%dma_wait3A_83 : memref<64x128xf32, #tpu.memory_space<vmem_shared>>)
      tpu.yield
    }) : () -> ()
    %add3A_11 = arith.constant 128 : i32
    %add3A_12 = arith.addi %mul3A_7, %add3A_11 : i32
    "tpu.region"() ({
      %run_scoped3A = tpu.sem_alloc : memref<!tpu.dma_semaphore, #tpu.memory_space<semaphore_mem>>
      %dma_start3A_67 = arith.constant 0 : i32
      %dma_start3A_68 = arith.constant 0 : i32
      %dma_start3A_69 = tpu.memref_slice %arg8[%dma_start3A_67, %dma_start3A_68] : memref<64x128xf32, #tpu.memory_space<vmem>> -> memref<64x128xf32, #tpu.memory_space<vmem>>
      %dma_start3A_70 = arith.constant 0 : i32
      %dma_start3A_71 = tpu.memref_slice %arg29[%add3A_12, %dma_start3A_70] : memref<10144x128xf32, #tpu.memory_space<vmem_shared>> -> memref<64x128xf32, #tpu.memory_space<vmem_shared>>
      %dma_start3A_72 = arith.constant 0 : i32
      %dma_start3A_73 = tpu.memref_slice %arg29[%add3A_12, %dma_start3A_72] : memref<10144x128xf32, #tpu.memory_space<vmem_shared>> -> memref<64x128xf32, #tpu.memory_space<vmem_shared>>
      %dma_start3A_74 = arith.constant 0 : i32
      %dma_start3A_75 = arith.constant 0 : i32
      %dma_start3A_76 = tpu.memref_slice %arg8[%dma_start3A_74, %dma_start3A_75] : memref<64x128xf32, #tpu.memory_space<vmem>> -> memref<64x128xf32, #tpu.memory_space<vmem>>
      tpu.enqueue_dma source(%dma_start3A_76 : memref<64x128xf32, #tpu.memory_space<vmem>>) target(%dma_start3A_73 : memref<64x128xf32, #tpu.memory_space<vmem_shared>>) target_semaphore(%run_scoped3A : memref<!tpu.dma_semaphore, #tpu.memory_space<semaphore_mem>>)
      %dma_wait3A_77 = arith.constant 0 : i32
      %dma_wait3A_78 = arith.constant 0 : i32
      %dma_wait3A_79 = tpu.memref_slice %arg8[%dma_wait3A_77, %dma_wait3A_78] : memref<64x128xf32, #tpu.memory_space<vmem>> -> memref<64x128xf32, #tpu.memory_space<vmem>>
      %dma_wait3A_80 = arith.constant 0 : i32
      %dma_wait3A_81 = tpu.memref_slice %arg29[%add3A_12, %dma_wait3A_80] : memref<10144x128xf32, #tpu.memory_space<vmem_shared>> -> memref<64x128xf32, #tpu.memory_space<vmem_shared>>
      %dma_wait3A_82 = arith.constant 0 : i32
      %dma_wait3A_83 = tpu.memref_slice %arg29[%add3A_12, %dma_wait3A_82] : memref<10144x128xf32, #tpu.memory_space<vmem_shared>> -> memref<64x128xf32, #tpu.memory_space<vmem_shared>>
      %dma_wait3A_84 = arith.constant 0 : i32
      %dma_wait3A_85 = arith.constant 0 : i32
      %dma_wait3A_86 = tpu.memref_slice %arg8[%dma_wait3A_84, %dma_wait3A_85] : memref<64x128xf32, #tpu.memory_space<vmem>> -> memref<64x128xf32, #tpu.memory_space<vmem>>
      tpu.wait_dma2 semaphore(%run_scoped3A : memref<!tpu.dma_semaphore, #tpu.memory_space<semaphore_mem>>) src(%dma_wait3A_86 : memref<64x128xf32, #tpu.memory_space<vmem>>) dst(%dma_wait3A_83 : memref<64x128xf32, #tpu.memory_space<vmem_shared>>)
      tpu.yield
    }) : () -> ()
    %add3A_13 = arith.constant 192 : i32
    %add3A_14 = arith.addi %mul3A_7, %add3A_13 : i32
    "tpu.region"() ({
      %run_scoped3A = tpu.sem_alloc : memref<!tpu.dma_semaphore, #tpu.memory_space<semaphore_mem>>
      %dma_start3A_67 = arith.constant 0 : i32
      %dma_start3A_68 = arith.constant 0 : i32
      %dma_start3A_69 = tpu.memref_slice %arg8[%dma_start3A_67, %dma_start3A_68] : memref<64x128xf32, #tpu.memory_space<vmem>> -> memref<64x128xf32, #tpu.memory_space<vmem>>
      %dma_start3A_70 = arith.constant 0 : i32
      %dma_start3A_71 = tpu.memref_slice %arg29[%add3A_14, %dma_start3A_70] : memref<10144x128xf32, #tpu.memory_space<vmem_shared>> -> memref<64x128xf32, #tpu.memory_space<vmem_shared>>
      %dma_start3A_72 = arith.constant 0 : i32
      %dma_start3A_73 = tpu.memref_slice %arg29[%add3A_14, %dma_start3A_72] : memref<10144x128xf32, #tpu.memory_space<vmem_shared>> -> memref<64x128xf32, #tpu.memory_space<vmem_shared>>
      %dma_start3A_74 = arith.constant 0 : i32
      %dma_start3A_75 = arith.constant 0 : i32
      %dma_start3A_76 = tpu.memref_slice %arg8[%dma_start3A_74, %dma_start3A_75] : memref<64x128xf32, #tpu.memory_space<vmem>> -> memref<64x128xf32, #tpu.memory_space<vmem>>
      tpu.enqueue_dma source(%dma_start3A_76 : memref<64x128xf32, #tpu.memory_space<vmem>>) target(%dma_start3A_73 : memref<64x128xf32, #tpu.memory_space<vmem_shared>>) target_semaphore(%run_scoped3A : memref<!tpu.dma_semaphore, #tpu.memory_space<semaphore_mem>>)
      %dma_wait3A_77 = arith.constant 0 : i32
      %dma_wait3A_78 = arith.constant 0 : i32
      %dma_wait3A_79 = tpu.memref_slice %arg8[%dma_wait3A_77, %dma_wait3A_78] : memref<64x128xf32, #tpu.memory_space<vmem>> -> memref<64x128xf32, #tpu.memory_space<vmem>>
      %dma_wait3A_80 = arith.constant 0 : i32
      %dma_wait3A_81 = tpu.memref_slice %arg29[%add3A_14, %dma_wait3A_80] : memref<10144x128xf32, #tpu.memory_space<vmem_shared>> -> memref<64x128xf32, #tpu.memory_space<vmem_shared>>
      %dma_wait3A_82 = arith.constant 0 : i32
      %dma_wait3A_83 = tpu.memref_slice %arg29[%add3A_14, %dma_wait3A_82] : memref<10144x128xf32, #tpu.memory_space<vmem_shared>> -> memref<64x128xf32, #tpu.memory_space<vmem_shared>>
      %dma_wait3A_84 = arith.constant 0 : i32
      %dma_wait3A_85 = arith.constant 0 : i32
      %dma_wait3A_86 = tpu.memref_slice %arg8[%dma_wait3A_84, %dma_wait3A_85] : memref<64x128xf32, #tpu.memory_space<vmem>> -> memref<64x128xf32, #tpu.memory_space<vmem>>
      tpu.wait_dma2 semaphore(%run_scoped3A : memref<!tpu.dma_semaphore, #tpu.memory_space<semaphore_mem>>) src(%dma_wait3A_86 : memref<64x128xf32, #tpu.memory_space<vmem>>) dst(%dma_wait3A_83 : memref<64x128xf32, #tpu.memory_space<vmem_shared>>)
      tpu.yield
    }) : () -> ()
    %add3A_15 = arith.constant 256 : i32
    %add3A_16 = arith.addi %mul3A_7, %add3A_15 : i32
    "tpu.region"() ({
      %run_scoped3A = tpu.sem_alloc : memref<!tpu.dma_semaphore, #tpu.memory_space<semaphore_mem>>
      %dma_start3A_67 = arith.constant 0 : i32
      %dma_start3A_68 = arith.constant 0 : i32
      %dma_start3A_69 = tpu.memref_slice %arg8[%dma_start3A_67, %dma_start3A_68] : memref<64x128xf32, #tpu.memory_space<vmem>> -> memref<64x128xf32, #tpu.memory_space<vmem>>
      %dma_start3A_70 = arith.constant 0 : i32
      %dma_start3A_71 = tpu.memref_slice %arg29[%add3A_16, %dma_start3A_70] : memref<10144x128xf32, #tpu.memory_space<vmem_shared>> -> memref<64x128xf32, #tpu.memory_space<vmem_shared>>
      %dma_start3A_72 = arith.constant 0 : i32
      %dma_start3A_73 = tpu.memref_slice %arg29[%add3A_16, %dma_start3A_72] : memref<10144x128xf32, #tpu.memory_space<vmem_shared>> -> memref<64x128xf32, #tpu.memory_space<vmem_shared>>
      %dma_start3A_74 = arith.constant 0 : i32
      %dma_start3A_75 = arith.constant 0 : i32
      %dma_start3A_76 = tpu.memref_slice %arg8[%dma_start3A_74, %dma_start3A_75] : memref<64x128xf32, #tpu.memory_space<vmem>> -> memref<64x128xf32, #tpu.memory_space<vmem>>
      tpu.enqueue_dma source(%dma_start3A_76 : memref<64x128xf32, #tpu.memory_space<vmem>>) target(%dma_start3A_73 : memref<64x128xf32, #tpu.memory_space<vmem_shared>>) target_semaphore(%run_scoped3A : memref<!tpu.dma_semaphore, #tpu.memory_space<semaphore_mem>>)
      %dma_wait3A_77 = arith.constant 0 : i32
      %dma_wait3A_78 = arith.constant 0 : i32
      %dma_wait3A_79 = tpu.memref_slice %arg8[%dma_wait3A_77, %dma_wait3A_78] : memref<64x128xf32, #tpu.memory_space<vmem>> -> memref<64x128xf32, #tpu.memory_space<vmem>>
      %dma_wait3A_80 = arith.constant 0 : i32
      %dma_wait3A_81 = tpu.memref_slice %arg29[%add3A_16, %dma_wait3A_80] : memref<10144x128xf32, #tpu.memory_space<vmem_shared>> -> memref<64x128xf32, #tpu.memory_space<vmem_shared>>
      %dma_wait3A_82 = arith.constant 0 : i32
      %dma_wait3A_83 = tpu.memref_slice %arg29[%add3A_16, %dma_wait3A_82] : memref<10144x128xf32, #tpu.memory_space<vmem_shared>> -> memref<64x128xf32, #tpu.memory_space<vmem_shared>>
      %dma_wait3A_84 = arith.constant 0 : i32
      %dma_wait3A_85 = arith.constant 0 : i32
      %dma_wait3A_86 = tpu.memref_slice %arg8[%dma_wait3A_84, %dma_wait3A_85] : memref<64x128xf32, #tpu.memory_space<vmem>> -> memref<64x128xf32, #tpu.memory_space<vmem>>
      tpu.wait_dma2 semaphore(%run_scoped3A : memref<!tpu.dma_semaphore, #tpu.memory_space<semaphore_mem>>) src(%dma_wait3A_86 : memref<64x128xf32, #tpu.memory_space<vmem>>) dst(%dma_wait3A_83 : memref<64x128xf32, #tpu.memory_space<vmem_shared>>)
      tpu.yield
    }) : () -> ()
    %add3A_17 = arith.constant 320 : i32
    %add3A_18 = arith.addi %mul3A_7, %add3A_17 : i32
    "tpu.region"() ({
      %run_scoped3A = tpu.sem_alloc : memref<!tpu.dma_semaphore, #tpu.memory_space<semaphore_mem>>
      %dma_start3A_67 = arith.constant 0 : i32
      %dma_start3A_68 = arith.constant 0 : i32
      %dma_start3A_69 = tpu.memref_slice %arg8[%dma_start3A_67, %dma_start3A_68] : memref<64x128xf32, #tpu.memory_space<vmem>> -> memref<64x128xf32, #tpu.memory_space<vmem>>
      %dma_start3A_70 = arith.constant 0 : i32
      %dma_start3A_71 = tpu.memref_slice %arg29[%add3A_18, %dma_start3A_70] : memref<10144x128xf32, #tpu.memory_space<vmem_shared>> -> memref<64x128xf32, #tpu.memory_space<vmem_shared>>
      %dma_start3A_72 = arith.constant 0 : i32
      %dma_start3A_73 = tpu.memref_slice %arg29[%add3A_18, %dma_start3A_72] : memref<10144x128xf32, #tpu.memory_space<vmem_shared>> -> memref<64x128xf32, #tpu.memory_space<vmem_shared>>
      %dma_start3A_74 = arith.constant 0 : i32
      %dma_start3A_75 = arith.constant 0 : i32
      %dma_start3A_76 = tpu.memref_slice %arg8[%dma_start3A_74, %dma_start3A_75] : memref<64x128xf32, #tpu.memory_space<vmem>> -> memref<64x128xf32, #tpu.memory_space<vmem>>
      tpu.enqueue_dma source(%dma_start3A_76 : memref<64x128xf32, #tpu.memory_space<vmem>>) target(%dma_start3A_73 : memref<64x128xf32, #tpu.memory_space<vmem_shared>>) target_semaphore(%run_scoped3A : memref<!tpu.dma_semaphore, #tpu.memory_space<semaphore_mem>>)
      %dma_wait3A_77 = arith.constant 0 : i32
      %dma_wait3A_78 = arith.constant 0 : i32
      %dma_wait3A_79 = tpu.memref_slice %arg8[%dma_wait3A_77, %dma_wait3A_78] : memref<64x128xf32, #tpu.memory_space<vmem>> -> memref<64x128xf32, #tpu.memory_space<vmem>>
      %dma_wait3A_80 = arith.constant 0 : i32
      %dma_wait3A_81 = tpu.memref_slice %arg29[%add3A_18, %dma_wait3A_80] : memref<10144x128xf32, #tpu.memory_space<vmem_shared>> -> memref<64x128xf32, #tpu.memory_space<vmem_shared>>
      %dma_wait3A_82 = arith.constant 0 : i32
      %dma_wait3A_83 = tpu.memref_slice %arg29[%add3A_18, %dma_wait3A_82] : memref<10144x128xf32, #tpu.memory_space<vmem_shared>> -> memref<64x128xf32, #tpu.memory_space<vmem_shared>>
      %dma_wait3A_84 = arith.constant 0 : i32
      %dma_wait3A_85 = arith.constant 0 : i32
      %dma_wait3A_86 = tpu.memref_slice %arg8[%dma_wait3A_84, %dma_wait3A_85] : memref<64x128xf32, #tpu.memory_space<vmem>> -> memref<64x128xf32, #tpu.memory_space<vmem>>
      tpu.wait_dma2 semaphore(%run_scoped3A : memref<!tpu.dma_semaphore, #tpu.memory_space<semaphore_mem>>) src(%dma_wait3A_86 : memref<64x128xf32, #tpu.memory_space<vmem>>) dst(%dma_wait3A_83 : memref<64x128xf32, #tpu.memory_space<vmem_shared>>)
      tpu.yield
    }) : () -> ()
    %add3A_19 = arith.constant 384 : i32
    %add3A_20 = arith.addi %mul3A_7, %add3A_19 : i32
    "tpu.region"() ({
      %run_scoped3A = tpu.sem_alloc : memref<!tpu.dma_semaphore, #tpu.memory_space<semaphore_mem>>
      %dma_start3A_67 = arith.constant 0 : i32
      %dma_start3A_68 = arith.constant 0 : i32
      %dma_start3A_69 = tpu.memref_slice %arg8[%dma_start3A_67, %dma_start3A_68] : memref<64x128xf32, #tpu.memory_space<vmem>> -> memref<64x128xf32, #tpu.memory_space<vmem>>
      %dma_start3A_70 = arith.constant 0 : i32
      %dma_start3A_71 = tpu.memref_slice %arg29[%add3A_20, %dma_start3A_70] : memref<10144x128xf32, #tpu.memory_space<vmem_shared>> -> memref<64x128xf32, #tpu.memory_space<vmem_shared>>
      %dma_start3A_72 = arith.constant 0 : i32
      %dma_start3A_73 = tpu.memref_slice %arg29[%add3A_20, %dma_start3A_72] : memref<10144x128xf32, #tpu.memory_space<vmem_shared>> -> memref<64x128xf32, #tpu.memory_space<vmem_shared>>
      %dma_start3A_74 = arith.constant 0 : i32
      %dma_start3A_75 = arith.constant 0 : i32
      %dma_start3A_76 = tpu.memref_slice %arg8[%dma_start3A_74, %dma_start3A_75] : memref<64x128xf32, #tpu.memory_space<vmem>> -> memref<64x128xf32, #tpu.memory_space<vmem>>
      tpu.enqueue_dma source(%dma_start3A_76 : memref<64x128xf32, #tpu.memory_space<vmem>>) target(%dma_start3A_73 : memref<64x128xf32, #tpu.memory_space<vmem_shared>>) target_semaphore(%run_scoped3A : memref<!tpu.dma_semaphore, #tpu.memory_space<semaphore_mem>>)
      %dma_wait3A_77 = arith.constant 0 : i32
      %dma_wait3A_78 = arith.constant 0 : i32
      %dma_wait3A_79 = tpu.memref_slice %arg8[%dma_wait3A_77, %dma_wait3A_78] : memref<64x128xf32, #tpu.memory_space<vmem>> -> memref<64x128xf32, #tpu.memory_space<vmem>>
      %dma_wait3A_80 = arith.constant 0 : i32
      %dma_wait3A_81 = tpu.memref_slice %arg29[%add3A_20, %dma_wait3A_80] : memref<10144x128xf32, #tpu.memory_space<vmem_shared>> -> memref<64x128xf32, #tpu.memory_space<vmem_shared>>
      %dma_wait3A_82 = arith.constant 0 : i32
      %dma_wait3A_83 = tpu.memref_slice %arg29[%add3A_20, %dma_wait3A_82] : memref<10144x128xf32, #tpu.memory_space<vmem_shared>> -> memref<64x128xf32, #tpu.memory_space<vmem_shared>>
      %dma_wait3A_84 = arith.constant 0 : i32
      %dma_wait3A_85 = arith.constant 0 : i32
      %dma_wait3A_86 = tpu.memref_slice %arg8[%dma_wait3A_84, %dma_wait3A_85] : memref<64x128xf32, #tpu.memory_space<vmem>> -> memref<64x128xf32, #tpu.memory_space<vmem>>
      tpu.wait_dma2 semaphore(%run_scoped3A : memref<!tpu.dma_semaphore, #tpu.memory_space<semaphore_mem>>) src(%dma_wait3A_86 : memref<64x128xf32, #tpu.memory_space<vmem>>) dst(%dma_wait3A_83 : memref<64x128xf32, #tpu.memory_space<vmem_shared>>)
      tpu.yield
    }) : () -> ()
    %add3A_21 = arith.constant 448 : i32
    %add3A_22 = arith.addi %mul3A_7, %add3A_21 : i32
    "tpu.region"() ({
      %run_scoped3A = tpu.sem_alloc : memref<!tpu.dma_semaphore, #tpu.memory_space<semaphore_mem>>
      %dma_start3A_67 = arith.constant 0 : i32
      %dma_start3A_68 = arith.constant 0 : i32
      %dma_start3A_69 = tpu.memref_slice %arg8[%dma_start3A_67, %dma_start3A_68] : memref<64x128xf32, #tpu.memory_space<vmem>> -> memref<64x128xf32, #tpu.memory_space<vmem>>
      %dma_start3A_70 = arith.constant 0 : i32
      %dma_start3A_71 = tpu.memref_slice %arg29[%add3A_22, %dma_start3A_70] : memref<10144x128xf32, #tpu.memory_space<vmem_shared>> -> memref<64x128xf32, #tpu.memory_space<vmem_shared>>
      %dma_start3A_72 = arith.constant 0 : i32
      %dma_start3A_73 = tpu.memref_slice %arg29[%add3A_22, %dma_start3A_72] : memref<10144x128xf32, #tpu.memory_space<vmem_shared>> -> memref<64x128xf32, #tpu.memory_space<vmem_shared>>
      %dma_start3A_74 = arith.constant 0 : i32
      %dma_start3A_75 = arith.constant 0 : i32
      %dma_start3A_76 = tpu.memref_slice %arg8[%dma_start3A_74, %dma_start3A_75] : memref<64x128xf32, #tpu.memory_space<vmem>> -> memref<64x128xf32, #tpu.memory_space<vmem>>
      tpu.enqueue_dma source(%dma_start3A_76 : memref<64x128xf32, #tpu.memory_space<vmem>>) target(%dma_start3A_73 : memref<64x128xf32, #tpu.memory_space<vmem_shared>>) target_semaphore(%run_scoped3A : memref<!tpu.dma_semaphore, #tpu.memory_space<semaphore_mem>>)
      %dma_wait3A_77 = arith.constant 0 : i32
      %dma_wait3A_78 = arith.constant 0 : i32
      %dma_wait3A_79 = tpu.memref_slice %arg8[%dma_wait3A_77, %dma_wait3A_78] : memref<64x128xf32, #tpu.memory_space<vmem>> -> memref<64x128xf32, #tpu.memory_space<vmem>>
      %dma_wait3A_80 = arith.constant 0 : i32
      %dma_wait3A_81 = tpu.memref_slice %arg29[%add3A_22, %dma_wait3A_80] : memref<10144x128xf32, #tpu.memory_space<vmem_shared>> -> memref<64x128xf32, #tpu.memory_space<vmem_shared>>
      %dma_wait3A_82 = arith.constant 0 : i32
      %dma_wait3A_83 = tpu.memref_slice %arg29[%add3A_22, %dma_wait3A_82] : memref<10144x128xf32, #tpu.memory_space<vmem_shared>> -> memref<64x128xf32, #tpu.memory_space<vmem_shared>>
      %dma_wait3A_84 = arith.constant 0 : i32
      %dma_wait3A_85 = arith.constant 0 : i32
      %dma_wait3A_86 = tpu.memref_slice %arg8[%dma_wait3A_84, %dma_wait3A_85] : memref<64x128xf32, #tpu.memory_space<vmem>> -> memref<64x128xf32, #tpu.memory_space<vmem>>
      tpu.wait_dma2 semaphore(%run_scoped3A : memref<!tpu.dma_semaphore, #tpu.memory_space<semaphore_mem>>) src(%dma_wait3A_86 : memref<64x128xf32, #tpu.memory_space<vmem>>) dst(%dma_wait3A_83 : memref<64x128xf32, #tpu.memory_space<vmem_shared>>)
      tpu.yield
    }) : () -> ()
    %add3A_23 = arith.constant 512 : i32
    %add3A_24 = arith.addi %mul3A_7, %add3A_23 : i32
    "tpu.region"() ({
      %run_scoped3A = tpu.sem_alloc : memref<!tpu.dma_semaphore, #tpu.memory_space<semaphore_mem>>
      %dma_start3A_67 = arith.constant 0 : i32
      %dma_start3A_68 = arith.constant 0 : i32
      %dma_start3A_69 = tpu.memref_slice %arg8[%dma_start3A_67, %dma_start3A_68] : memref<64x128xf32, #tpu.memory_space<vmem>> -> memref<64x128xf32, #tpu.memory_space<vmem>>
      %dma_start3A_70 = arith.constant 0 : i32
      %dma_start3A_71 = tpu.memref_slice %arg29[%add3A_24, %dma_start3A_70] : memref<10144x128xf32, #tpu.memory_space<vmem_shared>> -> memref<64x128xf32, #tpu.memory_space<vmem_shared>>
      %dma_start3A_72 = arith.constant 0 : i32
      %dma_start3A_73 = tpu.memref_slice %arg29[%add3A_24, %dma_start3A_72] : memref<10144x128xf32, #tpu.memory_space<vmem_shared>> -> memref<64x128xf32, #tpu.memory_space<vmem_shared>>
      %dma_start3A_74 = arith.constant 0 : i32
      %dma_start3A_75 = arith.constant 0 : i32
      %dma_start3A_76 = tpu.memref_slice %arg8[%dma_start3A_74, %dma_start3A_75] : memref<64x128xf32, #tpu.memory_space<vmem>> -> memref<64x128xf32, #tpu.memory_space<vmem>>
      tpu.enqueue_dma source(%dma_start3A_76 : memref<64x128xf32, #tpu.memory_space<vmem>>) target(%dma_start3A_73 : memref<64x128xf32, #tpu.memory_space<vmem_shared>>) target_semaphore(%run_scoped3A : memref<!tpu.dma_semaphore, #tpu.memory_space<semaphore_mem>>)
      %dma_wait3A_77 = arith.constant 0 : i32
      %dma_wait3A_78 = arith.constant 0 : i32
      %dma_wait3A_79 = tpu.memref_slice %arg8[%dma_wait3A_77, %dma_wait3A_78] : memref<64x128xf32, #tpu.memory_space<vmem>> -> memref<64x128xf32, #tpu.memory_space<vmem>>
      %dma_wait3A_80 = arith.constant 0 : i32
      %dma_wait3A_81 = tpu.memref_slice %arg29[%add3A_24, %dma_wait3A_80] : memref<10144x128xf32, #tpu.memory_space<vmem_shared>> -> memref<64x128xf32, #tpu.memory_space<vmem_shared>>
      %dma_wait3A_82 = arith.constant 0 : i32
      %dma_wait3A_83 = tpu.memref_slice %arg29[%add3A_24, %dma_wait3A_82] : memref<10144x128xf32, #tpu.memory_space<vmem_shared>> -> memref<64x128xf32, #tpu.memory_space<vmem_shared>>
      %dma_wait3A_84 = arith.constant 0 : i32
      %dma_wait3A_85 = arith.constant 0 : i32
      %dma_wait3A_86 = tpu.memref_slice %arg8[%dma_wait3A_84, %dma_wait3A_85] : memref<64x128xf32, #tpu.memory_space<vmem>> -> memref<64x128xf32, #tpu.memory_space<vmem>>
      tpu.wait_dma2 semaphore(%run_scoped3A : memref<!tpu.dma_semaphore, #tpu.memory_space<semaphore_mem>>) src(%dma_wait3A_86 : memref<64x128xf32, #tpu.memory_space<vmem>>) dst(%dma_wait3A_83 : memref<64x128xf32, #tpu.memory_space<vmem_shared>>)
      tpu.yield
    }) : () -> ()
    %add3A_25 = arith.constant 576 : i32
    %add3A_26 = arith.addi %mul3A_7, %add3A_25 : i32
    "tpu.region"() ({
      %run_scoped3A = tpu.sem_alloc : memref<!tpu.dma_semaphore, #tpu.memory_space<semaphore_mem>>
      %dma_start3A_67 = arith.constant 0 : i32
      %dma_start3A_68 = arith.constant 0 : i32
      %dma_start3A_69 = tpu.memref_slice %arg8[%dma_start3A_67, %dma_start3A_68] : memref<64x128xf32, #tpu.memory_space<vmem>> -> memref<58x128xf32, #tpu.memory_space<vmem>>
      %dma_start3A_70 = arith.constant 0 : i32
      %dma_start3A_71 = tpu.memref_slice %arg29[%add3A_26, %dma_start3A_70] : memref<10144x128xf32, #tpu.memory_space<vmem_shared>> -> memref<58x128xf32, #tpu.memory_space<vmem_shared>>
      %dma_start3A_72 = arith.constant 0 : i32
      %dma_start3A_73 = tpu.memref_slice %arg29[%add3A_26, %dma_start3A_72] : memref<10144x128xf32, #tpu.memory_space<vmem_shared>> -> memref<58x128xf32, #tpu.memory_space<vmem_shared>>
      %dma_start3A_74 = arith.constant 0 : i32
      %dma_start3A_75 = arith.constant 0 : i32
      %dma_start3A_76 = tpu.memref_slice %arg8[%dma_start3A_74, %dma_start3A_75] : memref<64x128xf32, #tpu.memory_space<vmem>> -> memref<58x128xf32, #tpu.memory_space<vmem>>
      tpu.enqueue_dma source(%dma_start3A_76 : memref<58x128xf32, #tpu.memory_space<vmem>>) target(%dma_start3A_73 : memref<58x128xf32, #tpu.memory_space<vmem_shared>>) target_semaphore(%run_scoped3A : memref<!tpu.dma_semaphore, #tpu.memory_space<semaphore_mem>>)
      %dma_wait3A_77 = arith.constant 0 : i32
      %dma_wait3A_78 = arith.constant 0 : i32
      %dma_wait3A_79 = tpu.memref_slice %arg8[%dma_wait3A_77, %dma_wait3A_78] : memref<64x128xf32, #tpu.memory_space<vmem>> -> memref<58x128xf32, #tpu.memory_space<vmem>>
      %dma_wait3A_80 = arith.constant 0 : i32
      %dma_wait3A_81 = tpu.memref_slice %arg29[%add3A_26, %dma_wait3A_80] : memref<10144x128xf32, #tpu.memory_space<vmem_shared>> -> memref<58x128xf32, #tpu.memory_space<vmem_shared>>
      %dma_wait3A_82 = arith.constant 0 : i32
      %dma_wait3A_83 = tpu.memref_slice %arg29[%add3A_26, %dma_wait3A_82] : memref<10144x128xf32, #tpu.memory_space<vmem_shared>> -> memref<58x128xf32, #tpu.memory_space<vmem_shared>>
      %dma_wait3A_84 = arith.constant 0 : i32
      %dma_wait3A_85 = arith.constant 0 : i32
      %dma_wait3A_86 = tpu.memref_slice %arg8[%dma_wait3A_84, %dma_wait3A_85] : memref<64x128xf32, #tpu.memory_space<vmem>> -> memref<58x128xf32, #tpu.memory_space<vmem>>
      tpu.wait_dma2 semaphore(%run_scoped3A : memref<!tpu.dma_semaphore, #tpu.memory_space<semaphore_mem>>) src(%dma_wait3A_86 : memref<58x128xf32, #tpu.memory_space<vmem>>) dst(%dma_wait3A_83 : memref<58x128xf32, #tpu.memory_space<vmem_shared>>)
      tpu.yield
    }) : () -> ()
    %barrier3A = arith.constant 0 : index
    tpu.barrier barrier_id(%barrier3A)
    %scan3A_27 = arith.constant 0 : i32
    %scan3A_28 = arith.constant 0 : i32
    %scan3A_29 = arith.constant 4 : i32
    %scan3A_30 = arith.addi %scan3A_28, %scan3A_29 : i32
    %scan3A_31 = arith.constant 1 : i32
    %scan3A_32 = scf.for %scan3A_67 = %scan3A_28 to %scan3A_30 step %scan3A_31 iter_args(%scan3A_68 = %scan3A_27) -> (i32)  : i32 {
      %mul3A_69 = arith.constant 16 : i32
      %mul3A_70 = arith.muli %scan3A_67, %mul3A_69 : i32
      %add3A_71 = arith.constant 0 : i32
      %add3A_72 = arith.addi %add3A_71, %mul3A_70 : i32
      %get3A = arith.index_cast %add3A_72 : i32 to index
      %get3A_73 = tpu.vector_load %arg7[%get3A] {strides = array<i32>} : memref<10240xi32, #tpu.memory_space<vmem>>, vector<16xi32>,
      %and3A = arith.constant 65535 : i32
      %and3A_74 = vector.broadcast %and3A : i32 to vector<16xi32>
      %and3A_75 = arith.andi %get3A_73, %and3A_74 : vector<16xi32>
      %mul3A_76 = arith.constant 16 : i32
      %mul3A_77 = arith.muli %scan3A_67, %mul3A_76 : i32
      %swap3A = arith.index_cast %mul3A_77 : i32 to index
      %swap3A_78 = tpu.vector_load %arg12[%swap3A] {strides = array<i32>} : memref<64xi32, #tpu.memory_space<vmem>>, vector<16xi32>,
      tpu.vector_store %arg12[%swap3A], %and3A_75 {strides = array<i32>} : memref<64xi32, #tpu.memory_space<vmem>>, vector<16xi32>,
      %shift_right_logical3A = arith.constant 16 : i32
      %shift_right_logical3A_79 = vector.broadcast %shift_right_logical3A : i32 to vector<16xi32>
      %shift_right_logical3A_80 = arith.shrui %get3A_73, %shift_right_logical3A_79 : vector<16xi32>
      %mul3A_81 = arith.constant 16 : i32
      %mul3A_82 = arith.muli %scan3A_67, %mul3A_81 : i32
      %swap3A_83 = arith.index_cast %mul3A_82 : i32 to index
      %swap3A_84 = tpu.vector_load %arg16[%swap3A_83] {strides = array<i32>} : memref<64xi32, #tpu.memory_space<vmem>>, vector<16xi32>,
      tpu.vector_store %arg16[%swap3A_83], %shift_right_logical3A_80 {strides = array<i32>} : memref<64xi32, #tpu.memory_space<vmem>>, vector<16xi32>,
      %scan3A_85 = arith.constant 0 : i32
      scf.yield %scan3A_85 : i32
    }
    %scan3A_33 = arith.constant 4 : i32
    %dma_start3A = arith.constant 0 : i32
    %dma_start3A_34 = arith.constant 0 : i32
    %dma_start3A_35 = tpu.memref_slice %arg2[%dma_start3A, %dma_start3A_34] : memref<10000x128xf32, #tpu.memory_space<hbm>> -> memref<10000x128xf32, #tpu.memory_space<hbm>>
    tpu.enqueue_indirect_dma source(%dma_start3A_35 : memref<10000x128xf32, #tpu.memory_space<hbm>>) target(%arg8 : memref<64x128xf32, #tpu.memory_space<vmem>>) offsets(%arg12 : memref<64xi32, #tpu.memory_space<vmem>>) semaphore(%arg30 : memref<!tpu.dma_semaphore, #tpu.memory_space<semaphore_mem>>)
    %dma_start3A_36 = arith.constant 0 : i32
    %dma_start3A_37 = tpu.memref_slice %arg4[%dma_start3A_36] : memref<10144xf32, #tpu.memory_space<hbm>> -> memref<10144xf32, #tpu.memory_space<hbm>>
    tpu.enqueue_indirect_dma source(%dma_start3A_37 : memref<10144xf32, #tpu.memory_space<hbm>>) target(%arg20 : memref<64xf32, #tpu.memory_space<vmem>>) offsets(%arg16 : memref<64xi32, #tpu.memory_space<vmem>>) semaphore(%arg30 : memref<!tpu.dma_semaphore, #tpu.memory_space<semaphore_mem>>)
    %dma_start3A_38 = arith.constant 0 : i32
    %dma_start3A_39 = tpu.memref_slice %arg5[%dma_start3A_38] : memref<10144xf32, #tpu.memory_space<hbm>> -> memref<10144xf32, #tpu.memory_space<hbm>>
    tpu.enqueue_indirect_dma source(%dma_start3A_39 : memref<10144xf32, #tpu.memory_space<hbm>>) target(%arg24 : memref<64xf32, #tpu.memory_space<vmem>>) offsets(%arg12 : memref<64xi32, #tpu.memory_space<vmem>>) semaphore(%arg30 : memref<!tpu.dma_semaphore, #tpu.memory_space<semaphore_mem>>)
    %scan3A_40 = arith.constant 0 : i32
    %scan3A_41 = arith.constant 0 : i32
    %scan3A_42 = arith.constant 4 : i32
    %scan3A_43 = arith.addi %scan3A_41, %scan3A_42 : i32
    %scan3A_44 = arith.constant 1 : i32
    %scan3A_45 = scf.for %scan3A_67 = %scan3A_41 to %scan3A_43 step %scan3A_44 iter_args(%scan3A_68 = %scan3A_40) -> (i32)  : i32 {
      %mul3A_69 = arith.constant 16 : i32
      %mul3A_70 = arith.muli %scan3A_67, %mul3A_69 : i32
      %add3A_71 = arith.constant 64 : i32
      %add3A_72 = arith.addi %add3A_71, %mul3A_70 : i32
      %get3A = arith.index_cast %add3A_72 : i32 to index
      %get3A_73 = tpu.vector_load %arg7[%get3A] {strides = array<i32>} : memref<10240xi32, #tpu.memory_space<vmem>>, vector<16xi32>,
      %and3A = arith.constant 65535 : i32
      %and3A_74 = vector.broadcast %and3A : i32 to vector<16xi32>
      %and3A_75 = arith.andi %get3A_73, %and3A_74 : vector<16xi32>
      %mul3A_76 = arith.constant 16 : i32
      %mul3A_77 = arith.muli %scan3A_67, %mul3A_76 : i32
      %swap3A = arith.index_cast %mul3A_77 : i32 to index
      %swap3A_78 = tpu.vector_load %arg13[%swap3A] {strides = array<i32>} : memref<64xi32, #tpu.memory_space<vmem>>, vector<16xi32>,
      tpu.vector_store %arg13[%swap3A], %and3A_75 {strides = array<i32>} : memref<64xi32, #tpu.memory_space<vmem>>, vector<16xi32>,
      %shift_right_logical3A = arith.constant 16 : i32
      %shift_right_logical3A_79 = vector.broadcast %shift_right_logical3A : i32 to vector<16xi32>
      %shift_right_logical3A_80 = arith.shrui %get3A_73, %shift_right_logical3A_79 : vector<16xi32>
      %mul3A_81 = arith.constant 16 : i32
      %mul3A_82 = arith.muli %scan3A_67, %mul3A_81 : i32
      %swap3A_83 = arith.index_cast %mul3A_82 : i32 to index
      %swap3A_84 = tpu.vector_load %arg17[%swap3A_83] {strides = array<i32>} : memref<64xi32, #tpu.memory_space<vmem>>, vector<16xi32>,
      tpu.vector_store %arg17[%swap3A_83], %shift_right_logical3A_80 {strides = array<i32>} : memref<64xi32, #tpu.memory_space<vmem>>, vector<16xi32>,
      %scan3A_85 = arith.constant 0 : i32
      scf.yield %scan3A_85 : i32
    }
    %scan3A_46 = arith.constant 4 : i32
    %dma_start3A_47 = arith.constant 0 : i32
    %dma_start3A_48 = arith.constant 0 : i32
    %dma_start3A_49 = tpu.memref_slice %arg2[%dma_start3A_47, %dma_start3A_48] : memref<10000x128xf32, #tpu.memory_space<hbm>> -> memref<10000x128xf32, #tpu.memory_space<hbm>>
    tpu.enqueue_indirect_dma source(%dma_start3A_49 : memref<10000x128xf32, #tpu.memory_space<hbm>>) target(%arg9 : memref<64x128xf32, #tpu.memory_space<vmem>>) offsets(%arg13 : memref<64xi32, #tpu.memory_space<vmem>>) semaphore(%arg31 : memref<!tpu.dma_semaphore, #tpu.memory_space<semaphore_mem>>)
    %dma_start3A_50 = arith.constant 0 : i32
    %dma_start3A_51 = tpu.memref_slice %arg4[%dma_start3A_50] : memref<10144xf32, #tpu.memory_space<hbm>> -> memref<10144xf32, #tpu.memory_space<hbm>>
    tpu.enqueue_indirect_dma source(%dma_start3A_51 : memref<10144xf32, #tpu.memory_space<hbm>>) target(%arg21 : memref<64xf32, #tpu.memory_space<vmem>>) offsets(%arg17 : memref<64xi32, #tpu.memory_space<vmem>>) semaphore(%arg31 : memref<!tpu.dma_semaphore, #tpu.memory_space<semaphore_mem>>)
    %dma_start3A_52 = arith.constant 0 : i32
    %dma_start3A_53 = tpu.memref_slice %arg5[%dma_start3A_52] : memref<10144xf32, #tpu.memory_space<hbm>> -> memref<10144xf32, #tpu.memory_space<hbm>>
    tpu.enqueue_indirect_dma source(%dma_start3A_53 : memref<10144xf32, #tpu.memory_space<hbm>>) target(%arg25 : memref<64xf32, #tpu.memory_space<vmem>>) offsets(%arg13 : memref<64xi32, #tpu.memory_space<vmem>>) semaphore(%arg31 : memref<!tpu.dma_semaphore, #tpu.memory_space<semaphore_mem>>)
    %scan3A_54 = arith.constant 0 : i32
    %scan3A_55 = arith.constant 0 : i32
    %scan3A_56 = arith.constant 40 : i32
    %scan3A_57 = arith.addi %scan3A_55, %scan3A_56 : i32
    %scan3A_58 = arith.constant 1 : i32
    %scan3A_59 = scf.for %scan3A_67 = %scan3A_55 to %scan3A_57 step %scan3A_58 iter_args(%scan3A_68 = %scan3A_54) -> (i32)  : i32 {
      %mul3A_69 = arith.constant 4 : i32
      %mul3A_70 = arith.muli %scan3A_67, %mul3A_69 : i32
      %add3A_71 = arith.constant 0 : i32
      %add3A_72 = arith.addi %mul3A_70, %add3A_71 : i32
      %gt3A = arith.constant 0 : i32
      %gt3A_73 = arith.cmpi sgt, %scan3A_67, %gt3A : i32
      %convert_element_type3A = arith.extui %gt3A_73 : i1 to i32
      %cond3A = arith.constant 0 : i32
      %cond3A_74 = arith.cmpi ne, %convert_element_type3A, %cond3A : i32
      scf.if %cond3A_74 {
        %dma_wait3A_233 = arith.constant 0 : i32
        %dma_wait3A_234 = arith.constant 0 : i32
        %dma_wait3A_235 = tpu.memref_slice %arg29[%dma_wait3A_233, %dma_wait3A_234] : memref<10144x128xf32, #tpu.memory_space<vmem_shared>> -> memref<10144x128xf32, #tpu.memory_space<vmem_shared>>
        tpu.wait_indirect_dma semaphore(%arg36 : memref<!tpu.dma_semaphore, #tpu.memory_space<semaphore_mem>>) src(%arg10 : memref<64x128xf32, #tpu.memory_space<vmem>>) dst(%dma_wait3A_235 : memref<10144x128xf32, #tpu.memory_space<vmem_shared>>)
      } else {
      }
      %add3A_75 = arith.constant 2 : i32
      %add3A_76 = arith.addi %add3A_72, %add3A_75 : i32
      %lt3A = arith.constant 160 : i32
      %lt3A_77 = arith.cmpi slt, %add3A_76, %lt3A : i32
      %convert_element_type3A_78 = arith.extui %lt3A_77 : i1 to i32
      %cond3A_79 = arith.constant 0 : i32
      %cond3A_80 = arith.cmpi ne, %convert_element_type3A_78, %cond3A_79 : i32
      scf.if %cond3A_80 {
        %add3A_233 = arith.constant 2 : i32
        %add3A_234 = arith.addi %add3A_72, %add3A_233 : i32
        %scan3A_235 = arith.constant 0 : i32
        %scan3A_236 = arith.constant 0 : i32
        %scan3A_237 = arith.constant 4 : i32
        %scan3A_238 = arith.addi %scan3A_236, %scan3A_237 : i32
        %scan3A_239 = arith.constant 1 : i32
        %scan3A_240 = scf.for %scan3A_249 = %scan3A_236 to %scan3A_238 step %scan3A_239 iter_args(%scan3A_250 = %scan3A_235) -> (i32)  : i32 {
          %mul3A_251 = arith.constant 64 : i32
          %mul3A_252 = arith.muli %add3A_234, %mul3A_251 : i32
          %mul3A_253 = arith.constant 16 : i32
          %mul3A_254 = arith.muli %scan3A_249, %mul3A_253 : i32
          %add3A_255 = arith.addi %mul3A_252, %mul3A_254 : i32
          %get3A = arith.index_cast %add3A_255 : i32 to index
          %get3A_256 = tpu.vector_load %arg7[%get3A] {strides = array<i32>} : memref<10240xi32, #tpu.memory_space<vmem>>, vector<16xi32>,
          %and3A = arith.constant 65535 : i32
          %and3A_257 = vector.broadcast %and3A : i32 to vector<16xi32>
          %and3A_258 = arith.andi %get3A_256, %and3A_257 : vector<16xi32>
          %mul3A_259 = arith.constant 16 : i32
          %mul3A_260 = arith.muli %scan3A_249, %mul3A_259 : i32
          %swap3A = arith.index_cast %mul3A_260 : i32 to index
          %swap3A_261 = tpu.vector_load %arg14[%swap3A] {strides = array<i32>} : memref<64xi32, #tpu.memory_space<vmem>>, vector<16xi32>,
          tpu.vector_store %arg14[%swap3A], %and3A_258 {strides = array<i32>} : memref<64xi32, #tpu.memory_space<vmem>>, vector<16xi32>,
          %shift_right_logical3A = arith.constant 16 : i32
          %shift_right_logical3A_262 = vector.broadcast %shift_right_logical3A : i32 to vector<16xi32>
          %shift_right_logical3A_263 = arith.shrui %get3A_256, %shift_right_logical3A_262 : vector<16xi32>
          %mul3A_264 = arith.constant 16 : i32
          %mul3A_265 = arith.muli %scan3A_249, %mul3A_264 : i32
          %swap3A_266 = arith.index_cast %mul3A_265 : i32 to index
          %swap3A_267 = tpu.vector_load %arg18[%swap3A_266] {strides = array<i32>} : memref<64xi32, #tpu.memory_space<vmem>>, vector<16xi32>,
          tpu.vector_store %arg18[%swap3A_266], %shift_right_logical3A_263 {strides = array<i32>} : memref<64xi32, #tpu.memory_space<vmem>>, vector<16xi32>,
          %scan3A_268 = arith.constant 0 : i32
          scf.yield %scan3A_268 : i32
        }
        %scan3A_241 = arith.constant 4 : i32
        %dma_start3A_242 = arith.constant 0 : i32
        %dma_start3A_243 = arith.constant 0 : i32
        %dma_start3A_244 = tpu.memref_slice %arg2[%dma_start3A_242, %dma_start3A_243] : memref<10000x128xf32, #tpu.memory_space<hbm>> -> memref<10000x128xf32, #tpu.memory_space<hbm>>
        tpu.enqueue_indirect_dma source(%dma_start3A_244 : memref<10000x128xf32, #tpu.memory_space<hbm>>) target(%arg10 : memref<64x128xf32, #tpu.memory_space<vmem>>) offsets(%arg14 : memref<64xi32, #tpu.memory_space<vmem>>) semaphore(%arg32 : memref<!tpu.dma_semaphore, #tpu.memory_space<semaphore_mem>>)
        %dma_start3A_245 = arith.constant 0 : i32
        %dma_start3A_246 = tpu.memref_slice %arg4[%dma_start3A_245] : memref<10144xf32, #tpu.memory_space<hbm>> -> memref<10144xf32, #tpu.memory_space<hbm>>
        tpu.enqueue_indirect_dma source(%dma_start3A_246 : memref<10144xf32, #tpu.memory_space<hbm>>) target(%arg22 : memref<64xf32, #tpu.memory_space<vmem>>) offsets(%arg18 : memref<64xi32, #tpu.memory_space<vmem>>) semaphore(%arg32 : memref<!tpu.dma_semaphore, #tpu.memory_space<semaphore_mem>>)
        %dma_start3A_247 = arith.constant 0 : i32
        %dma_start3A_248 = tpu.memref_slice %arg5[%dma_start3A_247] : memref<10144xf32, #tpu.memory_space<hbm>> -> memref<10144xf32, #tpu.memory_space<hbm>>
        tpu.enqueue_indirect_dma source(%dma_start3A_248 : memref<10144xf32, #tpu.memory_space<hbm>>) target(%arg26 : memref<64xf32, #tpu.memory_space<vmem>>) offsets(%arg14 : memref<64xi32, #tpu.memory_space<vmem>>) semaphore(%arg32 : memref<!tpu.dma_semaphore, #tpu.memory_space<semaphore_mem>>)
      } else {
      }
      %dma_wait3A_81 = arith.constant 0 : i32
      %dma_wait3A_82 = arith.constant 0 : i32
      %dma_wait3A_83 = tpu.memref_slice %arg2[%dma_wait3A_81, %dma_wait3A_82] : memref<10000x128xf32, #tpu.memory_space<hbm>> -> memref<64x128xf32, #tpu.memory_space<hbm>>
      %dma_wait3A_84 = arith.constant 0 : i32
      %dma_wait3A_85 = arith.constant 0 : i32
      %dma_wait3A_86 = tpu.memref_slice %arg2[%dma_wait3A_84, %dma_wait3A_85] : memref<10000x128xf32, #tpu.memory_space<hbm>> -> memref<64x128xf32, #tpu.memory_space<hbm>>
      tpu.wait_dma2 semaphore(%arg30 : memref<!tpu.dma_semaphore, #tpu.memory_space<semaphore_mem>>) src(%dma_wait3A_86 : memref<64x128xf32, #tpu.memory_space<hbm>>) dst(%arg8 : memref<64x128xf32, #tpu.memory_space<vmem>>)
      %dma_wait3A_87 = arith.constant 0 : i32
      %dma_wait3A_88 = tpu.memref_slice %arg4[%dma_wait3A_87] : memref<10144xf32, #tpu.memory_space<hbm>> -> memref<64xf32, #tpu.memory_space<hbm>>
      %dma_wait3A_89 = arith.constant 0 : i32
      %dma_wait3A_90 = tpu.memref_slice %arg4[%dma_wait3A_89] : memref<10144xf32, #tpu.memory_space<hbm>> -> memref<64xf32, #tpu.memory_space<hbm>>
      tpu.wait_dma2 semaphore(%arg30 : memref<!tpu.dma_semaphore, #tpu.memory_space<semaphore_mem>>) src(%dma_wait3A_90 : memref<64xf32, #tpu.memory_space<hbm>>) dst(%arg20 : memref<64xf32, #tpu.memory_space<vmem>>)
      %dma_wait3A_91 = arith.constant 0 : i32
      %dma_wait3A_92 = tpu.memref_slice %arg5[%dma_wait3A_91] : memref<10144xf32, #tpu.memory_space<hbm>> -> memref<64xf32, #tpu.memory_space<hbm>>
      %dma_wait3A_93 = arith.constant 0 : i32
      %dma_wait3A_94 = tpu.memref_slice %arg5[%dma_wait3A_93] : memref<10144xf32, #tpu.memory_space<hbm>> -> memref<64xf32, #tpu.memory_space<hbm>>
      tpu.wait_dma2 semaphore(%arg30 : memref<!tpu.dma_semaphore, #tpu.memory_space<semaphore_mem>>) src(%dma_wait3A_94 : memref<64xf32, #tpu.memory_space<hbm>>) dst(%arg24 : memref<64xf32, #tpu.memory_space<vmem>>)
      %scan3A_95 = arith.constant 0 : i32
      %scan3A_96 = arith.constant 0 : i32
      %scan3A_97 = arith.constant 4 : i32
      %scan3A_98 = arith.addi %scan3A_96, %scan3A_97 : i32
      %scan3A_99 = arith.constant 1 : i32
      %scan3A_100 = scf.for %scan3A_233 = %scan3A_96 to %scan3A_98 step %scan3A_99 iter_args(%scan3A_234 = %scan3A_95) -> (i32)  : i32 {
        %mul3A_235 = arith.constant 16 : i32
        %mul3A_236 = arith.muli %scan3A_233, %mul3A_235 : i32
        %get3A = arith.index_cast %mul3A_236 : i32 to index
        %get3A_237 = tpu.vector_load %arg20[%get3A] {strides = array<i32>} : memref<64xf32, #tpu.memory_space<vmem>>, vector<16xf32>,
        %get3A_238 = arith.index_cast %mul3A_236 : i32 to index
        %get3A_239 = tpu.vector_load %arg24[%get3A_238] {strides = array<i32>} : memref<64xf32, #tpu.memory_space<vmem>>, vector<16xf32>,
        %add3A_240 = arith.addf %get3A_237, %get3A_239 : vector<16xf32>
        %neg3A = arith.constant 0.000000e+00 : f32
        %neg3A_241 = vector.broadcast %neg3A : f32 to vector<16xf32>
        %neg3A_242 = arith.subf %neg3A_241, %add3A_240 : vector<16xf32>
        %exp3A = math.exp %neg3A_242 : vector<16xf32>
        %add3A_243 = arith.constant 1.000000e+00 : f32
        %add3A_244 = vector.broadcast %add3A_243 : f32 to vector<16xf32>
        %add3A_245 = arith.addf %add3A_244, %exp3A : vector<16xf32>
        %div3A = arith.constant 1.000000e+00 : f32
        %div3A_246 = vector.broadcast %div3A : f32 to vector<16xf32>
        %div3A_247 = arith.divf %div3A_246, %add3A_245 : vector<16xf32>
        %swap3A = arith.index_cast %mul3A_236 : i32 to index
        %swap3A_248 = tpu.vector_load %arg28[%swap3A] {strides = array<i32>} : memref<64xf32, #tpu.memory_space<vmem>>, vector<16xf32>,
        tpu.vector_store %arg28[%swap3A], %div3A_247 {strides = array<i32>} : memref<64xf32, #tpu.memory_space<vmem>>, vector<16xf32>,
        %scan3A_249 = arith.constant 0 : i32
        scf.yield %scan3A_249 : i32
      }
      %scan3A_101 = arith.constant 4 : i32
      %parallel_loop3A = arith.constant 0 : i32
      %parallel_loop3A_102 = arith.constant 64 : i32
      %parallel_loop3A_103 = arith.constant 1 : i32
      scf.for %parallel_loop3A_233 = %parallel_loop3A to %parallel_loop3A_102 step %parallel_loop3A_103  : i32 {
        %parallel_loop3A_234 = arith.constant 15 : i32
        %parallel_loop3A_235 = arith.constant -1 : i32
        %parallel_loop3A_236 = arith.xori %parallel_loop3A_234, %parallel_loop3A_235 : i32
        %parallel_loop3A_237 = arith.andi %parallel_loop3A_233, %parallel_loop3A_236 : i32
        %parallel_loop3A_238 = arith.constant 15 : i32
        %parallel_loop3A_239 = arith.andi %parallel_loop3A_233, %parallel_loop3A_238 : i32
        %parallel_loop3A_240 = arith.index_cast %parallel_loop3A_237 : i32 to index
        %parallel_loop3A_241 = tpu.vector_load %arg28[%parallel_loop3A_240] {strides = array<i32>} : memref<64xf32, #tpu.memory_space<vmem>>, vector<16xf32>,
        %parallel_loop3A_242 = vector.broadcast %parallel_loop3A_239 : i32 to vector<16xi32>
        %parallel_loop3A_243 = arith.constant 0 : i32
        %parallel_loop3A_244 = vector.broadcast %parallel_loop3A_243 : i32 to vector<16xi32>
        %parallel_loop3A_245 = arith.cmpi slt, %parallel_loop3A_242, %parallel_loop3A_244 : vector<16xi32>
        %parallel_loop3A_246 = arith.constant 16 : i32
        %parallel_loop3A_247 = vector.broadcast %parallel_loop3A_246 : i32 to vector<16xi32>
        %parallel_loop3A_248 = arith.addi %parallel_loop3A_242, %parallel_loop3A_247 : vector<16xi32>
        %parallel_loop3A_249 = arith.select %parallel_loop3A_245, %parallel_loop3A_248, %parallel_loop3A_242 : vector<16xi1>, vector<16xi32>
        %parallel_loop3A_250 = vector.shape_cast %parallel_loop3A_249 : vector<16xi32> to vector<16x1xi32>
        %parallel_loop3A_251 = vector.shape_cast %parallel_loop3A_250 : vector<16x1xi32> to vector<16xi32>
        %parallel_loop3A_252 = tpu.dynamic_gather %parallel_loop3A_241[%parallel_loop3A_251] in [0] : vector<16xf32>, vector<16xi32> -> vector<16xf32>
        %parallel_loop3A_253 = arith.index_cast %parallel_loop3A_233 : i32 to index
        %parallel_loop3A_254 = arith.constant 0 : index
        %parallel_loop3A_255 = tpu.vector_load %arg8[%parallel_loop3A_253, %parallel_loop3A_254] {strides = array<i32>} : memref<64x128xf32, #tpu.memory_space<vmem>>, vector<16xf32>,
        %parallel_loop3A_256 = arith.mulf %parallel_loop3A_255, %parallel_loop3A_252 : vector<16xf32>
        %parallel_loop3A_257 = arith.index_cast %parallel_loop3A_233 : i32 to index
        %parallel_loop3A_258 = arith.constant 0 : index
        %parallel_loop3A_259 = tpu.vector_load %arg8[%parallel_loop3A_257, %parallel_loop3A_258] {strides = array<i32>} : memref<64x128xf32, #tpu.memory_space<vmem>>, vector<16xf32>,
        tpu.vector_store %arg8[%parallel_loop3A_257, %parallel_loop3A_258], %parallel_loop3A_256 {strides = array<i32>} : memref<64x128xf32, #tpu.memory_space<vmem>>, vector<16xf32>,
        %parallel_loop3A_260 = arith.index_cast %parallel_loop3A_233 : i32 to index
        %parallel_loop3A_261 = arith.constant 16 : index
        %parallel_loop3A_262 = tpu.vector_load %arg8[%parallel_loop3A_260, %parallel_loop3A_261] {strides = array<i32>} : memref<64x128xf32, #tpu.memory_space<vmem>>, vector<16xf32>,
        %parallel_loop3A_263 = arith.mulf %parallel_loop3A_262, %parallel_loop3A_252 : vector<16xf32>
        %parallel_loop3A_264 = arith.index_cast %parallel_loop3A_233 : i32 to index
        %parallel_loop3A_265 = arith.constant 16 : index
        %parallel_loop3A_266 = tpu.vector_load %arg8[%parallel_loop3A_264, %parallel_loop3A_265] {strides = array<i32>} : memref<64x128xf32, #tpu.memory_space<vmem>>, vector<16xf32>,
        tpu.vector_store %arg8[%parallel_loop3A_264, %parallel_loop3A_265], %parallel_loop3A_263 {strides = array<i32>} : memref<64x128xf32, #tpu.memory_space<vmem>>, vector<16xf32>,
        %parallel_loop3A_267 = arith.index_cast %parallel_loop3A_233 : i32 to index
        %parallel_loop3A_268 = arith.constant 32 : index
        %parallel_loop3A_269 = tpu.vector_load %arg8[%parallel_loop3A_267, %parallel_loop3A_268] {strides = array<i32>} : memref<64x128xf32, #tpu.memory_space<vmem>>, vector<16xf32>,
        %parallel_loop3A_270 = arith.mulf %parallel_loop3A_269, %parallel_loop3A_252 : vector<16xf32>
        %parallel_loop3A_271 = arith.index_cast %parallel_loop3A_233 : i32 to index
        %parallel_loop3A_272 = arith.constant 32 : index
        %parallel_loop3A_273 = tpu.vector_load %arg8[%parallel_loop3A_271, %parallel_loop3A_272] {strides = array<i32>} : memref<64x128xf32, #tpu.memory_space<vmem>>, vector<16xf32>,
        tpu.vector_store %arg8[%parallel_loop3A_271, %parallel_loop3A_272], %parallel_loop3A_270 {strides = array<i32>} : memref<64x128xf32, #tpu.memory_space<vmem>>, vector<16xf32>,
        %parallel_loop3A_274 = arith.index_cast %parallel_loop3A_233 : i32 to index
        %parallel_loop3A_275 = arith.constant 48 : index
        %parallel_loop3A_276 = tpu.vector_load %arg8[%parallel_loop3A_274, %parallel_loop3A_275] {strides = array<i32>} : memref<64x128xf32, #tpu.memory_space<vmem>>, vector<16xf32>,
        %parallel_loop3A_277 = arith.mulf %parallel_loop3A_276, %parallel_loop3A_252 : vector<16xf32>
        %parallel_loop3A_278 = arith.index_cast %parallel_loop3A_233 : i32 to index
        %parallel_loop3A_279 = arith.constant 48 : index
        %parallel_loop3A_280 = tpu.vector_load %arg8[%parallel_loop3A_278, %parallel_loop3A_279] {strides = array<i32>} : memref<64x128xf32, #tpu.memory_space<vmem>>, vector<16xf32>,
        tpu.vector_store %arg8[%parallel_loop3A_278, %parallel_loop3A_279], %parallel_loop3A_277 {strides = array<i32>} : memref<64x128xf32, #tpu.memory_space<vmem>>, vector<16xf32>,
        %parallel_loop3A_281 = arith.index_cast %parallel_loop3A_233 : i32 to index
        %parallel_loop3A_282 = arith.constant 64 : index
        %parallel_loop3A_283 = tpu.vector_load %arg8[%parallel_loop3A_281, %parallel_loop3A_282] {strides = array<i32>} : memref<64x128xf32, #tpu.memory_space<vmem>>, vector<16xf32>,
        %parallel_loop3A_284 = arith.mulf %parallel_loop3A_283, %parallel_loop3A_252 : vector<16xf32>
        %parallel_loop3A_285 = arith.index_cast %parallel_loop3A_233 : i32 to index
        %parallel_loop3A_286 = arith.constant 64 : index
        %parallel_loop3A_287 = tpu.vector_load %arg8[%parallel_loop3A_285, %parallel_loop3A_286] {strides = array<i32>} : memref<64x128xf32, #tpu.memory_space<vmem>>, vector<16xf32>,
        tpu.vector_store %arg8[%parallel_loop3A_285, %parallel_loop3A_286], %parallel_loop3A_284 {strides = array<i32>} : memref<64x128xf32, #tpu.memory_space<vmem>>, vector<16xf32>,
        %parallel_loop3A_288 = arith.index_cast %parallel_loop3A_233 : i32 to index
        %parallel_loop3A_289 = arith.constant 80 : index
        %parallel_loop3A_290 = tpu.vector_load %arg8[%parallel_loop3A_288, %parallel_loop3A_289] {strides = array<i32>} : memref<64x128xf32, #tpu.memory_space<vmem>>, vector<16xf32>,
        %parallel_loop3A_291 = arith.mulf %parallel_loop3A_290, %parallel_loop3A_252 : vector<16xf32>
        %parallel_loop3A_292 = arith.index_cast %parallel_loop3A_233 : i32 to index
        %parallel_loop3A_293 = arith.constant 80 : index
        %parallel_loop3A_294 = tpu.vector_load %arg8[%parallel_loop3A_292, %parallel_loop3A_293] {strides = array<i32>} : memref<64x128xf32, #tpu.memory_space<vmem>>, vector<16xf32>,
        tpu.vector_store %arg8[%parallel_loop3A_292, %parallel_loop3A_293], %parallel_loop3A_291 {strides = array<i32>} : memref<64x128xf32, #tpu.memory_space<vmem>>, vector<16xf32>,
        %parallel_loop3A_295 = arith.index_cast %parallel_loop3A_233 : i32 to index
        %parallel_loop3A_296 = arith.constant 96 : index
        %parallel_loop3A_297 = tpu.vector_load %arg8[%parallel_loop3A_295, %parallel_loop3A_296] {strides = array<i32>} : memref<64x128xf32, #tpu.memory_space<vmem>>, vector<16xf32>,
        %parallel_loop3A_298 = arith.mulf %parallel_loop3A_297, %parallel_loop3A_252 : vector<16xf32>
        %parallel_loop3A_299 = arith.index_cast %parallel_loop3A_233 : i32 to index
        %parallel_loop3A_300 = arith.constant 96 : index
        %parallel_loop3A_301 = tpu.vector_load %arg8[%parallel_loop3A_299, %parallel_loop3A_300] {strides = array<i32>} : memref<64x128xf32, #tpu.memory_space<vmem>>, vector<16xf32>,
        tpu.vector_store %arg8[%parallel_loop3A_299, %parallel_loop3A_300], %parallel_loop3A_298 {strides = array<i32>} : memref<64x128xf32, #tpu.memory_space<vmem>>, vector<16xf32>,
        %parallel_loop3A_302 = arith.index_cast %parallel_loop3A_233 : i32 to index
        %parallel_loop3A_303 = arith.constant 112 : index
        %parallel_loop3A_304 = tpu.vector_load %arg8[%parallel_loop3A_302, %parallel_loop3A_303] {strides = array<i32>} : memref<64x128xf32, #tpu.memory_space<vmem>>, vector<16xf32>,
        %parallel_loop3A_305 = arith.mulf %parallel_loop3A_304, %parallel_loop3A_252 : vector<16xf32>
        %parallel_loop3A_306 = arith.index_cast %parallel_loop3A_233 : i32 to index
        %parallel_loop3A_307 = arith.constant 112 : index
        %parallel_loop3A_308 = tpu.vector_load %arg8[%parallel_loop3A_306, %parallel_loop3A_307] {strides = array<i32>} : memref<64x128xf32, #tpu.memory_space<vmem>>, vector<16xf32>,
        tpu.vector_store %arg8[%parallel_loop3A_306, %parallel_loop3A_307], %parallel_loop3A_305 {strides = array<i32>} : memref<64x128xf32, #tpu.memory_space<vmem>>, vector<16xf32>,
      } {sc.loop_unroll_factor = 4 : i64, sc.parallel_access}
      %dma_start3A_104 = arith.constant 0 : i32
      %dma_start3A_105 = arith.constant 0 : i32
      %dma_start3A_106 = tpu.memref_slice %arg29[%dma_start3A_104, %dma_start3A_105] : memref<10144x128xf32, #tpu.memory_space<vmem_shared>> -> memref<10144x128xf32, #tpu.memory_space<vmem_shared>>
      tpu.enqueue_indirect_dma source(%arg8 : memref<64x128xf32, #tpu.memory_space<vmem>>) target(%dma_start3A_106 : memref<10144x128xf32, #tpu.memory_space<vmem_shared>>) offsets(%arg16 : memref<64xi32, #tpu.memory_space<vmem>>) semaphore(%arg34 : memref<!tpu.dma_semaphore, #tpu.memory_space<semaphore_mem>>) {add = true}
      %mul3A_107 = arith.constant 4 : i32
      %mul3A_108 = arith.muli %scan3A_67, %mul3A_107 : i32
      %add3A_109 = arith.constant 1 : i32
      %add3A_110 = arith.addi %mul3A_108, %add3A_109 : i32
      %gt3A_111 = arith.constant 0 : i32
      %gt3A_112 = arith.cmpi sgt, %scan3A_67, %gt3A_111 : i32
      %convert_element_type3A_113 = arith.extui %gt3A_112 : i1 to i32
      %cond3A_114 = arith.constant 0 : i32
      %cond3A_115 = arith.cmpi ne, %convert_element_type3A_113, %cond3A_114 : i32
      scf.if %cond3A_115 {
        %dma_wait3A_233 = arith.constant 0 : i32
        %dma_wait3A_234 = arith.constant 0 : i32
        %dma_wait3A_235 = tpu.memref_slice %arg29[%dma_wait3A_233, %dma_wait3A_234] : memref<10144x128xf32, #tpu.memory_space<vmem_shared>> -> memref<10144x128xf32, #tpu.memory_space<vmem_shared>>
        tpu.wait_indirect_dma semaphore(%arg37 : memref<!tpu.dma_semaphore, #tpu.memory_space<semaphore_mem>>) src(%arg11 : memref<64x128xf32, #tpu.memory_space<vmem>>) dst(%dma_wait3A_235 : memref<10144x128xf32, #tpu.memory_space<vmem_shared>>)
      } else {
      }
      %add3A_116 = arith.constant 2 : i32
      %add3A_117 = arith.addi %add3A_110, %add3A_116 : i32
      %lt3A_118 = arith.constant 160 : i32
      %lt3A_119 = arith.cmpi slt, %add3A_117, %lt3A_118 : i32
      %convert_element_type3A_120 = arith.extui %lt3A_119 : i1 to i32
      %cond3A_121 = arith.constant 0 : i32
      %cond3A_122 = arith.cmpi ne, %convert_element_type3A_120, %cond3A_121 : i32
      scf.if %cond3A_122 {
        %add3A_233 = arith.constant 2 : i32
        %add3A_234 = arith.addi %add3A_110, %add3A_233 : i32
        %scan3A_235 = arith.constant 0 : i32
        %scan3A_236 = arith.constant 0 : i32
        %scan3A_237 = arith.constant 4 : i32
        %scan3A_238 = arith.addi %scan3A_236, %scan3A_237 : i32
        %scan3A_239 = arith.constant 1 : i32
        %scan3A_240 = scf.for %scan3A_249 = %scan3A_236 to %scan3A_238 step %scan3A_239 iter_args(%scan3A_250 = %scan3A_235) -> (i32)  : i32 {
          %mul3A_251 = arith.constant 64 : i32
          %mul3A_252 = arith.muli %add3A_234, %mul3A_251 : i32
          %mul3A_253 = arith.constant 16 : i32
          %mul3A_254 = arith.muli %scan3A_249, %mul3A_253 : i32
          %add3A_255 = arith.addi %mul3A_252, %mul3A_254 : i32
          %get3A = arith.index_cast %add3A_255 : i32 to index
          %get3A_256 = tpu.vector_load %arg7[%get3A] {strides = array<i32>} : memref<10240xi32, #tpu.memory_space<vmem>>, vector<16xi32>,
          %and3A = arith.constant 65535 : i32
          %and3A_257 = vector.broadcast %and3A : i32 to vector<16xi32>
          %and3A_258 = arith.andi %get3A_256, %and3A_257 : vector<16xi32>
          %mul3A_259 = arith.constant 16 : i32
          %mul3A_260 = arith.muli %scan3A_249, %mul3A_259 : i32
          %swap3A = arith.index_cast %mul3A_260 : i32 to index
          %swap3A_261 = tpu.vector_load %arg15[%swap3A] {strides = array<i32>} : memref<64xi32, #tpu.memory_space<vmem>>, vector<16xi32>,
          tpu.vector_store %arg15[%swap3A], %and3A_258 {strides = array<i32>} : memref<64xi32, #tpu.memory_space<vmem>>, vector<16xi32>,
          %shift_right_logical3A = arith.constant 16 : i32
          %shift_right_logical3A_262 = vector.broadcast %shift_right_logical3A : i32 to vector<16xi32>
          %shift_right_logical3A_263 = arith.shrui %get3A_256, %shift_right_logical3A_262 : vector<16xi32>
          %mul3A_264 = arith.constant 16 : i32
          %mul3A_265 = arith.muli %scan3A_249, %mul3A_264 : i32
          %swap3A_266 = arith.index_cast %mul3A_265 : i32 to index
          %swap3A_267 = tpu.vector_load %arg19[%swap3A_266] {strides = array<i32>} : memref<64xi32, #tpu.memory_space<vmem>>, vector<16xi32>,
          tpu.vector_store %arg19[%swap3A_266], %shift_right_logical3A_263 {strides = array<i32>} : memref<64xi32, #tpu.memory_space<vmem>>, vector<16xi32>,
          %scan3A_268 = arith.constant 0 : i32
          scf.yield %scan3A_268 : i32
        }
        %scan3A_241 = arith.constant 4 : i32
        %dma_start3A_242 = arith.constant 0 : i32
        %dma_start3A_243 = arith.constant 0 : i32
        %dma_start3A_244 = tpu.memref_slice %arg2[%dma_start3A_242, %dma_start3A_243] : memref<10000x128xf32, #tpu.memory_space<hbm>> -> memref<10000x128xf32, #tpu.memory_space<hbm>>
        tpu.enqueue_indirect_dma source(%dma_start3A_244 : memref<10000x128xf32, #tpu.memory_space<hbm>>) target(%arg11 : memref<64x128xf32, #tpu.memory_space<vmem>>) offsets(%arg15 : memref<64xi32, #tpu.memory_space<vmem>>) semaphore(%arg33 : memref<!tpu.dma_semaphore, #tpu.memory_space<semaphore_mem>>)
        %dma_start3A_245 = arith.constant 0 : i32
        %dma_start3A_246 = tpu.memref_slice %arg4[%dma_start3A_245] : memref<10144xf32, #tpu.memory_space<hbm>> -> memref<10144xf32, #tpu.memory_space<hbm>>
        tpu.enqueue_indirect_dma source(%dma_start3A_246 : memref<10144xf32, #tpu.memory_space<hbm>>) target(%arg23 : memref<64xf32, #tpu.memory_space<vmem>>) offsets(%arg19 : memref<64xi32, #tpu.memory_space<vmem>>) semaphore(%arg33 : memref<!tpu.dma_semaphore, #tpu.memory_space<semaphore_mem>>)
        %dma_start3A_247 = arith.constant 0 : i32
        %dma_start3A_248 = tpu.memref_slice %arg5[%dma_start3A_247] : memref<10144xf32, #tpu.memory_space<hbm>> -> memref<10144xf32, #tpu.memory_space<hbm>>
        tpu.enqueue_indirect_dma source(%dma_start3A_248 : memref<10144xf32, #tpu.memory_space<hbm>>) target(%arg27 : memref<64xf32, #tpu.memory_space<vmem>>) offsets(%arg15 : memref<64xi32, #tpu.memory_space<vmem>>) semaphore(%arg33 : memref<!tpu.dma_semaphore, #tpu.memory_space<semaphore_mem>>)
      } else {
      }
      %dma_wait3A_123 = arith.constant 0 : i32
      %dma_wait3A_124 = arith.constant 0 : i32
      %dma_wait3A_125 = tpu.memref_slice %arg2[%dma_wait3A_123, %dma_wait3A_124] : memref<10000x128xf32, #tpu.memory_space<hbm>> -> memref<64x128xf32, #tpu.memory_space<hbm>>
      %dma_wait3A_126 = arith.constant 0 : i32
      %dma_wait3A_127 = arith.constant 0 : i32
      %dma_wait3A_128 = tpu.memref_slice %arg2[%dma_wait3A_126, %dma_wait3A_127] : memref<10000x128xf32, #tpu.memory_space<hbm>> -> memref<64x128xf32, #tpu.memory_space<hbm>>
      tpu.wait_dma2 semaphore(%arg31 : memref<!tpu.dma_semaphore, #tpu.memory_space<semaphore_mem>>) src(%dma_wait3A_128 : memref<64x128xf32, #tpu.memory_space<hbm>>) dst(%arg9 : memref<64x128xf32, #tpu.memory_space<vmem>>)
      %dma_wait3A_129 = arith.constant 0 : i32
      %dma_wait3A_130 = tpu.memref_slice %arg4[%dma_wait3A_129] : memref<10144xf32, #tpu.memory_space<hbm>> -> memref<64xf32, #tpu.memory_space<hbm>>
      %dma_wait3A_131 = arith.constant 0 : i32
      %dma_wait3A_132 = tpu.memref_slice %arg4[%dma_wait3A_131] : memref<10144xf32, #tpu.memory_space<hbm>> -> memref<64xf32, #tpu.memory_space<hbm>>
      tpu.wait_dma2 semaphore(%arg31 : memref<!tpu.dma_semaphore, #tpu.memory_space<semaphore_mem>>) src(%dma_wait3A_132 : memref<64xf32, #tpu.memory_space<hbm>>) dst(%arg21 : memref<64xf32, #tpu.memory_space<vmem>>)
      %dma_wait3A_133 = arith.constant 0 : i32
      %dma_wait3A_134 = tpu.memref_slice %arg5[%dma_wait3A_133] : memref<10144xf32, #tpu.memory_space<hbm>> -> memref<64xf32, #tpu.memory_space<hbm>>
      %dma_wait3A_135 = arith.constant 0 : i32
      %dma_wait3A_136 = tpu.memref_slice %arg5[%dma_wait3A_135] : memref<10144xf32, #tpu.memory_space<hbm>> -> memref<64xf32, #tpu.memory_space<hbm>>
      tpu.wait_dma2 semaphore(%arg31 : memref<!tpu.dma_semaphore, #tpu.memory_space<semaphore_mem>>) src(%dma_wait3A_136 : memref<64xf32, #tpu.memory_space<hbm>>) dst(%arg25 : memref<64xf32, #tpu.memory_space<vmem>>)
      %scan3A_137 = arith.constant 0 : i32
      %scan3A_138 = arith.constant 0 : i32
      %scan3A_139 = arith.constant 4 : i32
      %scan3A_140 = arith.addi %scan3A_138, %scan3A_139 : i32
      %scan3A_141 = arith.constant 1 : i32
      %scan3A_142 = scf.for %scan3A_233 = %scan3A_138 to %scan3A_140 step %scan3A_141 iter_args(%scan3A_234 = %scan3A_137) -> (i32)  : i32 {
        %mul3A_235 = arith.constant 16 : i32
        %mul3A_236 = arith.muli %scan3A_233, %mul3A_235 : i32
        %get3A = arith.index_cast %mul3A_236 : i32 to index
        %get3A_237 = tpu.vector_load %arg21[%get3A] {strides = array<i32>} : memref<64xf32, #tpu.memory_space<vmem>>, vector<16xf32>,
        %get3A_238 = arith.index_cast %mul3A_236 : i32 to index
        %get3A_239 = tpu.vector_load %arg25[%get3A_238] {strides = array<i32>} : memref<64xf32, #tpu.memory_space<vmem>>, vector<16xf32>,
        %add3A_240 = arith.addf %get3A_237, %get3A_239 : vector<16xf32>
        %neg3A = arith.constant 0.000000e+00 : f32
        %neg3A_241 = vector.broadcast %neg3A : f32 to vector<16xf32>
        %neg3A_242 = arith.subf %neg3A_241, %add3A_240 : vector<16xf32>
        %exp3A = math.exp %neg3A_242 : vector<16xf32>
        %add3A_243 = arith.constant 1.000000e+00 : f32
        %add3A_244 = vector.broadcast %add3A_243 : f32 to vector<16xf32>
        %add3A_245 = arith.addf %add3A_244, %exp3A : vector<16xf32>
        %div3A = arith.constant 1.000000e+00 : f32
        %div3A_246 = vector.broadcast %div3A : f32 to vector<16xf32>
        %div3A_247 = arith.divf %div3A_246, %add3A_245 : vector<16xf32>
        %swap3A = arith.index_cast %mul3A_236 : i32 to index
        %swap3A_248 = tpu.vector_load %arg28[%swap3A] {strides = array<i32>} : memref<64xf32, #tpu.memory_space<vmem>>, vector<16xf32>,
        tpu.vector_store %arg28[%swap3A], %div3A_247 {strides = array<i32>} : memref<64xf32, #tpu.memory_space<vmem>>, vector<16xf32>,
        %scan3A_249 = arith.constant 0 : i32
        scf.yield %scan3A_249 : i32
      }
      %scan3A_143 = arith.constant 4 : i32
      %parallel_loop3A_144 = arith.constant 0 : i32
      %parallel_loop3A_145 = arith.constant 64 : i32
      %parallel_loop3A_146 = arith.constant 1 : i32
      scf.for %parallel_loop3A_233 = %parallel_loop3A_144 to %parallel_loop3A_145 step %parallel_loop3A_146  : i32 {
        %parallel_loop3A_234 = arith.constant 15 : i32
        %parallel_loop3A_235 = arith.constant -1 : i32
        %parallel_loop3A_236 = arith.xori %parallel_loop3A_234, %parallel_loop3A_235 : i32
        %parallel_loop3A_237 = arith.andi %parallel_loop3A_233, %parallel_loop3A_236 : i32
        %parallel_loop3A_238 = arith.constant 15 : i32
        %parallel_loop3A_239 = arith.andi %parallel_loop3A_233, %parallel_loop3A_238 : i32
        %parallel_loop3A_240 = arith.index_cast %parallel_loop3A_237 : i32 to index
        %parallel_loop3A_241 = tpu.vector_load %arg28[%parallel_loop3A_240] {strides = array<i32>} : memref<64xf32, #tpu.memory_space<vmem>>, vector<16xf32>,
        %parallel_loop3A_242 = vector.broadcast %parallel_loop3A_239 : i32 to vector<16xi32>
        %parallel_loop3A_243 = arith.constant 0 : i32
        %parallel_loop3A_244 = vector.broadcast %parallel_loop3A_243 : i32 to vector<16xi32>
        %parallel_loop3A_245 = arith.cmpi slt, %parallel_loop3A_242, %parallel_loop3A_244 : vector<16xi32>
        %parallel_loop3A_246 = arith.constant 16 : i32
        %parallel_loop3A_247 = vector.broadcast %parallel_loop3A_246 : i32 to vector<16xi32>
        %parallel_loop3A_248 = arith.addi %parallel_loop3A_242, %parallel_loop3A_247 : vector<16xi32>
        %parallel_loop3A_249 = arith.select %parallel_loop3A_245, %parallel_loop3A_248, %parallel_loop3A_242 : vector<16xi1>, vector<16xi32>
        %parallel_loop3A_250 = vector.shape_cast %parallel_loop3A_249 : vector<16xi32> to vector<16x1xi32>
        %parallel_loop3A_251 = vector.shape_cast %parallel_loop3A_250 : vector<16x1xi32> to vector<16xi32>
        %parallel_loop3A_252 = tpu.dynamic_gather %parallel_loop3A_241[%parallel_loop3A_251] in [0] : vector<16xf32>, vector<16xi32> -> vector<16xf32>
        %parallel_loop3A_253 = arith.index_cast %parallel_loop3A_233 : i32 to index
        %parallel_loop3A_254 = arith.constant 0 : index
        %parallel_loop3A_255 = tpu.vector_load %arg9[%parallel_loop3A_253, %parallel_loop3A_254] {strides = array<i32>} : memref<64x128xf32, #tpu.memory_space<vmem>>, vector<16xf32>,
        %parallel_loop3A_256 = arith.mulf %parallel_loop3A_255, %parallel_loop3A_252 : vector<16xf32>
        %parallel_loop3A_257 = arith.index_cast %parallel_loop3A_233 : i32 to index
        %parallel_loop3A_258 = arith.constant 0 : index
        %parallel_loop3A_259 = tpu.vector_load %arg9[%parallel_loop3A_257, %parallel_loop3A_258] {strides = array<i32>} : memref<64x128xf32, #tpu.memory_space<vmem>>, vector<16xf32>,
        tpu.vector_store %arg9[%parallel_loop3A_257, %parallel_loop3A_258], %parallel_loop3A_256 {strides = array<i32>} : memref<64x128xf32, #tpu.memory_space<vmem>>, vector<16xf32>,
        %parallel_loop3A_260 = arith.index_cast %parallel_loop3A_233 : i32 to index
        %parallel_loop3A_261 = arith.constant 16 : index
        %parallel_loop3A_262 = tpu.vector_load %arg9[%parallel_loop3A_260, %parallel_loop3A_261] {strides = array<i32>} : memref<64x128xf32, #tpu.memory_space<vmem>>, vector<16xf32>,
        %parallel_loop3A_263 = arith.mulf %parallel_loop3A_262, %parallel_loop3A_252 : vector<16xf32>
        %parallel_loop3A_264 = arith.index_cast %parallel_loop3A_233 : i32 to index
        %parallel_loop3A_265 = arith.constant 16 : index
        %parallel_loop3A_266 = tpu.vector_load %arg9[%parallel_loop3A_264, %parallel_loop3A_265] {strides = array<i32>} : memref<64x128xf32, #tpu.memory_space<vmem>>, vector<16xf32>,
        tpu.vector_store %arg9[%parallel_loop3A_264, %parallel_loop3A_265], %parallel_loop3A_263 {strides = array<i32>} : memref<64x128xf32, #tpu.memory_space<vmem>>, vector<16xf32>,
        %parallel_loop3A_267 = arith.index_cast %parallel_loop3A_233 : i32 to index
        %parallel_loop3A_268 = arith.constant 32 : index
        %parallel_loop3A_269 = tpu.vector_load %arg9[%parallel_loop3A_267, %parallel_loop3A_268] {strides = array<i32>} : memref<64x128xf32, #tpu.memory_space<vmem>>, vector<16xf32>,
        %parallel_loop3A_270 = arith.mulf %parallel_loop3A_269, %parallel_loop3A_252 : vector<16xf32>
        %parallel_loop3A_271 = arith.index_cast %parallel_loop3A_233 : i32 to index
        %parallel_loop3A_272 = arith.constant 32 : index
        %parallel_loop3A_273 = tpu.vector_load %arg9[%parallel_loop3A_271, %parallel_loop3A_272] {strides = array<i32>} : memref<64x128xf32, #tpu.memory_space<vmem>>, vector<16xf32>,
        tpu.vector_store %arg9[%parallel_loop3A_271, %parallel_loop3A_272], %parallel_loop3A_270 {strides = array<i32>} : memref<64x128xf32, #tpu.memory_space<vmem>>, vector<16xf32>,
        %parallel_loop3A_274 = arith.index_cast %parallel_loop3A_233 : i32 to index
        %parallel_loop3A_275 = arith.constant 48 : index
        %parallel_loop3A_276 = tpu.vector_load %arg9[%parallel_loop3A_274, %parallel_loop3A_275] {strides = array<i32>} : memref<64x128xf32, #tpu.memory_space<vmem>>, vector<16xf32>,
        %parallel_loop3A_277 = arith.mulf %parallel_loop3A_276, %parallel_loop3A_252 : vector<16xf32>
        %parallel_loop3A_278 = arith.index_cast %parallel_loop3A_233 : i32 to index
        %parallel_loop3A_279 = arith.constant 48 : index
        %parallel_loop3A_280 = tpu.vector_load %arg9[%parallel_loop3A_278, %parallel_loop3A_279] {strides = array<i32>} : memref<64x128xf32, #tpu.memory_space<vmem>>, vector<16xf32>,
        tpu.vector_store %arg9[%parallel_loop3A_278, %parallel_loop3A_279], %parallel_loop3A_277 {strides = array<i32>} : memref<64x128xf32, #tpu.memory_space<vmem>>, vector<16xf32>,
        %parallel_loop3A_281 = arith.index_cast %parallel_loop3A_233 : i32 to index
        %parallel_loop3A_282 = arith.constant 64 : index
        %parallel_loop3A_283 = tpu.vector_load %arg9[%parallel_loop3A_281, %parallel_loop3A_282] {strides = array<i32>} : memref<64x128xf32, #tpu.memory_space<vmem>>, vector<16xf32>,
        %parallel_loop3A_284 = arith.mulf %parallel_loop3A_283, %parallel_loop3A_252 : vector<16xf32>
        %parallel_loop3A_285 = arith.index_cast %parallel_loop3A_233 : i32 to index
        %parallel_loop3A_286 = arith.constant 64 : index
        %parallel_loop3A_287 = tpu.vector_load %arg9[%parallel_loop3A_285, %parallel_loop3A_286] {strides = array<i32>} : memref<64x128xf32, #tpu.memory_space<vmem>>, vector<16xf32>,
        tpu.vector_store %arg9[%parallel_loop3A_285, %parallel_loop3A_286], %parallel_loop3A_284 {strides = array<i32>} : memref<64x128xf32, #tpu.memory_space<vmem>>, vector<16xf32>,
        %parallel_loop3A_288 = arith.index_cast %parallel_loop3A_233 : i32 to index
        %parallel_loop3A_289 = arith.constant 80 : index
        %parallel_loop3A_290 = tpu.vector_load %arg9[%parallel_loop3A_288, %parallel_loop3A_289] {strides = array<i32>} : memref<64x128xf32, #tpu.memory_space<vmem>>, vector<16xf32>,
        %parallel_loop3A_291 = arith.mulf %parallel_loop3A_290, %parallel_loop3A_252 : vector<16xf32>
        %parallel_loop3A_292 = arith.index_cast %parallel_loop3A_233 : i32 to index
        %parallel_loop3A_293 = arith.constant 80 : index
        %parallel_loop3A_294 = tpu.vector_load %arg9[%parallel_loop3A_292, %parallel_loop3A_293] {strides = array<i32>} : memref<64x128xf32, #tpu.memory_space<vmem>>, vector<16xf32>,
        tpu.vector_store %arg9[%parallel_loop3A_292, %parallel_loop3A_293], %parallel_loop3A_291 {strides = array<i32>} : memref<64x128xf32, #tpu.memory_space<vmem>>, vector<16xf32>,
        %parallel_loop3A_295 = arith.index_cast %parallel_loop3A_233 : i32 to index
        %parallel_loop3A_296 = arith.constant 96 : index
        %parallel_loop3A_297 = tpu.vector_load %arg9[%parallel_loop3A_295, %parallel_loop3A_296] {strides = array<i32>} : memref<64x128xf32, #tpu.memory_space<vmem>>, vector<16xf32>,
        %parallel_loop3A_298 = arith.mulf %parallel_loop3A_297, %parallel_loop3A_252 : vector<16xf32>
        %parallel_loop3A_299 = arith.index_cast %parallel_loop3A_233 : i32 to index
        %parallel_loop3A_300 = arith.constant 96 : index
        %parallel_loop3A_301 = tpu.vector_load %arg9[%parallel_loop3A_299, %parallel_loop3A_300] {strides = array<i32>} : memref<64x128xf32, #tpu.memory_space<vmem>>, vector<16xf32>,
        tpu.vector_store %arg9[%parallel_loop3A_299, %parallel_loop3A_300], %parallel_loop3A_298 {strides = array<i32>} : memref<64x128xf32, #tpu.memory_space<vmem>>, vector<16xf32>,
        %parallel_loop3A_302 = arith.index_cast %parallel_loop3A_233 : i32 to index
        %parallel_loop3A_303 = arith.constant 112 : index
        %parallel_loop3A_304 = tpu.vector_load %arg9[%parallel_loop3A_302, %parallel_loop3A_303] {strides = array<i32>} : memref<64x128xf32, #tpu.memory_space<vmem>>, vector<16xf32>,
        %parallel_loop3A_305 = arith.mulf %parallel_loop3A_304, %parallel_loop3A_252 : vector<16xf32>
        %parallel_loop3A_306 = arith.index_cast %parallel_loop3A_233 : i32 to index
        %parallel_loop3A_307 = arith.constant 112 : index
        %parallel_loop3A_308 = tpu.vector_load %arg9[%parallel_loop3A_306, %parallel_loop3A_307] {strides = array<i32>} : memref<64x128xf32, #tpu.memory_space<vmem>>, vector<16xf32>,
        tpu.vector_store %arg9[%parallel_loop3A_306, %parallel_loop3A_307], %parallel_loop3A_305 {strides = array<i32>} : memref<64x128xf32, #tpu.memory_space<vmem>>, vector<16xf32>,
      } {sc.loop_unroll_factor = 4 : i64, sc.parallel_access}
      %dma_start3A_147 = arith.constant 0 : i32
      %dma_start3A_148 = arith.constant 0 : i32
      %dma_start3A_149 = tpu.memref_slice %arg29[%dma_start3A_147, %dma_start3A_148] : memref<10144x128xf32, #tpu.memory_space<vmem_shared>> -> memref<10144x128xf32, #tpu.memory_space<vmem_shared>>
      tpu.enqueue_indirect_dma source(%arg9 : memref<64x128xf32, #tpu.memory_space<vmem>>) target(%dma_start3A_149 : memref<10144x128xf32, #tpu.memory_space<vmem_shared>>) offsets(%arg17 : memref<64xi32, #tpu.memory_space<vmem>>) semaphore(%arg35 : memref<!tpu.dma_semaphore, #tpu.memory_space<semaphore_mem>>) {add = true}
      %mul3A_150 = arith.constant 4 : i32
      %mul3A_151 = arith.muli %scan3A_67, %mul3A_150 : i32
      %add3A_152 = arith.constant 2 : i32
      %add3A_153 = arith.addi %mul3A_151, %add3A_152 : i32
      %dma_wait3A_154 = arith.constant 0 : i32
      %dma_wait3A_155 = arith.constant 0 : i32
      %dma_wait3A_156 = tpu.memref_slice %arg29[%dma_wait3A_154, %dma_wait3A_155] : memref<10144x128xf32, #tpu.memory_space<vmem_shared>> -> memref<10144x128xf32, #tpu.memory_space<vmem_shared>>
      tpu.wait_indirect_dma semaphore(%arg34 : memref<!tpu.dma_semaphore, #tpu.memory_space<semaphore_mem>>) src(%arg8 : memref<64x128xf32, #tpu.memory_space<vmem>>) dst(%dma_wait3A_156 : memref<10144x128xf32, #tpu.memory_space<vmem_shared>>)
      %add3A_157 = arith.constant 2 : i32
      %add3A_158 = arith.addi %add3A_153, %add3A_157 : i32
      %lt3A_159 = arith.constant 160 : i32
      %lt3A_160 = arith.cmpi slt, %add3A_158, %lt3A_159 : i32
      %convert_element_type3A_161 = arith.extui %lt3A_160 : i1 to i32
      %cond3A_162 = arith.constant 0 : i32
      %cond3A_163 = arith.cmpi ne, %convert_element_type3A_161, %cond3A_162 : i32
      scf.if %cond3A_163 {
        %add3A_233 = arith.constant 2 : i32
        %add3A_234 = arith.addi %add3A_153, %add3A_233 : i32
        %scan3A_235 = arith.constant 0 : i32
        %scan3A_236 = arith.constant 0 : i32
        %scan3A_237 = arith.constant 4 : i32
        %scan3A_238 = arith.addi %scan3A_236, %scan3A_237 : i32
        %scan3A_239 = arith.constant 1 : i32
        %scan3A_240 = scf.for %scan3A_249 = %scan3A_236 to %scan3A_238 step %scan3A_239 iter_args(%scan3A_250 = %scan3A_235) -> (i32)  : i32 {
          %mul3A_251 = arith.constant 64 : i32
          %mul3A_252 = arith.muli %add3A_234, %mul3A_251 : i32
          %mul3A_253 = arith.constant 16 : i32
          %mul3A_254 = arith.muli %scan3A_249, %mul3A_253 : i32
          %add3A_255 = arith.addi %mul3A_252, %mul3A_254 : i32
          %get3A = arith.index_cast %add3A_255 : i32 to index
          %get3A_256 = tpu.vector_load %arg7[%get3A] {strides = array<i32>} : memref<10240xi32, #tpu.memory_space<vmem>>, vector<16xi32>,
          %and3A = arith.constant 65535 : i32
          %and3A_257 = vector.broadcast %and3A : i32 to vector<16xi32>
          %and3A_258 = arith.andi %get3A_256, %and3A_257 : vector<16xi32>
          %mul3A_259 = arith.constant 16 : i32
          %mul3A_260 = arith.muli %scan3A_249, %mul3A_259 : i32
          %swap3A = arith.index_cast %mul3A_260 : i32 to index
          %swap3A_261 = tpu.vector_load %arg12[%swap3A] {strides = array<i32>} : memref<64xi32, #tpu.memory_space<vmem>>, vector<16xi32>,
          tpu.vector_store %arg12[%swap3A], %and3A_258 {strides = array<i32>} : memref<64xi32, #tpu.memory_space<vmem>>, vector<16xi32>,
          %shift_right_logical3A = arith.constant 16 : i32
          %shift_right_logical3A_262 = vector.broadcast %shift_right_logical3A : i32 to vector<16xi32>
          %shift_right_logical3A_263 = arith.shrui %get3A_256, %shift_right_logical3A_262 : vector<16xi32>
          %mul3A_264 = arith.constant 16 : i32
          %mul3A_265 = arith.muli %scan3A_249, %mul3A_264 : i32
          %swap3A_266 = arith.index_cast %mul3A_265 : i32 to index
          %swap3A_267 = tpu.vector_load %arg16[%swap3A_266] {strides = array<i32>} : memref<64xi32, #tpu.memory_space<vmem>>, vector<16xi32>,
          tpu.vector_store %arg16[%swap3A_266], %shift_right_logical3A_263 {strides = array<i32>} : memref<64xi32, #tpu.memory_space<vmem>>, vector<16xi32>,
          %scan3A_268 = arith.constant 0 : i32
          scf.yield %scan3A_268 : i32
        }
        %scan3A_241 = arith.constant 4 : i32
        %dma_start3A_242 = arith.constant 0 : i32
        %dma_start3A_243 = arith.constant 0 : i32
        %dma_start3A_244 = tpu.memref_slice %arg2[%dma_start3A_242, %dma_start3A_243] : memref<10000x128xf32, #tpu.memory_space<hbm>> -> memref<10000x128xf32, #tpu.memory_space<hbm>>
        tpu.enqueue_indirect_dma source(%dma_start3A_244 : memref<10000x128xf32, #tpu.memory_space<hbm>>) target(%arg8 : memref<64x128xf32, #tpu.memory_space<vmem>>) offsets(%arg12 : memref<64xi32, #tpu.memory_space<vmem>>) semaphore(%arg30 : memref<!tpu.dma_semaphore, #tpu.memory_space<semaphore_mem>>)
        %dma_start3A_245 = arith.constant 0 : i32
        %dma_start3A_246 = tpu.memref_slice %arg4[%dma_start3A_245] : memref<10144xf32, #tpu.memory_space<hbm>> -> memref<10144xf32, #tpu.memory_space<hbm>>
        tpu.enqueue_indirect_dma source(%dma_start3A_246 : memref<10144xf32, #tpu.memory_space<hbm>>) target(%arg20 : memref<64xf32, #tpu.memory_space<vmem>>) offsets(%arg16 : memref<64xi32, #tpu.memory_space<vmem>>) semaphore(%arg30 : memref<!tpu.dma_semaphore, #tpu.memory_space<semaphore_mem>>)
        %dma_start3A_247 = arith.constant 0 : i32
        %dma_start3A_248 = tpu.memref_slice %arg5[%dma_start3A_247] : memref<10144xf32, #tpu.memory_space<hbm>> -> memref<10144xf32, #tpu.memory_space<hbm>>
        tpu.enqueue_indirect_dma source(%dma_start3A_248 : memref<10144xf32, #tpu.memory_space<hbm>>) target(%arg24 : memref<64xf32, #tpu.memory_space<vmem>>) offsets(%arg12 : memref<64xi32, #tpu.memory_space<vmem>>) semaphore(%arg30 : memref<!tpu.dma_semaphore, #tpu.memory_space<semaphore_mem>>)
      } else {
      }
      %dma_wait3A_164 = arith.constant 0 : i32
      %dma_wait3A_165 = arith.constant 0 : i32
      %dma_wait3A_166 = tpu.memref_slice %arg2[%dma_wait3A_164, %dma_wait3A_165] : memref<10000x128xf32, #tpu.memory_space<hbm>> -> memref<64x128xf32, #tpu.memory_space<hbm>>
      %dma_wait3A_167 = arith.constant 0 : i32
      %dma_wait3A_168 = arith.constant 0 : i32
      %dma_wait3A_169 = tpu.memref_slice %arg2[%dma_wait3A_167, %dma_wait3A_168] : memref<10000x128xf32, #tpu.memory_space<hbm>> -> memref<64x128xf32, #tpu.memory_space<hbm>>
      tpu.wait_dma2 semaphore(%arg32 : memref<!tpu.dma_semaphore, #tpu.memory_space<semaphore_mem>>) src(%dma_wait3A_169 : memref<64x128xf32, #tpu.memory_space<hbm>>) dst(%arg10 : memref<64x128xf32, #tpu.memory_space<vmem>>)
      %dma_wait3A_170 = arith.constant 0 : i32
      %dma_wait3A_171 = tpu.memref_slice %arg4[%dma_wait3A_170] : memref<10144xf32, #tpu.memory_space<hbm>> -> memref<64xf32, #tpu.memory_space<hbm>>
      %dma_wait3A_172 = arith.constant 0 : i32
      %dma_wait3A_173 = tpu.memref_slice %arg4[%dma_wait3A_172] : memref<10144xf32, #tpu.memory_space<hbm>> -> memref<64xf32, #tpu.memory_space<hbm>>
      tpu.wait_dma2 semaphore(%arg32 : memref<!tpu.dma_semaphore, #tpu.memory_space<semaphore_mem>>) src(%dma_wait3A_173 : memref<64xf32, #tpu.memory_space<hbm>>) dst(%arg22 : memref<64xf32, #tpu.memory_space<vmem>>)
      %dma_wait3A_174 = arith.constant 0 : i32
      %dma_wait3A_175 = tpu.memref_slice %arg5[%dma_wait3A_174] : memref<10144xf32, #tpu.memory_space<hbm>> -> memref<64xf32, #tpu.memory_space<hbm>>
      %dma_wait3A_176 = arith.constant 0 : i32
      %dma_wait3A_177 = tpu.memref_slice %arg5[%dma_wait3A_176] : memref<10144xf32, #tpu.memory_space<hbm>> -> memref<64xf32, #tpu.memory_space<hbm>>
      tpu.wait_dma2 semaphore(%arg32 : memref<!tpu.dma_semaphore, #tpu.memory_space<semaphore_mem>>) src(%dma_wait3A_177 : memref<64xf32, #tpu.memory_space<hbm>>) dst(%arg26 : memref<64xf32, #tpu.memory_space<vmem>>)
      %scan3A_178 = arith.constant 0 : i32
      %scan3A_179 = arith.constant 0 : i32
      %scan3A_180 = arith.constant 4 : i32
      %scan3A_181 = arith.addi %scan3A_179, %scan3A_180 : i32
      %scan3A_182 = arith.constant 1 : i32
      %scan3A_183 = scf.for %scan3A_233 = %scan3A_179 to %scan3A_181 step %scan3A_182 iter_args(%scan3A_234 = %scan3A_178) -> (i32)  : i32 {
        %mul3A_235 = arith.constant 16 : i32
        %mul3A_236 = arith.muli %scan3A_233, %mul3A_235 : i32
        %get3A = arith.index_cast %mul3A_236 : i32 to index
        %get3A_237 = tpu.vector_load %arg22[%get3A] {strides = array<i32>} : memref<64xf32, #tpu.memory_space<vmem>>, vector<16xf32>,
        %get3A_238 = arith.index_cast %mul3A_236 : i32 to index
        %get3A_239 = tpu.vector_load %arg26[%get3A_238] {strides = array<i32>} : memref<64xf32, #tpu.memory_space<vmem>>, vector<16xf32>,
        %add3A_240 = arith.addf %get3A_237, %get3A_239 : vector<16xf32>
        %neg3A = arith.constant 0.000000e+00 : f32
        %neg3A_241 = vector.broadcast %neg3A : f32 to vector<16xf32>
        %neg3A_242 = arith.subf %neg3A_241, %add3A_240 : vector<16xf32>
        %exp3A = math.exp %neg3A_242 : vector<16xf32>
        %add3A_243 = arith.constant 1.000000e+00 : f32
        %add3A_244 = vector.broadcast %add3A_243 : f32 to vector<16xf32>
        %add3A_245 = arith.addf %add3A_244, %exp3A : vector<16xf32>
        %div3A = arith.constant 1.000000e+00 : f32
        %div3A_246 = vector.broadcast %div3A : f32 to vector<16xf32>
        %div3A_247 = arith.divf %div3A_246, %add3A_245 : vector<16xf32>
        %swap3A = arith.index_cast %mul3A_236 : i32 to index
        %swap3A_248 = tpu.vector_load %arg28[%swap3A] {strides = array<i32>} : memref<64xf32, #tpu.memory_space<vmem>>, vector<16xf32>,
        tpu.vector_store %arg28[%swap3A], %div3A_247 {strides = array<i32>} : memref<64xf32, #tpu.memory_space<vmem>>, vector<16xf32>,
        %scan3A_249 = arith.constant 0 : i32
        scf.yield %scan3A_249 : i32
      }
      %scan3A_184 = arith.constant 4 : i32
      %parallel_loop3A_185 = arith.constant 0 : i32
      %parallel_loop3A_186 = arith.constant 64 : i32
      %parallel_loop3A_187 = arith.constant 1 : i32
      scf.for %parallel_loop3A_233 = %parallel_loop3A_185 to %parallel_loop3A_186 step %parallel_loop3A_187  : i32 {
        %parallel_loop3A_234 = arith.constant 15 : i32
        %parallel_loop3A_235 = arith.constant -1 : i32
        %parallel_loop3A_236 = arith.xori %parallel_loop3A_234, %parallel_loop3A_235 : i32
        %parallel_loop3A_237 = arith.andi %parallel_loop3A_233, %parallel_loop3A_236 : i32
        %parallel_loop3A_238 = arith.constant 15 : i32
        %parallel_loop3A_239 = arith.andi %parallel_loop3A_233, %parallel_loop3A_238 : i32
        %parallel_loop3A_240 = arith.index_cast %parallel_loop3A_237 : i32 to index
        %parallel_loop3A_241 = tpu.vector_load %arg28[%parallel_loop3A_240] {strides = array<i32>} : memref<64xf32, #tpu.memory_space<vmem>>, vector<16xf32>,
        %parallel_loop3A_242 = vector.broadcast %parallel_loop3A_239 : i32 to vector<16xi32>
        %parallel_loop3A_243 = arith.constant 0 : i32
        %parallel_loop3A_244 = vector.broadcast %parallel_loop3A_243 : i32 to vector<16xi32>
        %parallel_loop3A_245 = arith.cmpi slt, %parallel_loop3A_242, %parallel_loop3A_244 : vector<16xi32>
        %parallel_loop3A_246 = arith.constant 16 : i32
        %parallel_loop3A_247 = vector.broadcast %parallel_loop3A_246 : i32 to vector<16xi32>
        %parallel_loop3A_248 = arith.addi %parallel_loop3A_242, %parallel_loop3A_247 : vector<16xi32>
        %parallel_loop3A_249 = arith.select %parallel_loop3A_245, %parallel_loop3A_248, %parallel_loop3A_242 : vector<16xi1>, vector<16xi32>
        %parallel_loop3A_250 = vector.shape_cast %parallel_loop3A_249 : vector<16xi32> to vector<16x1xi32>
        %parallel_loop3A_251 = vector.shape_cast %parallel_loop3A_250 : vector<16x1xi32> to vector<16xi32>
        %parallel_loop3A_252 = tpu.dynamic_gather %parallel_loop3A_241[%parallel_loop3A_251] in [0] : vector<16xf32>, vector<16xi32> -> vector<16xf32>
        %parallel_loop3A_253 = arith.index_cast %parallel_loop3A_233 : i32 to index
        %parallel_loop3A_254 = arith.constant 0 : index
        %parallel_loop3A_255 = tpu.vector_load %arg10[%parallel_loop3A_253, %parallel_loop3A_254] {strides = array<i32>} : memref<64x128xf32, #tpu.memory_space<vmem>>, vector<16xf32>,
        %parallel_loop3A_256 = arith.mulf %parallel_loop3A_255, %parallel_loop3A_252 : vector<16xf32>
        %parallel_loop3A_257 = arith.index_cast %parallel_loop3A_233 : i32 to index
        %parallel_loop3A_258 = arith.constant 0 : index
        %parallel_loop3A_259 = tpu.vector_load %arg10[%parallel_loop3A_257, %parallel_loop3A_258] {strides = array<i32>} : memref<64x128xf32, #tpu.memory_space<vmem>>, vector<16xf32>,
        tpu.vector_store %arg10[%parallel_loop3A_257, %parallel_loop3A_258], %parallel_loop3A_256 {strides = array<i32>} : memref<64x128xf32, #tpu.memory_space<vmem>>, vector<16xf32>,
        %parallel_loop3A_260 = arith.index_cast %parallel_loop3A_233 : i32 to index
        %parallel_loop3A_261 = arith.constant 16 : index
        %parallel_loop3A_262 = tpu.vector_load %arg10[%parallel_loop3A_260, %parallel_loop3A_261] {strides = array<i32>} : memref<64x128xf32, #tpu.memory_space<vmem>>, vector<16xf32>,
        %parallel_loop3A_263 = arith.mulf %parallel_loop3A_262, %parallel_loop3A_252 : vector<16xf32>
        %parallel_loop3A_264 = arith.index_cast %parallel_loop3A_233 : i32 to index
        %parallel_loop3A_265 = arith.constant 16 : index
        %parallel_loop3A_266 = tpu.vector_load %arg10[%parallel_loop3A_264, %parallel_loop3A_265] {strides = array<i32>} : memref<64x128xf32, #tpu.memory_space<vmem>>, vector<16xf32>,
        tpu.vector_store %arg10[%parallel_loop3A_264, %parallel_loop3A_265], %parallel_loop3A_263 {strides = array<i32>} : memref<64x128xf32, #tpu.memory_space<vmem>>, vector<16xf32>,
        %parallel_loop3A_267 = arith.index_cast %parallel_loop3A_233 : i32 to index
        %parallel_loop3A_268 = arith.constant 32 : index
        %parallel_loop3A_269 = tpu.vector_load %arg10[%parallel_loop3A_267, %parallel_loop3A_268] {strides = array<i32>} : memref<64x128xf32, #tpu.memory_space<vmem>>, vector<16xf32>,
        %parallel_loop3A_270 = arith.mulf %parallel_loop3A_269, %parallel_loop3A_252 : vector<16xf32>
        %parallel_loop3A_271 = arith.index_cast %parallel_loop3A_233 : i32 to index
        %parallel_loop3A_272 = arith.constant 32 : index
        %parallel_loop3A_273 = tpu.vector_load %arg10[%parallel_loop3A_271, %parallel_loop3A_272] {strides = array<i32>} : memref<64x128xf32, #tpu.memory_space<vmem>>, vector<16xf32>,
        tpu.vector_store %arg10[%parallel_loop3A_271, %parallel_loop3A_272], %parallel_loop3A_270 {strides = array<i32>} : memref<64x128xf32, #tpu.memory_space<vmem>>, vector<16xf32>,
        %parallel_loop3A_274 = arith.index_cast %parallel_loop3A_233 : i32 to index
        %parallel_loop3A_275 = arith.constant 48 : index
        %parallel_loop3A_276 = tpu.vector_load %arg10[%parallel_loop3A_274, %parallel_loop3A_275] {strides = array<i32>} : memref<64x128xf32, #tpu.memory_space<vmem>>, vector<16xf32>,
        %parallel_loop3A_277 = arith.mulf %parallel_loop3A_276, %parallel_loop3A_252 : vector<16xf32>
        %parallel_loop3A_278 = arith.index_cast %parallel_loop3A_233 : i32 to index
        %parallel_loop3A_279 = arith.constant 48 : index
        %parallel_loop3A_280 = tpu.vector_load %arg10[%parallel_loop3A_278, %parallel_loop3A_279] {strides = array<i32>} : memref<64x128xf32, #tpu.memory_space<vmem>>, vector<16xf32>,
        tpu.vector_store %arg10[%parallel_loop3A_278, %parallel_loop3A_279], %parallel_loop3A_277 {strides = array<i32>} : memref<64x128xf32, #tpu.memory_space<vmem>>, vector<16xf32>,
        %parallel_loop3A_281 = arith.index_cast %parallel_loop3A_233 : i32 to index
        %parallel_loop3A_282 = arith.constant 64 : index
        %parallel_loop3A_283 = tpu.vector_load %arg10[%parallel_loop3A_281, %parallel_loop3A_282] {strides = array<i32>} : memref<64x128xf32, #tpu.memory_space<vmem>>, vector<16xf32>,
        %parallel_loop3A_284 = arith.mulf %parallel_loop3A_283, %parallel_loop3A_252 : vector<16xf32>
        %parallel_loop3A_285 = arith.index_cast %parallel_loop3A_233 : i32 to index
        %parallel_loop3A_286 = arith.constant 64 : index
        %parallel_loop3A_287 = tpu.vector_load %arg10[%parallel_loop3A_285, %parallel_loop3A_286] {strides = array<i32>} : memref<64x128xf32, #tpu.memory_space<vmem>>, vector<16xf32>,
        tpu.vector_store %arg10[%parallel_loop3A_285, %parallel_loop3A_286], %parallel_loop3A_284 {strides = array<i32>} : memref<64x128xf32, #tpu.memory_space<vmem>>, vector<16xf32>,
        %parallel_loop3A_288 = arith.index_cast %parallel_loop3A_233 : i32 to index
        %parallel_loop3A_289 = arith.constant 80 : index
        %parallel_loop3A_290 = tpu.vector_load %arg10[%parallel_loop3A_288, %parallel_loop3A_289] {strides = array<i32>} : memref<64x128xf32, #tpu.memory_space<vmem>>, vector<16xf32>,
        %parallel_loop3A_291 = arith.mulf %parallel_loop3A_290, %parallel_loop3A_252 : vector<16xf32>
        %parallel_loop3A_292 = arith.index_cast %parallel_loop3A_233 : i32 to index
        %parallel_loop3A_293 = arith.constant 80 : index
        %parallel_loop3A_294 = tpu.vector_load %arg10[%parallel_loop3A_292, %parallel_loop3A_293] {strides = array<i32>} : memref<64x128xf32, #tpu.memory_space<vmem>>, vector<16xf32>,
        tpu.vector_store %arg10[%parallel_loop3A_292, %parallel_loop3A_293], %parallel_loop3A_291 {strides = array<i32>} : memref<64x128xf32, #tpu.memory_space<vmem>>, vector<16xf32>,
        %parallel_loop3A_295 = arith.index_cast %parallel_loop3A_233 : i32 to index
        %parallel_loop3A_296 = arith.constant 96 : index
        %parallel_loop3A_297 = tpu.vector_load %arg10[%parallel_loop3A_295, %parallel_loop3A_296] {strides = array<i32>} : memref<64x128xf32, #tpu.memory_space<vmem>>, vector<16xf32>,
        %parallel_loop3A_298 = arith.mulf %parallel_loop3A_297, %parallel_loop3A_252 : vector<16xf32>
        %parallel_loop3A_299 = arith.index_cast %parallel_loop3A_233 : i32 to index
        %parallel_loop3A_300 = arith.constant 96 : index
        %parallel_loop3A_301 = tpu.vector_load %arg10[%parallel_loop3A_299, %parallel_loop3A_300] {strides = array<i32>} : memref<64x128xf32, #tpu.memory_space<vmem>>, vector<16xf32>,
        tpu.vector_store %arg10[%parallel_loop3A_299, %parallel_loop3A_300], %parallel_loop3A_298 {strides = array<i32>} : memref<64x128xf32, #tpu.memory_space<vmem>>, vector<16xf32>,
        %parallel_loop3A_302 = arith.index_cast %parallel_loop3A_233 : i32 to index
        %parallel_loop3A_303 = arith.constant 112 : index
        %parallel_loop3A_304 = tpu.vector_load %arg10[%parallel_loop3A_302, %parallel_loop3A_303] {strides = array<i32>} : memref<64x128xf32, #tpu.memory_space<vmem>>, vector<16xf32>,
        %parallel_loop3A_305 = arith.mulf %parallel_loop3A_304, %parallel_loop3A_252 : vector<16xf32>
        %parallel_loop3A_306 = arith.index_cast %parallel_loop3A_233 : i32 to index
        %parallel_loop3A_307 = arith.constant 112 : index
        %parallel_loop3A_308 = tpu.vector_load %arg10[%parallel_loop3A_306, %parallel_loop3A_307] {strides = array<i32>} : memref<64x128xf32, #tpu.memory_space<vmem>>, vector<16xf32>,
        tpu.vector_store %arg10[%parallel_loop3A_306, %parallel_loop3A_307], %parallel_loop3A_305 {strides = array<i32>} : memref<64x128xf32, #tpu.memory_space<vmem>>, vector<16xf32>,
      } {sc.loop_unroll_factor = 4 : i64, sc.parallel_access}
      %dma_start3A_188 = arith.constant 0 : i32
      %dma_start3A_189 = arith.constant 0 : i32
      %dma_start3A_190 = tpu.memref_slice %arg29[%dma_start3A_188, %dma_start3A_189] : memref<10144x128xf32, #tpu.memory_space<vmem_shared>> -> memref<10144x128xf32, #tpu.memory_space<vmem_shared>>
      tpu.enqueue_indirect_dma source(%arg10 : memref<64x128xf32, #tpu.memory_space<vmem>>) target(%dma_start3A_190 : memref<10144x128xf32, #tpu.memory_space<vmem_shared>>) offsets(%arg18 : memref<64xi32, #tpu.memory_space<vmem>>) semaphore(%arg36 : memref<!tpu.dma_semaphore, #tpu.memory_space<semaphore_mem>>) {add = true}
      %mul3A_191 = arith.constant 4 : i32
      %mul3A_192 = arith.muli %scan3A_67, %mul3A_191 : i32
      %add3A_193 = arith.constant 3 : i32
      %add3A_194 = arith.addi %mul3A_192, %add3A_193 : i32
      %dma_wait3A_195 = arith.constant 0 : i32
      %dma_wait3A_196 = arith.constant 0 : i32
      %dma_wait3A_197 = tpu.memref_slice %arg29[%dma_wait3A_195, %dma_wait3A_196] : memref<10144x128xf32, #tpu.memory_space<vmem_shared>> -> memref<10144x128xf32, #tpu.memory_space<vmem_shared>>
      tpu.wait_indirect_dma semaphore(%arg35 : memref<!tpu.dma_semaphore, #tpu.memory_space<semaphore_mem>>) src(%arg9 : memref<64x128xf32, #tpu.memory_space<vmem>>) dst(%dma_wait3A_197 : memref<10144x128xf32, #tpu.memory_space<vmem_shared>>)
      %add3A_198 = arith.constant 2 : i32
      %add3A_199 = arith.addi %add3A_194, %add3A_198 : i32
      %lt3A_200 = arith.constant 160 : i32
      %lt3A_201 = arith.cmpi slt, %add3A_199, %lt3A_200 : i32
      %convert_element_type3A_202 = arith.extui %lt3A_201 : i1 to i32
      %cond3A_203 = arith.constant 0 : i32
      %cond3A_204 = arith.cmpi ne, %convert_element_type3A_202, %cond3A_203 : i32
      scf.if %cond3A_204 {
        %add3A_233 = arith.constant 2 : i32
        %add3A_234 = arith.addi %add3A_194, %add3A_233 : i32
        %scan3A_235 = arith.constant 0 : i32
        %scan3A_236 = arith.constant 0 : i32
        %scan3A_237 = arith.constant 4 : i32
        %scan3A_238 = arith.addi %scan3A_236, %scan3A_237 : i32
        %scan3A_239 = arith.constant 1 : i32
        %scan3A_240 = scf.for %scan3A_249 = %scan3A_236 to %scan3A_238 step %scan3A_239 iter_args(%scan3A_250 = %scan3A_235) -> (i32)  : i32 {
          %mul3A_251 = arith.constant 64 : i32
          %mul3A_252 = arith.muli %add3A_234, %mul3A_251 : i32
          %mul3A_253 = arith.constant 16 : i32
          %mul3A_254 = arith.muli %scan3A_249, %mul3A_253 : i32
          %add3A_255 = arith.addi %mul3A_252, %mul3A_254 : i32
          %get3A = arith.index_cast %add3A_255 : i32 to index
          %get3A_256 = tpu.vector_load %arg7[%get3A] {strides = array<i32>} : memref<10240xi32, #tpu.memory_space<vmem>>, vector<16xi32>,
          %and3A = arith.constant 65535 : i32
          %and3A_257 = vector.broadcast %and3A : i32 to vector<16xi32>
          %and3A_258 = arith.andi %get3A_256, %and3A_257 : vector<16xi32>
          %mul3A_259 = arith.constant 16 : i32
          %mul3A_260 = arith.muli %scan3A_249, %mul3A_259 : i32
          %swap3A = arith.index_cast %mul3A_260 : i32 to index
          %swap3A_261 = tpu.vector_load %arg13[%swap3A] {strides = array<i32>} : memref<64xi32, #tpu.memory_space<vmem>>, vector<16xi32>,
          tpu.vector_store %arg13[%swap3A], %and3A_258 {strides = array<i32>} : memref<64xi32, #tpu.memory_space<vmem>>, vector<16xi32>,
          %shift_right_logical3A = arith.constant 16 : i32
          %shift_right_logical3A_262 = vector.broadcast %shift_right_logical3A : i32 to vector<16xi32>
          %shift_right_logical3A_263 = arith.shrui %get3A_256, %shift_right_logical3A_262 : vector<16xi32>
          %mul3A_264 = arith.constant 16 : i32
          %mul3A_265 = arith.muli %scan3A_249, %mul3A_264 : i32
          %swap3A_266 = arith.index_cast %mul3A_265 : i32 to index
          %swap3A_267 = tpu.vector_load %arg17[%swap3A_266] {strides = array<i32>} : memref<64xi32, #tpu.memory_space<vmem>>, vector<16xi32>,
          tpu.vector_store %arg17[%swap3A_266], %shift_right_logical3A_263 {strides = array<i32>} : memref<64xi32, #tpu.memory_space<vmem>>, vector<16xi32>,
          %scan3A_268 = arith.constant 0 : i32
          scf.yield %scan3A_268 : i32
        }
        %scan3A_241 = arith.constant 4 : i32
        %dma_start3A_242 = arith.constant 0 : i32
        %dma_start3A_243 = arith.constant 0 : i32
        %dma_start3A_244 = tpu.memref_slice %arg2[%dma_start3A_242, %dma_start3A_243] : memref<10000x128xf32, #tpu.memory_space<hbm>> -> memref<10000x128xf32, #tpu.memory_space<hbm>>
        tpu.enqueue_indirect_dma source(%dma_start3A_244 : memref<10000x128xf32, #tpu.memory_space<hbm>>) target(%arg9 : memref<64x128xf32, #tpu.memory_space<vmem>>) offsets(%arg13 : memref<64xi32, #tpu.memory_space<vmem>>) semaphore(%arg31 : memref<!tpu.dma_semaphore, #tpu.memory_space<semaphore_mem>>)
        %dma_start3A_245 = arith.constant 0 : i32
        %dma_start3A_246 = tpu.memref_slice %arg4[%dma_start3A_245] : memref<10144xf32, #tpu.memory_space<hbm>> -> memref<10144xf32, #tpu.memory_space<hbm>>
        tpu.enqueue_indirect_dma source(%dma_start3A_246 : memref<10144xf32, #tpu.memory_space<hbm>>) target(%arg21 : memref<64xf32, #tpu.memory_space<vmem>>) offsets(%arg17 : memref<64xi32, #tpu.memory_space<vmem>>) semaphore(%arg31 : memref<!tpu.dma_semaphore, #tpu.memory_space<semaphore_mem>>)
        %dma_start3A_247 = arith.constant 0 : i32
        %dma_start3A_248 = tpu.memref_slice %arg5[%dma_start3A_247] : memref<10144xf32, #tpu.memory_space<hbm>> -> memref<10144xf32, #tpu.memory_space<hbm>>
        tpu.enqueue_indirect_dma source(%dma_start3A_248 : memref<10144xf32, #tpu.memory_space<hbm>>) target(%arg25 : memref<64xf32, #tpu.memory_space<vmem>>) offsets(%arg13 : memref<64xi32, #tpu.memory_space<vmem>>) semaphore(%arg31 : memref<!tpu.dma_semaphore, #tpu.memory_space<semaphore_mem>>)
      } else {
      }
      %dma_wait3A_205 = arith.constant 0 : i32
      %dma_wait3A_206 = arith.constant 0 : i32
      %dma_wait3A_207 = tpu.memref_slice %arg2[%dma_wait3A_205, %dma_wait3A_206] : memref<10000x128xf32, #tpu.memory_space<hbm>> -> memref<64x128xf32, #tpu.memory_space<hbm>>
      %dma_wait3A_208 = arith.constant 0 : i32
      %dma_wait3A_209 = arith.constant 0 : i32
      %dma_wait3A_210 = tpu.memref_slice %arg2[%dma_wait3A_208, %dma_wait3A_209] : memref<10000x128xf32, #tpu.memory_space<hbm>> -> memref<64x128xf32, #tpu.memory_space<hbm>>
      tpu.wait_dma2 semaphore(%arg33 : memref<!tpu.dma_semaphore, #tpu.memory_space<semaphore_mem>>) src(%dma_wait3A_210 : memref<64x128xf32, #tpu.memory_space<hbm>>) dst(%arg11 : memref<64x128xf32, #tpu.memory_space<vmem>>)
      %dma_wait3A_211 = arith.constant 0 : i32
      %dma_wait3A_212 = tpu.memref_slice %arg4[%dma_wait3A_211] : memref<10144xf32, #tpu.memory_space<hbm>> -> memref<64xf32, #tpu.memory_space<hbm>>
      %dma_wait3A_213 = arith.constant 0 : i32
      %dma_wait3A_214 = tpu.memref_slice %arg4[%dma_wait3A_213] : memref<10144xf32, #tpu.memory_space<hbm>> -> memref<64xf32, #tpu.memory_space<hbm>>
      tpu.wait_dma2 semaphore(%arg33 : memref<!tpu.dma_semaphore, #tpu.memory_space<semaphore_mem>>) src(%dma_wait3A_214 : memref<64xf32, #tpu.memory_space<hbm>>) dst(%arg23 : memref<64xf32, #tpu.memory_space<vmem>>)
      %dma_wait3A_215 = arith.constant 0 : i32
      %dma_wait3A_216 = tpu.memref_slice %arg5[%dma_wait3A_215] : memref<10144xf32, #tpu.memory_space<hbm>> -> memref<64xf32, #tpu.memory_space<hbm>>
      %dma_wait3A_217 = arith.constant 0 : i32
      %dma_wait3A_218 = tpu.memref_slice %arg5[%dma_wait3A_217] : memref<10144xf32, #tpu.memory_space<hbm>> -> memref<64xf32, #tpu.memory_space<hbm>>
      tpu.wait_dma2 semaphore(%arg33 : memref<!tpu.dma_semaphore, #tpu.memory_space<semaphore_mem>>) src(%dma_wait3A_218 : memref<64xf32, #tpu.memory_space<hbm>>) dst(%arg27 : memref<64xf32, #tpu.memory_space<vmem>>)
      %scan3A_219 = arith.constant 0 : i32
      %scan3A_220 = arith.constant 0 : i32
      %scan3A_221 = arith.constant 4 : i32
      %scan3A_222 = arith.addi %scan3A_220, %scan3A_221 : i32
      %scan3A_223 = arith.constant 1 : i32
      %scan3A_224 = scf.for %scan3A_233 = %scan3A_220 to %scan3A_222 step %scan3A_223 iter_args(%scan3A_234 = %scan3A_219) -> (i32)  : i32 {
        %mul3A_235 = arith.constant 16 : i32
        %mul3A_236 = arith.muli %scan3A_233, %mul3A_235 : i32
        %get3A = arith.index_cast %mul3A_236 : i32 to index
        %get3A_237 = tpu.vector_load %arg23[%get3A] {strides = array<i32>} : memref<64xf32, #tpu.memory_space<vmem>>, vector<16xf32>,
        %get3A_238 = arith.index_cast %mul3A_236 : i32 to index
        %get3A_239 = tpu.vector_load %arg27[%get3A_238] {strides = array<i32>} : memref<64xf32, #tpu.memory_space<vmem>>, vector<16xf32>,
        %add3A_240 = arith.addf %get3A_237, %get3A_239 : vector<16xf32>
        %neg3A = arith.constant 0.000000e+00 : f32
        %neg3A_241 = vector.broadcast %neg3A : f32 to vector<16xf32>
        %neg3A_242 = arith.subf %neg3A_241, %add3A_240 : vector<16xf32>
        %exp3A = math.exp %neg3A_242 : vector<16xf32>
        %add3A_243 = arith.constant 1.000000e+00 : f32
        %add3A_244 = vector.broadcast %add3A_243 : f32 to vector<16xf32>
        %add3A_245 = arith.addf %add3A_244, %exp3A : vector<16xf32>
        %div3A = arith.constant 1.000000e+00 : f32
        %div3A_246 = vector.broadcast %div3A : f32 to vector<16xf32>
        %div3A_247 = arith.divf %div3A_246, %add3A_245 : vector<16xf32>
        %swap3A = arith.index_cast %mul3A_236 : i32 to index
        %swap3A_248 = tpu.vector_load %arg28[%swap3A] {strides = array<i32>} : memref<64xf32, #tpu.memory_space<vmem>>, vector<16xf32>,
        tpu.vector_store %arg28[%swap3A], %div3A_247 {strides = array<i32>} : memref<64xf32, #tpu.memory_space<vmem>>, vector<16xf32>,
        %scan3A_249 = arith.constant 0 : i32
        scf.yield %scan3A_249 : i32
      }
      %scan3A_225 = arith.constant 4 : i32
      %parallel_loop3A_226 = arith.constant 0 : i32
      %parallel_loop3A_227 = arith.constant 64 : i32
      %parallel_loop3A_228 = arith.constant 1 : i32
      scf.for %parallel_loop3A_233 = %parallel_loop3A_226 to %parallel_loop3A_227 step %parallel_loop3A_228  : i32 {
        %parallel_loop3A_234 = arith.constant 15 : i32
        %parallel_loop3A_235 = arith.constant -1 : i32
        %parallel_loop3A_236 = arith.xori %parallel_loop3A_234, %parallel_loop3A_235 : i32
        %parallel_loop3A_237 = arith.andi %parallel_loop3A_233, %parallel_loop3A_236 : i32
        %parallel_loop3A_238 = arith.constant 15 : i32
        %parallel_loop3A_239 = arith.andi %parallel_loop3A_233, %parallel_loop3A_238 : i32
        %parallel_loop3A_240 = arith.index_cast %parallel_loop3A_237 : i32 to index
        %parallel_loop3A_241 = tpu.vector_load %arg28[%parallel_loop3A_240] {strides = array<i32>} : memref<64xf32, #tpu.memory_space<vmem>>, vector<16xf32>,
        %parallel_loop3A_242 = vector.broadcast %parallel_loop3A_239 : i32 to vector<16xi32>
        %parallel_loop3A_243 = arith.constant 0 : i32
        %parallel_loop3A_244 = vector.broadcast %parallel_loop3A_243 : i32 to vector<16xi32>
        %parallel_loop3A_245 = arith.cmpi slt, %parallel_loop3A_242, %parallel_loop3A_244 : vector<16xi32>
        %parallel_loop3A_246 = arith.constant 16 : i32
        %parallel_loop3A_247 = vector.broadcast %parallel_loop3A_246 : i32 to vector<16xi32>
        %parallel_loop3A_248 = arith.addi %parallel_loop3A_242, %parallel_loop3A_247 : vector<16xi32>
        %parallel_loop3A_249 = arith.select %parallel_loop3A_245, %parallel_loop3A_248, %parallel_loop3A_242 : vector<16xi1>, vector<16xi32>
        %parallel_loop3A_250 = vector.shape_cast %parallel_loop3A_249 : vector<16xi32> to vector<16x1xi32>
        %parallel_loop3A_251 = vector.shape_cast %parallel_loop3A_250 : vector<16x1xi32> to vector<16xi32>
        %parallel_loop3A_252 = tpu.dynamic_gather %parallel_loop3A_241[%parallel_loop3A_251] in [0] : vector<16xf32>, vector<16xi32> -> vector<16xf32>
        %parallel_loop3A_253 = arith.index_cast %parallel_loop3A_233 : i32 to index
        %parallel_loop3A_254 = arith.constant 0 : index
        %parallel_loop3A_255 = tpu.vector_load %arg11[%parallel_loop3A_253, %parallel_loop3A_254] {strides = array<i32>} : memref<64x128xf32, #tpu.memory_space<vmem>>, vector<16xf32>,
        %parallel_loop3A_256 = arith.mulf %parallel_loop3A_255, %parallel_loop3A_252 : vector<16xf32>
        %parallel_loop3A_257 = arith.index_cast %parallel_loop3A_233 : i32 to index
        %parallel_loop3A_258 = arith.constant 0 : index
        %parallel_loop3A_259 = tpu.vector_load %arg11[%parallel_loop3A_257, %parallel_loop3A_258] {strides = array<i32>} : memref<64x128xf32, #tpu.memory_space<vmem>>, vector<16xf32>,
        tpu.vector_store %arg11[%parallel_loop3A_257, %parallel_loop3A_258], %parallel_loop3A_256 {strides = array<i32>} : memref<64x128xf32, #tpu.memory_space<vmem>>, vector<16xf32>,
        %parallel_loop3A_260 = arith.index_cast %parallel_loop3A_233 : i32 to index
        %parallel_loop3A_261 = arith.constant 16 : index
        %parallel_loop3A_262 = tpu.vector_load %arg11[%parallel_loop3A_260, %parallel_loop3A_261] {strides = array<i32>} : memref<64x128xf32, #tpu.memory_space<vmem>>, vector<16xf32>,
        %parallel_loop3A_263 = arith.mulf %parallel_loop3A_262, %parallel_loop3A_252 : vector<16xf32>
        %parallel_loop3A_264 = arith.index_cast %parallel_loop3A_233 : i32 to index
        %parallel_loop3A_265 = arith.constant 16 : index
        %parallel_loop3A_266 = tpu.vector_load %arg11[%parallel_loop3A_264, %parallel_loop3A_265] {strides = array<i32>} : memref<64x128xf32, #tpu.memory_space<vmem>>, vector<16xf32>,
        tpu.vector_store %arg11[%parallel_loop3A_264, %parallel_loop3A_265], %parallel_loop3A_263 {strides = array<i32>} : memref<64x128xf32, #tpu.memory_space<vmem>>, vector<16xf32>,
        %parallel_loop3A_267 = arith.index_cast %parallel_loop3A_233 : i32 to index
        %parallel_loop3A_268 = arith.constant 32 : index
        %parallel_loop3A_269 = tpu.vector_load %arg11[%parallel_loop3A_267, %parallel_loop3A_268] {strides = array<i32>} : memref<64x128xf32, #tpu.memory_space<vmem>>, vector<16xf32>,
        %parallel_loop3A_270 = arith.mulf %parallel_loop3A_269, %parallel_loop3A_252 : vector<16xf32>
        %parallel_loop3A_271 = arith.index_cast %parallel_loop3A_233 : i32 to index
        %parallel_loop3A_272 = arith.constant 32 : index
        %parallel_loop3A_273 = tpu.vector_load %arg11[%parallel_loop3A_271, %parallel_loop3A_272] {strides = array<i32>} : memref<64x128xf32, #tpu.memory_space<vmem>>, vector<16xf32>,
        tpu.vector_store %arg11[%parallel_loop3A_271, %parallel_loop3A_272], %parallel_loop3A_270 {strides = array<i32>} : memref<64x128xf32, #tpu.memory_space<vmem>>, vector<16xf32>,
        %parallel_loop3A_274 = arith.index_cast %parallel_loop3A_233 : i32 to index
        %parallel_loop3A_275 = arith.constant 48 : index
        %parallel_loop3A_276 = tpu.vector_load %arg11[%parallel_loop3A_274, %parallel_loop3A_275] {strides = array<i32>} : memref<64x128xf32, #tpu.memory_space<vmem>>, vector<16xf32>,
        %parallel_loop3A_277 = arith.mulf %parallel_loop3A_276, %parallel_loop3A_252 : vector<16xf32>
        %parallel_loop3A_278 = arith.index_cast %parallel_loop3A_233 : i32 to index
        %parallel_loop3A_279 = arith.constant 48 : index
        %parallel_loop3A_280 = tpu.vector_load %arg11[%parallel_loop3A_278, %parallel_loop3A_279] {strides = array<i32>} : memref<64x128xf32, #tpu.memory_space<vmem>>, vector<16xf32>,
        tpu.vector_store %arg11[%parallel_loop3A_278, %parallel_loop3A_279], %parallel_loop3A_277 {strides = array<i32>} : memref<64x128xf32, #tpu.memory_space<vmem>>, vector<16xf32>,
        %parallel_loop3A_281 = arith.index_cast %parallel_loop3A_233 : i32 to index
        %parallel_loop3A_282 = arith.constant 64 : index
        %parallel_loop3A_283 = tpu.vector_load %arg11[%parallel_loop3A_281, %parallel_loop3A_282] {strides = array<i32>} : memref<64x128xf32, #tpu.memory_space<vmem>>, vector<16xf32>,
        %parallel_loop3A_284 = arith.mulf %parallel_loop3A_283, %parallel_loop3A_252 : vector<16xf32>
        %parallel_loop3A_285 = arith.index_cast %parallel_loop3A_233 : i32 to index
        %parallel_loop3A_286 = arith.constant 64 : index
        %parallel_loop3A_287 = tpu.vector_load %arg11[%parallel_loop3A_285, %parallel_loop3A_286] {strides = array<i32>} : memref<64x128xf32, #tpu.memory_space<vmem>>, vector<16xf32>,
        tpu.vector_store %arg11[%parallel_loop3A_285, %parallel_loop3A_286], %parallel_loop3A_284 {strides = array<i32>} : memref<64x128xf32, #tpu.memory_space<vmem>>, vector<16xf32>,
        %parallel_loop3A_288 = arith.index_cast %parallel_loop3A_233 : i32 to index
        %parallel_loop3A_289 = arith.constant 80 : index
        %parallel_loop3A_290 = tpu.vector_load %arg11[%parallel_loop3A_288, %parallel_loop3A_289] {strides = array<i32>} : memref<64x128xf32, #tpu.memory_space<vmem>>, vector<16xf32>,
        %parallel_loop3A_291 = arith.mulf %parallel_loop3A_290, %parallel_loop3A_252 : vector<16xf32>
        %parallel_loop3A_292 = arith.index_cast %parallel_loop3A_233 : i32 to index
        %parallel_loop3A_293 = arith.constant 80 : index
        %parallel_loop3A_294 = tpu.vector_load %arg11[%parallel_loop3A_292, %parallel_loop3A_293] {strides = array<i32>} : memref<64x128xf32, #tpu.memory_space<vmem>>, vector<16xf32>,
        tpu.vector_store %arg11[%parallel_loop3A_292, %parallel_loop3A_293], %parallel_loop3A_291 {strides = array<i32>} : memref<64x128xf32, #tpu.memory_space<vmem>>, vector<16xf32>,
        %parallel_loop3A_295 = arith.index_cast %parallel_loop3A_233 : i32 to index
        %parallel_loop3A_296 = arith.constant 96 : index
        %parallel_loop3A_297 = tpu.vector_load %arg11[%parallel_loop3A_295, %parallel_loop3A_296] {strides = array<i32>} : memref<64x128xf32, #tpu.memory_space<vmem>>, vector<16xf32>,
        %parallel_loop3A_298 = arith.mulf %parallel_loop3A_297, %parallel_loop3A_252 : vector<16xf32>
        %parallel_loop3A_299 = arith.index_cast %parallel_loop3A_233 : i32 to index
        %parallel_loop3A_300 = arith.constant 96 : index
        %parallel_loop3A_301 = tpu.vector_load %arg11[%parallel_loop3A_299, %parallel_loop3A_300] {strides = array<i32>} : memref<64x128xf32, #tpu.memory_space<vmem>>, vector<16xf32>,
        tpu.vector_store %arg11[%parallel_loop3A_299, %parallel_loop3A_300], %parallel_loop3A_298 {strides = array<i32>} : memref<64x128xf32, #tpu.memory_space<vmem>>, vector<16xf32>,
        %parallel_loop3A_302 = arith.index_cast %parallel_loop3A_233 : i32 to index
        %parallel_loop3A_303 = arith.constant 112 : index
        %parallel_loop3A_304 = tpu.vector_load %arg11[%parallel_loop3A_302, %parallel_loop3A_303] {strides = array<i32>} : memref<64x128xf32, #tpu.memory_space<vmem>>, vector<16xf32>,
        %parallel_loop3A_305 = arith.mulf %parallel_loop3A_304, %parallel_loop3A_252 : vector<16xf32>
        %parallel_loop3A_306 = arith.index_cast %parallel_loop3A_233 : i32 to index
        %parallel_loop3A_307 = arith.constant 112 : index
        %parallel_loop3A_308 = tpu.vector_load %arg11[%parallel_loop3A_306, %parallel_loop3A_307] {strides = array<i32>} : memref<64x128xf32, #tpu.memory_space<vmem>>, vector<16xf32>,
        tpu.vector_store %arg11[%parallel_loop3A_306, %parallel_loop3A_307], %parallel_loop3A_305 {strides = array<i32>} : memref<64x128xf32, #tpu.memory_space<vmem>>, vector<16xf32>,
      } {sc.loop_unroll_factor = 4 : i64, sc.parallel_access}
      %dma_start3A_229 = arith.constant 0 : i32
      %dma_start3A_230 = arith.constant 0 : i32
      %dma_start3A_231 = tpu.memref_slice %arg29[%dma_start3A_229, %dma_start3A_230] : memref<10144x128xf32, #tpu.memory_space<vmem_shared>> -> memref<10144x128xf32, #tpu.memory_space<vmem_shared>>
      tpu.enqueue_indirect_dma source(%arg11 : memref<64x128xf32, #tpu.memory_space<vmem>>) target(%dma_start3A_231 : memref<10144x128xf32, #tpu.memory_space<vmem_shared>>) offsets(%arg19 : memref<64xi32, #tpu.memory_space<vmem>>) semaphore(%arg37 : memref<!tpu.dma_semaphore, #tpu.memory_space<semaphore_mem>>) {add = true}
      %scan3A_232 = arith.constant 0 : i32
      scf.yield %scan3A_232 : i32
    }
    %scan3A_60 = arith.constant 40 : i32
    %dma_wait3A = arith.constant 0 : i32
    %dma_wait3A_61 = arith.constant 0 : i32
    %dma_wait3A_62 = tpu.memref_slice %arg29[%dma_wait3A, %dma_wait3A_61] : memref<10144x128xf32, #tpu.memory_space<vmem_shared>> -> memref<10144x128xf32, #tpu.memory_space<vmem_shared>>
    tpu.wait_indirect_dma semaphore(%arg36 : memref<!tpu.dma_semaphore, #tpu.memory_space<semaphore_mem>>) src(%arg10 : memref<64x128xf32, #tpu.memory_space<vmem>>) dst(%dma_wait3A_62 : memref<10144x128xf32, #tpu.memory_space<vmem_shared>>)
    %dma_wait3A_63 = arith.constant 0 : i32
    %dma_wait3A_64 = arith.constant 0 : i32
    %dma_wait3A_65 = tpu.memref_slice %arg29[%dma_wait3A_63, %dma_wait3A_64] : memref<10144x128xf32, #tpu.memory_space<vmem_shared>> -> memref<10144x128xf32, #tpu.memory_space<vmem_shared>>
    tpu.wait_indirect_dma semaphore(%arg37 : memref<!tpu.dma_semaphore, #tpu.memory_space<semaphore_mem>>) src(%arg11 : memref<64x128xf32, #tpu.memory_space<vmem>>) dst(%dma_wait3A_65 : memref<10144x128xf32, #tpu.memory_space<vmem_shared>>)
    %barrier3A_66 = arith.constant 0 : index
    tpu.barrier barrier_id(%barrier3A_66)
    "tpu.region"() ({
      %run_scoped3A = tpu.sem_alloc : memref<!tpu.dma_semaphore, #tpu.memory_space<semaphore_mem>>
      %dma_start3A_67 = arith.constant 0 : i32
      %dma_start3A_68 = tpu.memref_slice %arg6[%arg0, %mul3A_7, %dma_start3A_67] : memref<2x10144x128xf32, #tpu.memory_space<hbm>> -> memref<1x634x128xf32, #tpu.memory_space<hbm>>
      %dma_start3A_69 = tpu.memref_squeeze %dma_start3A_68 : memref<1x634x128xf32, #tpu.memory_space<hbm>> -> memref<634x128xf32, #tpu.memory_space<hbm>>
      %dma_start3A_70 = arith.constant 0 : i32
      %dma_start3A_71 = tpu.memref_slice %arg29[%mul3A_7, %dma_start3A_70] : memref<10144x128xf32, #tpu.memory_space<vmem_shared>> -> memref<634x128xf32, #tpu.memory_space<vmem_shared>>
      tpu.enqueue_dma source(%dma_start3A_71 : memref<634x128xf32, #tpu.memory_space<vmem_shared>>) target(%dma_start3A_69 : memref<634x128xf32, #tpu.memory_space<hbm>>) target_semaphore(%run_scoped3A : memref<!tpu.dma_semaphore, #tpu.memory_space<semaphore_mem>>)
      %dma_wait3A_72 = arith.constant 0 : i32
      %dma_wait3A_73 = tpu.memref_slice %arg6[%arg0, %mul3A_7, %dma_wait3A_72] : memref<2x10144x128xf32, #tpu.memory_space<hbm>> -> memref<1x634x128xf32, #tpu.memory_space<hbm>>
      %dma_wait3A_74 = tpu.memref_squeeze %dma_wait3A_73 : memref<1x634x128xf32, #tpu.memory_space<hbm>> -> memref<634x128xf32, #tpu.memory_space<hbm>>
      %dma_wait3A_75 = arith.constant 0 : i32
      %dma_wait3A_76 = tpu.memref_slice %arg29[%mul3A_7, %dma_wait3A_75] : memref<10144x128xf32, #tpu.memory_space<vmem_shared>> -> memref<634x128xf32, #tpu.memory_space<vmem_shared>>
      tpu.wait_dma2 semaphore(%run_scoped3A : memref<!tpu.dma_semaphore, #tpu.memory_space<semaphore_mem>>) src(%dma_wait3A_76 : memref<634x128xf32, #tpu.memory_space<vmem_shared>>) dst(%dma_wait3A_74 : memref<634x128xf32, #tpu.memory_space<hbm>>)
      tpu.yield
    }) : () -> ()
    return
  }
}

#map = affine_map<(d0, d1) -> (0, 0)>
#map1 = affine_map<(d0, d1) -> (0, 0, 0)>
#map2 = affine_map<(d0, d1) -> (0)>
module attributes {stable_mosaic.version = 14 : i64} {
  func.func @_sc_edge_agg(%arg0: i32, %arg1: i32, %arg2: memref<10000x128xf32, #tpu.memory_space<hbm>>, %arg3: memref<2x16x10240xi32, #tpu.memory_space<hbm>>, %arg4: memref<10144xf32, #tpu.memory_space<hbm>>, %arg5: memref<10144xf32, #tpu.memory_space<hbm>>, %arg6: memref<2x10144x128xf32, #tpu.memory_space<hbm>>, %arg7: memref<10240xi32, #tpu.memory_space<vmem>>, %arg8: memref<64x128xf32, #tpu.memory_space<vmem>>, %arg9: memref<64x128xf32, #tpu.memory_space<vmem>>, %arg10: memref<64x128xf32, #tpu.memory_space<vmem>>, %arg11: memref<64x128xf32, #tpu.memory_space<vmem>>, %arg12: memref<64xi32, #tpu.memory_space<vmem>>, %arg13: memref<64xi32, #tpu.memory_space<vmem>>, %arg14: memref<64xi32, #tpu.memory_space<vmem>>, %arg15: memref<64xi32, #tpu.memory_space<vmem>>, %arg16: memref<64xi32, #tpu.memory_space<vmem>>, %arg17: memref<64xi32, #tpu.memory_space<vmem>>, %arg18: memref<64xi32, #tpu.memory_space<vmem>>, %arg19: memref<64xi32, #tpu.memory_space<vmem>>, %arg20: memref<64xf32, #tpu.memory_space<vmem>>, %arg21: memref<64xf32, #tpu.memory_space<vmem>>, %arg22: memref<64xf32, #tpu.memory_space<vmem>>, %arg23: memref<64xf32, #tpu.memory_space<vmem>>, %arg24: memref<64xf32, #tpu.memory_space<vmem>>, %arg25: memref<64xf32, #tpu.memory_space<vmem>>, %arg26: memref<64xf32, #tpu.memory_space<vmem>>, %arg27: memref<64xf32, #tpu.memory_space<vmem>>, %arg28: memref<64xf32, #tpu.memory_space<vmem>>, %arg29: memref<10144x128xf32, #tpu.memory_space<vmem_shared>>, %arg30: memref<!tpu.dma_semaphore, #tpu.memory_space<semaphore_mem>>, %arg31: memref<!tpu.dma_semaphore, #tpu.memory_space<semaphore_mem>>, %arg32: memref<!tpu.dma_semaphore, #tpu.memory_space<semaphore_mem>>, %arg33: memref<!tpu.dma_semaphore, #tpu.memory_space<semaphore_mem>>, %arg34: memref<!tpu.dma_semaphore, #tpu.memory_space<semaphore_mem>>, %arg35: memref<!tpu.dma_semaphore, #tpu.memory_space<semaphore_mem>>, %arg36: memref<!tpu.dma_semaphore, #tpu.memory_space<semaphore_mem>>, %arg37: memref<!tpu.dma_semaphore, #tpu.memory_space<semaphore_mem>>) attributes {dimension_semantics = [#tpu.dimension_semantics<core_parallel>, #tpu.dimension_semantics<subcore_parallel>], iteration_bounds = array<i64: 2, 16>, scalar_prefetch = 0 : i64, scratch_operands = 31 : i64, tpu.core_type = #tpu.core_type<sc_vector_subcore>, window_params = [{transform_indices = #map}, {transform_indices = #map1}, {transform_indices = #map2}, {transform_indices = #map2}, {transform_indices = #map1}]} {
    "tpu.region"() ({
      %run_scoped3A = tpu.sem_alloc : memref<!tpu.dma_semaphore, #tpu.memory_space<semaphore_mem>>
      %dma_start3A_67 = arith.constant 0 : i32
      %dma_start3A_68 = tpu.memref_slice %arg3[%arg0, %arg1, %dma_start3A_67] : memref<2x16x10240xi32, #tpu.memory_space<hbm>> -> memref<1x1x10240xi32, #tpu.memory_space<hbm>>
      %dma_start3A_69 = tpu.memref_squeeze %dma_start3A_68 : memref<1x1x10240xi32, #tpu.memory_space<hbm>> -> memref<10240xi32, #tpu.memory_space<hbm>>
      %dma_start3A_70 = arith.constant 0 : i32
      %dma_start3A_71 = tpu.memref_slice %arg3[%arg0, %arg1, %dma_start3A_70] : memref<2x16x10240xi32, #tpu.memory_space<hbm>> -> memref<1x1x10240xi32, #tpu.memory_space<hbm>>
      %dma_start3A_72 = tpu.memref_squeeze %dma_start3A_71 : memref<1x1x10240xi32, #tpu.memory_space<hbm>> -> memref<10240xi32, #tpu.memory_space<hbm>>
      tpu.enqueue_dma source(%dma_start3A_72 : memref<10240xi32, #tpu.memory_space<hbm>>) target(%arg7 : memref<10240xi32, #tpu.memory_space<vmem>>) target_semaphore(%run_scoped3A : memref<!tpu.dma_semaphore, #tpu.memory_space<semaphore_mem>>)
      %dma_wait3A_73 = arith.constant 0 : i32
      %dma_wait3A_74 = tpu.memref_slice %arg3[%arg0, %arg1, %dma_wait3A_73] : memref<2x16x10240xi32, #tpu.memory_space<hbm>> -> memref<1x1x10240xi32, #tpu.memory_space<hbm>>
      %dma_wait3A_75 = tpu.memref_squeeze %dma_wait3A_74 : memref<1x1x10240xi32, #tpu.memory_space<hbm>> -> memref<10240xi32, #tpu.memory_space<hbm>>
      %dma_wait3A_76 = arith.constant 0 : i32
      %dma_wait3A_77 = tpu.memref_slice %arg3[%arg0, %arg1, %dma_wait3A_76] : memref<2x16x10240xi32, #tpu.memory_space<hbm>> -> memref<1x1x10240xi32, #tpu.memory_space<hbm>>
      %dma_wait3A_78 = tpu.memref_squeeze %dma_wait3A_77 : memref<1x1x10240xi32, #tpu.memory_space<hbm>> -> memref<10240xi32, #tpu.memory_space<hbm>>
      tpu.wait_dma2 semaphore(%run_scoped3A : memref<!tpu.dma_semaphore, #tpu.memory_space<semaphore_mem>>) src(%dma_wait3A_78 : memref<10240xi32, #tpu.memory_space<hbm>>) dst(%arg7 : memref<10240xi32, #tpu.memory_space<vmem>>)
      tpu.yield
    }) : () -> ()
    %broadcast_in_dim3A = arith.constant 0.000000e+00 : f32
    %broadcast_in_dim3A_0 = vector.broadcast %broadcast_in_dim3A : f32 to vector<16xf32>
    %scan3A = arith.constant 0 : i32
    %scan3A_1 = arith.constant 0 : i32
    %scan3A_2 = arith.constant 64 : i32
    %scan3A_3 = arith.addi %scan3A_1, %scan3A_2 : i32
    %scan3A_4 = arith.constant 1 : i32
    %scan3A_5 = scf.for %scan3A_67 = %scan3A_1 to %scan3A_3 step %scan3A_4 iter_args(%scan3A_68 = %scan3A) -> (i32)  : i32 {
      %swap3A = arith.index_cast %scan3A_67 : i32 to index
      %swap3A_69 = arith.constant 0 : index
      %swap3A_70 = tpu.vector_load %arg8[%swap3A, %swap3A_69] {strides = array<i32>} : memref<64x128xf32, #tpu.memory_space<vmem>>, vector<16xf32>,
      tpu.vector_store %arg8[%swap3A, %swap3A_69], %broadcast_in_dim3A_0 {strides = array<i32>} : memref<64x128xf32, #tpu.memory_space<vmem>>, vector<16xf32>,
      %swap3A_71 = arith.index_cast %scan3A_67 : i32 to index
      %swap3A_72 = arith.constant 16 : index
      %swap3A_73 = tpu.vector_load %arg8[%swap3A_71, %swap3A_72] {strides = array<i32>} : memref<64x128xf32, #tpu.memory_space<vmem>>, vector<16xf32>,
      tpu.vector_store %arg8[%swap3A_71, %swap3A_72], %broadcast_in_dim3A_0 {strides = array<i32>} : memref<64x128xf32, #tpu.memory_space<vmem>>, vector<16xf32>,
      %swap3A_74 = arith.index_cast %scan3A_67 : i32 to index
      %swap3A_75 = arith.constant 32 : index
      %swap3A_76 = tpu.vector_load %arg8[%swap3A_74, %swap3A_75] {strides = array<i32>} : memref<64x128xf32, #tpu.memory_space<vmem>>, vector<16xf32>,
      tpu.vector_store %arg8[%swap3A_74, %swap3A_75], %broadcast_in_dim3A_0 {strides = array<i32>} : memref<64x128xf32, #tpu.memory_space<vmem>>, vector<16xf32>,
      %swap3A_77 = arith.index_cast %scan3A_67 : i32 to index
      %swap3A_78 = arith.constant 48 : index
      %swap3A_79 = tpu.vector_load %arg8[%swap3A_77, %swap3A_78] {strides = array<i32>} : memref<64x128xf32, #tpu.memory_space<vmem>>, vector<16xf32>,
      tpu.vector_store %arg8[%swap3A_77, %swap3A_78], %broadcast_in_dim3A_0 {strides = array<i32>} : memref<64x128xf32, #tpu.memory_space<vmem>>, vector<16xf32>,
      %swap3A_80 = arith.index_cast %scan3A_67 : i32 to index
      %swap3A_81 = arith.constant 64 : index
      %swap3A_82 = tpu.vector_load %arg8[%swap3A_80, %swap3A_81] {strides = array<i32>} : memref<64x128xf32, #tpu.memory_space<vmem>>, vector<16xf32>,
      tpu.vector_store %arg8[%swap3A_80, %swap3A_81], %broadcast_in_dim3A_0 {strides = array<i32>} : memref<64x128xf32, #tpu.memory_space<vmem>>, vector<16xf32>,
      %swap3A_83 = arith.index_cast %scan3A_67 : i32 to index
      %swap3A_84 = arith.constant 80 : index
      %swap3A_85 = tpu.vector_load %arg8[%swap3A_83, %swap3A_84] {strides = array<i32>} : memref<64x128xf32, #tpu.memory_space<vmem>>, vector<16xf32>,
      tpu.vector_store %arg8[%swap3A_83, %swap3A_84], %broadcast_in_dim3A_0 {strides = array<i32>} : memref<64x128xf32, #tpu.memory_space<vmem>>, vector<16xf32>,
      %swap3A_86 = arith.index_cast %scan3A_67 : i32 to index
      %swap3A_87 = arith.constant 96 : index
      %swap3A_88 = tpu.vector_load %arg8[%swap3A_86, %swap3A_87] {strides = array<i32>} : memref<64x128xf32, #tpu.memory_space<vmem>>, vector<16xf32>,
      tpu.vector_store %arg8[%swap3A_86, %swap3A_87], %broadcast_in_dim3A_0 {strides = array<i32>} : memref<64x128xf32, #tpu.memory_space<vmem>>, vector<16xf32>,
      %swap3A_89 = arith.index_cast %scan3A_67 : i32 to index
      %swap3A_90 = arith.constant 112 : index
      %swap3A_91 = tpu.vector_load %arg8[%swap3A_89, %swap3A_90] {strides = array<i32>} : memref<64x128xf32, #tpu.memory_space<vmem>>, vector<16xf32>,
      tpu.vector_store %arg8[%swap3A_89, %swap3A_90], %broadcast_in_dim3A_0 {strides = array<i32>} : memref<64x128xf32, #tpu.memory_space<vmem>>, vector<16xf32>,
      %scan3A_92 = arith.constant 0 : i32
      scf.yield %scan3A_92 : i32
    }
    %scan3A_6 = arith.constant 64 : i32
    %mul3A = arith.constant 634 : i32
    %mul3A_7 = arith.muli %arg1, %mul3A : i32
    %add3A = arith.constant 0 : i32
    %add3A_8 = arith.addi %mul3A_7, %add3A : i32
    "tpu.region"() ({
      %run_scoped3A = tpu.sem_alloc : memref<!tpu.dma_semaphore, #tpu.memory_space<semaphore_mem>>
      %dma_start3A_67 = arith.constant 0 : i32
      %dma_start3A_68 = arith.constant 0 : i32
      %dma_start3A_69 = tpu.memref_slice %arg8[%dma_start3A_67, %dma_start3A_68] : memref<64x128xf32, #tpu.memory_space<vmem>> -> memref<64x128xf32, #tpu.memory_space<vmem>>
      %dma_start3A_70 = arith.constant 0 : i32
      %dma_start3A_71 = tpu.memref_slice %arg29[%add3A_8, %dma_start3A_70] : memref<10144x128xf32, #tpu.memory_space<vmem_shared>> -> memref<64x128xf32, #tpu.memory_space<vmem_shared>>
      %dma_start3A_72 = arith.constant 0 : i32
      %dma_start3A_73 = tpu.memref_slice %arg29[%add3A_8, %dma_start3A_72] : memref<10144x128xf32, #tpu.memory_space<vmem_shared>> -> memref<64x128xf32, #tpu.memory_space<vmem_shared>>
      %dma_start3A_74 = arith.constant 0 : i32
      %dma_start3A_75 = arith.constant 0 : i32
      %dma_start3A_76 = tpu.memref_slice %arg8[%dma_start3A_74, %dma_start3A_75] : memref<64x128xf32, #tpu.memory_space<vmem>> -> memref<64x128xf32, #tpu.memory_space<vmem>>
      tpu.enqueue_dma source(%dma_start3A_76 : memref<64x128xf32, #tpu.memory_space<vmem>>) target(%dma_start3A_73 : memref<64x128xf32, #tpu.memory_space<vmem_shared>>) target_semaphore(%run_scoped3A : memref<!tpu.dma_semaphore, #tpu.memory_space<semaphore_mem>>)
      %dma_wait3A_77 = arith.constant 0 : i32
      %dma_wait3A_78 = arith.constant 0 : i32
      %dma_wait3A_79 = tpu.memref_slice %arg8[%dma_wait3A_77, %dma_wait3A_78] : memref<64x128xf32, #tpu.memory_space<vmem>> -> memref<64x128xf32, #tpu.memory_space<vmem>>
      %dma_wait3A_80 = arith.constant 0 : i32
      %dma_wait3A_81 = tpu.memref_slice %arg29[%add3A_8, %dma_wait3A_80] : memref<10144x128xf32, #tpu.memory_space<vmem_shared>> -> memref<64x128xf32, #tpu.memory_space<vmem_shared>>
      %dma_wait3A_82 = arith.constant 0 : i32
      %dma_wait3A_83 = tpu.memref_slice %arg29[%add3A_8, %dma_wait3A_82] : memref<10144x128xf32, #tpu.memory_space<vmem_shared>> -> memref<64x128xf32, #tpu.memory_space<vmem_shared>>
      %dma_wait3A_84 = arith.constant 0 : i32
      %dma_wait3A_85 = arith.constant 0 : i32
      %dma_wait3A_86 = tpu.memref_slice %arg8[%dma_wait3A_84, %dma_wait3A_85] : memref<64x128xf32, #tpu.memory_space<vmem>> -> memref<64x128xf32, #tpu.memory_space<vmem>>
      tpu.wait_dma2 semaphore(%run_scoped3A : memref<!tpu.dma_semaphore, #tpu.memory_space<semaphore_mem>>) src(%dma_wait3A_86 : memref<64x128xf32, #tpu.memory_space<vmem>>) dst(%dma_wait3A_83 : memref<64x128xf32, #tpu.memory_space<vmem_shared>>)
      tpu.yield
    }) : () -> ()
    %add3A_9 = arith.constant 64 : i32
    %add3A_10 = arith.addi %mul3A_7, %add3A_9 : i32
    "tpu.region"() ({
      %run_scoped3A = tpu.sem_alloc : memref<!tpu.dma_semaphore, #tpu.memory_space<semaphore_mem>>
      %dma_start3A_67 = arith.constant 0 : i32
      %dma_start3A_68 = arith.constant 0 : i32
      %dma_start3A_69 = tpu.memref_slice %arg8[%dma_start3A_67, %dma_start3A_68] : memref<64x128xf32, #tpu.memory_space<vmem>> -> memref<64x128xf32, #tpu.memory_space<vmem>>
      %dma_start3A_70 = arith.constant 0 : i32
      %dma_start3A_71 = tpu.memref_slice %arg29[%add3A_10, %dma_start3A_70] : memref<10144x128xf32, #tpu.memory_space<vmem_shared>> -> memref<64x128xf32, #tpu.memory_space<vmem_shared>>
      %dma_start3A_72 = arith.constant 0 : i32
      %dma_start3A_73 = tpu.memref_slice %arg29[%add3A_10, %dma_start3A_72] : memref<10144x128xf32, #tpu.memory_space<vmem_shared>> -> memref<64x128xf32, #tpu.memory_space<vmem_shared>>
      %dma_start3A_74 = arith.constant 0 : i32
      %dma_start3A_75 = arith.constant 0 : i32
      %dma_start3A_76 = tpu.memref_slice %arg8[%dma_start3A_74, %dma_start3A_75] : memref<64x128xf32, #tpu.memory_space<vmem>> -> memref<64x128xf32, #tpu.memory_space<vmem>>
      tpu.enqueue_dma source(%dma_start3A_76 : memref<64x128xf32, #tpu.memory_space<vmem>>) target(%dma_start3A_73 : memref<64x128xf32, #tpu.memory_space<vmem_shared>>) target_semaphore(%run_scoped3A : memref<!tpu.dma_semaphore, #tpu.memory_space<semaphore_mem>>)
      %dma_wait3A_77 = arith.constant 0 : i32
      %dma_wait3A_78 = arith.constant 0 : i32
      %dma_wait3A_79 = tpu.memref_slice %arg8[%dma_wait3A_77, %dma_wait3A_78] : memref<64x128xf32, #tpu.memory_space<vmem>> -> memref<64x128xf32, #tpu.memory_space<vmem>>
      %dma_wait3A_80 = arith.constant 0 : i32
      %dma_wait3A_81 = tpu.memref_slice %arg29[%add3A_10, %dma_wait3A_80] : memref<10144x128xf32, #tpu.memory_space<vmem_shared>> -> memref<64x128xf32, #tpu.memory_space<vmem_shared>>
      %dma_wait3A_82 = arith.constant 0 : i32
      %dma_wait3A_83 = tpu.memref_slice %arg29[%add3A_10, %dma_wait3A_82] : memref<10144x128xf32, #tpu.memory_space<vmem_shared>> -> memref<64x128xf32, #tpu.memory_space<vmem_shared>>
      %dma_wait3A_84 = arith.constant 0 : i32
      %dma_wait3A_85 = arith.constant 0 : i32
      %dma_wait3A_86 = tpu.memref_slice %arg8[%dma_wait3A_84, %dma_wait3A_85] : memref<64x128xf32, #tpu.memory_space<vmem>> -> memref<64x128xf32, #tpu.memory_space<vmem>>
      tpu.wait_dma2 semaphore(%run_scoped3A : memref<!tpu.dma_semaphore, #tpu.memory_space<semaphore_mem>>) src(%dma_wait3A_86 : memref<64x128xf32, #tpu.memory_space<vmem>>) dst(%dma_wait3A_83 : memref<64x128xf32, #tpu.memory_space<vmem_shared>>)
      tpu.yield
    }) : () -> ()
    %add3A_11 = arith.constant 128 : i32
    %add3A_12 = arith.addi %mul3A_7, %add3A_11 : i32
    "tpu.region"() ({
      %run_scoped3A = tpu.sem_alloc : memref<!tpu.dma_semaphore, #tpu.memory_space<semaphore_mem>>
      %dma_start3A_67 = arith.constant 0 : i32
      %dma_start3A_68 = arith.constant 0 : i32
      %dma_start3A_69 = tpu.memref_slice %arg8[%dma_start3A_67, %dma_start3A_68] : memref<64x128xf32, #tpu.memory_space<vmem>> -> memref<64x128xf32, #tpu.memory_space<vmem>>
      %dma_start3A_70 = arith.constant 0 : i32
      %dma_start3A_71 = tpu.memref_slice %arg29[%add3A_12, %dma_start3A_70] : memref<10144x128xf32, #tpu.memory_space<vmem_shared>> -> memref<64x128xf32, #tpu.memory_space<vmem_shared>>
      %dma_start3A_72 = arith.constant 0 : i32
      %dma_start3A_73 = tpu.memref_slice %arg29[%add3A_12, %dma_start3A_72] : memref<10144x128xf32, #tpu.memory_space<vmem_shared>> -> memref<64x128xf32, #tpu.memory_space<vmem_shared>>
      %dma_start3A_74 = arith.constant 0 : i32
      %dma_start3A_75 = arith.constant 0 : i32
      %dma_start3A_76 = tpu.memref_slice %arg8[%dma_start3A_74, %dma_start3A_75] : memref<64x128xf32, #tpu.memory_space<vmem>> -> memref<64x128xf32, #tpu.memory_space<vmem>>
      tpu.enqueue_dma source(%dma_start3A_76 : memref<64x128xf32, #tpu.memory_space<vmem>>) target(%dma_start3A_73 : memref<64x128xf32, #tpu.memory_space<vmem_shared>>) target_semaphore(%run_scoped3A : memref<!tpu.dma_semaphore, #tpu.memory_space<semaphore_mem>>)
      %dma_wait3A_77 = arith.constant 0 : i32
      %dma_wait3A_78 = arith.constant 0 : i32
      %dma_wait3A_79 = tpu.memref_slice %arg8[%dma_wait3A_77, %dma_wait3A_78] : memref<64x128xf32, #tpu.memory_space<vmem>> -> memref<64x128xf32, #tpu.memory_space<vmem>>
      %dma_wait3A_80 = arith.constant 0 : i32
      %dma_wait3A_81 = tpu.memref_slice %arg29[%add3A_12, %dma_wait3A_80] : memref<10144x128xf32, #tpu.memory_space<vmem_shared>> -> memref<64x128xf32, #tpu.memory_space<vmem_shared>>
      %dma_wait3A_82 = arith.constant 0 : i32
      %dma_wait3A_83 = tpu.memref_slice %arg29[%add3A_12, %dma_wait3A_82] : memref<10144x128xf32, #tpu.memory_space<vmem_shared>> -> memref<64x128xf32, #tpu.memory_space<vmem_shared>>
      %dma_wait3A_84 = arith.constant 0 : i32
      %dma_wait3A_85 = arith.constant 0 : i32
      %dma_wait3A_86 = tpu.memref_slice %arg8[%dma_wait3A_84, %dma_wait3A_85] : memref<64x128xf32, #tpu.memory_space<vmem>> -> memref<64x128xf32, #tpu.memory_space<vmem>>
      tpu.wait_dma2 semaphore(%run_scoped3A : memref<!tpu.dma_semaphore, #tpu.memory_space<semaphore_mem>>) src(%dma_wait3A_86 : memref<64x128xf32, #tpu.memory_space<vmem>>) dst(%dma_wait3A_83 : memref<64x128xf32, #tpu.memory_space<vmem_shared>>)
      tpu.yield
    }) : () -> ()
    %add3A_13 = arith.constant 192 : i32
    %add3A_14 = arith.addi %mul3A_7, %add3A_13 : i32
    "tpu.region"() ({
      %run_scoped3A = tpu.sem_alloc : memref<!tpu.dma_semaphore, #tpu.memory_space<semaphore_mem>>
      %dma_start3A_67 = arith.constant 0 : i32
      %dma_start3A_68 = arith.constant 0 : i32
      %dma_start3A_69 = tpu.memref_slice %arg8[%dma_start3A_67, %dma_start3A_68] : memref<64x128xf32, #tpu.memory_space<vmem>> -> memref<64x128xf32, #tpu.memory_space<vmem>>
      %dma_start3A_70 = arith.constant 0 : i32
      %dma_start3A_71 = tpu.memref_slice %arg29[%add3A_14, %dma_start3A_70] : memref<10144x128xf32, #tpu.memory_space<vmem_shared>> -> memref<64x128xf32, #tpu.memory_space<vmem_shared>>
      %dma_start3A_72 = arith.constant 0 : i32
      %dma_start3A_73 = tpu.memref_slice %arg29[%add3A_14, %dma_start3A_72] : memref<10144x128xf32, #tpu.memory_space<vmem_shared>> -> memref<64x128xf32, #tpu.memory_space<vmem_shared>>
      %dma_start3A_74 = arith.constant 0 : i32
      %dma_start3A_75 = arith.constant 0 : i32
      %dma_start3A_76 = tpu.memref_slice %arg8[%dma_start3A_74, %dma_start3A_75] : memref<64x128xf32, #tpu.memory_space<vmem>> -> memref<64x128xf32, #tpu.memory_space<vmem>>
      tpu.enqueue_dma source(%dma_start3A_76 : memref<64x128xf32, #tpu.memory_space<vmem>>) target(%dma_start3A_73 : memref<64x128xf32, #tpu.memory_space<vmem_shared>>) target_semaphore(%run_scoped3A : memref<!tpu.dma_semaphore, #tpu.memory_space<semaphore_mem>>)
      %dma_wait3A_77 = arith.constant 0 : i32
      %dma_wait3A_78 = arith.constant 0 : i32
      %dma_wait3A_79 = tpu.memref_slice %arg8[%dma_wait3A_77, %dma_wait3A_78] : memref<64x128xf32, #tpu.memory_space<vmem>> -> memref<64x128xf32, #tpu.memory_space<vmem>>
      %dma_wait3A_80 = arith.constant 0 : i32
      %dma_wait3A_81 = tpu.memref_slice %arg29[%add3A_14, %dma_wait3A_80] : memref<10144x128xf32, #tpu.memory_space<vmem_shared>> -> memref<64x128xf32, #tpu.memory_space<vmem_shared>>
      %dma_wait3A_82 = arith.constant 0 : i32
      %dma_wait3A_83 = tpu.memref_slice %arg29[%add3A_14, %dma_wait3A_82] : memref<10144x128xf32, #tpu.memory_space<vmem_shared>> -> memref<64x128xf32, #tpu.memory_space<vmem_shared>>
      %dma_wait3A_84 = arith.constant 0 : i32
      %dma_wait3A_85 = arith.constant 0 : i32
      %dma_wait3A_86 = tpu.memref_slice %arg8[%dma_wait3A_84, %dma_wait3A_85] : memref<64x128xf32, #tpu.memory_space<vmem>> -> memref<64x128xf32, #tpu.memory_space<vmem>>
      tpu.wait_dma2 semaphore(%run_scoped3A : memref<!tpu.dma_semaphore, #tpu.memory_space<semaphore_mem>>) src(%dma_wait3A_86 : memref<64x128xf32, #tpu.memory_space<vmem>>) dst(%dma_wait3A_83 : memref<64x128xf32, #tpu.memory_space<vmem_shared>>)
      tpu.yield
    }) : () -> ()
    %add3A_15 = arith.constant 256 : i32
    %add3A_16 = arith.addi %mul3A_7, %add3A_15 : i32
    "tpu.region"() ({
      %run_scoped3A = tpu.sem_alloc : memref<!tpu.dma_semaphore, #tpu.memory_space<semaphore_mem>>
      %dma_start3A_67 = arith.constant 0 : i32
      %dma_start3A_68 = arith.constant 0 : i32
      %dma_start3A_69 = tpu.memref_slice %arg8[%dma_start3A_67, %dma_start3A_68] : memref<64x128xf32, #tpu.memory_space<vmem>> -> memref<64x128xf32, #tpu.memory_space<vmem>>
      %dma_start3A_70 = arith.constant 0 : i32
      %dma_start3A_71 = tpu.memref_slice %arg29[%add3A_16, %dma_start3A_70] : memref<10144x128xf32, #tpu.memory_space<vmem_shared>> -> memref<64x128xf32, #tpu.memory_space<vmem_shared>>
      %dma_start3A_72 = arith.constant 0 : i32
      %dma_start3A_73 = tpu.memref_slice %arg29[%add3A_16, %dma_start3A_72] : memref<10144x128xf32, #tpu.memory_space<vmem_shared>> -> memref<64x128xf32, #tpu.memory_space<vmem_shared>>
      %dma_start3A_74 = arith.constant 0 : i32
      %dma_start3A_75 = arith.constant 0 : i32
      %dma_start3A_76 = tpu.memref_slice %arg8[%dma_start3A_74, %dma_start3A_75] : memref<64x128xf32, #tpu.memory_space<vmem>> -> memref<64x128xf32, #tpu.memory_space<vmem>>
      tpu.enqueue_dma source(%dma_start3A_76 : memref<64x128xf32, #tpu.memory_space<vmem>>) target(%dma_start3A_73 : memref<64x128xf32, #tpu.memory_space<vmem_shared>>) target_semaphore(%run_scoped3A : memref<!tpu.dma_semaphore, #tpu.memory_space<semaphore_mem>>)
      %dma_wait3A_77 = arith.constant 0 : i32
      %dma_wait3A_78 = arith.constant 0 : i32
      %dma_wait3A_79 = tpu.memref_slice %arg8[%dma_wait3A_77, %dma_wait3A_78] : memref<64x128xf32, #tpu.memory_space<vmem>> -> memref<64x128xf32, #tpu.memory_space<vmem>>
      %dma_wait3A_80 = arith.constant 0 : i32
      %dma_wait3A_81 = tpu.memref_slice %arg29[%add3A_16, %dma_wait3A_80] : memref<10144x128xf32, #tpu.memory_space<vmem_shared>> -> memref<64x128xf32, #tpu.memory_space<vmem_shared>>
      %dma_wait3A_82 = arith.constant 0 : i32
      %dma_wait3A_83 = tpu.memref_slice %arg29[%add3A_16, %dma_wait3A_82] : memref<10144x128xf32, #tpu.memory_space<vmem_shared>> -> memref<64x128xf32, #tpu.memory_space<vmem_shared>>
      %dma_wait3A_84 = arith.constant 0 : i32
      %dma_wait3A_85 = arith.constant 0 : i32
      %dma_wait3A_86 = tpu.memref_slice %arg8[%dma_wait3A_84, %dma_wait3A_85] : memref<64x128xf32, #tpu.memory_space<vmem>> -> memref<64x128xf32, #tpu.memory_space<vmem>>
      tpu.wait_dma2 semaphore(%run_scoped3A : memref<!tpu.dma_semaphore, #tpu.memory_space<semaphore_mem>>) src(%dma_wait3A_86 : memref<64x128xf32, #tpu.memory_space<vmem>>) dst(%dma_wait3A_83 : memref<64x128xf32, #tpu.memory_space<vmem_shared>>)
      tpu.yield
    }) : () -> ()
    %add3A_17 = arith.constant 320 : i32
    %add3A_18 = arith.addi %mul3A_7, %add3A_17 : i32
    "tpu.region"() ({
      %run_scoped3A = tpu.sem_alloc : memref<!tpu.dma_semaphore, #tpu.memory_space<semaphore_mem>>
      %dma_start3A_67 = arith.constant 0 : i32
      %dma_start3A_68 = arith.constant 0 : i32
      %dma_start3A_69 = tpu.memref_slice %arg8[%dma_start3A_67, %dma_start3A_68] : memref<64x128xf32, #tpu.memory_space<vmem>> -> memref<64x128xf32, #tpu.memory_space<vmem>>
      %dma_start3A_70 = arith.constant 0 : i32
      %dma_start3A_71 = tpu.memref_slice %arg29[%add3A_18, %dma_start3A_70] : memref<10144x128xf32, #tpu.memory_space<vmem_shared>> -> memref<64x128xf32, #tpu.memory_space<vmem_shared>>
      %dma_start3A_72 = arith.constant 0 : i32
      %dma_start3A_73 = tpu.memref_slice %arg29[%add3A_18, %dma_start3A_72] : memref<10144x128xf32, #tpu.memory_space<vmem_shared>> -> memref<64x128xf32, #tpu.memory_space<vmem_shared>>
      %dma_start3A_74 = arith.constant 0 : i32
      %dma_start3A_75 = arith.constant 0 : i32
      %dma_start3A_76 = tpu.memref_slice %arg8[%dma_start3A_74, %dma_start3A_75] : memref<64x128xf32, #tpu.memory_space<vmem>> -> memref<64x128xf32, #tpu.memory_space<vmem>>
      tpu.enqueue_dma source(%dma_start3A_76 : memref<64x128xf32, #tpu.memory_space<vmem>>) target(%dma_start3A_73 : memref<64x128xf32, #tpu.memory_space<vmem_shared>>) target_semaphore(%run_scoped3A : memref<!tpu.dma_semaphore, #tpu.memory_space<semaphore_mem>>)
      %dma_wait3A_77 = arith.constant 0 : i32
      %dma_wait3A_78 = arith.constant 0 : i32
      %dma_wait3A_79 = tpu.memref_slice %arg8[%dma_wait3A_77, %dma_wait3A_78] : memref<64x128xf32, #tpu.memory_space<vmem>> -> memref<64x128xf32, #tpu.memory_space<vmem>>
      %dma_wait3A_80 = arith.constant 0 : i32
      %dma_wait3A_81 = tpu.memref_slice %arg29[%add3A_18, %dma_wait3A_80] : memref<10144x128xf32, #tpu.memory_space<vmem_shared>> -> memref<64x128xf32, #tpu.memory_space<vmem_shared>>
      %dma_wait3A_82 = arith.constant 0 : i32
      %dma_wait3A_83 = tpu.memref_slice %arg29[%add3A_18, %dma_wait3A_82] : memref<10144x128xf32, #tpu.memory_space<vmem_shared>> -> memref<64x128xf32, #tpu.memory_space<vmem_shared>>
      %dma_wait3A_84 = arith.constant 0 : i32
      %dma_wait3A_85 = arith.constant 0 : i32
      %dma_wait3A_86 = tpu.memref_slice %arg8[%dma_wait3A_84, %dma_wait3A_85] : memref<64x128xf32, #tpu.memory_space<vmem>> -> memref<64x128xf32, #tpu.memory_space<vmem>>
      tpu.wait_dma2 semaphore(%run_scoped3A : memref<!tpu.dma_semaphore, #tpu.memory_space<semaphore_mem>>) src(%dma_wait3A_86 : memref<64x128xf32, #tpu.memory_space<vmem>>) dst(%dma_wait3A_83 : memref<64x128xf32, #tpu.memory_space<vmem_shared>>)
      tpu.yield
    }) : () -> ()
    %add3A_19 = arith.constant 384 : i32
    %add3A_20 = arith.addi %mul3A_7, %add3A_19 : i32
    "tpu.region"() ({
      %run_scoped3A = tpu.sem_alloc : memref<!tpu.dma_semaphore, #tpu.memory_space<semaphore_mem>>
      %dma_start3A_67 = arith.constant 0 : i32
      %dma_start3A_68 = arith.constant 0 : i32
      %dma_start3A_69 = tpu.memref_slice %arg8[%dma_start3A_67, %dma_start3A_68] : memref<64x128xf32, #tpu.memory_space<vmem>> -> memref<64x128xf32, #tpu.memory_space<vmem>>
      %dma_start3A_70 = arith.constant 0 : i32
      %dma_start3A_71 = tpu.memref_slice %arg29[%add3A_20, %dma_start3A_70] : memref<10144x128xf32, #tpu.memory_space<vmem_shared>> -> memref<64x128xf32, #tpu.memory_space<vmem_shared>>
      %dma_start3A_72 = arith.constant 0 : i32
      %dma_start3A_73 = tpu.memref_slice %arg29[%add3A_20, %dma_start3A_72] : memref<10144x128xf32, #tpu.memory_space<vmem_shared>> -> memref<64x128xf32, #tpu.memory_space<vmem_shared>>
      %dma_start3A_74 = arith.constant 0 : i32
      %dma_start3A_75 = arith.constant 0 : i32
      %dma_start3A_76 = tpu.memref_slice %arg8[%dma_start3A_74, %dma_start3A_75] : memref<64x128xf32, #tpu.memory_space<vmem>> -> memref<64x128xf32, #tpu.memory_space<vmem>>
      tpu.enqueue_dma source(%dma_start3A_76 : memref<64x128xf32, #tpu.memory_space<vmem>>) target(%dma_start3A_73 : memref<64x128xf32, #tpu.memory_space<vmem_shared>>) target_semaphore(%run_scoped3A : memref<!tpu.dma_semaphore, #tpu.memory_space<semaphore_mem>>)
      %dma_wait3A_77 = arith.constant 0 : i32
      %dma_wait3A_78 = arith.constant 0 : i32
      %dma_wait3A_79 = tpu.memref_slice %arg8[%dma_wait3A_77, %dma_wait3A_78] : memref<64x128xf32, #tpu.memory_space<vmem>> -> memref<64x128xf32, #tpu.memory_space<vmem>>
      %dma_wait3A_80 = arith.constant 0 : i32
      %dma_wait3A_81 = tpu.memref_slice %arg29[%add3A_20, %dma_wait3A_80] : memref<10144x128xf32, #tpu.memory_space<vmem_shared>> -> memref<64x128xf32, #tpu.memory_space<vmem_shared>>
      %dma_wait3A_82 = arith.constant 0 : i32
      %dma_wait3A_83 = tpu.memref_slice %arg29[%add3A_20, %dma_wait3A_82] : memref<10144x128xf32, #tpu.memory_space<vmem_shared>> -> memref<64x128xf32, #tpu.memory_space<vmem_shared>>
      %dma_wait3A_84 = arith.constant 0 : i32
      %dma_wait3A_85 = arith.constant 0 : i32
      %dma_wait3A_86 = tpu.memref_slice %arg8[%dma_wait3A_84, %dma_wait3A_85] : memref<64x128xf32, #tpu.memory_space<vmem>> -> memref<64x128xf32, #tpu.memory_space<vmem>>
      tpu.wait_dma2 semaphore(%run_scoped3A : memref<!tpu.dma_semaphore, #tpu.memory_space<semaphore_mem>>) src(%dma_wait3A_86 : memref<64x128xf32, #tpu.memory_space<vmem>>) dst(%dma_wait3A_83 : memref<64x128xf32, #tpu.memory_space<vmem_shared>>)
      tpu.yield
    }) : () -> ()
    %add3A_21 = arith.constant 448 : i32
    %add3A_22 = arith.addi %mul3A_7, %add3A_21 : i32
    "tpu.region"() ({
      %run_scoped3A = tpu.sem_alloc : memref<!tpu.dma_semaphore, #tpu.memory_space<semaphore_mem>>
      %dma_start3A_67 = arith.constant 0 : i32
      %dma_start3A_68 = arith.constant 0 : i32
      %dma_start3A_69 = tpu.memref_slice %arg8[%dma_start3A_67, %dma_start3A_68] : memref<64x128xf32, #tpu.memory_space<vmem>> -> memref<64x128xf32, #tpu.memory_space<vmem>>
      %dma_start3A_70 = arith.constant 0 : i32
      %dma_start3A_71 = tpu.memref_slice %arg29[%add3A_22, %dma_start3A_70] : memref<10144x128xf32, #tpu.memory_space<vmem_shared>> -> memref<64x128xf32, #tpu.memory_space<vmem_shared>>
      %dma_start3A_72 = arith.constant 0 : i32
      %dma_start3A_73 = tpu.memref_slice %arg29[%add3A_22, %dma_start3A_72] : memref<10144x128xf32, #tpu.memory_space<vmem_shared>> -> memref<64x128xf32, #tpu.memory_space<vmem_shared>>
      %dma_start3A_74 = arith.constant 0 : i32
      %dma_start3A_75 = arith.constant 0 : i32
      %dma_start3A_76 = tpu.memref_slice %arg8[%dma_start3A_74, %dma_start3A_75] : memref<64x128xf32, #tpu.memory_space<vmem>> -> memref<64x128xf32, #tpu.memory_space<vmem>>
      tpu.enqueue_dma source(%dma_start3A_76 : memref<64x128xf32, #tpu.memory_space<vmem>>) target(%dma_start3A_73 : memref<64x128xf32, #tpu.memory_space<vmem_shared>>) target_semaphore(%run_scoped3A : memref<!tpu.dma_semaphore, #tpu.memory_space<semaphore_mem>>)
      %dma_wait3A_77 = arith.constant 0 : i32
      %dma_wait3A_78 = arith.constant 0 : i32
      %dma_wait3A_79 = tpu.memref_slice %arg8[%dma_wait3A_77, %dma_wait3A_78] : memref<64x128xf32, #tpu.memory_space<vmem>> -> memref<64x128xf32, #tpu.memory_space<vmem>>
      %dma_wait3A_80 = arith.constant 0 : i32
      %dma_wait3A_81 = tpu.memref_slice %arg29[%add3A_22, %dma_wait3A_80] : memref<10144x128xf32, #tpu.memory_space<vmem_shared>> -> memref<64x128xf32, #tpu.memory_space<vmem_shared>>
      %dma_wait3A_82 = arith.constant 0 : i32
      %dma_wait3A_83 = tpu.memref_slice %arg29[%add3A_22, %dma_wait3A_82] : memref<10144x128xf32, #tpu.memory_space<vmem_shared>> -> memref<64x128xf32, #tpu.memory_space<vmem_shared>>
      %dma_wait3A_84 = arith.constant 0 : i32
      %dma_wait3A_85 = arith.constant 0 : i32
      %dma_wait3A_86 = tpu.memref_slice %arg8[%dma_wait3A_84, %dma_wait3A_85] : memref<64x128xf32, #tpu.memory_space<vmem>> -> memref<64x128xf32, #tpu.memory_space<vmem>>
      tpu.wait_dma2 semaphore(%run_scoped3A : memref<!tpu.dma_semaphore, #tpu.memory_space<semaphore_mem>>) src(%dma_wait3A_86 : memref<64x128xf32, #tpu.memory_space<vmem>>) dst(%dma_wait3A_83 : memref<64x128xf32, #tpu.memory_space<vmem_shared>>)
      tpu.yield
    }) : () -> ()
    %add3A_23 = arith.constant 512 : i32
    %add3A_24 = arith.addi %mul3A_7, %add3A_23 : i32
    "tpu.region"() ({
      %run_scoped3A = tpu.sem_alloc : memref<!tpu.dma_semaphore, #tpu.memory_space<semaphore_mem>>
      %dma_start3A_67 = arith.constant 0 : i32
      %dma_start3A_68 = arith.constant 0 : i32
      %dma_start3A_69 = tpu.memref_slice %arg8[%dma_start3A_67, %dma_start3A_68] : memref<64x128xf32, #tpu.memory_space<vmem>> -> memref<64x128xf32, #tpu.memory_space<vmem>>
      %dma_start3A_70 = arith.constant 0 : i32
      %dma_start3A_71 = tpu.memref_slice %arg29[%add3A_24, %dma_start3A_70] : memref<10144x128xf32, #tpu.memory_space<vmem_shared>> -> memref<64x128xf32, #tpu.memory_space<vmem_shared>>
      %dma_start3A_72 = arith.constant 0 : i32
      %dma_start3A_73 = tpu.memref_slice %arg29[%add3A_24, %dma_start3A_72] : memref<10144x128xf32, #tpu.memory_space<vmem_shared>> -> memref<64x128xf32, #tpu.memory_space<vmem_shared>>
      %dma_start3A_74 = arith.constant 0 : i32
      %dma_start3A_75 = arith.constant 0 : i32
      %dma_start3A_76 = tpu.memref_slice %arg8[%dma_start3A_74, %dma_start3A_75] : memref<64x128xf32, #tpu.memory_space<vmem>> -> memref<64x128xf32, #tpu.memory_space<vmem>>
      tpu.enqueue_dma source(%dma_start3A_76 : memref<64x128xf32, #tpu.memory_space<vmem>>) target(%dma_start3A_73 : memref<64x128xf32, #tpu.memory_space<vmem_shared>>) target_semaphore(%run_scoped3A : memref<!tpu.dma_semaphore, #tpu.memory_space<semaphore_mem>>)
      %dma_wait3A_77 = arith.constant 0 : i32
      %dma_wait3A_78 = arith.constant 0 : i32
      %dma_wait3A_79 = tpu.memref_slice %arg8[%dma_wait3A_77, %dma_wait3A_78] : memref<64x128xf32, #tpu.memory_space<vmem>> -> memref<64x128xf32, #tpu.memory_space<vmem>>
      %dma_wait3A_80 = arith.constant 0 : i32
      %dma_wait3A_81 = tpu.memref_slice %arg29[%add3A_24, %dma_wait3A_80] : memref<10144x128xf32, #tpu.memory_space<vmem_shared>> -> memref<64x128xf32, #tpu.memory_space<vmem_shared>>
      %dma_wait3A_82 = arith.constant 0 : i32
      %dma_wait3A_83 = tpu.memref_slice %arg29[%add3A_24, %dma_wait3A_82] : memref<10144x128xf32, #tpu.memory_space<vmem_shared>> -> memref<64x128xf32, #tpu.memory_space<vmem_shared>>
      %dma_wait3A_84 = arith.constant 0 : i32
      %dma_wait3A_85 = arith.constant 0 : i32
      %dma_wait3A_86 = tpu.memref_slice %arg8[%dma_wait3A_84, %dma_wait3A_85] : memref<64x128xf32, #tpu.memory_space<vmem>> -> memref<64x128xf32, #tpu.memory_space<vmem>>
      tpu.wait_dma2 semaphore(%run_scoped3A : memref<!tpu.dma_semaphore, #tpu.memory_space<semaphore_mem>>) src(%dma_wait3A_86 : memref<64x128xf32, #tpu.memory_space<vmem>>) dst(%dma_wait3A_83 : memref<64x128xf32, #tpu.memory_space<vmem_shared>>)
      tpu.yield
    }) : () -> ()
    %add3A_25 = arith.constant 576 : i32
    %add3A_26 = arith.addi %mul3A_7, %add3A_25 : i32
    "tpu.region"() ({
      %run_scoped3A = tpu.sem_alloc : memref<!tpu.dma_semaphore, #tpu.memory_space<semaphore_mem>>
      %dma_start3A_67 = arith.constant 0 : i32
      %dma_start3A_68 = arith.constant 0 : i32
      %dma_start3A_69 = tpu.memref_slice %arg8[%dma_start3A_67, %dma_start3A_68] : memref<64x128xf32, #tpu.memory_space<vmem>> -> memref<58x128xf32, #tpu.memory_space<vmem>>
      %dma_start3A_70 = arith.constant 0 : i32
      %dma_start3A_71 = tpu.memref_slice %arg29[%add3A_26, %dma_start3A_70] : memref<10144x128xf32, #tpu.memory_space<vmem_shared>> -> memref<58x128xf32, #tpu.memory_space<vmem_shared>>
      %dma_start3A_72 = arith.constant 0 : i32
      %dma_start3A_73 = tpu.memref_slice %arg29[%add3A_26, %dma_start3A_72] : memref<10144x128xf32, #tpu.memory_space<vmem_shared>> -> memref<58x128xf32, #tpu.memory_space<vmem_shared>>
      %dma_start3A_74 = arith.constant 0 : i32
      %dma_start3A_75 = arith.constant 0 : i32
      %dma_start3A_76 = tpu.memref_slice %arg8[%dma_start3A_74, %dma_start3A_75] : memref<64x128xf32, #tpu.memory_space<vmem>> -> memref<58x128xf32, #tpu.memory_space<vmem>>
      tpu.enqueue_dma source(%dma_start3A_76 : memref<58x128xf32, #tpu.memory_space<vmem>>) target(%dma_start3A_73 : memref<58x128xf32, #tpu.memory_space<vmem_shared>>) target_semaphore(%run_scoped3A : memref<!tpu.dma_semaphore, #tpu.memory_space<semaphore_mem>>)
      %dma_wait3A_77 = arith.constant 0 : i32
      %dma_wait3A_78 = arith.constant 0 : i32
      %dma_wait3A_79 = tpu.memref_slice %arg8[%dma_wait3A_77, %dma_wait3A_78] : memref<64x128xf32, #tpu.memory_space<vmem>> -> memref<58x128xf32, #tpu.memory_space<vmem>>
      %dma_wait3A_80 = arith.constant 0 : i32
      %dma_wait3A_81 = tpu.memref_slice %arg29[%add3A_26, %dma_wait3A_80] : memref<10144x128xf32, #tpu.memory_space<vmem_shared>> -> memref<58x128xf32, #tpu.memory_space<vmem_shared>>
      %dma_wait3A_82 = arith.constant 0 : i32
      %dma_wait3A_83 = tpu.memref_slice %arg29[%add3A_26, %dma_wait3A_82] : memref<10144x128xf32, #tpu.memory_space<vmem_shared>> -> memref<58x128xf32, #tpu.memory_space<vmem_shared>>
      %dma_wait3A_84 = arith.constant 0 : i32
      %dma_wait3A_85 = arith.constant 0 : i32
      %dma_wait3A_86 = tpu.memref_slice %arg8[%dma_wait3A_84, %dma_wait3A_85] : memref<64x128xf32, #tpu.memory_space<vmem>> -> memref<58x128xf32, #tpu.memory_space<vmem>>
      tpu.wait_dma2 semaphore(%run_scoped3A : memref<!tpu.dma_semaphore, #tpu.memory_space<semaphore_mem>>) src(%dma_wait3A_86 : memref<58x128xf32, #tpu.memory_space<vmem>>) dst(%dma_wait3A_83 : memref<58x128xf32, #tpu.memory_space<vmem_shared>>)
      tpu.yield
    }) : () -> ()
    %barrier3A = arith.constant 0 : index
    tpu.barrier barrier_id(%barrier3A)
    %scan3A_27 = arith.constant 0 : i32
    %scan3A_28 = arith.constant 0 : i32
    %scan3A_29 = arith.constant 4 : i32
    %scan3A_30 = arith.addi %scan3A_28, %scan3A_29 : i32
    %scan3A_31 = arith.constant 1 : i32
    %scan3A_32 = scf.for %scan3A_67 = %scan3A_28 to %scan3A_30 step %scan3A_31 iter_args(%scan3A_68 = %scan3A_27) -> (i32)  : i32 {
      %mul3A_69 = arith.constant 16 : i32
      %mul3A_70 = arith.muli %scan3A_67, %mul3A_69 : i32
      %add3A_71 = arith.constant 0 : i32
      %add3A_72 = arith.addi %add3A_71, %mul3A_70 : i32
      %get3A = arith.index_cast %add3A_72 : i32 to index
      %get3A_73 = tpu.vector_load %arg7[%get3A] {strides = array<i32>} : memref<10240xi32, #tpu.memory_space<vmem>>, vector<16xi32>,
      %and3A = arith.constant 65535 : i32
      %and3A_74 = vector.broadcast %and3A : i32 to vector<16xi32>
      %and3A_75 = arith.andi %get3A_73, %and3A_74 : vector<16xi32>
      %mul3A_76 = arith.constant 16 : i32
      %mul3A_77 = arith.muli %scan3A_67, %mul3A_76 : i32
      %swap3A = arith.index_cast %mul3A_77 : i32 to index
      %swap3A_78 = tpu.vector_load %arg12[%swap3A] {strides = array<i32>} : memref<64xi32, #tpu.memory_space<vmem>>, vector<16xi32>,
      tpu.vector_store %arg12[%swap3A], %and3A_75 {strides = array<i32>} : memref<64xi32, #tpu.memory_space<vmem>>, vector<16xi32>,
      %shift_right_logical3A = arith.constant 16 : i32
      %shift_right_logical3A_79 = vector.broadcast %shift_right_logical3A : i32 to vector<16xi32>
      %shift_right_logical3A_80 = arith.shrui %get3A_73, %shift_right_logical3A_79 : vector<16xi32>
      %mul3A_81 = arith.constant 16 : i32
      %mul3A_82 = arith.muli %scan3A_67, %mul3A_81 : i32
      %swap3A_83 = arith.index_cast %mul3A_82 : i32 to index
      %swap3A_84 = tpu.vector_load %arg16[%swap3A_83] {strides = array<i32>} : memref<64xi32, #tpu.memory_space<vmem>>, vector<16xi32>,
      tpu.vector_store %arg16[%swap3A_83], %shift_right_logical3A_80 {strides = array<i32>} : memref<64xi32, #tpu.memory_space<vmem>>, vector<16xi32>,
      %scan3A_85 = arith.constant 0 : i32
      scf.yield %scan3A_85 : i32
    }
    %scan3A_33 = arith.constant 4 : i32
    %dma_start3A = arith.constant 0 : i32
    %dma_start3A_34 = arith.constant 0 : i32
    %dma_start3A_35 = tpu.memref_slice %arg2[%dma_start3A, %dma_start3A_34] : memref<10000x128xf32, #tpu.memory_space<hbm>> -> memref<10000x128xf32, #tpu.memory_space<hbm>>
    tpu.enqueue_indirect_dma source(%dma_start3A_35 : memref<10000x128xf32, #tpu.memory_space<hbm>>) target(%arg8 : memref<64x128xf32, #tpu.memory_space<vmem>>) offsets(%arg12 : memref<64xi32, #tpu.memory_space<vmem>>) semaphore(%arg30 : memref<!tpu.dma_semaphore, #tpu.memory_space<semaphore_mem>>)
    %dma_start3A_36 = arith.constant 0 : i32
    %dma_start3A_37 = tpu.memref_slice %arg4[%dma_start3A_36] : memref<10144xf32, #tpu.memory_space<hbm>> -> memref<10144xf32, #tpu.memory_space<hbm>>
    tpu.enqueue_indirect_dma source(%dma_start3A_37 : memref<10144xf32, #tpu.memory_space<hbm>>) target(%arg20 : memref<64xf32, #tpu.memory_space<vmem>>) offsets(%arg16 : memref<64xi32, #tpu.memory_space<vmem>>) semaphore(%arg30 : memref<!tpu.dma_semaphore, #tpu.memory_space<semaphore_mem>>)
    %dma_start3A_38 = arith.constant 0 : i32
    %dma_start3A_39 = tpu.memref_slice %arg5[%dma_start3A_38] : memref<10144xf32, #tpu.memory_space<hbm>> -> memref<10144xf32, #tpu.memory_space<hbm>>
    tpu.enqueue_indirect_dma source(%dma_start3A_39 : memref<10144xf32, #tpu.memory_space<hbm>>) target(%arg24 : memref<64xf32, #tpu.memory_space<vmem>>) offsets(%arg12 : memref<64xi32, #tpu.memory_space<vmem>>) semaphore(%arg30 : memref<!tpu.dma_semaphore, #tpu.memory_space<semaphore_mem>>)
    %scan3A_40 = arith.constant 0 : i32
    %scan3A_41 = arith.constant 0 : i32
    %scan3A_42 = arith.constant 4 : i32
    %scan3A_43 = arith.addi %scan3A_41, %scan3A_42 : i32
    %scan3A_44 = arith.constant 1 : i32
    %scan3A_45 = scf.for %scan3A_67 = %scan3A_41 to %scan3A_43 step %scan3A_44 iter_args(%scan3A_68 = %scan3A_40) -> (i32)  : i32 {
      %mul3A_69 = arith.constant 16 : i32
      %mul3A_70 = arith.muli %scan3A_67, %mul3A_69 : i32
      %add3A_71 = arith.constant 64 : i32
      %add3A_72 = arith.addi %add3A_71, %mul3A_70 : i32
      %get3A = arith.index_cast %add3A_72 : i32 to index
      %get3A_73 = tpu.vector_load %arg7[%get3A] {strides = array<i32>} : memref<10240xi32, #tpu.memory_space<vmem>>, vector<16xi32>,
      %and3A = arith.constant 65535 : i32
      %and3A_74 = vector.broadcast %and3A : i32 to vector<16xi32>
      %and3A_75 = arith.andi %get3A_73, %and3A_74 : vector<16xi32>
      %mul3A_76 = arith.constant 16 : i32
      %mul3A_77 = arith.muli %scan3A_67, %mul3A_76 : i32
      %swap3A = arith.index_cast %mul3A_77 : i32 to index
      %swap3A_78 = tpu.vector_load %arg13[%swap3A] {strides = array<i32>} : memref<64xi32, #tpu.memory_space<vmem>>, vector<16xi32>,
      tpu.vector_store %arg13[%swap3A], %and3A_75 {strides = array<i32>} : memref<64xi32, #tpu.memory_space<vmem>>, vector<16xi32>,
      %shift_right_logical3A = arith.constant 16 : i32
      %shift_right_logical3A_79 = vector.broadcast %shift_right_logical3A : i32 to vector<16xi32>
      %shift_right_logical3A_80 = arith.shrui %get3A_73, %shift_right_logical3A_79 : vector<16xi32>
      %mul3A_81 = arith.constant 16 : i32
      %mul3A_82 = arith.muli %scan3A_67, %mul3A_81 : i32
      %swap3A_83 = arith.index_cast %mul3A_82 : i32 to index
      %swap3A_84 = tpu.vector_load %arg17[%swap3A_83] {strides = array<i32>} : memref<64xi32, #tpu.memory_space<vmem>>, vector<16xi32>,
      tpu.vector_store %arg17[%swap3A_83], %shift_right_logical3A_80 {strides = array<i32>} : memref<64xi32, #tpu.memory_space<vmem>>, vector<16xi32>,
      %scan3A_85 = arith.constant 0 : i32
      scf.yield %scan3A_85 : i32
    }
    %scan3A_46 = arith.constant 4 : i32
    %dma_start3A_47 = arith.constant 0 : i32
    %dma_start3A_48 = arith.constant 0 : i32
    %dma_start3A_49 = tpu.memref_slice %arg2[%dma_start3A_47, %dma_start3A_48] : memref<10000x128xf32, #tpu.memory_space<hbm>> -> memref<10000x128xf32, #tpu.memory_space<hbm>>
    tpu.enqueue_indirect_dma source(%dma_start3A_49 : memref<10000x128xf32, #tpu.memory_space<hbm>>) target(%arg9 : memref<64x128xf32, #tpu.memory_space<vmem>>) offsets(%arg13 : memref<64xi32, #tpu.memory_space<vmem>>) semaphore(%arg31 : memref<!tpu.dma_semaphore, #tpu.memory_space<semaphore_mem>>)
    %dma_start3A_50 = arith.constant 0 : i32
    %dma_start3A_51 = tpu.memref_slice %arg4[%dma_start3A_50] : memref<10144xf32, #tpu.memory_space<hbm>> -> memref<10144xf32, #tpu.memory_space<hbm>>
    tpu.enqueue_indirect_dma source(%dma_start3A_51 : memref<10144xf32, #tpu.memory_space<hbm>>) target(%arg21 : memref<64xf32, #tpu.memory_space<vmem>>) offsets(%arg17 : memref<64xi32, #tpu.memory_space<vmem>>) semaphore(%arg31 : memref<!tpu.dma_semaphore, #tpu.memory_space<semaphore_mem>>)
    %dma_start3A_52 = arith.constant 0 : i32
    %dma_start3A_53 = tpu.memref_slice %arg5[%dma_start3A_52] : memref<10144xf32, #tpu.memory_space<hbm>> -> memref<10144xf32, #tpu.memory_space<hbm>>
    tpu.enqueue_indirect_dma source(%dma_start3A_53 : memref<10144xf32, #tpu.memory_space<hbm>>) target(%arg25 : memref<64xf32, #tpu.memory_space<vmem>>) offsets(%arg13 : memref<64xi32, #tpu.memory_space<vmem>>) semaphore(%arg31 : memref<!tpu.dma_semaphore, #tpu.memory_space<semaphore_mem>>)
    %scan3A_54 = arith.constant 0 : i32
    %scan3A_55 = arith.constant 0 : i32
    %scan3A_56 = arith.constant 40 : i32
    %scan3A_57 = arith.addi %scan3A_55, %scan3A_56 : i32
    %scan3A_58 = arith.constant 1 : i32
    %scan3A_59 = scf.for %scan3A_67 = %scan3A_55 to %scan3A_57 step %scan3A_58 iter_args(%scan3A_68 = %scan3A_54) -> (i32)  : i32 {
      %mul3A_69 = arith.constant 4 : i32
      %mul3A_70 = arith.muli %scan3A_67, %mul3A_69 : i32
      %add3A_71 = arith.constant 0 : i32
      %add3A_72 = arith.addi %mul3A_70, %add3A_71 : i32
      %gt3A = arith.constant 0 : i32
      %gt3A_73 = arith.cmpi sgt, %scan3A_67, %gt3A : i32
      %convert_element_type3A = arith.extui %gt3A_73 : i1 to i32
      %cond3A = arith.constant 0 : i32
      %cond3A_74 = arith.cmpi ne, %convert_element_type3A, %cond3A : i32
      scf.if %cond3A_74 {
        %dma_wait3A_233 = arith.constant 0 : i32
        %dma_wait3A_234 = arith.constant 0 : i32
        %dma_wait3A_235 = tpu.memref_slice %arg29[%dma_wait3A_233, %dma_wait3A_234] : memref<10144x128xf32, #tpu.memory_space<vmem_shared>> -> memref<10144x128xf32, #tpu.memory_space<vmem_shared>>
        tpu.wait_indirect_dma semaphore(%arg36 : memref<!tpu.dma_semaphore, #tpu.memory_space<semaphore_mem>>) src(%arg10 : memref<64x128xf32, #tpu.memory_space<vmem>>) dst(%dma_wait3A_235 : memref<10144x128xf32, #tpu.memory_space<vmem_shared>>)
      } else {
      }
      %add3A_75 = arith.constant 2 : i32
      %add3A_76 = arith.addi %add3A_72, %add3A_75 : i32
      %lt3A = arith.constant 160 : i32
      %lt3A_77 = arith.cmpi slt, %add3A_76, %lt3A : i32
      %convert_element_type3A_78 = arith.extui %lt3A_77 : i1 to i32
      %cond3A_79 = arith.constant 0 : i32
      %cond3A_80 = arith.cmpi ne, %convert_element_type3A_78, %cond3A_79 : i32
      scf.if %cond3A_80 {
        %add3A_233 = arith.constant 2 : i32
        %add3A_234 = arith.addi %add3A_72, %add3A_233 : i32
        %scan3A_235 = arith.constant 0 : i32
        %scan3A_236 = arith.constant 0 : i32
        %scan3A_237 = arith.constant 4 : i32
        %scan3A_238 = arith.addi %scan3A_236, %scan3A_237 : i32
        %scan3A_239 = arith.constant 1 : i32
        %scan3A_240 = scf.for %scan3A_249 = %scan3A_236 to %scan3A_238 step %scan3A_239 iter_args(%scan3A_250 = %scan3A_235) -> (i32)  : i32 {
          %mul3A_251 = arith.constant 64 : i32
          %mul3A_252 = arith.muli %add3A_234, %mul3A_251 : i32
          %mul3A_253 = arith.constant 16 : i32
          %mul3A_254 = arith.muli %scan3A_249, %mul3A_253 : i32
          %add3A_255 = arith.addi %mul3A_252, %mul3A_254 : i32
          %get3A = arith.index_cast %add3A_255 : i32 to index
          %get3A_256 = tpu.vector_load %arg7[%get3A] {strides = array<i32>} : memref<10240xi32, #tpu.memory_space<vmem>>, vector<16xi32>,
          %and3A = arith.constant 65535 : i32
          %and3A_257 = vector.broadcast %and3A : i32 to vector<16xi32>
          %and3A_258 = arith.andi %get3A_256, %and3A_257 : vector<16xi32>
          %mul3A_259 = arith.constant 16 : i32
          %mul3A_260 = arith.muli %scan3A_249, %mul3A_259 : i32
          %swap3A = arith.index_cast %mul3A_260 : i32 to index
          %swap3A_261 = tpu.vector_load %arg14[%swap3A] {strides = array<i32>} : memref<64xi32, #tpu.memory_space<vmem>>, vector<16xi32>,
          tpu.vector_store %arg14[%swap3A], %and3A_258 {strides = array<i32>} : memref<64xi32, #tpu.memory_space<vmem>>, vector<16xi32>,
          %shift_right_logical3A = arith.constant 16 : i32
          %shift_right_logical3A_262 = vector.broadcast %shift_right_logical3A : i32 to vector<16xi32>
          %shift_right_logical3A_263 = arith.shrui %get3A_256, %shift_right_logical3A_262 : vector<16xi32>
          %mul3A_264 = arith.constant 16 : i32
          %mul3A_265 = arith.muli %scan3A_249, %mul3A_264 : i32
          %swap3A_266 = arith.index_cast %mul3A_265 : i32 to index
          %swap3A_267 = tpu.vector_load %arg18[%swap3A_266] {strides = array<i32>} : memref<64xi32, #tpu.memory_space<vmem>>, vector<16xi32>,
          tpu.vector_store %arg18[%swap3A_266], %shift_right_logical3A_263 {strides = array<i32>} : memref<64xi32, #tpu.memory_space<vmem>>, vector<16xi32>,
          %scan3A_268 = arith.constant 0 : i32
          scf.yield %scan3A_268 : i32
        }
        %scan3A_241 = arith.constant 4 : i32
        %dma_start3A_242 = arith.constant 0 : i32
        %dma_start3A_243 = arith.constant 0 : i32
        %dma_start3A_244 = tpu.memref_slice %arg2[%dma_start3A_242, %dma_start3A_243] : memref<10000x128xf32, #tpu.memory_space<hbm>> -> memref<10000x128xf32, #tpu.memory_space<hbm>>
        tpu.enqueue_indirect_dma source(%dma_start3A_244 : memref<10000x128xf32, #tpu.memory_space<hbm>>) target(%arg10 : memref<64x128xf32, #tpu.memory_space<vmem>>) offsets(%arg14 : memref<64xi32, #tpu.memory_space<vmem>>) semaphore(%arg32 : memref<!tpu.dma_semaphore, #tpu.memory_space<semaphore_mem>>)
        %dma_start3A_245 = arith.constant 0 : i32
        %dma_start3A_246 = tpu.memref_slice %arg4[%dma_start3A_245] : memref<10144xf32, #tpu.memory_space<hbm>> -> memref<10144xf32, #tpu.memory_space<hbm>>
        tpu.enqueue_indirect_dma source(%dma_start3A_246 : memref<10144xf32, #tpu.memory_space<hbm>>) target(%arg22 : memref<64xf32, #tpu.memory_space<vmem>>) offsets(%arg18 : memref<64xi32, #tpu.memory_space<vmem>>) semaphore(%arg32 : memref<!tpu.dma_semaphore, #tpu.memory_space<semaphore_mem>>)
        %dma_start3A_247 = arith.constant 0 : i32
        %dma_start3A_248 = tpu.memref_slice %arg5[%dma_start3A_247] : memref<10144xf32, #tpu.memory_space<hbm>> -> memref<10144xf32, #tpu.memory_space<hbm>>
        tpu.enqueue_indirect_dma source(%dma_start3A_248 : memref<10144xf32, #tpu.memory_space<hbm>>) target(%arg26 : memref<64xf32, #tpu.memory_space<vmem>>) offsets(%arg14 : memref<64xi32, #tpu.memory_space<vmem>>) semaphore(%arg32 : memref<!tpu.dma_semaphore, #tpu.memory_space<semaphore_mem>>)
      } else {
      }
      %dma_wait3A_81 = arith.constant 0 : i32
      %dma_wait3A_82 = arith.constant 0 : i32
      %dma_wait3A_83 = tpu.memref_slice %arg2[%dma_wait3A_81, %dma_wait3A_82] : memref<10000x128xf32, #tpu.memory_space<hbm>> -> memref<64x128xf32, #tpu.memory_space<hbm>>
      %dma_wait3A_84 = arith.constant 0 : i32
      %dma_wait3A_85 = arith.constant 0 : i32
      %dma_wait3A_86 = tpu.memref_slice %arg2[%dma_wait3A_84, %dma_wait3A_85] : memref<10000x128xf32, #tpu.memory_space<hbm>> -> memref<64x128xf32, #tpu.memory_space<hbm>>
      tpu.wait_dma2 semaphore(%arg30 : memref<!tpu.dma_semaphore, #tpu.memory_space<semaphore_mem>>) src(%dma_wait3A_86 : memref<64x128xf32, #tpu.memory_space<hbm>>) dst(%arg8 : memref<64x128xf32, #tpu.memory_space<vmem>>)
      %dma_wait3A_87 = arith.constant 0 : i32
      %dma_wait3A_88 = tpu.memref_slice %arg4[%dma_wait3A_87] : memref<10144xf32, #tpu.memory_space<hbm>> -> memref<64xf32, #tpu.memory_space<hbm>>
      %dma_wait3A_89 = arith.constant 0 : i32
      %dma_wait3A_90 = tpu.memref_slice %arg4[%dma_wait3A_89] : memref<10144xf32, #tpu.memory_space<hbm>> -> memref<64xf32, #tpu.memory_space<hbm>>
      tpu.wait_dma2 semaphore(%arg30 : memref<!tpu.dma_semaphore, #tpu.memory_space<semaphore_mem>>) src(%dma_wait3A_90 : memref<64xf32, #tpu.memory_space<hbm>>) dst(%arg20 : memref<64xf32, #tpu.memory_space<vmem>>)
      %dma_wait3A_91 = arith.constant 0 : i32
      %dma_wait3A_92 = tpu.memref_slice %arg5[%dma_wait3A_91] : memref<10144xf32, #tpu.memory_space<hbm>> -> memref<64xf32, #tpu.memory_space<hbm>>
      %dma_wait3A_93 = arith.constant 0 : i32
      %dma_wait3A_94 = tpu.memref_slice %arg5[%dma_wait3A_93] : memref<10144xf32, #tpu.memory_space<hbm>> -> memref<64xf32, #tpu.memory_space<hbm>>
      tpu.wait_dma2 semaphore(%arg30 : memref<!tpu.dma_semaphore, #tpu.memory_space<semaphore_mem>>) src(%dma_wait3A_94 : memref<64xf32, #tpu.memory_space<hbm>>) dst(%arg24 : memref<64xf32, #tpu.memory_space<vmem>>)
      %scan3A_95 = arith.constant 0 : i32
      %scan3A_96 = arith.constant 0 : i32
      %scan3A_97 = arith.constant 4 : i32
      %scan3A_98 = arith.addi %scan3A_96, %scan3A_97 : i32
      %scan3A_99 = arith.constant 1 : i32
      %scan3A_100 = scf.for %scan3A_233 = %scan3A_96 to %scan3A_98 step %scan3A_99 iter_args(%scan3A_234 = %scan3A_95) -> (i32)  : i32 {
        %mul3A_235 = arith.constant 16 : i32
        %mul3A_236 = arith.muli %scan3A_233, %mul3A_235 : i32
        %get3A = arith.index_cast %mul3A_236 : i32 to index
        %get3A_237 = tpu.vector_load %arg20[%get3A] {strides = array<i32>} : memref<64xf32, #tpu.memory_space<vmem>>, vector<16xf32>,
        %get3A_238 = arith.index_cast %mul3A_236 : i32 to index
        %get3A_239 = tpu.vector_load %arg24[%get3A_238] {strides = array<i32>} : memref<64xf32, #tpu.memory_space<vmem>>, vector<16xf32>,
        %add3A_240 = arith.addf %get3A_237, %get3A_239 : vector<16xf32>
        %neg3A = arith.constant 0.000000e+00 : f32
        %neg3A_241 = vector.broadcast %neg3A : f32 to vector<16xf32>
        %neg3A_242 = arith.subf %neg3A_241, %add3A_240 : vector<16xf32>
        %exp3A = math.exp %neg3A_242 : vector<16xf32>
        %add3A_243 = arith.constant 1.000000e+00 : f32
        %add3A_244 = vector.broadcast %add3A_243 : f32 to vector<16xf32>
        %add3A_245 = arith.addf %add3A_244, %exp3A : vector<16xf32>
        %div3A = arith.constant 1.000000e+00 : f32
        %div3A_246 = vector.broadcast %div3A : f32 to vector<16xf32>
        %div3A_247 = arith.divf %div3A_246, %add3A_245 : vector<16xf32>
        %swap3A = arith.index_cast %mul3A_236 : i32 to index
        %swap3A_248 = tpu.vector_load %arg28[%swap3A] {strides = array<i32>} : memref<64xf32, #tpu.memory_space<vmem>>, vector<16xf32>,
        tpu.vector_store %arg28[%swap3A], %div3A_247 {strides = array<i32>} : memref<64xf32, #tpu.memory_space<vmem>>, vector<16xf32>,
        %scan3A_249 = arith.constant 0 : i32
        scf.yield %scan3A_249 : i32
      }
      %scan3A_101 = arith.constant 4 : i32
      %parallel_loop3A = arith.constant 0 : i32
      %parallel_loop3A_102 = arith.constant 64 : i32
      %parallel_loop3A_103 = arith.constant 1 : i32
      scf.for %parallel_loop3A_233 = %parallel_loop3A to %parallel_loop3A_102 step %parallel_loop3A_103  : i32 {
        %parallel_loop3A_234 = arith.constant 15 : i32
        %parallel_loop3A_235 = arith.constant -1 : i32
        %parallel_loop3A_236 = arith.xori %parallel_loop3A_234, %parallel_loop3A_235 : i32
        %parallel_loop3A_237 = arith.andi %parallel_loop3A_233, %parallel_loop3A_236 : i32
        %parallel_loop3A_238 = arith.constant 15 : i32
        %parallel_loop3A_239 = arith.andi %parallel_loop3A_233, %parallel_loop3A_238 : i32
        %parallel_loop3A_240 = arith.index_cast %parallel_loop3A_237 : i32 to index
        %parallel_loop3A_241 = tpu.vector_load %arg28[%parallel_loop3A_240] {strides = array<i32>} : memref<64xf32, #tpu.memory_space<vmem>>, vector<16xf32>,
        %parallel_loop3A_242 = vector.broadcast %parallel_loop3A_239 : i32 to vector<16xi32>
        %parallel_loop3A_243 = arith.constant 0 : i32
        %parallel_loop3A_244 = vector.broadcast %parallel_loop3A_243 : i32 to vector<16xi32>
        %parallel_loop3A_245 = arith.cmpi slt, %parallel_loop3A_242, %parallel_loop3A_244 : vector<16xi32>
        %parallel_loop3A_246 = arith.constant 16 : i32
        %parallel_loop3A_247 = vector.broadcast %parallel_loop3A_246 : i32 to vector<16xi32>
        %parallel_loop3A_248 = arith.addi %parallel_loop3A_242, %parallel_loop3A_247 : vector<16xi32>
        %parallel_loop3A_249 = arith.select %parallel_loop3A_245, %parallel_loop3A_248, %parallel_loop3A_242 : vector<16xi1>, vector<16xi32>
        %parallel_loop3A_250 = vector.shape_cast %parallel_loop3A_249 : vector<16xi32> to vector<16x1xi32>
        %parallel_loop3A_251 = vector.shape_cast %parallel_loop3A_250 : vector<16x1xi32> to vector<16xi32>
        %parallel_loop3A_252 = tpu.dynamic_gather %parallel_loop3A_241[%parallel_loop3A_251] in [0] : vector<16xf32>, vector<16xi32> -> vector<16xf32>
        %parallel_loop3A_253 = arith.index_cast %parallel_loop3A_233 : i32 to index
        %parallel_loop3A_254 = arith.constant 0 : index
        %parallel_loop3A_255 = tpu.vector_load %arg8[%parallel_loop3A_253, %parallel_loop3A_254] {strides = array<i32>} : memref<64x128xf32, #tpu.memory_space<vmem>>, vector<16xf32>,
        %parallel_loop3A_256 = arith.mulf %parallel_loop3A_255, %parallel_loop3A_252 : vector<16xf32>
        %parallel_loop3A_257 = arith.index_cast %parallel_loop3A_233 : i32 to index
        %parallel_loop3A_258 = arith.constant 0 : index
        %parallel_loop3A_259 = tpu.vector_load %arg8[%parallel_loop3A_257, %parallel_loop3A_258] {strides = array<i32>} : memref<64x128xf32, #tpu.memory_space<vmem>>, vector<16xf32>,
        tpu.vector_store %arg8[%parallel_loop3A_257, %parallel_loop3A_258], %parallel_loop3A_256 {strides = array<i32>} : memref<64x128xf32, #tpu.memory_space<vmem>>, vector<16xf32>,
        %parallel_loop3A_260 = arith.index_cast %parallel_loop3A_233 : i32 to index
        %parallel_loop3A_261 = arith.constant 16 : index
        %parallel_loop3A_262 = tpu.vector_load %arg8[%parallel_loop3A_260, %parallel_loop3A_261] {strides = array<i32>} : memref<64x128xf32, #tpu.memory_space<vmem>>, vector<16xf32>,
        %parallel_loop3A_263 = arith.mulf %parallel_loop3A_262, %parallel_loop3A_252 : vector<16xf32>
        %parallel_loop3A_264 = arith.index_cast %parallel_loop3A_233 : i32 to index
        %parallel_loop3A_265 = arith.constant 16 : index
        %parallel_loop3A_266 = tpu.vector_load %arg8[%parallel_loop3A_264, %parallel_loop3A_265] {strides = array<i32>} : memref<64x128xf32, #tpu.memory_space<vmem>>, vector<16xf32>,
        tpu.vector_store %arg8[%parallel_loop3A_264, %parallel_loop3A_265], %parallel_loop3A_263 {strides = array<i32>} : memref<64x128xf32, #tpu.memory_space<vmem>>, vector<16xf32>,
        %parallel_loop3A_267 = arith.index_cast %parallel_loop3A_233 : i32 to index
        %parallel_loop3A_268 = arith.constant 32 : index
        %parallel_loop3A_269 = tpu.vector_load %arg8[%parallel_loop3A_267, %parallel_loop3A_268] {strides = array<i32>} : memref<64x128xf32, #tpu.memory_space<vmem>>, vector<16xf32>,
        %parallel_loop3A_270 = arith.mulf %parallel_loop3A_269, %parallel_loop3A_252 : vector<16xf32>
        %parallel_loop3A_271 = arith.index_cast %parallel_loop3A_233 : i32 to index
        %parallel_loop3A_272 = arith.constant 32 : index
        %parallel_loop3A_273 = tpu.vector_load %arg8[%parallel_loop3A_271, %parallel_loop3A_272] {strides = array<i32>} : memref<64x128xf32, #tpu.memory_space<vmem>>, vector<16xf32>,
        tpu.vector_store %arg8[%parallel_loop3A_271, %parallel_loop3A_272], %parallel_loop3A_270 {strides = array<i32>} : memref<64x128xf32, #tpu.memory_space<vmem>>, vector<16xf32>,
        %parallel_loop3A_274 = arith.index_cast %parallel_loop3A_233 : i32 to index
        %parallel_loop3A_275 = arith.constant 48 : index
        %parallel_loop3A_276 = tpu.vector_load %arg8[%parallel_loop3A_274, %parallel_loop3A_275] {strides = array<i32>} : memref<64x128xf32, #tpu.memory_space<vmem>>, vector<16xf32>,
        %parallel_loop3A_277 = arith.mulf %parallel_loop3A_276, %parallel_loop3A_252 : vector<16xf32>
        %parallel_loop3A_278 = arith.index_cast %parallel_loop3A_233 : i32 to index
        %parallel_loop3A_279 = arith.constant 48 : index
        %parallel_loop3A_280 = tpu.vector_load %arg8[%parallel_loop3A_278, %parallel_loop3A_279] {strides = array<i32>} : memref<64x128xf32, #tpu.memory_space<vmem>>, vector<16xf32>,
        tpu.vector_store %arg8[%parallel_loop3A_278, %parallel_loop3A_279], %parallel_loop3A_277 {strides = array<i32>} : memref<64x128xf32, #tpu.memory_space<vmem>>, vector<16xf32>,
        %parallel_loop3A_281 = arith.index_cast %parallel_loop3A_233 : i32 to index
        %parallel_loop3A_282 = arith.constant 64 : index
        %parallel_loop3A_283 = tpu.vector_load %arg8[%parallel_loop3A_281, %parallel_loop3A_282] {strides = array<i32>} : memref<64x128xf32, #tpu.memory_space<vmem>>, vector<16xf32>,
        %parallel_loop3A_284 = arith.mulf %parallel_loop3A_283, %parallel_loop3A_252 : vector<16xf32>
        %parallel_loop3A_285 = arith.index_cast %parallel_loop3A_233 : i32 to index
        %parallel_loop3A_286 = arith.constant 64 : index
        %parallel_loop3A_287 = tpu.vector_load %arg8[%parallel_loop3A_285, %parallel_loop3A_286] {strides = array<i32>} : memref<64x128xf32, #tpu.memory_space<vmem>>, vector<16xf32>,
        tpu.vector_store %arg8[%parallel_loop3A_285, %parallel_loop3A_286], %parallel_loop3A_284 {strides = array<i32>} : memref<64x128xf32, #tpu.memory_space<vmem>>, vector<16xf32>,
        %parallel_loop3A_288 = arith.index_cast %parallel_loop3A_233 : i32 to index
        %parallel_loop3A_289 = arith.constant 80 : index
        %parallel_loop3A_290 = tpu.vector_load %arg8[%parallel_loop3A_288, %parallel_loop3A_289] {strides = array<i32>} : memref<64x128xf32, #tpu.memory_space<vmem>>, vector<16xf32>,
        %parallel_loop3A_291 = arith.mulf %parallel_loop3A_290, %parallel_loop3A_252 : vector<16xf32>
        %parallel_loop3A_292 = arith.index_cast %parallel_loop3A_233 : i32 to index
        %parallel_loop3A_293 = arith.constant 80 : index
        %parallel_loop3A_294 = tpu.vector_load %arg8[%parallel_loop3A_292, %parallel_loop3A_293] {strides = array<i32>} : memref<64x128xf32, #tpu.memory_space<vmem>>, vector<16xf32>,
        tpu.vector_store %arg8[%parallel_loop3A_292, %parallel_loop3A_293], %parallel_loop3A_291 {strides = array<i32>} : memref<64x128xf32, #tpu.memory_space<vmem>>, vector<16xf32>,
        %parallel_loop3A_295 = arith.index_cast %parallel_loop3A_233 : i32 to index
        %parallel_loop3A_296 = arith.constant 96 : index
        %parallel_loop3A_297 = tpu.vector_load %arg8[%parallel_loop3A_295, %parallel_loop3A_296] {strides = array<i32>} : memref<64x128xf32, #tpu.memory_space<vmem>>, vector<16xf32>,
        %parallel_loop3A_298 = arith.mulf %parallel_loop3A_297, %parallel_loop3A_252 : vector<16xf32>
        %parallel_loop3A_299 = arith.index_cast %parallel_loop3A_233 : i32 to index
        %parallel_loop3A_300 = arith.constant 96 : index
        %parallel_loop3A_301 = tpu.vector_load %arg8[%parallel_loop3A_299, %parallel_loop3A_300] {strides = array<i32>} : memref<64x128xf32, #tpu.memory_space<vmem>>, vector<16xf32>,
        tpu.vector_store %arg8[%parallel_loop3A_299, %parallel_loop3A_300], %parallel_loop3A_298 {strides = array<i32>} : memref<64x128xf32, #tpu.memory_space<vmem>>, vector<16xf32>,
        %parallel_loop3A_302 = arith.index_cast %parallel_loop3A_233 : i32 to index
        %parallel_loop3A_303 = arith.constant 112 : index
        %parallel_loop3A_304 = tpu.vector_load %arg8[%parallel_loop3A_302, %parallel_loop3A_303] {strides = array<i32>} : memref<64x128xf32, #tpu.memory_space<vmem>>, vector<16xf32>,
        %parallel_loop3A_305 = arith.mulf %parallel_loop3A_304, %parallel_loop3A_252 : vector<16xf32>
        %parallel_loop3A_306 = arith.index_cast %parallel_loop3A_233 : i32 to index
        %parallel_loop3A_307 = arith.constant 112 : index
        %parallel_loop3A_308 = tpu.vector_load %arg8[%parallel_loop3A_306, %parallel_loop3A_307] {strides = array<i32>} : memref<64x128xf32, #tpu.memory_space<vmem>>, vector<16xf32>,
        tpu.vector_store %arg8[%parallel_loop3A_306, %parallel_loop3A_307], %parallel_loop3A_305 {strides = array<i32>} : memref<64x128xf32, #tpu.memory_space<vmem>>, vector<16xf32>,
      } {sc.loop_unroll_factor = 4 : i64, sc.parallel_access}
      %dma_start3A_104 = arith.constant 0 : i32
      %dma_start3A_105 = arith.constant 0 : i32
      %dma_start3A_106 = tpu.memref_slice %arg29[%dma_start3A_104, %dma_start3A_105] : memref<10144x128xf32, #tpu.memory_space<vmem_shared>> -> memref<10144x128xf32, #tpu.memory_space<vmem_shared>>
      tpu.enqueue_indirect_dma source(%arg8 : memref<64x128xf32, #tpu.memory_space<vmem>>) target(%dma_start3A_106 : memref<10144x128xf32, #tpu.memory_space<vmem_shared>>) offsets(%arg16 : memref<64xi32, #tpu.memory_space<vmem>>) semaphore(%arg34 : memref<!tpu.dma_semaphore, #tpu.memory_space<semaphore_mem>>) {add = true}
      %mul3A_107 = arith.constant 4 : i32
      %mul3A_108 = arith.muli %scan3A_67, %mul3A_107 : i32
      %add3A_109 = arith.constant 1 : i32
      %add3A_110 = arith.addi %mul3A_108, %add3A_109 : i32
      %gt3A_111 = arith.constant 0 : i32
      %gt3A_112 = arith.cmpi sgt, %scan3A_67, %gt3A_111 : i32
      %convert_element_type3A_113 = arith.extui %gt3A_112 : i1 to i32
      %cond3A_114 = arith.constant 0 : i32
      %cond3A_115 = arith.cmpi ne, %convert_element_type3A_113, %cond3A_114 : i32
      scf.if %cond3A_115 {
        %dma_wait3A_233 = arith.constant 0 : i32
        %dma_wait3A_234 = arith.constant 0 : i32
        %dma_wait3A_235 = tpu.memref_slice %arg29[%dma_wait3A_233, %dma_wait3A_234] : memref<10144x128xf32, #tpu.memory_space<vmem_shared>> -> memref<10144x128xf32, #tpu.memory_space<vmem_shared>>
        tpu.wait_indirect_dma semaphore(%arg37 : memref<!tpu.dma_semaphore, #tpu.memory_space<semaphore_mem>>) src(%arg11 : memref<64x128xf32, #tpu.memory_space<vmem>>) dst(%dma_wait3A_235 : memref<10144x128xf32, #tpu.memory_space<vmem_shared>>)
      } else {
      }
      %add3A_116 = arith.constant 2 : i32
      %add3A_117 = arith.addi %add3A_110, %add3A_116 : i32
      %lt3A_118 = arith.constant 160 : i32
      %lt3A_119 = arith.cmpi slt, %add3A_117, %lt3A_118 : i32
      %convert_element_type3A_120 = arith.extui %lt3A_119 : i1 to i32
      %cond3A_121 = arith.constant 0 : i32
      %cond3A_122 = arith.cmpi ne, %convert_element_type3A_120, %cond3A_121 : i32
      scf.if %cond3A_122 {
        %add3A_233 = arith.constant 2 : i32
        %add3A_234 = arith.addi %add3A_110, %add3A_233 : i32
        %scan3A_235 = arith.constant 0 : i32
        %scan3A_236 = arith.constant 0 : i32
        %scan3A_237 = arith.constant 4 : i32
        %scan3A_238 = arith.addi %scan3A_236, %scan3A_237 : i32
        %scan3A_239 = arith.constant 1 : i32
        %scan3A_240 = scf.for %scan3A_249 = %scan3A_236 to %scan3A_238 step %scan3A_239 iter_args(%scan3A_250 = %scan3A_235) -> (i32)  : i32 {
          %mul3A_251 = arith.constant 64 : i32
          %mul3A_252 = arith.muli %add3A_234, %mul3A_251 : i32
          %mul3A_253 = arith.constant 16 : i32
          %mul3A_254 = arith.muli %scan3A_249, %mul3A_253 : i32
          %add3A_255 = arith.addi %mul3A_252, %mul3A_254 : i32
          %get3A = arith.index_cast %add3A_255 : i32 to index
          %get3A_256 = tpu.vector_load %arg7[%get3A] {strides = array<i32>} : memref<10240xi32, #tpu.memory_space<vmem>>, vector<16xi32>,
          %and3A = arith.constant 65535 : i32
          %and3A_257 = vector.broadcast %and3A : i32 to vector<16xi32>
          %and3A_258 = arith.andi %get3A_256, %and3A_257 : vector<16xi32>
          %mul3A_259 = arith.constant 16 : i32
          %mul3A_260 = arith.muli %scan3A_249, %mul3A_259 : i32
          %swap3A = arith.index_cast %mul3A_260 : i32 to index
          %swap3A_261 = tpu.vector_load %arg15[%swap3A] {strides = array<i32>} : memref<64xi32, #tpu.memory_space<vmem>>, vector<16xi32>,
          tpu.vector_store %arg15[%swap3A], %and3A_258 {strides = array<i32>} : memref<64xi32, #tpu.memory_space<vmem>>, vector<16xi32>,
          %shift_right_logical3A = arith.constant 16 : i32
          %shift_right_logical3A_262 = vector.broadcast %shift_right_logical3A : i32 to vector<16xi32>
          %shift_right_logical3A_263 = arith.shrui %get3A_256, %shift_right_logical3A_262 : vector<16xi32>
          %mul3A_264 = arith.constant 16 : i32
          %mul3A_265 = arith.muli %scan3A_249, %mul3A_264 : i32
          %swap3A_266 = arith.index_cast %mul3A_265 : i32 to index
          %swap3A_267 = tpu.vector_load %arg19[%swap3A_266] {strides = array<i32>} : memref<64xi32, #tpu.memory_space<vmem>>, vector<16xi32>,
          tpu.vector_store %arg19[%swap3A_266], %shift_right_logical3A_263 {strides = array<i32>} : memref<64xi32, #tpu.memory_space<vmem>>, vector<16xi32>,
          %scan3A_268 = arith.constant 0 : i32
          scf.yield %scan3A_268 : i32
        }
        %scan3A_241 = arith.constant 4 : i32
        %dma_start3A_242 = arith.constant 0 : i32
        %dma_start3A_243 = arith.constant 0 : i32
        %dma_start3A_244 = tpu.memref_slice %arg2[%dma_start3A_242, %dma_start3A_243] : memref<10000x128xf32, #tpu.memory_space<hbm>> -> memref<10000x128xf32, #tpu.memory_space<hbm>>
        tpu.enqueue_indirect_dma source(%dma_start3A_244 : memref<10000x128xf32, #tpu.memory_space<hbm>>) target(%arg11 : memref<64x128xf32, #tpu.memory_space<vmem>>) offsets(%arg15 : memref<64xi32, #tpu.memory_space<vmem>>) semaphore(%arg33 : memref<!tpu.dma_semaphore, #tpu.memory_space<semaphore_mem>>)
        %dma_start3A_245 = arith.constant 0 : i32
        %dma_start3A_246 = tpu.memref_slice %arg4[%dma_start3A_245] : memref<10144xf32, #tpu.memory_space<hbm>> -> memref<10144xf32, #tpu.memory_space<hbm>>
        tpu.enqueue_indirect_dma source(%dma_start3A_246 : memref<10144xf32, #tpu.memory_space<hbm>>) target(%arg23 : memref<64xf32, #tpu.memory_space<vmem>>) offsets(%arg19 : memref<64xi32, #tpu.memory_space<vmem>>) semaphore(%arg33 : memref<!tpu.dma_semaphore, #tpu.memory_space<semaphore_mem>>)
        %dma_start3A_247 = arith.constant 0 : i32
        %dma_start3A_248 = tpu.memref_slice %arg5[%dma_start3A_247] : memref<10144xf32, #tpu.memory_space<hbm>> -> memref<10144xf32, #tpu.memory_space<hbm>>
        tpu.enqueue_indirect_dma source(%dma_start3A_248 : memref<10144xf32, #tpu.memory_space<hbm>>) target(%arg27 : memref<64xf32, #tpu.memory_space<vmem>>) offsets(%arg15 : memref<64xi32, #tpu.memory_space<vmem>>) semaphore(%arg33 : memref<!tpu.dma_semaphore, #tpu.memory_space<semaphore_mem>>)
      } else {
      }
      %dma_wait3A_123 = arith.constant 0 : i32
      %dma_wait3A_124 = arith.constant 0 : i32
      %dma_wait3A_125 = tpu.memref_slice %arg2[%dma_wait3A_123, %dma_wait3A_124] : memref<10000x128xf32, #tpu.memory_space<hbm>> -> memref<64x128xf32, #tpu.memory_space<hbm>>
      %dma_wait3A_126 = arith.constant 0 : i32
      %dma_wait3A_127 = arith.constant 0 : i32
      %dma_wait3A_128 = tpu.memref_slice %arg2[%dma_wait3A_126, %dma_wait3A_127] : memref<10000x128xf32, #tpu.memory_space<hbm>> -> memref<64x128xf32, #tpu.memory_space<hbm>>
      tpu.wait_dma2 semaphore(%arg31 : memref<!tpu.dma_semaphore, #tpu.memory_space<semaphore_mem>>) src(%dma_wait3A_128 : memref<64x128xf32, #tpu.memory_space<hbm>>) dst(%arg9 : memref<64x128xf32, #tpu.memory_space<vmem>>)
      %dma_wait3A_129 = arith.constant 0 : i32
      %dma_wait3A_130 = tpu.memref_slice %arg4[%dma_wait3A_129] : memref<10144xf32, #tpu.memory_space<hbm>> -> memref<64xf32, #tpu.memory_space<hbm>>
      %dma_wait3A_131 = arith.constant 0 : i32
      %dma_wait3A_132 = tpu.memref_slice %arg4[%dma_wait3A_131] : memref<10144xf32, #tpu.memory_space<hbm>> -> memref<64xf32, #tpu.memory_space<hbm>>
      tpu.wait_dma2 semaphore(%arg31 : memref<!tpu.dma_semaphore, #tpu.memory_space<semaphore_mem>>) src(%dma_wait3A_132 : memref<64xf32, #tpu.memory_space<hbm>>) dst(%arg21 : memref<64xf32, #tpu.memory_space<vmem>>)
      %dma_wait3A_133 = arith.constant 0 : i32
      %dma_wait3A_134 = tpu.memref_slice %arg5[%dma_wait3A_133] : memref<10144xf32, #tpu.memory_space<hbm>> -> memref<64xf32, #tpu.memory_space<hbm>>
      %dma_wait3A_135 = arith.constant 0 : i32
      %dma_wait3A_136 = tpu.memref_slice %arg5[%dma_wait3A_135] : memref<10144xf32, #tpu.memory_space<hbm>> -> memref<64xf32, #tpu.memory_space<hbm>>
      tpu.wait_dma2 semaphore(%arg31 : memref<!tpu.dma_semaphore, #tpu.memory_space<semaphore_mem>>) src(%dma_wait3A_136 : memref<64xf32, #tpu.memory_space<hbm>>) dst(%arg25 : memref<64xf32, #tpu.memory_space<vmem>>)
      %scan3A_137 = arith.constant 0 : i32
      %scan3A_138 = arith.constant 0 : i32
      %scan3A_139 = arith.constant 4 : i32
      %scan3A_140 = arith.addi %scan3A_138, %scan3A_139 : i32
      %scan3A_141 = arith.constant 1 : i32
      %scan3A_142 = scf.for %scan3A_233 = %scan3A_138 to %scan3A_140 step %scan3A_141 iter_args(%scan3A_234 = %scan3A_137) -> (i32)  : i32 {
        %mul3A_235 = arith.constant 16 : i32
        %mul3A_236 = arith.muli %scan3A_233, %mul3A_235 : i32
        %get3A = arith.index_cast %mul3A_236 : i32 to index
        %get3A_237 = tpu.vector_load %arg21[%get3A] {strides = array<i32>} : memref<64xf32, #tpu.memory_space<vmem>>, vector<16xf32>,
        %get3A_238 = arith.index_cast %mul3A_236 : i32 to index
        %get3A_239 = tpu.vector_load %arg25[%get3A_238] {strides = array<i32>} : memref<64xf32, #tpu.memory_space<vmem>>, vector<16xf32>,
        %add3A_240 = arith.addf %get3A_237, %get3A_239 : vector<16xf32>
        %neg3A = arith.constant 0.000000e+00 : f32
        %neg3A_241 = vector.broadcast %neg3A : f32 to vector<16xf32>
        %neg3A_242 = arith.subf %neg3A_241, %add3A_240 : vector<16xf32>
        %exp3A = math.exp %neg3A_242 : vector<16xf32>
        %add3A_243 = arith.constant 1.000000e+00 : f32
        %add3A_244 = vector.broadcast %add3A_243 : f32 to vector<16xf32>
        %add3A_245 = arith.addf %add3A_244, %exp3A : vector<16xf32>
        %div3A = arith.constant 1.000000e+00 : f32
        %div3A_246 = vector.broadcast %div3A : f32 to vector<16xf32>
        %div3A_247 = arith.divf %div3A_246, %add3A_245 : vector<16xf32>
        %swap3A = arith.index_cast %mul3A_236 : i32 to index
        %swap3A_248 = tpu.vector_load %arg28[%swap3A] {strides = array<i32>} : memref<64xf32, #tpu.memory_space<vmem>>, vector<16xf32>,
        tpu.vector_store %arg28[%swap3A], %div3A_247 {strides = array<i32>} : memref<64xf32, #tpu.memory_space<vmem>>, vector<16xf32>,
        %scan3A_249 = arith.constant 0 : i32
        scf.yield %scan3A_249 : i32
      }
      %scan3A_143 = arith.constant 4 : i32
      %parallel_loop3A_144 = arith.constant 0 : i32
      %parallel_loop3A_145 = arith.constant 64 : i32
      %parallel_loop3A_146 = arith.constant 1 : i32
      scf.for %parallel_loop3A_233 = %parallel_loop3A_144 to %parallel_loop3A_145 step %parallel_loop3A_146  : i32 {
        %parallel_loop3A_234 = arith.constant 15 : i32
        %parallel_loop3A_235 = arith.constant -1 : i32
        %parallel_loop3A_236 = arith.xori %parallel_loop3A_234, %parallel_loop3A_235 : i32
        %parallel_loop3A_237 = arith.andi %parallel_loop3A_233, %parallel_loop3A_236 : i32
        %parallel_loop3A_238 = arith.constant 15 : i32
        %parallel_loop3A_239 = arith.andi %parallel_loop3A_233, %parallel_loop3A_238 : i32
        %parallel_loop3A_240 = arith.index_cast %parallel_loop3A_237 : i32 to index
        %parallel_loop3A_241 = tpu.vector_load %arg28[%parallel_loop3A_240] {strides = array<i32>} : memref<64xf32, #tpu.memory_space<vmem>>, vector<16xf32>,
        %parallel_loop3A_242 = vector.broadcast %parallel_loop3A_239 : i32 to vector<16xi32>
        %parallel_loop3A_243 = arith.constant 0 : i32
        %parallel_loop3A_244 = vector.broadcast %parallel_loop3A_243 : i32 to vector<16xi32>
        %parallel_loop3A_245 = arith.cmpi slt, %parallel_loop3A_242, %parallel_loop3A_244 : vector<16xi32>
        %parallel_loop3A_246 = arith.constant 16 : i32
        %parallel_loop3A_247 = vector.broadcast %parallel_loop3A_246 : i32 to vector<16xi32>
        %parallel_loop3A_248 = arith.addi %parallel_loop3A_242, %parallel_loop3A_247 : vector<16xi32>
        %parallel_loop3A_249 = arith.select %parallel_loop3A_245, %parallel_loop3A_248, %parallel_loop3A_242 : vector<16xi1>, vector<16xi32>
        %parallel_loop3A_250 = vector.shape_cast %parallel_loop3A_249 : vector<16xi32> to vector<16x1xi32>
        %parallel_loop3A_251 = vector.shape_cast %parallel_loop3A_250 : vector<16x1xi32> to vector<16xi32>
        %parallel_loop3A_252 = tpu.dynamic_gather %parallel_loop3A_241[%parallel_loop3A_251] in [0] : vector<16xf32>, vector<16xi32> -> vector<16xf32>
        %parallel_loop3A_253 = arith.index_cast %parallel_loop3A_233 : i32 to index
        %parallel_loop3A_254 = arith.constant 0 : index
        %parallel_loop3A_255 = tpu.vector_load %arg9[%parallel_loop3A_253, %parallel_loop3A_254] {strides = array<i32>} : memref<64x128xf32, #tpu.memory_space<vmem>>, vector<16xf32>,
        %parallel_loop3A_256 = arith.mulf %parallel_loop3A_255, %parallel_loop3A_252 : vector<16xf32>
        %parallel_loop3A_257 = arith.index_cast %parallel_loop3A_233 : i32 to index
        %parallel_loop3A_258 = arith.constant 0 : index
        %parallel_loop3A_259 = tpu.vector_load %arg9[%parallel_loop3A_257, %parallel_loop3A_258] {strides = array<i32>} : memref<64x128xf32, #tpu.memory_space<vmem>>, vector<16xf32>,
        tpu.vector_store %arg9[%parallel_loop3A_257, %parallel_loop3A_258], %parallel_loop3A_256 {strides = array<i32>} : memref<64x128xf32, #tpu.memory_space<vmem>>, vector<16xf32>,
        %parallel_loop3A_260 = arith.index_cast %parallel_loop3A_233 : i32 to index
        %parallel_loop3A_261 = arith.constant 16 : index
        %parallel_loop3A_262 = tpu.vector_load %arg9[%parallel_loop3A_260, %parallel_loop3A_261] {strides = array<i32>} : memref<64x128xf32, #tpu.memory_space<vmem>>, vector<16xf32>,
        %parallel_loop3A_263 = arith.mulf %parallel_loop3A_262, %parallel_loop3A_252 : vector<16xf32>
        %parallel_loop3A_264 = arith.index_cast %parallel_loop3A_233 : i32 to index
        %parallel_loop3A_265 = arith.constant 16 : index
        %parallel_loop3A_266 = tpu.vector_load %arg9[%parallel_loop3A_264, %parallel_loop3A_265] {strides = array<i32>} : memref<64x128xf32, #tpu.memory_space<vmem>>, vector<16xf32>,
        tpu.vector_store %arg9[%parallel_loop3A_264, %parallel_loop3A_265], %parallel_loop3A_263 {strides = array<i32>} : memref<64x128xf32, #tpu.memory_space<vmem>>, vector<16xf32>,
        %parallel_loop3A_267 = arith.index_cast %parallel_loop3A_233 : i32 to index
        %parallel_loop3A_268 = arith.constant 32 : index
        %parallel_loop3A_269 = tpu.vector_load %arg9[%parallel_loop3A_267, %parallel_loop3A_268] {strides = array<i32>} : memref<64x128xf32, #tpu.memory_space<vmem>>, vector<16xf32>,
        %parallel_loop3A_270 = arith.mulf %parallel_loop3A_269, %parallel_loop3A_252 : vector<16xf32>
        %parallel_loop3A_271 = arith.index_cast %parallel_loop3A_233 : i32 to index
        %parallel_loop3A_272 = arith.constant 32 : index
        %parallel_loop3A_273 = tpu.vector_load %arg9[%parallel_loop3A_271, %parallel_loop3A_272] {strides = array<i32>} : memref<64x128xf32, #tpu.memory_space<vmem>>, vector<16xf32>,
        tpu.vector_store %arg9[%parallel_loop3A_271, %parallel_loop3A_272], %parallel_loop3A_270 {strides = array<i32>} : memref<64x128xf32, #tpu.memory_space<vmem>>, vector<16xf32>,
        %parallel_loop3A_274 = arith.index_cast %parallel_loop3A_233 : i32 to index
        %parallel_loop3A_275 = arith.constant 48 : index
        %parallel_loop3A_276 = tpu.vector_load %arg9[%parallel_loop3A_274, %parallel_loop3A_275] {strides = array<i32>} : memref<64x128xf32, #tpu.memory_space<vmem>>, vector<16xf32>,
        %parallel_loop3A_277 = arith.mulf %parallel_loop3A_276, %parallel_loop3A_252 : vector<16xf32>
        %parallel_loop3A_278 = arith.index_cast %parallel_loop3A_233 : i32 to index
        %parallel_loop3A_279 = arith.constant 48 : index
        %parallel_loop3A_280 = tpu.vector_load %arg9[%parallel_loop3A_278, %parallel_loop3A_279] {strides = array<i32>} : memref<64x128xf32, #tpu.memory_space<vmem>>, vector<16xf32>,
        tpu.vector_store %arg9[%parallel_loop3A_278, %parallel_loop3A_279], %parallel_loop3A_277 {strides = array<i32>} : memref<64x128xf32, #tpu.memory_space<vmem>>, vector<16xf32>,
        %parallel_loop3A_281 = arith.index_cast %parallel_loop3A_233 : i32 to index
        %parallel_loop3A_282 = arith.constant 64 : index
        %parallel_loop3A_283 = tpu.vector_load %arg9[%parallel_loop3A_281, %parallel_loop3A_282] {strides = array<i32>} : memref<64x128xf32, #tpu.memory_space<vmem>>, vector<16xf32>,
        %parallel_loop3A_284 = arith.mulf %parallel_loop3A_283, %parallel_loop3A_252 : vector<16xf32>
        %parallel_loop3A_285 = arith.index_cast %parallel_loop3A_233 : i32 to index
        %parallel_loop3A_286 = arith.constant 64 : index
        %parallel_loop3A_287 = tpu.vector_load %arg9[%parallel_loop3A_285, %parallel_loop3A_286] {strides = array<i32>} : memref<64x128xf32, #tpu.memory_space<vmem>>, vector<16xf32>,
        tpu.vector_store %arg9[%parallel_loop3A_285, %parallel_loop3A_286], %parallel_loop3A_284 {strides = array<i32>} : memref<64x128xf32, #tpu.memory_space<vmem>>, vector<16xf32>,
        %parallel_loop3A_288 = arith.index_cast %parallel_loop3A_233 : i32 to index
        %parallel_loop3A_289 = arith.constant 80 : index
        %parallel_loop3A_290 = tpu.vector_load %arg9[%parallel_loop3A_288, %parallel_loop3A_289] {strides = array<i32>} : memref<64x128xf32, #tpu.memory_space<vmem>>, vector<16xf32>,
        %parallel_loop3A_291 = arith.mulf %parallel_loop3A_290, %parallel_loop3A_252 : vector<16xf32>
        %parallel_loop3A_292 = arith.index_cast %parallel_loop3A_233 : i32 to index
        %parallel_loop3A_293 = arith.constant 80 : index
        %parallel_loop3A_294 = tpu.vector_load %arg9[%parallel_loop3A_292, %parallel_loop3A_293] {strides = array<i32>} : memref<64x128xf32, #tpu.memory_space<vmem>>, vector<16xf32>,
        tpu.vector_store %arg9[%parallel_loop3A_292, %parallel_loop3A_293], %parallel_loop3A_291 {strides = array<i32>} : memref<64x128xf32, #tpu.memory_space<vmem>>, vector<16xf32>,
        %parallel_loop3A_295 = arith.index_cast %parallel_loop3A_233 : i32 to index
        %parallel_loop3A_296 = arith.constant 96 : index
        %parallel_loop3A_297 = tpu.vector_load %arg9[%parallel_loop3A_295, %parallel_loop3A_296] {strides = array<i32>} : memref<64x128xf32, #tpu.memory_space<vmem>>, vector<16xf32>,
        %parallel_loop3A_298 = arith.mulf %parallel_loop3A_297, %parallel_loop3A_252 : vector<16xf32>
        %parallel_loop3A_299 = arith.index_cast %parallel_loop3A_233 : i32 to index
        %parallel_loop3A_300 = arith.constant 96 : index
        %parallel_loop3A_301 = tpu.vector_load %arg9[%parallel_loop3A_299, %parallel_loop3A_300] {strides = array<i32>} : memref<64x128xf32, #tpu.memory_space<vmem>>, vector<16xf32>,
        tpu.vector_store %arg9[%parallel_loop3A_299, %parallel_loop3A_300], %parallel_loop3A_298 {strides = array<i32>} : memref<64x128xf32, #tpu.memory_space<vmem>>, vector<16xf32>,
        %parallel_loop3A_302 = arith.index_cast %parallel_loop3A_233 : i32 to index
        %parallel_loop3A_303 = arith.constant 112 : index
        %parallel_loop3A_304 = tpu.vector_load %arg9[%parallel_loop3A_302, %parallel_loop3A_303] {strides = array<i32>} : memref<64x128xf32, #tpu.memory_space<vmem>>, vector<16xf32>,
        %parallel_loop3A_305 = arith.mulf %parallel_loop3A_304, %parallel_loop3A_252 : vector<16xf32>
        %parallel_loop3A_306 = arith.index_cast %parallel_loop3A_233 : i32 to index
        %parallel_loop3A_307 = arith.constant 112 : index
        %parallel_loop3A_308 = tpu.vector_load %arg9[%parallel_loop3A_306, %parallel_loop3A_307] {strides = array<i32>} : memref<64x128xf32, #tpu.memory_space<vmem>>, vector<16xf32>,
        tpu.vector_store %arg9[%parallel_loop3A_306, %parallel_loop3A_307], %parallel_loop3A_305 {strides = array<i32>} : memref<64x128xf32, #tpu.memory_space<vmem>>, vector<16xf32>,
      } {sc.loop_unroll_factor = 4 : i64, sc.parallel_access}
      %dma_start3A_147 = arith.constant 0 : i32
      %dma_start3A_148 = arith.constant 0 : i32
      %dma_start3A_149 = tpu.memref_slice %arg29[%dma_start3A_147, %dma_start3A_148] : memref<10144x128xf32, #tpu.memory_space<vmem_shared>> -> memref<10144x128xf32, #tpu.memory_space<vmem_shared>>
      tpu.enqueue_indirect_dma source(%arg9 : memref<64x128xf32, #tpu.memory_space<vmem>>) target(%dma_start3A_149 : memref<10144x128xf32, #tpu.memory_space<vmem_shared>>) offsets(%arg17 : memref<64xi32, #tpu.memory_space<vmem>>) semaphore(%arg35 : memref<!tpu.dma_semaphore, #tpu.memory_space<semaphore_mem>>) {add = true}
      %mul3A_150 = arith.constant 4 : i32
      %mul3A_151 = arith.muli %scan3A_67, %mul3A_150 : i32
      %add3A_152 = arith.constant 2 : i32
      %add3A_153 = arith.addi %mul3A_151, %add3A_152 : i32
      %dma_wait3A_154 = arith.constant 0 : i32
      %dma_wait3A_155 = arith.constant 0 : i32
      %dma_wait3A_156 = tpu.memref_slice %arg29[%dma_wait3A_154, %dma_wait3A_155] : memref<10144x128xf32, #tpu.memory_space<vmem_shared>> -> memref<10144x128xf32, #tpu.memory_space<vmem_shared>>
      tpu.wait_indirect_dma semaphore(%arg34 : memref<!tpu.dma_semaphore, #tpu.memory_space<semaphore_mem>>) src(%arg8 : memref<64x128xf32, #tpu.memory_space<vmem>>) dst(%dma_wait3A_156 : memref<10144x128xf32, #tpu.memory_space<vmem_shared>>)
      %add3A_157 = arith.constant 2 : i32
      %add3A_158 = arith.addi %add3A_153, %add3A_157 : i32
      %lt3A_159 = arith.constant 160 : i32
      %lt3A_160 = arith.cmpi slt, %add3A_158, %lt3A_159 : i32
      %convert_element_type3A_161 = arith.extui %lt3A_160 : i1 to i32
      %cond3A_162 = arith.constant 0 : i32
      %cond3A_163 = arith.cmpi ne, %convert_element_type3A_161, %cond3A_162 : i32
      scf.if %cond3A_163 {
        %add3A_233 = arith.constant 2 : i32
        %add3A_234 = arith.addi %add3A_153, %add3A_233 : i32
        %scan3A_235 = arith.constant 0 : i32
        %scan3A_236 = arith.constant 0 : i32
        %scan3A_237 = arith.constant 4 : i32
        %scan3A_238 = arith.addi %scan3A_236, %scan3A_237 : i32
        %scan3A_239 = arith.constant 1 : i32
        %scan3A_240 = scf.for %scan3A_249 = %scan3A_236 to %scan3A_238 step %scan3A_239 iter_args(%scan3A_250 = %scan3A_235) -> (i32)  : i32 {
          %mul3A_251 = arith.constant 64 : i32
          %mul3A_252 = arith.muli %add3A_234, %mul3A_251 : i32
          %mul3A_253 = arith.constant 16 : i32
          %mul3A_254 = arith.muli %scan3A_249, %mul3A_253 : i32
          %add3A_255 = arith.addi %mul3A_252, %mul3A_254 : i32
          %get3A = arith.index_cast %add3A_255 : i32 to index
          %get3A_256 = tpu.vector_load %arg7[%get3A] {strides = array<i32>} : memref<10240xi32, #tpu.memory_space<vmem>>, vector<16xi32>,
          %and3A = arith.constant 65535 : i32
          %and3A_257 = vector.broadcast %and3A : i32 to vector<16xi32>
          %and3A_258 = arith.andi %get3A_256, %and3A_257 : vector<16xi32>
          %mul3A_259 = arith.constant 16 : i32
          %mul3A_260 = arith.muli %scan3A_249, %mul3A_259 : i32
          %swap3A = arith.index_cast %mul3A_260 : i32 to index
          %swap3A_261 = tpu.vector_load %arg12[%swap3A] {strides = array<i32>} : memref<64xi32, #tpu.memory_space<vmem>>, vector<16xi32>,
          tpu.vector_store %arg12[%swap3A], %and3A_258 {strides = array<i32>} : memref<64xi32, #tpu.memory_space<vmem>>, vector<16xi32>,
          %shift_right_logical3A = arith.constant 16 : i32
          %shift_right_logical3A_262 = vector.broadcast %shift_right_logical3A : i32 to vector<16xi32>
          %shift_right_logical3A_263 = arith.shrui %get3A_256, %shift_right_logical3A_262 : vector<16xi32>
          %mul3A_264 = arith.constant 16 : i32
          %mul3A_265 = arith.muli %scan3A_249, %mul3A_264 : i32
          %swap3A_266 = arith.index_cast %mul3A_265 : i32 to index
          %swap3A_267 = tpu.vector_load %arg16[%swap3A_266] {strides = array<i32>} : memref<64xi32, #tpu.memory_space<vmem>>, vector<16xi32>,
          tpu.vector_store %arg16[%swap3A_266], %shift_right_logical3A_263 {strides = array<i32>} : memref<64xi32, #tpu.memory_space<vmem>>, vector<16xi32>,
          %scan3A_268 = arith.constant 0 : i32
          scf.yield %scan3A_268 : i32
        }
        %scan3A_241 = arith.constant 4 : i32
        %dma_start3A_242 = arith.constant 0 : i32
        %dma_start3A_243 = arith.constant 0 : i32
        %dma_start3A_244 = tpu.memref_slice %arg2[%dma_start3A_242, %dma_start3A_243] : memref<10000x128xf32, #tpu.memory_space<hbm>> -> memref<10000x128xf32, #tpu.memory_space<hbm>>
        tpu.enqueue_indirect_dma source(%dma_start3A_244 : memref<10000x128xf32, #tpu.memory_space<hbm>>) target(%arg8 : memref<64x128xf32, #tpu.memory_space<vmem>>) offsets(%arg12 : memref<64xi32, #tpu.memory_space<vmem>>) semaphore(%arg30 : memref<!tpu.dma_semaphore, #tpu.memory_space<semaphore_mem>>)
        %dma_start3A_245 = arith.constant 0 : i32
        %dma_start3A_246 = tpu.memref_slice %arg4[%dma_start3A_245] : memref<10144xf32, #tpu.memory_space<hbm>> -> memref<10144xf32, #tpu.memory_space<hbm>>
        tpu.enqueue_indirect_dma source(%dma_start3A_246 : memref<10144xf32, #tpu.memory_space<hbm>>) target(%arg20 : memref<64xf32, #tpu.memory_space<vmem>>) offsets(%arg16 : memref<64xi32, #tpu.memory_space<vmem>>) semaphore(%arg30 : memref<!tpu.dma_semaphore, #tpu.memory_space<semaphore_mem>>)
        %dma_start3A_247 = arith.constant 0 : i32
        %dma_start3A_248 = tpu.memref_slice %arg5[%dma_start3A_247] : memref<10144xf32, #tpu.memory_space<hbm>> -> memref<10144xf32, #tpu.memory_space<hbm>>
        tpu.enqueue_indirect_dma source(%dma_start3A_248 : memref<10144xf32, #tpu.memory_space<hbm>>) target(%arg24 : memref<64xf32, #tpu.memory_space<vmem>>) offsets(%arg12 : memref<64xi32, #tpu.memory_space<vmem>>) semaphore(%arg30 : memref<!tpu.dma_semaphore, #tpu.memory_space<semaphore_mem>>)
      } else {
      }
      %dma_wait3A_164 = arith.constant 0 : i32
      %dma_wait3A_165 = arith.constant 0 : i32
      %dma_wait3A_166 = tpu.memref_slice %arg2[%dma_wait3A_164, %dma_wait3A_165] : memref<10000x128xf32, #tpu.memory_space<hbm>> -> memref<64x128xf32, #tpu.memory_space<hbm>>
      %dma_wait3A_167 = arith.constant 0 : i32
      %dma_wait3A_168 = arith.constant 0 : i32
      %dma_wait3A_169 = tpu.memref_slice %arg2[%dma_wait3A_167, %dma_wait3A_168] : memref<10000x128xf32, #tpu.memory_space<hbm>> -> memref<64x128xf32, #tpu.memory_space<hbm>>
      tpu.wait_dma2 semaphore(%arg32 : memref<!tpu.dma_semaphore, #tpu.memory_space<semaphore_mem>>) src(%dma_wait3A_169 : memref<64x128xf32, #tpu.memory_space<hbm>>) dst(%arg10 : memref<64x128xf32, #tpu.memory_space<vmem>>)
      %dma_wait3A_170 = arith.constant 0 : i32
      %dma_wait3A_171 = tpu.memref_slice %arg4[%dma_wait3A_170] : memref<10144xf32, #tpu.memory_space<hbm>> -> memref<64xf32, #tpu.memory_space<hbm>>
      %dma_wait3A_172 = arith.constant 0 : i32
      %dma_wait3A_173 = tpu.memref_slice %arg4[%dma_wait3A_172] : memref<10144xf32, #tpu.memory_space<hbm>> -> memref<64xf32, #tpu.memory_space<hbm>>
      tpu.wait_dma2 semaphore(%arg32 : memref<!tpu.dma_semaphore, #tpu.memory_space<semaphore_mem>>) src(%dma_wait3A_173 : memref<64xf32, #tpu.memory_space<hbm>>) dst(%arg22 : memref<64xf32, #tpu.memory_space<vmem>>)
      %dma_wait3A_174 = arith.constant 0 : i32
      %dma_wait3A_175 = tpu.memref_slice %arg5[%dma_wait3A_174] : memref<10144xf32, #tpu.memory_space<hbm>> -> memref<64xf32, #tpu.memory_space<hbm>>
      %dma_wait3A_176 = arith.constant 0 : i32
      %dma_wait3A_177 = tpu.memref_slice %arg5[%dma_wait3A_176] : memref<10144xf32, #tpu.memory_space<hbm>> -> memref<64xf32, #tpu.memory_space<hbm>>
      tpu.wait_dma2 semaphore(%arg32 : memref<!tpu.dma_semaphore, #tpu.memory_space<semaphore_mem>>) src(%dma_wait3A_177 : memref<64xf32, #tpu.memory_space<hbm>>) dst(%arg26 : memref<64xf32, #tpu.memory_space<vmem>>)
      %scan3A_178 = arith.constant 0 : i32
      %scan3A_179 = arith.constant 0 : i32
      %scan3A_180 = arith.constant 4 : i32
      %scan3A_181 = arith.addi %scan3A_179, %scan3A_180 : i32
      %scan3A_182 = arith.constant 1 : i32
      %scan3A_183 = scf.for %scan3A_233 = %scan3A_179 to %scan3A_181 step %scan3A_182 iter_args(%scan3A_234 = %scan3A_178) -> (i32)  : i32 {
        %mul3A_235 = arith.constant 16 : i32
        %mul3A_236 = arith.muli %scan3A_233, %mul3A_235 : i32
        %get3A = arith.index_cast %mul3A_236 : i32 to index
        %get3A_237 = tpu.vector_load %arg22[%get3A] {strides = array<i32>} : memref<64xf32, #tpu.memory_space<vmem>>, vector<16xf32>,
        %get3A_238 = arith.index_cast %mul3A_236 : i32 to index
        %get3A_239 = tpu.vector_load %arg26[%get3A_238] {strides = array<i32>} : memref<64xf32, #tpu.memory_space<vmem>>, vector<16xf32>,
        %add3A_240 = arith.addf %get3A_237, %get3A_239 : vector<16xf32>
        %neg3A = arith.constant 0.000000e+00 : f32
        %neg3A_241 = vector.broadcast %neg3A : f32 to vector<16xf32>
        %neg3A_242 = arith.subf %neg3A_241, %add3A_240 : vector<16xf32>
        %exp3A = math.exp %neg3A_242 : vector<16xf32>
        %add3A_243 = arith.constant 1.000000e+00 : f32
        %add3A_244 = vector.broadcast %add3A_243 : f32 to vector<16xf32>
        %add3A_245 = arith.addf %add3A_244, %exp3A : vector<16xf32>
        %div3A = arith.constant 1.000000e+00 : f32
        %div3A_246 = vector.broadcast %div3A : f32 to vector<16xf32>
        %div3A_247 = arith.divf %div3A_246, %add3A_245 : vector<16xf32>
        %swap3A = arith.index_cast %mul3A_236 : i32 to index
        %swap3A_248 = tpu.vector_load %arg28[%swap3A] {strides = array<i32>} : memref<64xf32, #tpu.memory_space<vmem>>, vector<16xf32>,
        tpu.vector_store %arg28[%swap3A], %div3A_247 {strides = array<i32>} : memref<64xf32, #tpu.memory_space<vmem>>, vector<16xf32>,
        %scan3A_249 = arith.constant 0 : i32
        scf.yield %scan3A_249 : i32
      }
      %scan3A_184 = arith.constant 4 : i32
      %parallel_loop3A_185 = arith.constant 0 : i32
      %parallel_loop3A_186 = arith.constant 64 : i32
      %parallel_loop3A_187 = arith.constant 1 : i32
      scf.for %parallel_loop3A_233 = %parallel_loop3A_185 to %parallel_loop3A_186 step %parallel_loop3A_187  : i32 {
        %parallel_loop3A_234 = arith.constant 15 : i32
        %parallel_loop3A_235 = arith.constant -1 : i32
        %parallel_loop3A_236 = arith.xori %parallel_loop3A_234, %parallel_loop3A_235 : i32
        %parallel_loop3A_237 = arith.andi %parallel_loop3A_233, %parallel_loop3A_236 : i32
        %parallel_loop3A_238 = arith.constant 15 : i32
        %parallel_loop3A_239 = arith.andi %parallel_loop3A_233, %parallel_loop3A_238 : i32
        %parallel_loop3A_240 = arith.index_cast %parallel_loop3A_237 : i32 to index
        %parallel_loop3A_241 = tpu.vector_load %arg28[%parallel_loop3A_240] {strides = array<i32>} : memref<64xf32, #tpu.memory_space<vmem>>, vector<16xf32>,
        %parallel_loop3A_242 = vector.broadcast %parallel_loop3A_239 : i32 to vector<16xi32>
        %parallel_loop3A_243 = arith.constant 0 : i32
        %parallel_loop3A_244 = vector.broadcast %parallel_loop3A_243 : i32 to vector<16xi32>
        %parallel_loop3A_245 = arith.cmpi slt, %parallel_loop3A_242, %parallel_loop3A_244 : vector<16xi32>
        %parallel_loop3A_246 = arith.constant 16 : i32
        %parallel_loop3A_247 = vector.broadcast %parallel_loop3A_246 : i32 to vector<16xi32>
        %parallel_loop3A_248 = arith.addi %parallel_loop3A_242, %parallel_loop3A_247 : vector<16xi32>
        %parallel_loop3A_249 = arith.select %parallel_loop3A_245, %parallel_loop3A_248, %parallel_loop3A_242 : vector<16xi1>, vector<16xi32>
        %parallel_loop3A_250 = vector.shape_cast %parallel_loop3A_249 : vector<16xi32> to vector<16x1xi32>
        %parallel_loop3A_251 = vector.shape_cast %parallel_loop3A_250 : vector<16x1xi32> to vector<16xi32>
        %parallel_loop3A_252 = tpu.dynamic_gather %parallel_loop3A_241[%parallel_loop3A_251] in [0] : vector<16xf32>, vector<16xi32> -> vector<16xf32>
        %parallel_loop3A_253 = arith.index_cast %parallel_loop3A_233 : i32 to index
        %parallel_loop3A_254 = arith.constant 0 : index
        %parallel_loop3A_255 = tpu.vector_load %arg10[%parallel_loop3A_253, %parallel_loop3A_254] {strides = array<i32>} : memref<64x128xf32, #tpu.memory_space<vmem>>, vector<16xf32>,
        %parallel_loop3A_256 = arith.mulf %parallel_loop3A_255, %parallel_loop3A_252 : vector<16xf32>
        %parallel_loop3A_257 = arith.index_cast %parallel_loop3A_233 : i32 to index
        %parallel_loop3A_258 = arith.constant 0 : index
        %parallel_loop3A_259 = tpu.vector_load %arg10[%parallel_loop3A_257, %parallel_loop3A_258] {strides = array<i32>} : memref<64x128xf32, #tpu.memory_space<vmem>>, vector<16xf32>,
        tpu.vector_store %arg10[%parallel_loop3A_257, %parallel_loop3A_258], %parallel_loop3A_256 {strides = array<i32>} : memref<64x128xf32, #tpu.memory_space<vmem>>, vector<16xf32>,
        %parallel_loop3A_260 = arith.index_cast %parallel_loop3A_233 : i32 to index
        %parallel_loop3A_261 = arith.constant 16 : index
        %parallel_loop3A_262 = tpu.vector_load %arg10[%parallel_loop3A_260, %parallel_loop3A_261] {strides = array<i32>} : memref<64x128xf32, #tpu.memory_space<vmem>>, vector<16xf32>,
        %parallel_loop3A_263 = arith.mulf %parallel_loop3A_262, %parallel_loop3A_252 : vector<16xf32>
        %parallel_loop3A_264 = arith.index_cast %parallel_loop3A_233 : i32 to index
        %parallel_loop3A_265 = arith.constant 16 : index
        %parallel_loop3A_266 = tpu.vector_load %arg10[%parallel_loop3A_264, %parallel_loop3A_265] {strides = array<i32>} : memref<64x128xf32, #tpu.memory_space<vmem>>, vector<16xf32>,
        tpu.vector_store %arg10[%parallel_loop3A_264, %parallel_loop3A_265], %parallel_loop3A_263 {strides = array<i32>} : memref<64x128xf32, #tpu.memory_space<vmem>>, vector<16xf32>,
        %parallel_loop3A_267 = arith.index_cast %parallel_loop3A_233 : i32 to index
        %parallel_loop3A_268 = arith.constant 32 : index
        %parallel_loop3A_269 = tpu.vector_load %arg10[%parallel_loop3A_267, %parallel_loop3A_268] {strides = array<i32>} : memref<64x128xf32, #tpu.memory_space<vmem>>, vector<16xf32>,
        %parallel_loop3A_270 = arith.mulf %parallel_loop3A_269, %parallel_loop3A_252 : vector<16xf32>
        %parallel_loop3A_271 = arith.index_cast %parallel_loop3A_233 : i32 to index
        %parallel_loop3A_272 = arith.constant 32 : index
        %parallel_loop3A_273 = tpu.vector_load %arg10[%parallel_loop3A_271, %parallel_loop3A_272] {strides = array<i32>} : memref<64x128xf32, #tpu.memory_space<vmem>>, vector<16xf32>,
        tpu.vector_store %arg10[%parallel_loop3A_271, %parallel_loop3A_272], %parallel_loop3A_270 {strides = array<i32>} : memref<64x128xf32, #tpu.memory_space<vmem>>, vector<16xf32>,
        %parallel_loop3A_274 = arith.index_cast %parallel_loop3A_233 : i32 to index
        %parallel_loop3A_275 = arith.constant 48 : index
        %parallel_loop3A_276 = tpu.vector_load %arg10[%parallel_loop3A_274, %parallel_loop3A_275] {strides = array<i32>} : memref<64x128xf32, #tpu.memory_space<vmem>>, vector<16xf32>,
        %parallel_loop3A_277 = arith.mulf %parallel_loop3A_276, %parallel_loop3A_252 : vector<16xf32>
        %parallel_loop3A_278 = arith.index_cast %parallel_loop3A_233 : i32 to index
        %parallel_loop3A_279 = arith.constant 48 : index
        %parallel_loop3A_280 = tpu.vector_load %arg10[%parallel_loop3A_278, %parallel_loop3A_279] {strides = array<i32>} : memref<64x128xf32, #tpu.memory_space<vmem>>, vector<16xf32>,
        tpu.vector_store %arg10[%parallel_loop3A_278, %parallel_loop3A_279], %parallel_loop3A_277 {strides = array<i32>} : memref<64x128xf32, #tpu.memory_space<vmem>>, vector<16xf32>,
        %parallel_loop3A_281 = arith.index_cast %parallel_loop3A_233 : i32 to index
        %parallel_loop3A_282 = arith.constant 64 : index
        %parallel_loop3A_283 = tpu.vector_load %arg10[%parallel_loop3A_281, %parallel_loop3A_282] {strides = array<i32>} : memref<64x128xf32, #tpu.memory_space<vmem>>, vector<16xf32>,
        %parallel_loop3A_284 = arith.mulf %parallel_loop3A_283, %parallel_loop3A_252 : vector<16xf32>
        %parallel_loop3A_285 = arith.index_cast %parallel_loop3A_233 : i32 to index
        %parallel_loop3A_286 = arith.constant 64 : index
        %parallel_loop3A_287 = tpu.vector_load %arg10[%parallel_loop3A_285, %parallel_loop3A_286] {strides = array<i32>} : memref<64x128xf32, #tpu.memory_space<vmem>>, vector<16xf32>,
        tpu.vector_store %arg10[%parallel_loop3A_285, %parallel_loop3A_286], %parallel_loop3A_284 {strides = array<i32>} : memref<64x128xf32, #tpu.memory_space<vmem>>, vector<16xf32>,
        %parallel_loop3A_288 = arith.index_cast %parallel_loop3A_233 : i32 to index
        %parallel_loop3A_289 = arith.constant 80 : index
        %parallel_loop3A_290 = tpu.vector_load %arg10[%parallel_loop3A_288, %parallel_loop3A_289] {strides = array<i32>} : memref<64x128xf32, #tpu.memory_space<vmem>>, vector<16xf32>,
        %parallel_loop3A_291 = arith.mulf %parallel_loop3A_290, %parallel_loop3A_252 : vector<16xf32>
        %parallel_loop3A_292 = arith.index_cast %parallel_loop3A_233 : i32 to index
        %parallel_loop3A_293 = arith.constant 80 : index
        %parallel_loop3A_294 = tpu.vector_load %arg10[%parallel_loop3A_292, %parallel_loop3A_293] {strides = array<i32>} : memref<64x128xf32, #tpu.memory_space<vmem>>, vector<16xf32>,
        tpu.vector_store %arg10[%parallel_loop3A_292, %parallel_loop3A_293], %parallel_loop3A_291 {strides = array<i32>} : memref<64x128xf32, #tpu.memory_space<vmem>>, vector<16xf32>,
        %parallel_loop3A_295 = arith.index_cast %parallel_loop3A_233 : i32 to index
        %parallel_loop3A_296 = arith.constant 96 : index
        %parallel_loop3A_297 = tpu.vector_load %arg10[%parallel_loop3A_295, %parallel_loop3A_296] {strides = array<i32>} : memref<64x128xf32, #tpu.memory_space<vmem>>, vector<16xf32>,
        %parallel_loop3A_298 = arith.mulf %parallel_loop3A_297, %parallel_loop3A_252 : vector<16xf32>
        %parallel_loop3A_299 = arith.index_cast %parallel_loop3A_233 : i32 to index
        %parallel_loop3A_300 = arith.constant 96 : index
        %parallel_loop3A_301 = tpu.vector_load %arg10[%parallel_loop3A_299, %parallel_loop3A_300] {strides = array<i32>} : memref<64x128xf32, #tpu.memory_space<vmem>>, vector<16xf32>,
        tpu.vector_store %arg10[%parallel_loop3A_299, %parallel_loop3A_300], %parallel_loop3A_298 {strides = array<i32>} : memref<64x128xf32, #tpu.memory_space<vmem>>, vector<16xf32>,
        %parallel_loop3A_302 = arith.index_cast %parallel_loop3A_233 : i32 to index
        %parallel_loop3A_303 = arith.constant 112 : index
        %parallel_loop3A_304 = tpu.vector_load %arg10[%parallel_loop3A_302, %parallel_loop3A_303] {strides = array<i32>} : memref<64x128xf32, #tpu.memory_space<vmem>>, vector<16xf32>,
        %parallel_loop3A_305 = arith.mulf %parallel_loop3A_304, %parallel_loop3A_252 : vector<16xf32>
        %parallel_loop3A_306 = arith.index_cast %parallel_loop3A_233 : i32 to index
        %parallel_loop3A_307 = arith.constant 112 : index
        %parallel_loop3A_308 = tpu.vector_load %arg10[%parallel_loop3A_306, %parallel_loop3A_307] {strides = array<i32>} : memref<64x128xf32, #tpu.memory_space<vmem>>, vector<16xf32>,
        tpu.vector_store %arg10[%parallel_loop3A_306, %parallel_loop3A_307], %parallel_loop3A_305 {strides = array<i32>} : memref<64x128xf32, #tpu.memory_space<vmem>>, vector<16xf32>,
      } {sc.loop_unroll_factor = 4 : i64, sc.parallel_access}
      %dma_start3A_188 = arith.constant 0 : i32
      %dma_start3A_189 = arith.constant 0 : i32
      %dma_start3A_190 = tpu.memref_slice %arg29[%dma_start3A_188, %dma_start3A_189] : memref<10144x128xf32, #tpu.memory_space<vmem_shared>> -> memref<10144x128xf32, #tpu.memory_space<vmem_shared>>
      tpu.enqueue_indirect_dma source(%arg10 : memref<64x128xf32, #tpu.memory_space<vmem>>) target(%dma_start3A_190 : memref<10144x128xf32, #tpu.memory_space<vmem_shared>>) offsets(%arg18 : memref<64xi32, #tpu.memory_space<vmem>>) semaphore(%arg36 : memref<!tpu.dma_semaphore, #tpu.memory_space<semaphore_mem>>) {add = true}
      %mul3A_191 = arith.constant 4 : i32
      %mul3A_192 = arith.muli %scan3A_67, %mul3A_191 : i32
      %add3A_193 = arith.constant 3 : i32
      %add3A_194 = arith.addi %mul3A_192, %add3A_193 : i32
      %dma_wait3A_195 = arith.constant 0 : i32
      %dma_wait3A_196 = arith.constant 0 : i32
      %dma_wait3A_197 = tpu.memref_slice %arg29[%dma_wait3A_195, %dma_wait3A_196] : memref<10144x128xf32, #tpu.memory_space<vmem_shared>> -> memref<10144x128xf32, #tpu.memory_space<vmem_shared>>
      tpu.wait_indirect_dma semaphore(%arg35 : memref<!tpu.dma_semaphore, #tpu.memory_space<semaphore_mem>>) src(%arg9 : memref<64x128xf32, #tpu.memory_space<vmem>>) dst(%dma_wait3A_197 : memref<10144x128xf32, #tpu.memory_space<vmem_shared>>)
      %add3A_198 = arith.constant 2 : i32
      %add3A_199 = arith.addi %add3A_194, %add3A_198 : i32
      %lt3A_200 = arith.constant 160 : i32
      %lt3A_201 = arith.cmpi slt, %add3A_199, %lt3A_200 : i32
      %convert_element_type3A_202 = arith.extui %lt3A_201 : i1 to i32
      %cond3A_203 = arith.constant 0 : i32
      %cond3A_204 = arith.cmpi ne, %convert_element_type3A_202, %cond3A_203 : i32
      scf.if %cond3A_204 {
        %add3A_233 = arith.constant 2 : i32
        %add3A_234 = arith.addi %add3A_194, %add3A_233 : i32
        %scan3A_235 = arith.constant 0 : i32
        %scan3A_236 = arith.constant 0 : i32
        %scan3A_237 = arith.constant 4 : i32
        %scan3A_238 = arith.addi %scan3A_236, %scan3A_237 : i32
        %scan3A_239 = arith.constant 1 : i32
        %scan3A_240 = scf.for %scan3A_249 = %scan3A_236 to %scan3A_238 step %scan3A_239 iter_args(%scan3A_250 = %scan3A_235) -> (i32)  : i32 {
          %mul3A_251 = arith.constant 64 : i32
          %mul3A_252 = arith.muli %add3A_234, %mul3A_251 : i32
          %mul3A_253 = arith.constant 16 : i32
          %mul3A_254 = arith.muli %scan3A_249, %mul3A_253 : i32
          %add3A_255 = arith.addi %mul3A_252, %mul3A_254 : i32
          %get3A = arith.index_cast %add3A_255 : i32 to index
          %get3A_256 = tpu.vector_load %arg7[%get3A] {strides = array<i32>} : memref<10240xi32, #tpu.memory_space<vmem>>, vector<16xi32>,
          %and3A = arith.constant 65535 : i32
          %and3A_257 = vector.broadcast %and3A : i32 to vector<16xi32>
          %and3A_258 = arith.andi %get3A_256, %and3A_257 : vector<16xi32>
          %mul3A_259 = arith.constant 16 : i32
          %mul3A_260 = arith.muli %scan3A_249, %mul3A_259 : i32
          %swap3A = arith.index_cast %mul3A_260 : i32 to index
          %swap3A_261 = tpu.vector_load %arg13[%swap3A] {strides = array<i32>} : memref<64xi32, #tpu.memory_space<vmem>>, vector<16xi32>,
          tpu.vector_store %arg13[%swap3A], %and3A_258 {strides = array<i32>} : memref<64xi32, #tpu.memory_space<vmem>>, vector<16xi32>,
          %shift_right_logical3A = arith.constant 16 : i32
          %shift_right_logical3A_262 = vector.broadcast %shift_right_logical3A : i32 to vector<16xi32>
          %shift_right_logical3A_263 = arith.shrui %get3A_256, %shift_right_logical3A_262 : vector<16xi32>
          %mul3A_264 = arith.constant 16 : i32
          %mul3A_265 = arith.muli %scan3A_249, %mul3A_264 : i32
          %swap3A_266 = arith.index_cast %mul3A_265 : i32 to index
          %swap3A_267 = tpu.vector_load %arg17[%swap3A_266] {strides = array<i32>} : memref<64xi32, #tpu.memory_space<vmem>>, vector<16xi32>,
          tpu.vector_store %arg17[%swap3A_266], %shift_right_logical3A_263 {strides = array<i32>} : memref<64xi32, #tpu.memory_space<vmem>>, vector<16xi32>,
          %scan3A_268 = arith.constant 0 : i32
          scf.yield %scan3A_268 : i32
        }
        %scan3A_241 = arith.constant 4 : i32
        %dma_start3A_242 = arith.constant 0 : i32
        %dma_start3A_243 = arith.constant 0 : i32
        %dma_start3A_244 = tpu.memref_slice %arg2[%dma_start3A_242, %dma_start3A_243] : memref<10000x128xf32, #tpu.memory_space<hbm>> -> memref<10000x128xf32, #tpu.memory_space<hbm>>
        tpu.enqueue_indirect_dma source(%dma_start3A_244 : memref<10000x128xf32, #tpu.memory_space<hbm>>) target(%arg9 : memref<64x128xf32, #tpu.memory_space<vmem>>) offsets(%arg13 : memref<64xi32, #tpu.memory_space<vmem>>) semaphore(%arg31 : memref<!tpu.dma_semaphore, #tpu.memory_space<semaphore_mem>>)
        %dma_start3A_245 = arith.constant 0 : i32
        %dma_start3A_246 = tpu.memref_slice %arg4[%dma_start3A_245] : memref<10144xf32, #tpu.memory_space<hbm>> -> memref<10144xf32, #tpu.memory_space<hbm>>
        tpu.enqueue_indirect_dma source(%dma_start3A_246 : memref<10144xf32, #tpu.memory_space<hbm>>) target(%arg21 : memref<64xf32, #tpu.memory_space<vmem>>) offsets(%arg17 : memref<64xi32, #tpu.memory_space<vmem>>) semaphore(%arg31 : memref<!tpu.dma_semaphore, #tpu.memory_space<semaphore_mem>>)
        %dma_start3A_247 = arith.constant 0 : i32
        %dma_start3A_248 = tpu.memref_slice %arg5[%dma_start3A_247] : memref<10144xf32, #tpu.memory_space<hbm>> -> memref<10144xf32, #tpu.memory_space<hbm>>
        tpu.enqueue_indirect_dma source(%dma_start3A_248 : memref<10144xf32, #tpu.memory_space<hbm>>) target(%arg25 : memref<64xf32, #tpu.memory_space<vmem>>) offsets(%arg13 : memref<64xi32, #tpu.memory_space<vmem>>) semaphore(%arg31 : memref<!tpu.dma_semaphore, #tpu.memory_space<semaphore_mem>>)
      } else {
      }
      %dma_wait3A_205 = arith.constant 0 : i32
      %dma_wait3A_206 = arith.constant 0 : i32
      %dma_wait3A_207 = tpu.memref_slice %arg2[%dma_wait3A_205, %dma_wait3A_206] : memref<10000x128xf32, #tpu.memory_space<hbm>> -> memref<64x128xf32, #tpu.memory_space<hbm>>
      %dma_wait3A_208 = arith.constant 0 : i32
      %dma_wait3A_209 = arith.constant 0 : i32
      %dma_wait3A_210 = tpu.memref_slice %arg2[%dma_wait3A_208, %dma_wait3A_209] : memref<10000x128xf32, #tpu.memory_space<hbm>> -> memref<64x128xf32, #tpu.memory_space<hbm>>
      tpu.wait_dma2 semaphore(%arg33 : memref<!tpu.dma_semaphore, #tpu.memory_space<semaphore_mem>>) src(%dma_wait3A_210 : memref<64x128xf32, #tpu.memory_space<hbm>>) dst(%arg11 : memref<64x128xf32, #tpu.memory_space<vmem>>)
      %dma_wait3A_211 = arith.constant 0 : i32
      %dma_wait3A_212 = tpu.memref_slice %arg4[%dma_wait3A_211] : memref<10144xf32, #tpu.memory_space<hbm>> -> memref<64xf32, #tpu.memory_space<hbm>>
      %dma_wait3A_213 = arith.constant 0 : i32
      %dma_wait3A_214 = tpu.memref_slice %arg4[%dma_wait3A_213] : memref<10144xf32, #tpu.memory_space<hbm>> -> memref<64xf32, #tpu.memory_space<hbm>>
      tpu.wait_dma2 semaphore(%arg33 : memref<!tpu.dma_semaphore, #tpu.memory_space<semaphore_mem>>) src(%dma_wait3A_214 : memref<64xf32, #tpu.memory_space<hbm>>) dst(%arg23 : memref<64xf32, #tpu.memory_space<vmem>>)
      %dma_wait3A_215 = arith.constant 0 : i32
      %dma_wait3A_216 = tpu.memref_slice %arg5[%dma_wait3A_215] : memref<10144xf32, #tpu.memory_space<hbm>> -> memref<64xf32, #tpu.memory_space<hbm>>
      %dma_wait3A_217 = arith.constant 0 : i32
      %dma_wait3A_218 = tpu.memref_slice %arg5[%dma_wait3A_217] : memref<10144xf32, #tpu.memory_space<hbm>> -> memref<64xf32, #tpu.memory_space<hbm>>
      tpu.wait_dma2 semaphore(%arg33 : memref<!tpu.dma_semaphore, #tpu.memory_space<semaphore_mem>>) src(%dma_wait3A_218 : memref<64xf32, #tpu.memory_space<hbm>>) dst(%arg27 : memref<64xf32, #tpu.memory_space<vmem>>)
      %scan3A_219 = arith.constant 0 : i32
      %scan3A_220 = arith.constant 0 : i32
      %scan3A_221 = arith.constant 4 : i32
      %scan3A_222 = arith.addi %scan3A_220, %scan3A_221 : i32
      %scan3A_223 = arith.constant 1 : i32
      %scan3A_224 = scf.for %scan3A_233 = %scan3A_220 to %scan3A_222 step %scan3A_223 iter_args(%scan3A_234 = %scan3A_219) -> (i32)  : i32 {
        %mul3A_235 = arith.constant 16 : i32
        %mul3A_236 = arith.muli %scan3A_233, %mul3A_235 : i32
        %get3A = arith.index_cast %mul3A_236 : i32 to index
        %get3A_237 = tpu.vector_load %arg23[%get3A] {strides = array<i32>} : memref<64xf32, #tpu.memory_space<vmem>>, vector<16xf32>,
        %get3A_238 = arith.index_cast %mul3A_236 : i32 to index
        %get3A_239 = tpu.vector_load %arg27[%get3A_238] {strides = array<i32>} : memref<64xf32, #tpu.memory_space<vmem>>, vector<16xf32>,
        %add3A_240 = arith.addf %get3A_237, %get3A_239 : vector<16xf32>
        %neg3A = arith.constant 0.000000e+00 : f32
        %neg3A_241 = vector.broadcast %neg3A : f32 to vector<16xf32>
        %neg3A_242 = arith.subf %neg3A_241, %add3A_240 : vector<16xf32>
        %exp3A = math.exp %neg3A_242 : vector<16xf32>
        %add3A_243 = arith.constant 1.000000e+00 : f32
        %add3A_244 = vector.broadcast %add3A_243 : f32 to vector<16xf32>
        %add3A_245 = arith.addf %add3A_244, %exp3A : vector<16xf32>
        %div3A = arith.constant 1.000000e+00 : f32
        %div3A_246 = vector.broadcast %div3A : f32 to vector<16xf32>
        %div3A_247 = arith.divf %div3A_246, %add3A_245 : vector<16xf32>
        %swap3A = arith.index_cast %mul3A_236 : i32 to index
        %swap3A_248 = tpu.vector_load %arg28[%swap3A] {strides = array<i32>} : memref<64xf32, #tpu.memory_space<vmem>>, vector<16xf32>,
        tpu.vector_store %arg28[%swap3A], %div3A_247 {strides = array<i32>} : memref<64xf32, #tpu.memory_space<vmem>>, vector<16xf32>,
        %scan3A_249 = arith.constant 0 : i32
        scf.yield %scan3A_249 : i32
      }
      %scan3A_225 = arith.constant 4 : i32
      %parallel_loop3A_226 = arith.constant 0 : i32
      %parallel_loop3A_227 = arith.constant 64 : i32
      %parallel_loop3A_228 = arith.constant 1 : i32
      scf.for %parallel_loop3A_233 = %parallel_loop3A_226 to %parallel_loop3A_227 step %parallel_loop3A_228  : i32 {
        %parallel_loop3A_234 = arith.constant 15 : i32
        %parallel_loop3A_235 = arith.constant -1 : i32
        %parallel_loop3A_236 = arith.xori %parallel_loop3A_234, %parallel_loop3A_235 : i32
        %parallel_loop3A_237 = arith.andi %parallel_loop3A_233, %parallel_loop3A_236 : i32
        %parallel_loop3A_238 = arith.constant 15 : i32
        %parallel_loop3A_239 = arith.andi %parallel_loop3A_233, %parallel_loop3A_238 : i32
        %parallel_loop3A_240 = arith.index_cast %parallel_loop3A_237 : i32 to index
        %parallel_loop3A_241 = tpu.vector_load %arg28[%parallel_loop3A_240] {strides = array<i32>} : memref<64xf32, #tpu.memory_space<vmem>>, vector<16xf32>,
        %parallel_loop3A_242 = vector.broadcast %parallel_loop3A_239 : i32 to vector<16xi32>
        %parallel_loop3A_243 = arith.constant 0 : i32
        %parallel_loop3A_244 = vector.broadcast %parallel_loop3A_243 : i32 to vector<16xi32>
        %parallel_loop3A_245 = arith.cmpi slt, %parallel_loop3A_242, %parallel_loop3A_244 : vector<16xi32>
        %parallel_loop3A_246 = arith.constant 16 : i32
        %parallel_loop3A_247 = vector.broadcast %parallel_loop3A_246 : i32 to vector<16xi32>
        %parallel_loop3A_248 = arith.addi %parallel_loop3A_242, %parallel_loop3A_247 : vector<16xi32>
        %parallel_loop3A_249 = arith.select %parallel_loop3A_245, %parallel_loop3A_248, %parallel_loop3A_242 : vector<16xi1>, vector<16xi32>
        %parallel_loop3A_250 = vector.shape_cast %parallel_loop3A_249 : vector<16xi32> to vector<16x1xi32>
        %parallel_loop3A_251 = vector.shape_cast %parallel_loop3A_250 : vector<16x1xi32> to vector<16xi32>
        %parallel_loop3A_252 = tpu.dynamic_gather %parallel_loop3A_241[%parallel_loop3A_251] in [0] : vector<16xf32>, vector<16xi32> -> vector<16xf32>
        %parallel_loop3A_253 = arith.index_cast %parallel_loop3A_233 : i32 to index
        %parallel_loop3A_254 = arith.constant 0 : index
        %parallel_loop3A_255 = tpu.vector_load %arg11[%parallel_loop3A_253, %parallel_loop3A_254] {strides = array<i32>} : memref<64x128xf32, #tpu.memory_space<vmem>>, vector<16xf32>,
        %parallel_loop3A_256 = arith.mulf %parallel_loop3A_255, %parallel_loop3A_252 : vector<16xf32>
        %parallel_loop3A_257 = arith.index_cast %parallel_loop3A_233 : i32 to index
        %parallel_loop3A_258 = arith.constant 0 : index
        %parallel_loop3A_259 = tpu.vector_load %arg11[%parallel_loop3A_257, %parallel_loop3A_258] {strides = array<i32>} : memref<64x128xf32, #tpu.memory_space<vmem>>, vector<16xf32>,
        tpu.vector_store %arg11[%parallel_loop3A_257, %parallel_loop3A_258], %parallel_loop3A_256 {strides = array<i32>} : memref<64x128xf32, #tpu.memory_space<vmem>>, vector<16xf32>,
        %parallel_loop3A_260 = arith.index_cast %parallel_loop3A_233 : i32 to index
        %parallel_loop3A_261 = arith.constant 16 : index
        %parallel_loop3A_262 = tpu.vector_load %arg11[%parallel_loop3A_260, %parallel_loop3A_261] {strides = array<i32>} : memref<64x128xf32, #tpu.memory_space<vmem>>, vector<16xf32>,
        %parallel_loop3A_263 = arith.mulf %parallel_loop3A_262, %parallel_loop3A_252 : vector<16xf32>
        %parallel_loop3A_264 = arith.index_cast %parallel_loop3A_233 : i32 to index
        %parallel_loop3A_265 = arith.constant 16 : index
        %parallel_loop3A_266 = tpu.vector_load %arg11[%parallel_loop3A_264, %parallel_loop3A_265] {strides = array<i32>} : memref<64x128xf32, #tpu.memory_space<vmem>>, vector<16xf32>,
        tpu.vector_store %arg11[%parallel_loop3A_264, %parallel_loop3A_265], %parallel_loop3A_263 {strides = array<i32>} : memref<64x128xf32, #tpu.memory_space<vmem>>, vector<16xf32>,
        %parallel_loop3A_267 = arith.index_cast %parallel_loop3A_233 : i32 to index
        %parallel_loop3A_268 = arith.constant 32 : index
        %parallel_loop3A_269 = tpu.vector_load %arg11[%parallel_loop3A_267, %parallel_loop3A_268] {strides = array<i32>} : memref<64x128xf32, #tpu.memory_space<vmem>>, vector<16xf32>,
        %parallel_loop3A_270 = arith.mulf %parallel_loop3A_269, %parallel_loop3A_252 : vector<16xf32>
        %parallel_loop3A_271 = arith.index_cast %parallel_loop3A_233 : i32 to index
        %parallel_loop3A_272 = arith.constant 32 : index
        %parallel_loop3A_273 = tpu.vector_load %arg11[%parallel_loop3A_271, %parallel_loop3A_272] {strides = array<i32>} : memref<64x128xf32, #tpu.memory_space<vmem>>, vector<16xf32>,
        tpu.vector_store %arg11[%parallel_loop3A_271, %parallel_loop3A_272], %parallel_loop3A_270 {strides = array<i32>} : memref<64x128xf32, #tpu.memory_space<vmem>>, vector<16xf32>,
        %parallel_loop3A_274 = arith.index_cast %parallel_loop3A_233 : i32 to index
        %parallel_loop3A_275 = arith.constant 48 : index
        %parallel_loop3A_276 = tpu.vector_load %arg11[%parallel_loop3A_274, %parallel_loop3A_275] {strides = array<i32>} : memref<64x128xf32, #tpu.memory_space<vmem>>, vector<16xf32>,
        %parallel_loop3A_277 = arith.mulf %parallel_loop3A_276, %parallel_loop3A_252 : vector<16xf32>
        %parallel_loop3A_278 = arith.index_cast %parallel_loop3A_233 : i32 to index
        %parallel_loop3A_279 = arith.constant 48 : index
        %parallel_loop3A_280 = tpu.vector_load %arg11[%parallel_loop3A_278, %parallel_loop3A_279] {strides = array<i32>} : memref<64x128xf32, #tpu.memory_space<vmem>>, vector<16xf32>,
        tpu.vector_store %arg11[%parallel_loop3A_278, %parallel_loop3A_279], %parallel_loop3A_277 {strides = array<i32>} : memref<64x128xf32, #tpu.memory_space<vmem>>, vector<16xf32>,
        %parallel_loop3A_281 = arith.index_cast %parallel_loop3A_233 : i32 to index
        %parallel_loop3A_282 = arith.constant 64 : index
        %parallel_loop3A_283 = tpu.vector_load %arg11[%parallel_loop3A_281, %parallel_loop3A_282] {strides = array<i32>} : memref<64x128xf32, #tpu.memory_space<vmem>>, vector<16xf32>,
        %parallel_loop3A_284 = arith.mulf %parallel_loop3A_283, %parallel_loop3A_252 : vector<16xf32>
        %parallel_loop3A_285 = arith.index_cast %parallel_loop3A_233 : i32 to index
        %parallel_loop3A_286 = arith.constant 64 : index
        %parallel_loop3A_287 = tpu.vector_load %arg11[%parallel_loop3A_285, %parallel_loop3A_286] {strides = array<i32>} : memref<64x128xf32, #tpu.memory_space<vmem>>, vector<16xf32>,
        tpu.vector_store %arg11[%parallel_loop3A_285, %parallel_loop3A_286], %parallel_loop3A_284 {strides = array<i32>} : memref<64x128xf32, #tpu.memory_space<vmem>>, vector<16xf32>,
        %parallel_loop3A_288 = arith.index_cast %parallel_loop3A_233 : i32 to index
        %parallel_loop3A_289 = arith.constant 80 : index
        %parallel_loop3A_290 = tpu.vector_load %arg11[%parallel_loop3A_288, %parallel_loop3A_289] {strides = array<i32>} : memref<64x128xf32, #tpu.memory_space<vmem>>, vector<16xf32>,
        %parallel_loop3A_291 = arith.mulf %parallel_loop3A_290, %parallel_loop3A_252 : vector<16xf32>
        %parallel_loop3A_292 = arith.index_cast %parallel_loop3A_233 : i32 to index
        %parallel_loop3A_293 = arith.constant 80 : index
        %parallel_loop3A_294 = tpu.vector_load %arg11[%parallel_loop3A_292, %parallel_loop3A_293] {strides = array<i32>} : memref<64x128xf32, #tpu.memory_space<vmem>>, vector<16xf32>,
        tpu.vector_store %arg11[%parallel_loop3A_292, %parallel_loop3A_293], %parallel_loop3A_291 {strides = array<i32>} : memref<64x128xf32, #tpu.memory_space<vmem>>, vector<16xf32>,
        %parallel_loop3A_295 = arith.index_cast %parallel_loop3A_233 : i32 to index
        %parallel_loop3A_296 = arith.constant 96 : index
        %parallel_loop3A_297 = tpu.vector_load %arg11[%parallel_loop3A_295, %parallel_loop3A_296] {strides = array<i32>} : memref<64x128xf32, #tpu.memory_space<vmem>>, vector<16xf32>,
        %parallel_loop3A_298 = arith.mulf %parallel_loop3A_297, %parallel_loop3A_252 : vector<16xf32>
        %parallel_loop3A_299 = arith.index_cast %parallel_loop3A_233 : i32 to index
        %parallel_loop3A_300 = arith.constant 96 : index
        %parallel_loop3A_301 = tpu.vector_load %arg11[%parallel_loop3A_299, %parallel_loop3A_300] {strides = array<i32>} : memref<64x128xf32, #tpu.memory_space<vmem>>, vector<16xf32>,
        tpu.vector_store %arg11[%parallel_loop3A_299, %parallel_loop3A_300], %parallel_loop3A_298 {strides = array<i32>} : memref<64x128xf32, #tpu.memory_space<vmem>>, vector<16xf32>,
        %parallel_loop3A_302 = arith.index_cast %parallel_loop3A_233 : i32 to index
        %parallel_loop3A_303 = arith.constant 112 : index
        %parallel_loop3A_304 = tpu.vector_load %arg11[%parallel_loop3A_302, %parallel_loop3A_303] {strides = array<i32>} : memref<64x128xf32, #tpu.memory_space<vmem>>, vector<16xf32>,
        %parallel_loop3A_305 = arith.mulf %parallel_loop3A_304, %parallel_loop3A_252 : vector<16xf32>
        %parallel_loop3A_306 = arith.index_cast %parallel_loop3A_233 : i32 to index
        %parallel_loop3A_307 = arith.constant 112 : index
        %parallel_loop3A_308 = tpu.vector_load %arg11[%parallel_loop3A_306, %parallel_loop3A_307] {strides = array<i32>} : memref<64x128xf32, #tpu.memory_space<vmem>>, vector<16xf32>,
        tpu.vector_store %arg11[%parallel_loop3A_306, %parallel_loop3A_307], %parallel_loop3A_305 {strides = array<i32>} : memref<64x128xf32, #tpu.memory_space<vmem>>, vector<16xf32>,
      } {sc.loop_unroll_factor = 4 : i64, sc.parallel_access}
      %dma_start3A_229 = arith.constant 0 : i32
      %dma_start3A_230 = arith.constant 0 : i32
      %dma_start3A_231 = tpu.memref_slice %arg29[%dma_start3A_229, %dma_start3A_230] : memref<10144x128xf32, #tpu.memory_space<vmem_shared>> -> memref<10144x128xf32, #tpu.memory_space<vmem_shared>>
      tpu.enqueue_indirect_dma source(%arg11 : memref<64x128xf32, #tpu.memory_space<vmem>>) target(%dma_start3A_231 : memref<10144x128xf32, #tpu.memory_space<vmem_shared>>) offsets(%arg19 : memref<64xi32, #tpu.memory_space<vmem>>) semaphore(%arg37 : memref<!tpu.dma_semaphore, #tpu.memory_space<semaphore_mem>>) {add = true}
      %scan3A_232 = arith.constant 0 : i32
      scf.yield %scan3A_232 : i32
    }
    %scan3A_60 = arith.constant 40 : i32
    %dma_wait3A = arith.constant 0 : i32
    %dma_wait3A_61 = arith.constant 0 : i32
    %dma_wait3A_62 = tpu.memref_slice %arg29[%dma_wait3A, %dma_wait3A_61] : memref<10144x128xf32, #tpu.memory_space<vmem_shared>> -> memref<10144x128xf32, #tpu.memory_space<vmem_shared>>
    tpu.wait_indirect_dma semaphore(%arg36 : memref<!tpu.dma_semaphore, #tpu.memory_space<semaphore_mem>>) src(%arg10 : memref<64x128xf32, #tpu.memory_space<vmem>>) dst(%dma_wait3A_62 : memref<10144x128xf32, #tpu.memory_space<vmem_shared>>)
    %dma_wait3A_63 = arith.constant 0 : i32
    %dma_wait3A_64 = arith.constant 0 : i32
    %dma_wait3A_65 = tpu.memref_slice %arg29[%dma_wait3A_63, %dma_wait3A_64] : memref<10144x128xf32, #tpu.memory_space<vmem_shared>> -> memref<10144x128xf32, #tpu.memory_space<vmem_shared>>
    tpu.wait_indirect_dma semaphore(%arg37 : memref<!tpu.dma_semaphore, #tpu.memory_space<semaphore_mem>>) src(%arg11 : memref<64x128xf32, #tpu.memory_space<vmem>>) dst(%dma_wait3A_65 : memref<10144x128xf32, #tpu.memory_space<vmem_shared>>)
    %barrier3A_66 = arith.constant 0 : index
    tpu.barrier barrier_id(%barrier3A_66)
    "tpu.region"() ({
      %run_scoped3A = tpu.sem_alloc : memref<!tpu.dma_semaphore, #tpu.memory_space<semaphore_mem>>
      %dma_start3A_67 = arith.constant 0 : i32
      %dma_start3A_68 = tpu.memref_slice %arg6[%arg0, %mul3A_7, %dma_start3A_67] : memref<2x10144x128xf32, #tpu.memory_space<hbm>> -> memref<1x634x128xf32, #tpu.memory_space<hbm>>
      %dma_start3A_69 = tpu.memref_squeeze %dma_start3A_68 : memref<1x634x128xf32, #tpu.memory_space<hbm>> -> memref<634x128xf32, #tpu.memory_space<hbm>>
      %dma_start3A_70 = arith.constant 0 : i32
      %dma_start3A_71 = tpu.memref_slice %arg29[%mul3A_7, %dma_start3A_70] : memref<10144x128xf32, #tpu.memory_space<vmem_shared>> -> memref<634x128xf32, #tpu.memory_space<vmem_shared>>
      tpu.enqueue_dma source(%dma_start3A_71 : memref<634x128xf32, #tpu.memory_space<vmem_shared>>) target(%dma_start3A_69 : memref<634x128xf32, #tpu.memory_space<hbm>>) target_semaphore(%run_scoped3A : memref<!tpu.dma_semaphore, #tpu.memory_space<semaphore_mem>>)
      %dma_wait3A_72 = arith.constant 0 : i32
      %dma_wait3A_73 = tpu.memref_slice %arg6[%arg0, %mul3A_7, %dma_wait3A_72] : memref<2x10144x128xf32, #tpu.memory_space<hbm>> -> memref<1x634x128xf32, #tpu.memory_space<hbm>>
      %dma_wait3A_74 = tpu.memref_squeeze %dma_wait3A_73 : memref<1x634x128xf32, #tpu.memory_space<hbm>> -> memref<634x128xf32, #tpu.memory_space<hbm>>
      %dma_wait3A_75 = arith.constant 0 : i32
      %dma_wait3A_76 = tpu.memref_slice %arg29[%mul3A_7, %dma_wait3A_75] : memref<10144x128xf32, #tpu.memory_space<vmem_shared>> -> memref<634x128xf32, #tpu.memory_space<vmem_shared>>
      tpu.wait_dma2 semaphore(%run_scoped3A : memref<!tpu.dma_semaphore, #tpu.memory_space<semaphore_mem>>) src(%dma_wait3A_76 : memref<634x128xf32, #tpu.memory_space<vmem_shared>>) dst(%dma_wait3A_74 : memref<634x128xf32, #tpu.memory_space<hbm>>)
      tpu.yield
    }) : () -> ()
    return
  }
}

module attributes {stable_mosaic.version = 14 : i64} {
  func.func @_pre_body(%arg0: i32, %arg1: memref<2000x128xf32, #tpu.memory_space<vmem>>, %arg2: memref<128x128xf32, #tpu.memory_space<vmem>>, %arg3: memref<1x128xf32, #tpu.memory_space<vmem>>, %arg4: memref<128x1xf32, #tpu.memory_space<vmem>>, %arg5: memref<128x1xf32, #tpu.memory_space<vmem>>, %arg6: memref<1x1xf32, #tpu.memory_space<vmem>>, %arg7: memref<2000x128xf32, #tpu.memory_space<vmem>>, %arg8: memref<2000x1xf32, #tpu.memory_space<vmem>>, %arg9: memref<2000x1xf32, #tpu.memory_space<vmem>>) attributes {dimension_semantics = [#tpu.dimension_semantics<arbitrary>], iteration_bounds = array<i64: 5>, scalar_prefetch = 0 : i64, scratch_operands = 0 : i64, tpu.core_type = #tpu.core_type<tc>, window_params = [{transform_indices = @transform_0, window_bounds = array<i64: 2000, 128>}, {pipeline_mode = #tpu.pipeline_mode<synchronous>, transform_indices = @transform_1, window_bounds = array<i64: 128, 128>}, {pipeline_mode = #tpu.pipeline_mode<synchronous>, transform_indices = @transform_2, window_bounds = array<i64: 1, 128>}, {pipeline_mode = #tpu.pipeline_mode<synchronous>, transform_indices = @transform_3, window_bounds = array<i64: 128, 1>}, {pipeline_mode = #tpu.pipeline_mode<synchronous>, transform_indices = @transform_4, window_bounds = array<i64: 128, 1>}, {pipeline_mode = #tpu.pipeline_mode<synchronous>, transform_indices = @transform_5, window_bounds = array<i64: 1, 1>}, {transform_indices = @transform_6, window_bounds = array<i64: 2000, 128>}, {transform_indices = @transform_7, window_bounds = array<i64: 2000, 1>}, {transform_indices = @transform_8, window_bounds = array<i64: 2000, 1>}]} {
    %get3A = arith.constant 0 : index
    %get3A_0 = arith.constant 0 : index
    %get3A_1 = vector.load %arg1[%get3A, %get3A_0] : memref<2000x128xf32, #tpu.memory_space<vmem>>, vector<2000x128xf32>
    %get3A_2 = arith.constant 0 : index
    %get3A_3 = arith.constant 0 : index
    %get3A_4 = vector.load %arg2[%get3A_2, %get3A_3] : memref<128x128xf32, #tpu.memory_space<vmem>>, vector<128x128xf32>
    %dot_general3A = arith.constant dense<0.000000e+00> : vector<2000x128xf32>
    %dot_general3A_5 = tpu.matmul %get3A_1, %get3A_4, %dot_general3A {dimension_numbers = #tpu.dot_dimension_numbers<[1], [0], [0], [1], [0, 0, 1, 1], [], []>, transpose_lhs_hint = false} : vector<2000x128xf32>, vector<128x128xf32>, vector<2000x128xf32> -> vector<2000x128xf32>
    %get3A_6 = arith.constant 0 : index
    %get3A_7 = arith.constant 0 : index
    %get3A_8 = vector.load %arg3[%get3A_6, %get3A_7] : memref<1x128xf32, #tpu.memory_space<vmem>>, vector<1x128xf32>
    %add3A = vector.broadcast %get3A_8 : vector<1x128xf32> to vector<2000x128xf32>
    %add3A_9 = arith.addf %dot_general3A_5, %add3A : vector<2000x128xf32>
    %swap3A = arith.constant 0 : index
    %swap3A_10 = arith.constant 0 : index
    %swap3A_11 = vector.load %arg7[%swap3A, %swap3A_10] : memref<2000x128xf32, #tpu.memory_space<vmem>>, vector<2000x128xf32>
    tpu.vector_store %arg7[%swap3A, %swap3A_10], %add3A_9 {strides = array<i32>} : memref<2000x128xf32, #tpu.memory_space<vmem>>, vector<2000x128xf32>,
    %get3A_12 = arith.constant 0 : index
    %get3A_13 = arith.constant 0 : index
    %get3A_14 = vector.load %arg4[%get3A_12, %get3A_13] : memref<128x1xf32, #tpu.memory_space<vmem>>, vector<128x1xf32>
    %dot_general3A_15 = arith.constant dense<0.000000e+00> : vector<2000x1xf32>
    %dot_general3A_16 = tpu.matmul %add3A_9, %get3A_14, %dot_general3A_15 {dimension_numbers = #tpu.dot_dimension_numbers<[1], [0], [0], [1], [0, 0, 1, 1], [], []>, transpose_lhs_hint = false} : vector<2000x128xf32>, vector<128x1xf32>, vector<2000x1xf32> -> vector<2000x1xf32>
    %get3A_17 = arith.constant 0 : index
    %get3A_18 = arith.constant 0 : index
    %get3A_19 = vector.load %arg6[%get3A_17, %get3A_18] : memref<1x1xf32, #tpu.memory_space<vmem>>, vector<1x1xf32>
    %add3A_20 = vector.broadcast %get3A_19 : vector<1x1xf32> to vector<2000x1xf32>
    %add3A_21 = arith.addf %dot_general3A_16, %add3A_20 : vector<2000x1xf32>
    %swap3A_22 = arith.constant 0 : index
    %swap3A_23 = arith.constant 0 : index
    %swap3A_24 = vector.load %arg8[%swap3A_22, %swap3A_23] : memref<2000x1xf32, #tpu.memory_space<vmem>>, vector<2000x1xf32>
    tpu.vector_store %arg8[%swap3A_22, %swap3A_23], %add3A_21 {strides = array<i32>} : memref<2000x1xf32, #tpu.memory_space<vmem>>, vector<2000x1xf32>,
    %get3A_25 = arith.constant 0 : index
    %get3A_26 = arith.constant 0 : index
    %get3A_27 = vector.load %arg5[%get3A_25, %get3A_26] : memref<128x1xf32, #tpu.memory_space<vmem>>, vector<128x1xf32>
    %dot_general3A_28 = arith.constant dense<0.000000e+00> : vector<2000x1xf32>
    %dot_general3A_29 = tpu.matmul %add3A_9, %get3A_27, %dot_general3A_28 {dimension_numbers = #tpu.dot_dimension_numbers<[1], [0], [0], [1], [0, 0, 1, 1], [], []>, transpose_lhs_hint = false} : vector<2000x128xf32>, vector<128x1xf32>, vector<2000x1xf32> -> vector<2000x1xf32>
    %swap3A_30 = arith.constant 0 : index
    %swap3A_31 = arith.constant 0 : index
    %swap3A_32 = vector.load %arg9[%swap3A_30, %swap3A_31] : memref<2000x1xf32, #tpu.memory_space<vmem>>, vector<2000x1xf32>
    tpu.vector_store %arg9[%swap3A_30, %swap3A_31], %dot_general3A_29 {strides = array<i32>} : memref<2000x1xf32, #tpu.memory_space<vmem>>, vector<2000x1xf32>,
    return
  }
  func.func @transform_0(%arg0: i32) -> (i32, i32) {
    %c0_i32 = arith.constant 0 : i32
    %c0_i32_0 = arith.constant 0 : i32
    return %arg0, %c0_i32 : i32, i32
  }
  func.func @transform_1(%arg0: i32) -> (i32, i32) {
    %c0_i32 = arith.constant 0 : i32
    %c0_i32_0 = arith.constant 0 : i32
    %c0_i32_1 = arith.constant 0 : i32
    return %c0_i32, %c0_i32_0 : i32, i32
  }
  func.func @transform_2(%arg0: i32) -> (i32, i32) {
    %c0_i32 = arith.constant 0 : i32
    %c0_i32_0 = arith.constant 0 : i32
    %c0_i32_1 = arith.constant 0 : i32
    return %c0_i32, %c0_i32_0 : i32, i32
  }
  func.func @transform_3(%arg0: i32) -> (i32, i32) {
    %c0_i32 = arith.constant 0 : i32
    %c0_i32_0 = arith.constant 0 : i32
    %c0_i32_1 = arith.constant 0 : i32
    return %c0_i32, %c0_i32_0 : i32, i32
  }
  func.func @transform_4(%arg0: i32) -> (i32, i32) {
    %c0_i32 = arith.constant 0 : i32
    %c0_i32_0 = arith.constant 0 : i32
    %c0_i32_1 = arith.constant 0 : i32
    return %c0_i32, %c0_i32_0 : i32, i32
  }
  func.func @transform_5(%arg0: i32) -> (i32, i32) {
    %c0_i32 = arith.constant 0 : i32
    %c0_i32_0 = arith.constant 0 : i32
    %c0_i32_1 = arith.constant 0 : i32
    return %c0_i32, %c0_i32_0 : i32, i32
  }
  func.func @transform_6(%arg0: i32) -> (i32, i32) {
    %c0_i32 = arith.constant 0 : i32
    %c0_i32_0 = arith.constant 0 : i32
    return %arg0, %c0_i32 : i32, i32
  }
  func.func @transform_7(%arg0: i32) -> (i32, i32) {
    %c0_i32 = arith.constant 0 : i32
    %c0_i32_0 = arith.constant 0 : i32
    return %arg0, %c0_i32 : i32, i32
  }
  func.func @transform_8(%arg0: i32) -> (i32, i32) {
    %c0_i32 = arith.constant 0 : i32
    %c0_i32_0 = arith.constant 0 : i32
    return %arg0, %c0_i32 : i32, i32
  }
}

module attributes {stable_mosaic.version = 14 : i64} {
  func.func @_mid_body(%arg0: i32, %arg1: memref<2x2000x128xf32, #tpu.memory_space<vmem>>, %arg2: memref<2000x128xf32, #tpu.memory_space<vmem>>, %arg3: memref<2000x1xf32, #tpu.memory_space<vmem>>, %arg4: memref<2000x1xf32, #tpu.memory_space<vmem>>, %arg5: memref<1x128xf32, #tpu.memory_space<vmem>>, %arg6: memref<128x128xf32, #tpu.memory_space<vmem>>, %arg7: memref<1x128xf32, #tpu.memory_space<vmem>>, %arg8: memref<128x128xf32, #tpu.memory_space<vmem>>, %arg9: memref<1x128xf32, #tpu.memory_space<vmem>>, %arg10: memref<1x128xf32, #tpu.memory_space<vmem>>, %arg11: memref<1x128xf32, #tpu.memory_space<vmem>>, %arg12: memref<128x128xf32, #tpu.memory_space<vmem>>, %arg13: memref<1x128xf32, #tpu.memory_space<vmem>>, %arg14: memref<128x1xf32, #tpu.memory_space<vmem>>, %arg15: memref<128x1xf32, #tpu.memory_space<vmem>>, %arg16: memref<1x1xf32, #tpu.memory_space<vmem>>, %arg17: memref<2000x128xf32, #tpu.memory_space<vmem>>, %arg18: memref<2000x1xf32, #tpu.memory_space<vmem>>, %arg19: memref<2000x1xf32, #tpu.memory_space<vmem>>) attributes {dimension_semantics = [#tpu.dimension_semantics<arbitrary>], iteration_bounds = array<i64: 5>, scalar_prefetch = 0 : i64, scratch_operands = 0 : i64, tpu.core_type = #tpu.core_type<tc>, window_params = [{transform_indices = @transform_0, window_bounds = array<i64: 2, 2000, 128>}, {transform_indices = @transform_1, window_bounds = array<i64: 2000, 128>}, {transform_indices = @transform_2, window_bounds = array<i64: 2000, 1>}, {transform_indices = @transform_3, window_bounds = array<i64: 2000, 1>}, {pipeline_mode = #tpu.pipeline_mode<synchronous>, transform_indices = @transform_4, window_bounds = array<i64: 1, 128>}, {pipeline_mode = #tpu.pipeline_mode<synchronous>, transform_indices = @transform_5, window_bounds = array<i64: 128, 128>}, {pipeline_mode = #tpu.pipeline_mode<synchronous>, transform_indices = @transform_6, window_bounds = array<i64: 1, 128>}, {pipeline_mode = #tpu.pipeline_mode<synchronous>, transform_indices = @transform_7, window_bounds = array<i64: 128, 128>}, {pipeline_mode = #tpu.pipeline_mode<synchronous>, transform_indices = @transform_8, window_bounds = array<i64: 1, 128>}, {pipeline_mode = #tpu.pipeline_mode<synchronous>, transform_indices = @transform_9, window_bounds = array<i64: 1, 128>}, {pipeline_mode = #tpu.pipeline_mode<synchronous>, transform_indices = @transform_10, window_bounds = array<i64: 1, 128>}, {pipeline_mode = #tpu.pipeline_mode<synchronous>, transform_indices = @transform_11, window_bounds = array<i64: 128, 128>}, {pipeline_mode = #tpu.pipeline_mode<synchronous>, transform_indices = @transform_12, window_bounds = array<i64: 1, 128>}, {pipeline_mode = #tpu.pipeline_mode<synchronous>, transform_indices = @transform_13, window_bounds = array<i64: 128, 1>}, {pipeline_mode = #tpu.pipeline_mode<synchronous>, transform_indices = @transform_14, window_bounds = array<i64: 128, 1>}, {pipeline_mode = #tpu.pipeline_mode<synchronous>, transform_indices = @transform_15, window_bounds = array<i64: 1, 1>}, {transform_indices = @transform_16, window_bounds = array<i64: 2000, 128>}, {transform_indices = @transform_17, window_bounds = array<i64: 2000, 1>}, {transform_indices = @transform_18, window_bounds = array<i64: 2000, 1>}]} {
    %get3A = arith.constant 0 : index
    %get3A_0 = arith.constant 0 : index
    %get3A_1 = arith.constant 0 : index
    %get3A_2 = vector.load %arg1[%get3A, %get3A_0, %get3A_1] : memref<2x2000x128xf32, #tpu.memory_space<vmem>>, vector<2x2000x128xf32>
    %get3A_3 = arith.constant 0 : index
    %get3A_4 = arith.constant 0 : index
    %get3A_5 = vector.load %arg2[%get3A_3, %get3A_4] : memref<2000x128xf32, #tpu.memory_space<vmem>>, vector<2000x128xf32>
    %get3A_6 = arith.constant 0 : index
    %get3A_7 = arith.constant 0 : index
    %get3A_8 = vector.load %arg3[%get3A_6, %get3A_7] : memref<2000x1xf32, #tpu.memory_space<vmem>>, vector<2000x1xf32>
    %get3A_9 = arith.constant 0 : index
    %get3A_10 = arith.constant 0 : index
    %get3A_11 = vector.load %arg4[%get3A_9, %get3A_10] : memref<2000x1xf32, #tpu.memory_space<vmem>>, vector<2000x1xf32>
    %get3A_12 = arith.constant 0 : index
    %get3A_13 = arith.constant 0 : index
    %get3A_14 = vector.load %arg5[%get3A_12, %get3A_13] : memref<1x128xf32, #tpu.memory_space<vmem>>, vector<1x128xf32>
    %get3A_15 = arith.constant 0 : index
    %get3A_16 = arith.constant 0 : index
    %get3A_17 = vector.load %arg6[%get3A_15, %get3A_16] : memref<128x128xf32, #tpu.memory_space<vmem>>, vector<128x128xf32>
    %get3A_18 = arith.constant 0 : index
    %get3A_19 = arith.constant 0 : index
    %get3A_20 = vector.load %arg7[%get3A_18, %get3A_19] : memref<1x128xf32, #tpu.memory_space<vmem>>, vector<1x128xf32>
    %get3A_21 = arith.constant 0 : index
    %get3A_22 = arith.constant 0 : index
    %get3A_23 = vector.load %arg8[%get3A_21, %get3A_22] : memref<128x128xf32, #tpu.memory_space<vmem>>, vector<128x128xf32>
    %get3A_24 = arith.constant 0 : index
    %get3A_25 = arith.constant 0 : index
    %get3A_26 = vector.load %arg9[%get3A_24, %get3A_25] : memref<1x128xf32, #tpu.memory_space<vmem>>, vector<1x128xf32>
    %get3A_27 = arith.constant 0 : index
    %get3A_28 = arith.constant 0 : index
    %get3A_29 = vector.load %arg10[%get3A_27, %get3A_28] : memref<1x128xf32, #tpu.memory_space<vmem>>, vector<1x128xf32>
    %get3A_30 = arith.constant 0 : index
    %get3A_31 = arith.constant 0 : index
    %get3A_32 = vector.load %arg11[%get3A_30, %get3A_31] : memref<1x128xf32, #tpu.memory_space<vmem>>, vector<1x128xf32>
    %add3A = arith.addf %get3A_8, %get3A_11 : vector<2000x1xf32>
    %logistic3A = arith.negf %add3A : vector<2000x1xf32>
    %logistic3A_33 = math.exp %logistic3A : vector<2000x1xf32>
    %logistic3A_34 = arith.constant 1.000000e+00 : f32
    %logistic3A_35 = vector.broadcast %logistic3A_34 : f32 to vector<2000x1xf32>
    %logistic3A_36 = arith.addf %logistic3A_35, %logistic3A_33 : vector<2000x1xf32>
    %logistic3A_37 = arith.divf %logistic3A_35, %logistic3A_36 : vector<2000x1xf32>
    %slice3A = vector.extract_strided_slice %get3A_2 {offsets = [0, 0, 0], sizes = [1, 2000, 128], strides = [1, 1, 1]} : vector<2x2000x128xf32> to vector<1x2000x128xf32>
    %squeeze3A = vector.shape_cast %slice3A : vector<1x2000x128xf32> to vector<2000x128xf32>
    %slice3A_38 = vector.extract_strided_slice %get3A_2 {offsets = [1, 0, 0], sizes = [1, 2000, 128], strides = [1, 1, 1]} : vector<2x2000x128xf32> to vector<1x2000x128xf32>
    %squeeze3A_39 = vector.shape_cast %slice3A_38 : vector<1x2000x128xf32> to vector<2000x128xf32>
    %add3A_40 = arith.addf %squeeze3A, %squeeze3A_39 : vector<2000x128xf32>
    %mul3A = vector.broadcast %logistic3A_37 : vector<2000x1xf32> to vector<2000x128xf32>
    %mul3A_41 = arith.mulf %mul3A, %get3A_5 : vector<2000x128xf32>
    %add3A_42 = arith.addf %add3A_40, %mul3A_41 : vector<2000x128xf32>
    %mul3A_43 = vector.broadcast %get3A_14 : vector<1x128xf32> to vector<2000x128xf32>
    %mul3A_44 = arith.mulf %add3A_42, %mul3A_43 : vector<2000x128xf32>
    %dot_general3A = arith.constant dense<0.000000e+00> : vector<2000x128xf32>
    %dot_general3A_45 = tpu.matmul %mul3A_44, %get3A_17, %dot_general3A {dimension_numbers = #tpu.dot_dimension_numbers<[1], [0], [0], [1], [0, 0, 1, 1], [], []>, transpose_lhs_hint = false} : vector<2000x128xf32>, vector<128x128xf32>, vector<2000x128xf32> -> vector<2000x128xf32>
    %add3A_46 = vector.broadcast %get3A_20 : vector<1x128xf32> to vector<2000x128xf32>
    %add3A_47 = arith.addf %dot_general3A_45, %add3A_46 : vector<2000x128xf32>
    %gt3A = arith.constant 0.000000e+00 : f32
    %gt3A_48 = vector.broadcast %gt3A : f32 to vector<2000x128xf32>
    %gt3A_49 = arith.cmpf ogt, %add3A_47, %gt3A_48 : vector<2000x128xf32>
    %min3A = arith.constant 0.000000e+00 : f32
    %min3A_50 = vector.broadcast %min3A : f32 to vector<2000x128xf32>
    %min3A_51 = arith.minimumf %add3A_47, %min3A_50 : vector<2000x128xf32>
    %exp3A = math.exp %min3A_51 : vector<2000x128xf32>
    %sub3A = arith.constant 1.000000e+00 : f32
    %sub3A_52 = vector.broadcast %sub3A : f32 to vector<2000x128xf32>
    %sub3A_53 = arith.subf %exp3A, %sub3A_52 : vector<2000x128xf32>
    %select_n3A = arith.select %gt3A_49, %add3A_47, %sub3A_53 : vector<2000x128xi1>, vector<2000x128xf32>
    %add3A_54 = arith.addf %select_n3A, %get3A_5 : vector<2000x128xf32>
    %dot_general3A_55 = arith.constant dense<0.000000e+00> : vector<2000x128xf32>
    %dot_general3A_56 = tpu.matmul %add3A_54, %get3A_23, %dot_general3A_55 {dimension_numbers = #tpu.dot_dimension_numbers<[1], [0], [0], [1], [0, 0, 1, 1], [], []>, transpose_lhs_hint = false} : vector<2000x128xf32>, vector<128x128xf32>, vector<2000x128xf32> -> vector<2000x128xf32>
    %add3A_57 = vector.broadcast %get3A_26 : vector<1x128xf32> to vector<2000x128xf32>
    %add3A_58 = arith.addf %dot_general3A_56, %add3A_57 : vector<2000x128xf32>
    %max3A = arith.constant 0.000000e+00 : f32
    %max3A_59 = vector.broadcast %max3A : f32 to vector<2000x128xf32>
    %max3A_60 = arith.maximumf %add3A_58, %max3A_59 : vector<2000x128xf32>
    %mul3A_61 = arith.constant 0.999994993 : f32
    %mul3A_62 = vector.broadcast %mul3A_61 : f32 to vector<1x128xf32>
    %mul3A_63 = arith.mulf %get3A_29, %mul3A_62 : vector<1x128xf32>
    %mul3A_64 = vector.broadcast %mul3A_63 : vector<1x128xf32> to vector<2000x128xf32>
    %mul3A_65 = arith.mulf %max3A_60, %mul3A_64 : vector<2000x128xf32>
    %add3A_66 = vector.broadcast %get3A_32 : vector<1x128xf32> to vector<2000x128xf32>
    %add3A_67 = arith.addf %mul3A_65, %add3A_66 : vector<2000x128xf32>
    %max3A_68 = arith.constant 0.000000e+00 : f32
    %max3A_69 = vector.broadcast %max3A_68 : f32 to vector<2000x128xf32>
    %max3A_70 = arith.maximumf %add3A_67, %max3A_69 : vector<2000x128xf32>
    %get3A_71 = arith.constant 0 : index
    %get3A_72 = arith.constant 0 : index
    %get3A_73 = vector.load %arg12[%get3A_71, %get3A_72] : memref<128x128xf32, #tpu.memory_space<vmem>>, vector<128x128xf32>
    %dot_general3A_74 = arith.constant dense<0.000000e+00> : vector<2000x128xf32>
    %dot_general3A_75 = tpu.matmul %max3A_70, %get3A_73, %dot_general3A_74 {dimension_numbers = #tpu.dot_dimension_numbers<[1], [0], [0], [1], [0, 0, 1, 1], [], []>, transpose_lhs_hint = false} : vector<2000x128xf32>, vector<128x128xf32>, vector<2000x128xf32> -> vector<2000x128xf32>
    %get3A_76 = arith.constant 0 : index
    %get3A_77 = arith.constant 0 : index
    %get3A_78 = vector.load %arg13[%get3A_76, %get3A_77] : memref<1x128xf32, #tpu.memory_space<vmem>>, vector<1x128xf32>
    %add3A_79 = vector.broadcast %get3A_78 : vector<1x128xf32> to vector<2000x128xf32>
    %add3A_80 = arith.addf %dot_general3A_75, %add3A_79 : vector<2000x128xf32>
    %swap3A = arith.constant 0 : index
    %swap3A_81 = arith.constant 0 : index
    %swap3A_82 = vector.load %arg17[%swap3A, %swap3A_81] : memref<2000x128xf32, #tpu.memory_space<vmem>>, vector<2000x128xf32>
    tpu.vector_store %arg17[%swap3A, %swap3A_81], %add3A_80 {strides = array<i32>} : memref<2000x128xf32, #tpu.memory_space<vmem>>, vector<2000x128xf32>,
    %get3A_83 = arith.constant 0 : index
    %get3A_84 = arith.constant 0 : index
    %get3A_85 = vector.load %arg14[%get3A_83, %get3A_84] : memref<128x1xf32, #tpu.memory_space<vmem>>, vector<128x1xf32>
    %dot_general3A_86 = arith.constant dense<0.000000e+00> : vector<2000x1xf32>
    %dot_general3A_87 = tpu.matmul %add3A_80, %get3A_85, %dot_general3A_86 {dimension_numbers = #tpu.dot_dimension_numbers<[1], [0], [0], [1], [0, 0, 1, 1], [], []>, transpose_lhs_hint = false} : vector<2000x128xf32>, vector<128x1xf32>, vector<2000x1xf32> -> vector<2000x1xf32>
    %get3A_88 = arith.constant 0 : index
    %get3A_89 = arith.constant 0 : index
    %get3A_90 = vector.load %arg16[%get3A_88, %get3A_89] : memref<1x1xf32, #tpu.memory_space<vmem>>, vector<1x1xf32>
    %add3A_91 = vector.broadcast %get3A_90 : vector<1x1xf32> to vector<2000x1xf32>
    %add3A_92 = arith.addf %dot_general3A_87, %add3A_91 : vector<2000x1xf32>
    %swap3A_93 = arith.constant 0 : index
    %swap3A_94 = arith.constant 0 : index
    %swap3A_95 = vector.load %arg18[%swap3A_93, %swap3A_94] : memref<2000x1xf32, #tpu.memory_space<vmem>>, vector<2000x1xf32>
    tpu.vector_store %arg18[%swap3A_93, %swap3A_94], %add3A_92 {strides = array<i32>} : memref<2000x1xf32, #tpu.memory_space<vmem>>, vector<2000x1xf32>,
    %get3A_96 = arith.constant 0 : index
    %get3A_97 = arith.constant 0 : index
    %get3A_98 = vector.load %arg15[%get3A_96, %get3A_97] : memref<128x1xf32, #tpu.memory_space<vmem>>, vector<128x1xf32>
    %dot_general3A_99 = arith.constant dense<0.000000e+00> : vector<2000x1xf32>
    %dot_general3A_100 = tpu.matmul %add3A_80, %get3A_98, %dot_general3A_99 {dimension_numbers = #tpu.dot_dimension_numbers<[1], [0], [0], [1], [0, 0, 1, 1], [], []>, transpose_lhs_hint = false} : vector<2000x128xf32>, vector<128x1xf32>, vector<2000x1xf32> -> vector<2000x1xf32>
    %swap3A_101 = arith.constant 0 : index
    %swap3A_102 = arith.constant 0 : index
    %swap3A_103 = vector.load %arg19[%swap3A_101, %swap3A_102] : memref<2000x1xf32, #tpu.memory_space<vmem>>, vector<2000x1xf32>
    tpu.vector_store %arg19[%swap3A_101, %swap3A_102], %dot_general3A_100 {strides = array<i32>} : memref<2000x1xf32, #tpu.memory_space<vmem>>, vector<2000x1xf32>,
    return
  }
  func.func @transform_0(%arg0: i32) -> (i32, i32, i32) {
    %c0_i32 = arith.constant 0 : i32
    %c0_i32_0 = arith.constant 0 : i32
    %c0_i32_1 = arith.constant 0 : i32
    return %c0_i32, %arg0, %c0_i32_0 : i32, i32, i32
  }
  func.func @transform_1(%arg0: i32) -> (i32, i32) {
    %c0_i32 = arith.constant 0 : i32
    %c0_i32_0 = arith.constant 0 : i32
    return %arg0, %c0_i32 : i32, i32
  }
  func.func @transform_2(%arg0: i32) -> (i32, i32) {
    %c0_i32 = arith.constant 0 : i32
    %c0_i32_0 = arith.constant 0 : i32
    return %arg0, %c0_i32 : i32, i32
  }
  func.func @transform_3(%arg0: i32) -> (i32, i32) {
    %c0_i32 = arith.constant 0 : i32
    %c0_i32_0 = arith.constant 0 : i32
    return %arg0, %c0_i32 : i32, i32
  }
  func.func @transform_4(%arg0: i32) -> (i32, i32) {
    %c0_i32 = arith.constant 0 : i32
    %c0_i32_0 = arith.constant 0 : i32
    %c0_i32_1 = arith.constant 0 : i32
    return %c0_i32, %c0_i32_0 : i32, i32
  }
  func.func @transform_5(%arg0: i32) -> (i32, i32) {
    %c0_i32 = arith.constant 0 : i32
    %c0_i32_0 = arith.constant 0 : i32
    %c0_i32_1 = arith.constant 0 : i32
    return %c0_i32, %c0_i32_0 : i32, i32
  }
  func.func @transform_6(%arg0: i32) -> (i32, i32) {
    %c0_i32 = arith.constant 0 : i32
    %c0_i32_0 = arith.constant 0 : i32
    %c0_i32_1 = arith.constant 0 : i32
    return %c0_i32, %c0_i32_0 : i32, i32
  }
  func.func @transform_7(%arg0: i32) -> (i32, i32) {
    %c0_i32 = arith.constant 0 : i32
    %c0_i32_0 = arith.constant 0 : i32
    %c0_i32_1 = arith.constant 0 : i32
    return %c0_i32, %c0_i32_0 : i32, i32
  }
  func.func @transform_8(%arg0: i32) -> (i32, i32) {
    %c0_i32 = arith.constant 0 : i32
    %c0_i32_0 = arith.constant 0 : i32
    %c0_i32_1 = arith.constant 0 : i32
    return %c0_i32, %c0_i32_0 : i32, i32
  }
  func.func @transform_9(%arg0: i32) -> (i32, i32) {
    %c0_i32 = arith.constant 0 : i32
    %c0_i32_0 = arith.constant 0 : i32
    %c0_i32_1 = arith.constant 0 : i32
    return %c0_i32, %c0_i32_0 : i32, i32
  }
  func.func @transform_10(%arg0: i32) -> (i32, i32) {
    %c0_i32 = arith.constant 0 : i32
    %c0_i32_0 = arith.constant 0 : i32
    %c0_i32_1 = arith.constant 0 : i32
    return %c0_i32, %c0_i32_0 : i32, i32
  }
  func.func @transform_11(%arg0: i32) -> (i32, i32) {
    %c0_i32 = arith.constant 0 : i32
    %c0_i32_0 = arith.constant 0 : i32
    %c0_i32_1 = arith.constant 0 : i32
    return %c0_i32, %c0_i32_0 : i32, i32
  }
  func.func @transform_12(%arg0: i32) -> (i32, i32) {
    %c0_i32 = arith.constant 0 : i32
    %c0_i32_0 = arith.constant 0 : i32
    %c0_i32_1 = arith.constant 0 : i32
    return %c0_i32, %c0_i32_0 : i32, i32
  }
  func.func @transform_13(%arg0: i32) -> (i32, i32) {
    %c0_i32 = arith.constant 0 : i32
    %c0_i32_0 = arith.constant 0 : i32
    %c0_i32_1 = arith.constant 0 : i32
    return %c0_i32, %c0_i32_0 : i32, i32
  }
  func.func @transform_14(%arg0: i32) -> (i32, i32) {
    %c0_i32 = arith.constant 0 : i32
    %c0_i32_0 = arith.constant 0 : i32
    %c0_i32_1 = arith.constant 0 : i32
    return %c0_i32, %c0_i32_0 : i32, i32
  }
  func.func @transform_15(%arg0: i32) -> (i32, i32) {
    %c0_i32 = arith.constant 0 : i32
    %c0_i32_0 = arith.constant 0 : i32
    %c0_i32_1 = arith.constant 0 : i32
    return %c0_i32, %c0_i32_0 : i32, i32
  }
  func.func @transform_16(%arg0: i32) -> (i32, i32) {
    %c0_i32 = arith.constant 0 : i32
    %c0_i32_0 = arith.constant 0 : i32
    return %arg0, %c0_i32 : i32, i32
  }
  func.func @transform_17(%arg0: i32) -> (i32, i32) {
    %c0_i32 = arith.constant 0 : i32
    %c0_i32_0 = arith.constant 0 : i32
    return %arg0, %c0_i32 : i32, i32
  }
  func.func @transform_18(%arg0: i32) -> (i32, i32) {
    %c0_i32 = arith.constant 0 : i32
    %c0_i32_0 = arith.constant 0 : i32
    return %arg0, %c0_i32 : i32, i32
  }
}

module attributes {stable_mosaic.version = 14 : i64} {
  func.func @_post_body(%arg0: i32, %arg1: memref<2x2000x128xf32, #tpu.memory_space<vmem>>, %arg2: memref<2000x128xf32, #tpu.memory_space<vmem>>, %arg3: memref<2000x1xf32, #tpu.memory_space<vmem>>, %arg4: memref<2000x1xf32, #tpu.memory_space<vmem>>, %arg5: memref<1x128xf32, #tpu.memory_space<vmem>>, %arg6: memref<128x128xf32, #tpu.memory_space<vmem>>, %arg7: memref<1x128xf32, #tpu.memory_space<vmem>>, %arg8: memref<128x128xf32, #tpu.memory_space<vmem>>, %arg9: memref<1x128xf32, #tpu.memory_space<vmem>>, %arg10: memref<1x128xf32, #tpu.memory_space<vmem>>, %arg11: memref<1x128xf32, #tpu.memory_space<vmem>>, %arg12: memref<2000x128xf32, #tpu.memory_space<vmem>>) attributes {dimension_semantics = [#tpu.dimension_semantics<arbitrary>], iteration_bounds = array<i64: 5>, scalar_prefetch = 0 : i64, scratch_operands = 0 : i64, tpu.core_type = #tpu.core_type<tc>, window_params = [{transform_indices = @transform_0, window_bounds = array<i64: 2, 2000, 128>}, {transform_indices = @transform_1, window_bounds = array<i64: 2000, 128>}, {transform_indices = @transform_2, window_bounds = array<i64: 2000, 1>}, {transform_indices = @transform_3, window_bounds = array<i64: 2000, 1>}, {pipeline_mode = #tpu.pipeline_mode<synchronous>, transform_indices = @transform_4, window_bounds = array<i64: 1, 128>}, {pipeline_mode = #tpu.pipeline_mode<synchronous>, transform_indices = @transform_5, window_bounds = array<i64: 128, 128>}, {pipeline_mode = #tpu.pipeline_mode<synchronous>, transform_indices = @transform_6, window_bounds = array<i64: 1, 128>}, {pipeline_mode = #tpu.pipeline_mode<synchronous>, transform_indices = @transform_7, window_bounds = array<i64: 128, 128>}, {pipeline_mode = #tpu.pipeline_mode<synchronous>, transform_indices = @transform_8, window_bounds = array<i64: 1, 128>}, {pipeline_mode = #tpu.pipeline_mode<synchronous>, transform_indices = @transform_9, window_bounds = array<i64: 1, 128>}, {pipeline_mode = #tpu.pipeline_mode<synchronous>, transform_indices = @transform_10, window_bounds = array<i64: 1, 128>}, {transform_indices = @transform_11, window_bounds = array<i64: 2000, 128>}]} {
    %get3A = arith.constant 0 : index
    %get3A_0 = arith.constant 0 : index
    %get3A_1 = arith.constant 0 : index
    %get3A_2 = vector.load %arg1[%get3A, %get3A_0, %get3A_1] : memref<2x2000x128xf32, #tpu.memory_space<vmem>>, vector<2x2000x128xf32>
    %get3A_3 = arith.constant 0 : index
    %get3A_4 = arith.constant 0 : index
    %get3A_5 = vector.load %arg2[%get3A_3, %get3A_4] : memref<2000x128xf32, #tpu.memory_space<vmem>>, vector<2000x128xf32>
    %get3A_6 = arith.constant 0 : index
    %get3A_7 = arith.constant 0 : index
    %get3A_8 = vector.load %arg3[%get3A_6, %get3A_7] : memref<2000x1xf32, #tpu.memory_space<vmem>>, vector<2000x1xf32>
    %get3A_9 = arith.constant 0 : index
    %get3A_10 = arith.constant 0 : index
    %get3A_11 = vector.load %arg4[%get3A_9, %get3A_10] : memref<2000x1xf32, #tpu.memory_space<vmem>>, vector<2000x1xf32>
    %get3A_12 = arith.constant 0 : index
    %get3A_13 = arith.constant 0 : index
    %get3A_14 = vector.load %arg5[%get3A_12, %get3A_13] : memref<1x128xf32, #tpu.memory_space<vmem>>, vector<1x128xf32>
    %get3A_15 = arith.constant 0 : index
    %get3A_16 = arith.constant 0 : index
    %get3A_17 = vector.load %arg6[%get3A_15, %get3A_16] : memref<128x128xf32, #tpu.memory_space<vmem>>, vector<128x128xf32>
    %get3A_18 = arith.constant 0 : index
    %get3A_19 = arith.constant 0 : index
    %get3A_20 = vector.load %arg7[%get3A_18, %get3A_19] : memref<1x128xf32, #tpu.memory_space<vmem>>, vector<1x128xf32>
    %get3A_21 = arith.constant 0 : index
    %get3A_22 = arith.constant 0 : index
    %get3A_23 = vector.load %arg8[%get3A_21, %get3A_22] : memref<128x128xf32, #tpu.memory_space<vmem>>, vector<128x128xf32>
    %get3A_24 = arith.constant 0 : index
    %get3A_25 = arith.constant 0 : index
    %get3A_26 = vector.load %arg9[%get3A_24, %get3A_25] : memref<1x128xf32, #tpu.memory_space<vmem>>, vector<1x128xf32>
    %get3A_27 = arith.constant 0 : index
    %get3A_28 = arith.constant 0 : index
    %get3A_29 = vector.load %arg10[%get3A_27, %get3A_28] : memref<1x128xf32, #tpu.memory_space<vmem>>, vector<1x128xf32>
    %get3A_30 = arith.constant 0 : index
    %get3A_31 = arith.constant 0 : index
    %get3A_32 = vector.load %arg11[%get3A_30, %get3A_31] : memref<1x128xf32, #tpu.memory_space<vmem>>, vector<1x128xf32>
    %add3A = arith.addf %get3A_8, %get3A_11 : vector<2000x1xf32>
    %logistic3A = arith.negf %add3A : vector<2000x1xf32>
    %logistic3A_33 = math.exp %logistic3A : vector<2000x1xf32>
    %logistic3A_34 = arith.constant 1.000000e+00 : f32
    %logistic3A_35 = vector.broadcast %logistic3A_34 : f32 to vector<2000x1xf32>
    %logistic3A_36 = arith.addf %logistic3A_35, %logistic3A_33 : vector<2000x1xf32>
    %logistic3A_37 = arith.divf %logistic3A_35, %logistic3A_36 : vector<2000x1xf32>
    %slice3A = vector.extract_strided_slice %get3A_2 {offsets = [0, 0, 0], sizes = [1, 2000, 128], strides = [1, 1, 1]} : vector<2x2000x128xf32> to vector<1x2000x128xf32>
    %squeeze3A = vector.shape_cast %slice3A : vector<1x2000x128xf32> to vector<2000x128xf32>
    %slice3A_38 = vector.extract_strided_slice %get3A_2 {offsets = [1, 0, 0], sizes = [1, 2000, 128], strides = [1, 1, 1]} : vector<2x2000x128xf32> to vector<1x2000x128xf32>
    %squeeze3A_39 = vector.shape_cast %slice3A_38 : vector<1x2000x128xf32> to vector<2000x128xf32>
    %add3A_40 = arith.addf %squeeze3A, %squeeze3A_39 : vector<2000x128xf32>
    %mul3A = vector.broadcast %logistic3A_37 : vector<2000x1xf32> to vector<2000x128xf32>
    %mul3A_41 = arith.mulf %mul3A, %get3A_5 : vector<2000x128xf32>
    %add3A_42 = arith.addf %add3A_40, %mul3A_41 : vector<2000x128xf32>
    %mul3A_43 = vector.broadcast %get3A_14 : vector<1x128xf32> to vector<2000x128xf32>
    %mul3A_44 = arith.mulf %add3A_42, %mul3A_43 : vector<2000x128xf32>
    %dot_general3A = arith.constant dense<0.000000e+00> : vector<2000x128xf32>
    %dot_general3A_45 = tpu.matmul %mul3A_44, %get3A_17, %dot_general3A {dimension_numbers = #tpu.dot_dimension_numbers<[1], [0], [0], [1], [0, 0, 1, 1], [], []>, transpose_lhs_hint = false} : vector<2000x128xf32>, vector<128x128xf32>, vector<2000x128xf32> -> vector<2000x128xf32>
    %add3A_46 = vector.broadcast %get3A_20 : vector<1x128xf32> to vector<2000x128xf32>
    %add3A_47 = arith.addf %dot_general3A_45, %add3A_46 : vector<2000x128xf32>
    %gt3A = arith.constant 0.000000e+00 : f32
    %gt3A_48 = vector.broadcast %gt3A : f32 to vector<2000x128xf32>
    %gt3A_49 = arith.cmpf ogt, %add3A_47, %gt3A_48 : vector<2000x128xf32>
    %min3A = arith.constant 0.000000e+00 : f32
    %min3A_50 = vector.broadcast %min3A : f32 to vector<2000x128xf32>
    %min3A_51 = arith.minimumf %add3A_47, %min3A_50 : vector<2000x128xf32>
    %exp3A = math.exp %min3A_51 : vector<2000x128xf32>
    %sub3A = arith.constant 1.000000e+00 : f32
    %sub3A_52 = vector.broadcast %sub3A : f32 to vector<2000x128xf32>
    %sub3A_53 = arith.subf %exp3A, %sub3A_52 : vector<2000x128xf32>
    %select_n3A = arith.select %gt3A_49, %add3A_47, %sub3A_53 : vector<2000x128xi1>, vector<2000x128xf32>
    %add3A_54 = arith.addf %select_n3A, %get3A_5 : vector<2000x128xf32>
    %dot_general3A_55 = arith.constant dense<0.000000e+00> : vector<2000x128xf32>
    %dot_general3A_56 = tpu.matmul %add3A_54, %get3A_23, %dot_general3A_55 {dimension_numbers = #tpu.dot_dimension_numbers<[1], [0], [0], [1], [0, 0, 1, 1], [], []>, transpose_lhs_hint = false} : vector<2000x128xf32>, vector<128x128xf32>, vector<2000x128xf32> -> vector<2000x128xf32>
    %add3A_57 = vector.broadcast %get3A_26 : vector<1x128xf32> to vector<2000x128xf32>
    %add3A_58 = arith.addf %dot_general3A_56, %add3A_57 : vector<2000x128xf32>
    %max3A = arith.constant 0.000000e+00 : f32
    %max3A_59 = vector.broadcast %max3A : f32 to vector<2000x128xf32>
    %max3A_60 = arith.maximumf %add3A_58, %max3A_59 : vector<2000x128xf32>
    %mul3A_61 = arith.constant 0.999994993 : f32
    %mul3A_62 = vector.broadcast %mul3A_61 : f32 to vector<1x128xf32>
    %mul3A_63 = arith.mulf %get3A_29, %mul3A_62 : vector<1x128xf32>
    %mul3A_64 = vector.broadcast %mul3A_63 : vector<1x128xf32> to vector<2000x128xf32>
    %mul3A_65 = arith.mulf %max3A_60, %mul3A_64 : vector<2000x128xf32>
    %add3A_66 = vector.broadcast %get3A_32 : vector<1x128xf32> to vector<2000x128xf32>
    %add3A_67 = arith.addf %mul3A_65, %add3A_66 : vector<2000x128xf32>
    %swap3A = arith.constant 0 : index
    %swap3A_68 = arith.constant 0 : index
    %swap3A_69 = vector.load %arg12[%swap3A, %swap3A_68] : memref<2000x128xf32, #tpu.memory_space<vmem>>, vector<2000x128xf32>
    tpu.vector_store %arg12[%swap3A, %swap3A_68], %add3A_67 {strides = array<i32>} : memref<2000x128xf32, #tpu.memory_space<vmem>>, vector<2000x128xf32>,
    return
  }
  func.func @transform_0(%arg0: i32) -> (i32, i32, i32) {
    %c0_i32 = arith.constant 0 : i32
    %c0_i32_0 = arith.constant 0 : i32
    %c0_i32_1 = arith.constant 0 : i32
    return %c0_i32, %arg0, %c0_i32_0 : i32, i32, i32
  }
  func.func @transform_1(%arg0: i32) -> (i32, i32) {
    %c0_i32 = arith.constant 0 : i32
    %c0_i32_0 = arith.constant 0 : i32
    return %arg0, %c0_i32 : i32, i32
  }
  func.func @transform_2(%arg0: i32) -> (i32, i32) {
    %c0_i32 = arith.constant 0 : i32
    %c0_i32_0 = arith.constant 0 : i32
    return %arg0, %c0_i32 : i32, i32
  }
  func.func @transform_3(%arg0: i32) -> (i32, i32) {
    %c0_i32 = arith.constant 0 : i32
    %c0_i32_0 = arith.constant 0 : i32
    return %arg0, %c0_i32 : i32, i32
  }
  func.func @transform_4(%arg0: i32) -> (i32, i32) {
    %c0_i32 = arith.constant 0 : i32
    %c0_i32_0 = arith.constant 0 : i32
    %c0_i32_1 = arith.constant 0 : i32
    return %c0_i32, %c0_i32_0 : i32, i32
  }
  func.func @transform_5(%arg0: i32) -> (i32, i32) {
    %c0_i32 = arith.constant 0 : i32
    %c0_i32_0 = arith.constant 0 : i32
    %c0_i32_1 = arith.constant 0 : i32
    return %c0_i32, %c0_i32_0 : i32, i32
  }
  func.func @transform_6(%arg0: i32) -> (i32, i32) {
    %c0_i32 = arith.constant 0 : i32
    %c0_i32_0 = arith.constant 0 : i32
    %c0_i32_1 = arith.constant 0 : i32
    return %c0_i32, %c0_i32_0 : i32, i32
  }
  func.func @transform_7(%arg0: i32) -> (i32, i32) {
    %c0_i32 = arith.constant 0 : i32
    %c0_i32_0 = arith.constant 0 : i32
    %c0_i32_1 = arith.constant 0 : i32
    return %c0_i32, %c0_i32_0 : i32, i32
  }
  func.func @transform_8(%arg0: i32) -> (i32, i32) {
    %c0_i32 = arith.constant 0 : i32
    %c0_i32_0 = arith.constant 0 : i32
    %c0_i32_1 = arith.constant 0 : i32
    return %c0_i32, %c0_i32_0 : i32, i32
  }
  func.func @transform_9(%arg0: i32) -> (i32, i32) {
    %c0_i32 = arith.constant 0 : i32
    %c0_i32_0 = arith.constant 0 : i32
    %c0_i32_1 = arith.constant 0 : i32
    return %c0_i32, %c0_i32_0 : i32, i32
  }
  func.func @transform_10(%arg0: i32) -> (i32, i32) {
    %c0_i32 = arith.constant 0 : i32
    %c0_i32_0 = arith.constant 0 : i32
    %c0_i32_1 = arith.constant 0 : i32
    return %c0_i32, %c0_i32_0 : i32, i32
  }
  func.func @transform_11(%arg0: i32) -> (i32, i32) {
    %c0_i32 = arith.constant 0 : i32
    %c0_i32_0 = arith.constant 0 : i32
    return %arg0, %c0_i32 : i32, i32
  }
}

</mosaic_0001>

<sc_bundles>
// kernel: kernel.10.cloned.1.call-start
scs
__scs_entry_jumppad:
0x0: {  	(pc) =	sbr.rel $0x88, $3  }
0x1: {  	(tag) =	ssettag $0x0;
	lr =	simm.s32 $0x1  }
0x2: {  	[smem:$0x3F89] =	sst lr;
	_ =	strace $0xD0000000  }
0x3: {  	_ = 	snop  }
0x4: {  	_ = 	snop  }
0x5: {  	_ = 	snop  }
0x6: {  	_ = 	snop  }
0x7: {  	_ = 	snop  }
__scs_overlays_trampoline_lowered:
0x8: {  	[smem:$0x3F98] =	sst s0  }
0x9: {  	[smem:$0x3F99] =	sst s1  }
0xa: {  	[smem:$0x3F9A] =	sst s2  }
0xb: {  	[smem:$0x3F9B] =	sst s3  }
0xc: {  	[smem:$0x3F9C] =	sst s4  }
0xd: {  	[smem:$0x3F9D] =	sst s5  }
0xe: {  	[smem:$0x3F9E] =	sst s6  }
0xf: {  	[smem:$0x3F9F] =	sst s7  }
0x10: {  	[smem:$0x3FA0] =	sst s8  }
0x11: {  	[smem:$0x3FA1] =	sst s9;
	s0 =	simm.s32 @!p0 $0x0  }
0x12: {  	s1 =	sld [smem:$0x3F87];
	s0 =	simm.s32 @p0 $0x1  }
0x13: {  	[smem:$0x3FA2] =	sst s0;
	s0 =	simm.s32 @!p1 $0x0  }
0x14: {  	s2 =	sld [smem:$0x3F86];
	s0 =	simm.s32 @p1 $0x1  }
0x15: {  	[smem:$0x3FA3] =	sst s0;
	s0 =	simm.s32 @!p2 $0x0  }
0x16: {  	s3 =	sld [smem:$0x3FDB];
	s0 =	simm.s32 @p2 $0x1  }
0x17: {  	s4 =	simm.s32 $0x1BF5;
	[smem:$0x3FA5] =	sst s0  }
0x18: {  	s0 =	sld [smem:$0x3F88];
	_ =	swait.ge [sflag:s4], $0x0  }
0x19: {  	s7 =	sld [smem:$0x3F89]  }
0x1a: {  	s8 =	sadd.s32 $0xFFFFE003, lr  }
0x1b: {  	s9 =	sadd.s32 $0xFFFFFEF7, lr;
	s5 =	simm.s32 $0xFFFFFFFF;
	p2 =	slt.u32 s8, $0xFFFFF086  }
0x1c: {  	p1 =	slt.u32 s9, $0xF7A;
	s5 =	simm.s32 @!p2 $0x0  }
0x1d: {  	s5 =	simm.s32 @p1 $0x1;
	p0 =	seq.s32 s7, s2  }
0x1e: {  	s7 =	smul.u32 @!p0 $0xF7A, s2;
	p2 =	seq.s32 @!p0 s5, $0x0  }
0x1f: {  	s9 =	smul.u32 $0xF7A, s1;
	s8 =	simm.s32 @!p0 $0x1BF5;
	p2 =	por !p2, p0  }
0x20: {  	[sflag:s8] =	ssyncset.s32 @!p0 $0xFFFFF086;
	s6 =	sadd.s32 @!p0 s3, s7;
	s7 =	simm.s32 @!p0 $0x108  }
0x21: {  	s3 =	sadd.s32 s3, s9;
	s6 =	sadd.s32 @!p0 $0x88, s6;
	s7 =	simm.s32 @p2 $0x1082  }
0x22: {  	[simem:s7], [sflag:s8] =	dma.local @!p0 [hbm:s6], $0xF7A  }
0x23: {  	s9 =	sor.u32 $0xD0000000, s2;
	s6 =	simm.s32 $0x108;
	_ =	swait.ge @!p0 [sflag:s8], $0x0  }
0x24: {  	s3 =	sadd.s32 $0x88, s3;
	s6 =	simm.s32 @!p1 $0x1082;
	[sflag:s4] =	ssyncset.s32 $0xFFFFF086  }
0x25: {  	[simem:s6], [sflag:s4] =	dma.local [hbm:s3], $0xF7A  }
0x26: {  	[smem:$0x3F89] =	sst s1;
	(tag) =	ssettag s2;
	_ =	strace s9  }
0x27: {  	s1 =	sld [smem:$0x3F99]  }
0x28: {  	s2 =	sld [smem:$0x3F9A]  }
0x29: {  	s4 =	sld [smem:$0x3F9C]  }
0x2a: {  	p0 =	seq.s32 s5, $0x0;
	s5 =	sld [smem:$0x3F9D]  }
0x2b: {  	s6 =	sld [smem:$0x3F9E]  }
0x2c: {  	s7 =	sld [smem:$0x3F9F]  }
0x2d: {  	s3 =	simm.s32 $0x108;
	s8 =	sld [smem:$0x3FA0]  }
0x2e: {  	s3 =	simm.s32 @!p0 $0x1082;
	s9 =	sld [smem:$0x3FA1]  }
0x2f: {  	lr =	sadd.s32 s0, s3;
	s0 =	sld [smem:$0x3F98]  }
0x30: {  	s3 =	sld [smem:$0x3F9B]  }
0x31: {  	[smem:$0x3FA4] =	sst s10  }
0x32: {  	s10 =	sld [smem:$0x3FA2];
	_ =	sdelay $0x3  }
0x33: {  	p0 =	seq.s32 s10, $0x1;
	s10 =	sld [smem:$0x3FA4];
	_ =	sdelay $0x3  }
0x34: {  	[smem:$0x3FA4] =	sst s10  }
0x35: {  	s10 =	sld [smem:$0x3FA3];
	_ =	sdelay $0x3  }
0x36: {  	p1 =	seq.s32 s10, $0x1;
	s10 =	sld [smem:$0x3FA4];
	_ =	sdelay $0x3  }
0x37: {  	[smem:$0x3FA4] =	sst s10  }
0x38: {  	s10 =	sld [smem:$0x3FA5]  }
0x39: {  	_ = 	snop;
	(pc) =	sbr.ind lr, $3  }
0x3a: {  	_ = 	snop  }
0x3b: {  	_ = 	snop  }
0x3c: {  	p2 =	seq.s32 s10, $0x1;
	s10 =	sld [smem:$0x3FA4]  }
0x3d: {  	_ =	shalt  }
0x3e: {  	_ =	shalt  }
0x3f: {  	_ =	shalt  }
0x40: {  	_ =	shalt  }
0x41: {  	_ =	shalt  }
0x42: {  	_ =	shalt  }
0x43: {  	_ =	shalt  }
0x44: {  	_ =	shalt  }
0x45: {  	_ =	shalt  }
0x46: {  	_ =	shalt  }
0x47: {  	_ =	shalt  }
0x48: {  	_ =	shalt  }
0x49: {  	_ =	shalt  }
0x4a: {  	_ =	shalt  }
0x4b: {  	_ =	shalt  }
0x4c: {  	_ =	shalt  }
0x4d: {  	_ =	shalt  }
0x4e: {  	_ =	shalt  }
0x4f: {  	_ =	shalt  }
0x50: {  	_ =	shalt  }
0x51: {  	_ =	shalt  }
0x52: {  	_ =	shalt  }
0x53: {  	_ =	shalt  }
0x54: {  	_ =	shalt  }
0x55: {  	_ =	shalt  }
0x56: {  	_ =	shalt  }
0x57: {  	_ =	shalt  }
0x58: {  	_ =	shalt  }
0x59: {  	_ =	shalt  }
0x5a: {  	_ =	shalt  }
0x5b: {  	_ =	shalt  }
0x5c: {  	_ =	shalt  }
0x5d: {  	_ =	shalt  }
0x5e: {  	_ =	shalt  }
0x5f: {  	_ =	shalt  }
0x60: {  	_ =	shalt  }
0x61: {  	_ =	shalt  }
0x62: {  	_ =	shalt  }
0x63: {  	_ =	shalt  }
0x64: {  	_ =	shalt  }
0x65: {  	_ =	shalt  }
0x66: {  	_ =	shalt  }
0x67: {  	_ =	shalt  }
0x68: {  	_ =	shalt  }
0x69: {  	_ =	shalt  }
0x6a: {  	_ =	shalt  }
0x6b: {  	_ =	shalt  }
0x6c: {  	_ =	shalt  }
0x6d: {  	_ =	shalt  }
0x6e: {  	_ =	shalt  }
0x6f: {  	_ =	shalt  }
0x70: {  	_ =	shalt  }
0x71: {  	_ =	shalt  }
0x72: {  	_ =	shalt  }
0x73: {  	_ =	shalt  }
0x74: {  	_ =	shalt  }
0x75: {  	_ =	shalt  }
0x76: {  	_ =	shalt  }
0x77: {  	_ =	shalt  }
0x78: {  	_ =	shalt  }
0x79: {  	_ =	shalt  }
0x7a: {  	_ =	shalt  }
0x7b: {  	_ =	shalt  }
0x7c: {  	_ =	shalt  }
0x7d: {  	_ =	shalt  }
0x7e: {  	_ =	shalt  }
0x7f: {  	_ =	shalt  }
0x80: {  	_ =	shalt  }
0x81: {  	_ =	shalt  }
0x82: {  	_ =	shalt  }
0x83: {  	_ =	shalt  }
0x84: {  	_ =	shalt  }
0x85: {  	_ =	shalt  }
0x86: {  	_ =	shalt  }
0x87: {  	_ =	shalt  }
.Lfunc_end0:
.L_simem_size_0:
called_computation.1_lowered:
.L_overlay_start_0:
0x88: {  	s2 =	sld [smem:$0x3FD9]  }
0x89: {  	s3 =	sld [smem:$0x3FFE];
	_ =	sdelay $0x1  }
0x8a: {  	s1 =	srdreg.scid  }
0x8b: {  	s0 =	sand.u32 $0x1, s1  }
0x8c: {  	s17 =	sshll.u32 s0, $0xA;
	s2 =	sadd.s32 s3, s2  }
0x8d: {  	s2 =	sadd.s32 s2, s17  }
0x8e: {  	[smem:$0x3FB0] =	sst s2  }
0x8f: {  	_ = 	snop  }
0x90: {  	s2 =	sld [smem:$0x3FD0];
	(tm) =	ssettm $0x1  }
0x91: {  	s18 =	sld [smem:$0x3FFB];
	_ =	sdelay $0x3  }
0x92: {  	_ =	strace s18  }
0x93: {  	s3 =	sld [smem:$0x3FFC];
	_ =	sdelay $0x3  }
0x94: {  	_ =	strace s3  }
0x95: {  	s3 =	sld [smem:$0x3FFD];
	_ =	sdelay $0x3  }
0x96: {  	_ =	strace s3  }
0x97: {  	_ =	strace $0x8FFFFFFF  }
0x98: {  	s19 =	sld [smem:$0x3FDB];
	_ =	sdelay $0x1  }
0x99: {  	s4 =	simm.s32 $_scs_section_size  }
0x9a: {  	s5 =	simm.s32 $_size__tile_overlayer_lowered;
	s6 =	simm.s32 $_tile_overlayer_lowered  }
0x9b: {  	s22 =	simm.s32 $0x1BFF;
	s21 =	sshll.u32 s6, $0x1;
	s3 =	sadd.s32 s4, s19  }
0x9c: {  	s7 =	simm.s32 $0x0;
	s20 =	sshll.u32 s5, $0x1;
	s5 =	sadd.s32 s21, s3  }
0x9d: {  	[timem:s7], [sflag:s22] =	dma.local [hbm:s5], s20  }
0x9e: {  	_ =	swait.ge [sflag:s22], s20  }
0x9f: {  	s4 =	ssub.s32 $0x0, s20;
	[sflag:s22] =	ssyncset.done $0x0  }
0xa0: {  	[sflag:s22] =	ssyncadd.s32 s4;
	_ =	sdelay $0x1  }
0xa1: {  	s23 =	simm.s32 $0x1B8B  }
0xa2: {  	_ =	swait.ge [sflag:s23], $0x1  }
0xa3: {  	[sflag:s23] =	ssyncset.done $0x0  }
0xa4: {  	s25 =	simm.s32 $0x1B8E;
	s24 =	sld [smem:$0x3FFE];
	[sflag:s23] =	ssyncadd.s32 $0xFFFFFFFF  }
0xa5: {  	s26 =	simm.s32 $execute0_lowered;
	[smem:$0x3FD2] =	sst s25  }
0xa6: {  	s5 =	sshll.u32 s26, $0x1;
	_ =	strace $0x80000049;
	[dreg:$0x1] =	wrdreg $0xFFFFFFFF  }
0xa7: {  	s28 =	simm.s32 $_size_execute0_lowered;
	s3 =	sadd.s32 s3, s5;
	[dreg:$0x0] =	wrdreg $0x0  }
0xa8: {  	s5 =	sshll.u32 s28, $0x1;
	[dreg:$0x2] =	wrdreg s3  }
0xa9: {  	[dreg:$0x3] =	wrdreg s5  }
0xaa: {  	[dreg:$0x4] =	wrdreg $0xC0  }
0xab: {  	_ =	task [dreg:s7], $0x5FFFF  }
0xac: {  	[dreg:$0x1] =	wrdreg $0xFFFFFFFF  }
0xad: {  	[dreg:$0x0] =	wrdreg $0x60  }
0xae: {  	[dreg:$0x2] =	wrdreg s2  }
0xaf: {  	[dreg:$0x3] =	wrdreg s24  }
0xb0: {  	[dreg:$0x4] =	wrdreg $0xAC400  }
0xb1: {  	[dreg:$0x5] =	wrdreg $0x9  }
0xb2: {  	_ =	task.clear_ibuf [dreg:s7], $0x6FFFF;
	_ =	strace $0x90000049  }
0xb3: {  	s29 =	simm.s32 $0x9;
	_ =	strace $0x8000004B  }
0xb4: {  	_ =	swait.ge [sflag:s29], $0x1  }
0xb5: {  	[sflag:s29] =	ssyncadd.s32 $0xFFFFFFFF  }
0xb6: {  	_ =	strace $0x9000004B  }
0xb7: {  	_ =	sfence  }
0xb8: {  	s30 =	sld [smem:$0x0];
	_ =	sdelay $0x2  }
0xb9: {  	s31 =	sshll.u32 s1, $0xD;
	s1 =	sshrl.u32 s1, $0x2  }
0xba: {  	s3 =	sand.u32 $0x4000, s31;
	s1 =	sadd.s32 s1, s30  }
0xbb: {  	s0 =	sor.u32 s3, s0;
	s1 =	sshll.u32 s1, $0x11  }
0xbc: {  	s0 =	sor.u32 s1, s0  }
0xbd: {  	s0 =	sadd.s32 $0x8F2B, s0  }
0xbe: {  	[sflag:s0] =	ssyncadd.remote.s32 $0x1  }
0xbf: {  	_ =	sfence.sel $0xFFFF  }
0xc0: {  	[dreg:$0x0] =	wrdreg $0xFFFFFFFF;
	(pc) =	sbr.abs _section_cstart, $3  }
0xc1: {  	[dreg:$0x1] =	wrdreg $0xFFFFFFFF  }
0xc2: {  	_ =	task.clear_ibuf [dreg:s7], $0x2FFFF;
	_ =	strace $0x9FFFFFFF  }
0xc3: {  	(tm) =	ssettm $0x7FFFFFFF  }
tec
execute0_lowered:
.L_overlay_start_1:
0x0: {  	(tag) =	ssettag $0x1  }
0x1: {  	s1 =	rddreg [dreg:$0x0]  }
0x2: {  	s0 =	srdreg.scid;
	s2 =	rddreg [dreg:$0x1]  }
0x3: {  	s9 =	stileid.u32;
	s3 =	rddreg [dreg:$0x2];
	s6 =	simm.s32 $0x0  }
0x4: {  	s29 =	simm.s32 $0x4800;
	s30 =	simm.s32 $0xA940;
	s31 =	simm.s32 $0xA980  }
0x5: {  	s28 =	simm.s32 $0x8800;
	s11 =	simm.s32 $0x2;
	s5 =	smul.u32 $0x2800, s9  }
0x6: {  	s12 =	simm.s32 $0x5;
	s13 =	simm.s32 $0x3;
	s7 =	smul.u32 $0x13D00, s9  }
0x7: {  	s14 =	simm.s32 $0x6;
	s0 =	sand.u32 $0x1, s0;
	s9 =	smul.u32 $0x4F400, s9  }
0x8: {  	s15 =	simm.s32 $0x4;
	[smem:$0x7FF] =	sst s6;
	s4 =	smul.u32 $0x28000, s0  }
0x9: {  	s6 =	sadd.s32 $0x3200, s2;
	s16 =	smul.u32 $0x13D000, s0;
	s17 =	sshrl.u32 s9, $0x2  }
0xa: {  	_ =	strace $0x8000004A;
	s9 =	sadd.s32 s7, s3;
	s18 =	sadd.s32 s17, s3  }
0xb: {  	s0 =	ssub.s32 $0x2, s0;
	[dreg:$0x5] =	wrdreg s9;
	s19 =	sadd.s32 $0x2000, s18  }
0xc: {  	s10 =	sshrl.u32 s0, $0x1;
	s20 =	sadd.s32 $0x4000, s18;
	[dreg:$0x6] =	wrdreg s19  }
0xd: {  	s4 =	sadd.s32 s5, s4;
	s21 =	sadd.s32 $0x6000, s18;
	[dreg:$0x7] =	wrdreg s20  }
0xe: {  	s5 =	sadd.s32 $0x3800, s2;
	s22 =	sadd.s32 $0x8000, s18;
	[dreg:$0x8] =	wrdreg s21  }
0xf: {  	s8 =	sadd.s32 s7, s16;
	s23 =	sadd.s32 $0xA000, s18;
	[dreg:$0x9] =	wrdreg s22  }
0x10: {  	s0 =	ssub.s32 s0, s10;
	s24 =	sadd.s32 $0xC000, s18;
	[dreg:$0xa] =	wrdreg s23  }
0x11: {  	s7 =	simm.s32 $0xA9C0;
	s25 =	sadd.s32 $0xE000, s18;
	[dreg:$0xb] =	wrdreg s24  }
0x12: {  	s4 =	sshrl.u32 s4, $0x3;
	s26 =	sadd.s32 $0x10000, s18;
	[dreg:$0xc] =	wrdreg s25  }
0x13: {  	s8 =	sshrl.u32 s8, $0x3;
	s0 =	smax.u32 s0, $0x1;
	[dreg:$0xd] =	wrdreg s26  }
0x14: {  	s4 =	sadd.s32 s4, s2;
	s2 =	sadd.s32 s8, s2;
	[dreg:$0x10] =	wrdreg s0  }
0x15: {  	s20 =	simm.s32 $0x9;
	s21 =	simm.s32 $0x2800;
	s22 =	simm.s32 $0x40  }
0x16: {  	s24 =	simm.s32 $0xA900;
	s25 =	simm.s32 $0xA880;
	s4 =	sadd.s32 $0x53200, s4  }
0x17: {  	s26 =	simm.s32 $0x6800;
	s2 =	sadd.s32 $0x5D200, s2;
	[dreg:$0x4] =	wrdreg s4  }
0x18: {  	s0 =	simm.s32 $0x1;
	s4 =	sadd.s32 $0x12000, s18;
	[dreg:$0xf] =	wrdreg s2  }
0x19: {  	v0 =	vimm.f32 $0.0e+00;
	s23 =	simm.s32 $0xA8C0;
	[dreg:$0xe] =	wrdreg s4;
	s4 =	simm.s32 $0x0  }
.LBB2_1:
0x1a: {  	[dreg:$0x11] =	wrdreg s4  }
0x1b: {  	s2 =	simm.s32 $0x0;
	s19 =	rddreg [dreg:$0x4]  }
0x1c: {  	[tilespmem:s2], [sflag:$0x9] =	stream.linear.gather [hbm4b:s19+s2], $0x2800, $0x38;
	[tilespmem:$0x1E940] =	vst v63  }
0x1d: {  	_ =	swait.ge [sflag:s20], $0x2800  }
0x1e: {  	[sflag:s20] =	ssyncset.done $0x0  }
0x1f: {  	s8 =	simm.s32 $0x0;
	s16 =	simm.s32 $0x200;
	[sflag:s20] =	ssyncadd.s32 $0xFFFFD800  }
.LBB2_2:
0x20: {  	p0 =	sne.s32 s16, $0x7E00;
	[tilespmem:s8+$0x2870] =	vst v0  }
0x21: {  	[tilespmem:s8+$0x2800] =	vst v0  }
0x22: {  	[tilespmem:s8+$0x2810] =	vst v0  }
.Ltmp0:
0x23: {  	[tilespmem:s8+$0x2820] =	vst v0;
	(pc) =	sbr.rel @p0 .LBB2_2-.Ltmp0, $4  }
0x24: {  	[tilespmem:s8+$0x2830] =	vst v0  }
0x25: {  	[tilespmem:s8+$0x2840] =	vst v0  }
0x26: {  	[tilespmem:s8+$0x2850] =	vst v0  }
0x27: {  	[tilespmem:s8+$0x2860] =	vst v0;
	s8 =	sshra.s32 s16, $0x2;
	s16 =	sadd.s32 $0x200, s16  }
0x28: {  	[tilespmem:s8+$0x2870] =	vst v0  }
0x29: {  	[tilespmem:s8+$0x2800] =	vst v0  }
0x2a: {  	[tilespmem:s8+$0x2810] =	vst v0  }
0x2b: {  	[tilespmem:s8+$0x2820] =	vst v0  }
0x2c: {  	[tilespmem:s8+$0x2830] =	vst v0  }
0x2d: {  	[tilespmem:s8+$0x2840] =	vst v0  }
0x2e: {  	[tilespmem:s8+$0x2850] =	vst v0  }
0x2f: {  	[tilespmem:s8+$0x2860] =	vst v0  }
0x30: {  	[spmem:s9] =	stream.linear.scatter [tilespmem:s21], [sflag:$0x9], $0x2000, $0x38;
	[tilespmem:$0x1E940] =	vst v63  }
0x31: {  	_ =	swait.ge [sflag:s20], $0x2000  }
0x32: {  	[sflag:s20] =	ssyncset.done $0x0  }
0x33: {  	s2 =	rddreg [dreg:$0x6];
	[sflag:s20] =	ssyncadd.s32 $0xFFFFE000  }
0x34: {  	[spmem:s2] =	stream.linear.scatter [tilespmem:s21], [sflag:$0x9], $0x2000, $0x38;
	[tilespmem:$0x1E940] =	vst v63  }
0x35: {  	_ =	swait.ge [sflag:s20], $0x2000  }
0x36: {  	[sflag:s20] =	ssyncset.done $0x0  }
0x37: {  	s10 =	rddreg [dreg:$0x7];
	[sflag:s20] =	ssyncadd.s32 $0xFFFFE000  }
0x38: {  	[spmem:s10] =	stream.linear.scatter [tilespmem:s21], [sflag:$0x9], $0x2000, $0x38;
	[tilespmem:$0x1E940] =	vst v63  }
0x39: {  	_ =	swait.ge [sflag:s20], $0x2000  }
0x3a: {  	[sflag:s20] =	ssyncset.done $0x0  }
0x3b: {  	s16 =	rddreg [dreg:$0x8];
	[sflag:s20] =	ssyncadd.s32 $0xFFFFE000  }
0x3c: {  	[spmem:s16] =	stream.linear.scatter [tilespmem:s21], [sflag:$0x9], $0x2000, $0x38;
	[tilespmem:$0x1E940] =	vst v63  }
0x3d: {  	_ =	swait.ge [sflag:s20], $0x2000  }
0x3e: {  	[sflag:s20] =	ssyncset.done $0x0  }
0x3f: {  	s17 =	rddreg [dreg:$0x9];
	[sflag:s20] =	ssyncadd.s32 $0xFFFFE000  }
0x40: {  	[spmem:s17] =	stream.linear.scatter [tilespmem:s21], [sflag:$0x9], $0x2000, $0x38;
	[tilespmem:$0x1E940] =	vst v63  }
0x41: {  	_ =	swait.ge [sflag:s20], $0x2000  }
0x42: {  	[sflag:s20] =	ssyncset.done $0x0  }
0x43: {  	s18 =	rddreg [dreg:$0xa];
	[sflag:s20] =	ssyncadd.s32 $0xFFFFE000  }
0x44: {  	[spmem:s18] =	stream.linear.scatter [tilespmem:s21], [sflag:$0x9], $0x2000, $0x38;
	[tilespmem:$0x1E940] =	vst v63  }
0x45: {  	_ =	swait.ge [sflag:s20], $0x2000  }
0x46: {  	[sflag:s20] =	ssyncset.done $0x0  }
0x47: {  	s19 =	rddreg [dreg:$0xb];
	[sflag:s20] =	ssyncadd.s32 $0xFFFFE000  }
0x48: {  	[spmem:s19] =	stream.linear.scatter [tilespmem:s21], [sflag:$0x9], $0x2000, $0x38;
	[tilespmem:$0x1E940] =	vst v63  }
0x49: {  	_ =	swait.ge [sflag:s20], $0x2000  }
0x4a: {  	[sflag:s20] =	ssyncset.done $0x0  }
0x4b: {  	s4 =	rddreg [dreg:$0xc];
	[sflag:s20] =	ssyncadd.s32 $0xFFFFE000  }
0x4c: {  	[spmem:s4] =	stream.linear.scatter [tilespmem:s21], [sflag:$0x9], $0x2000, $0x38;
	[tilespmem:$0x1E940] =	vst v63  }
0x4d: {  	_ =	swait.ge [sflag:s20], $0x2000  }
0x4e: {  	[sflag:s20] =	ssyncset.done $0x0  }
0x4f: {  	s8 =	rddreg [dreg:$0xd];
	[sflag:s20] =	ssyncadd.s32 $0xFFFFE000  }
0x50: {  	[spmem:s8] =	stream.linear.scatter [tilespmem:s21], [sflag:$0x9], $0x2000, $0x38;
	[tilespmem:$0x1E940] =	vst v63  }
0x51: {  	_ =	swait.ge [sflag:s20], $0x2000  }
0x52: {  	[sflag:s20] =	ssyncset.done $0x0  }
0x53: {  	s9 =	rddreg [dreg:$0xe];
	[sflag:s20] =	ssyncadd.s32 $0xFFFFE000  }
0x54: {  	[spmem:s9] =	stream.linear.scatter [tilespmem:s21], [sflag:$0x9], $0x1D00, $0x38;
	[tilespmem:$0x1E940] =	vst v63  }
0x55: {  	_ =	swait.ge [sflag:s20], $0x1D00  }
0x56: {  	[sflag:s20] =	ssyncset.done $0x0  }
0x57: {  	[sflag:s20] =	ssyncadd.s32 $0xFFFFE300  }
0x58: {  	[bflag:$0x0] =	sbarrier.arrive $0xFFFF  }
0x59: {  	v1 =	vld [tilespmem:$0x0];
	_ =	sdelay $0x1  }
0x5a: {  	v2 =	vld [tilespmem:$0x10];
	_ =	sdelay $0x1  }
0x5b: {  	v3 =	vld [tilespmem:$0x20]  }
0x5c: {  	v4 =	vand.u32 $0xFFFF, v1  }
0x5d: {  	v61 =	vld [tilespmem:$0x30];
	v1 =	vshrl.u32 v1, $0x10;
	[tilespmem:$0xA800] =	vst v4  }
0x5e: {  	[tilespmem:$0xA900] =	vst v1;
	v1 =	vand.u32 $0xFFFF, v2  }
0x5f: {  	[tilespmem:$0xA810] =	vst v1;
	v1 =	vshrl.u32 v2, $0x10  }
0x60: {  	[tilespmem:$0xA910] =	vst v1;
	v1 =	vand.u32 $0xFFFF, v3  }
0x61: {  	[tilespmem:$0xA820] =	vst v1;
	v1 =	vshrl.u32 v3, $0x10  }
0x62: {  	[tilespmem:$0xA920] =	vst v1;
	v1 =	vand.u32 $0xFFFF, v61  }
0x63: {  	[tilespmem:$0xA830] =	vst v1;
	v1 =	vshrl.u32 v61, $0x10  }
0x64: {  	s10 =	simm.s32 $0xA800;
	[tilespmem:$0xA930] =	vst v1  }
0x65: {  	[tilespmem:s21], [sflag:$0x1] =	stream.indirect.gather [hbm4b:s1+s22], $0x80, s10, s22, $0xb8;
	[tilespmem:$0x1E940] =	vst v63  }
0x66: {  	s4 =	simm.s32 $0xAA00  }
0x67: {  	[tilespmem:s4], [sflag:$0x1] =	stream.indirect.gather [hbm4b:s5+s22], $0x1, s24, s22, $0xb8;
	[tilespmem:$0x1E940] =	vst v63  }
0x68: {  	s16 =	simm.s32 $0xAB00  }
0x69: {  	[tilespmem:s16], [sflag:$0x1] =	stream.indirect.gather [hbm4b:s6+s22], $0x1, s10, s22, $0xb8;
	[tilespmem:$0x1E940] =	vst v63  }
0x6a: {  	v1 =	vld [tilespmem:$0x40];
	_ =	sdelay $0x1  }
0x6b: {  	v2 =	vld [tilespmem:$0x50];
	_ =	sdelay $0x1  }
0x6c: {  	v3 =	vld [tilespmem:$0x60]  }
0x6d: {  	v62 =	vand.u32 $0xFFFF, v1  }
0x6e: {  	v63 =	vld [tilespmem:$0x70];
	v1 =	vshrl.u32 v1, $0x10;
	[tilespmem:$0xA840] =	vst v62  }
0x6f: {  	[tilespmem:$0xA940] =	vst v1;
	v1 =	vand.u32 $0xFFFF, v2  }
0x70: {  	[tilespmem:$0xA850] =	vst v1;
	v1 =	vshrl.u32 v2, $0x10  }
0x71: {  	[tilespmem:$0xA950] =	vst v1;
	v1 =	vand.u32 $0xFFFF, v3  }
0x72: {  	[tilespmem:$0xA860] =	vst v1;
	v1 =	vshrl.u32 v3, $0x10  }
0x73: {  	[tilespmem:$0xA960] =	vst v1;
	v1 =	vand.u32 $0xFFFF, v63  }
0x74: {  	[tilespmem:$0xA870] =	vst v1;
	v1 =	vshrl.u32 v63, $0x10  }
0x75: {  	s17 =	simm.s32 $0xA840;
	[tilespmem:$0xA970] =	vst v1  }
0x76: {  	[tilespmem:s29], [sflag:$0x2] =	stream.indirect.gather [hbm4b:s1+s22], $0x80, s17, s22, $0xb8;
	[tilespmem:$0x1E940] =	vst v63  }
0x77: {  	s18 =	simm.s32 $0xAA40  }
0x78: {  	[tilespmem:s18], [sflag:$0x2] =	stream.indirect.gather [hbm4b:s5+s22], $0x1, s30, s22, $0xb8;
	[tilespmem:$0x1E940] =	vst v63  }
0x79: {  	s19 =	simm.s32 $0xAB40  }
0x7a: {  	[tilespmem:s19], [sflag:$0x2] =	stream.indirect.gather [hbm4b:s6+s22], $0x1, s17, s22, $0xb8;
	[tilespmem:$0x1E940] =	vst v63  }
0x7b: {  	s19 =	simm.s32 $0x0  }
.LBB2_4:
0x7c: {  	p0 =	seq.s32 s19, $0x0  }
0x7d: {  	s8 =	simm.s32 @!p0 $0x7  }
0x7e: {  	_ =	swait.ge @!p0 [sflag:s8], $0x2000  }
0x7f: {  	s16 =	sshll.u32 s19, $0xA;
	[sflag:s8] =	ssyncset.done @!p0 $0x0  }
0x80: {  	s16 =	sshrl.u32 s16, $0x2;
	[sflag:s8] =	ssyncadd.s32 @!p0 $0xFFFFE000  }
0x81: {  	v1 =	vld [tilespmem:s16+$0x80];
	_ =	sdelay $0x4  }
0x82: {  	v2 =	vand.u32 $0xFFFF, v1  }
0x83: {  	v1 =	vshrl.u32 v1, $0x10;
	[tilespmem:$0xA880] =	vst v2  }
0x84: {  	[tilespmem:$0xA980] =	vst v1  }
0x85: {  	v1 =	vld [tilespmem:s16+$0x90];
	_ =	sdelay $0x4  }
0x86: {  	v2 =	vand.u32 $0xFFFF, v1  }
0x87: {  	v1 =	vshrl.u32 v1, $0x10;
	[tilespmem:$0xA890] =	vst v2  }
0x88: {  	[tilespmem:$0xA990] =	vst v1  }
0x89: {  	v1 =	vld [tilespmem:s16+$0xA0];
	_ =	sdelay $0x4  }
0x8a: {  	v2 =	vand.u32 $0xFFFF, v1  }
0x8b: {  	v1 =	vshrl.u32 v1, $0x10;
	[tilespmem:$0xA8A0] =	vst v2  }
0x8c: {  	[tilespmem:$0xA9A0] =	vst v1  }
0x8d: {  	v1 =	vld [tilespmem:s16+$0xB0];
	_ =	sdelay $0x4  }
0x8e: {  	v2 =	vand.u32 $0xFFFF, v1  }
0x8f: {  	v1 =	vshrl.u32 v1, $0x10;
	[tilespmem:$0xA8B0] =	vst v2  }
0x90: {  	[tilespmem:$0xA9B0] =	vst v1  }
0x91: {  	[tilespmem:s26], [sflag:$0x3] =	stream.indirect.gather [hbm4b:s1+s22], $0x80, s25, s22, $0xb8;
	[tilespmem:$0x1E940] =	vst v63  }
0x92: {  	s2 =	simm.s32 $0xAA80  }
0x93: {  	[tilespmem:s2], [sflag:$0x3] =	stream.indirect.gather [hbm4b:s5+s22], $0x1, s31, s22, $0xb8;
	[tilespmem:$0x1E940] =	vst v63  }
0x94: {  	s18 =	simm.s32 $0xAB80  }
0x95: {  	[tilespmem:s18], [sflag:$0x3] =	stream.indirect.gather [hbm4b:s6+s22], $0x1, s25, s22, $0xb8;
	[tilespmem:$0x1E940] =	vst v63  }
0x96: {  	_ =	swait.ge [sflag:s0], $0x2000  }
0x97: {  	[sflag:s0] =	ssyncset.done $0x0  }
0x98: {  	[sflag:s0] =	ssyncadd.s32 $0xFFFFE000  }
0x99: {  	_ =	swait.ge [sflag:s0], $0x40  }
0x9a: {  	[sflag:s0] =	ssyncset.done $0x0  }
0x9b: {  	[sflag:s0] =	ssyncadd.s32 $0xFFFFFFC0  }
0x9c: {  	_ =	swait.ge [sflag:s0], $0x40  }
0x9d: {  	[sflag:s0] =	ssyncset.done $0x0  }
0x9e: {  	[sflag:s0] =	ssyncadd.s32 $0xFFFFFFC0  }
0x9f: {  	v1 =	vld [tilespmem:$0xAA00]  }
0xa0: {  	v2 =	vld [tilespmem:$0xAB00];
	_ =	sdelay $0x4  }
0xa1: {  	v1 =	vadd.f32 v2, v1;
	_ =	sdelay $0x1  }
0xa2: {  	v1 =	vsub.f32 $0.0e+00, v1;
	_ =	sdelay $0x1  }
0xa3: {  	v1 =	vmul.f32 $1.442695020e+00, v1;
	_ =	sdelay $0x1  }
0xa4: {  	(erf) = vpow2.f32 v1  }
0xa5: {  	v2 =	vld [tilespmem:$0xAB10]  }
0xa6: {  	v1 =	vld [tilespmem:$0xAA10];
	_ =	sdelay $0x4  }
0xa7: {  	v1 =	vadd.f32 v2, v1;
	_ =	sdelay $0x1  }
0xa8: {  	v1 =	vsub.f32 $0.0e+00, v1;
	v2 =	vpop (erf)  }
0xa9: {  	v2 =	vadd.f32 $1.000000000e+00, v2  }
0xaa: {  	v1 =	vmul.f32 $1.442695020e+00, v1  }
0xab: {  	(erf) = vrcp.f32 v2  }
0xac: {  	(erf) = vpow2.f32 v1  }
0xad: {  	v2 =	vld [tilespmem:$0xAB20]  }
0xae: {  	v1 =	vld [tilespmem:$0xAA20];
	_ =	sdelay $0x4  }
0xaf: {  	v1 =	vadd.f32 v2, v1  }
0xb0: {  	v2 =	vpop (erf)  }
0xb1: {  	v1 =	vsub.f32 $0.0e+00, v1;
	v3 =	vpop (erf)  }
0xb2: {  	v3 =	vadd.f32 $1.000000000e+00, v3  }
0xb3: {  	v1 =	vmul.f32 $1.442695020e+00, v1  }
0xb4: {  	(erf) = vrcp.f32 v3  }
0xb5: {  	(erf) = vpow2.f32 v1  }
0xb6: {  	v3 =	vld [tilespmem:$0xAB30]  }
0xb7: {  	v1 =	vld [tilespmem:$0xAA30];
	_ =	sdelay $0x4  }
0xb8: {  	v1 =	vadd.f32 v3, v1  }
0xb9: {  	v3 =	vpop (erf)  }
0xba: {  	v1 =	vsub.f32 $0.0e+00, v1;
	v4 =	vpop (erf)  }
0xbb: {  	v4 =	vadd.f32 $1.000000000e+00, v4  }
0xbc: {  	v1 =	vmul.f32 $1.442695020e+00, v1  }
0xbd: {  	(erf) = vrcp.f32 v4  }
0xbe: {  	(erf) = vpow2.f32 v1;
	_ =	sdelay $0x7  }
0xbf: {  	v1 =	vpop (erf)  }
0xc0: {  	v4 =	vpop (erf)  }
0xc1: {  	v4 =	vadd.f32 $1.000000000e+00, v4;
	_ =	sdelay $0x1  }
0xc2: {  	(erf) = vrcp.f32 v4;
	_ =	sdelay $0x6  }
0xc3: {  	[tilespmem:$0xAC00] =	vst v2  }
0xc4: {  	[tilespmem:$0xAC10] =	vst v3  }
0xc5: {  	[tilespmem:$0xAC20] =	vst v1;
	v1 =	vpop (erf)  }
0xc6: {  	s17 =	simm.s32 $0x2900;
	[tilespmem:$0xAC30] =	vst v1  }
0xc7: {  	v10 =	vld [tilespmem:s17+$0xFFFFFF80]  }
0xc8: {  	v6 =	vld [tilespmem:s17+$0xFFFFFF70]  }
0xc9: {  	v1 =	vld [tilespmem:s17+$0xFFFFFF60]  }
0xca: {  	v17 =	vld [tilespmem:s17+$0x90]  }
0xcb: {  	v19 =	vld [tilespmem:s17+$0xD0]  }
0xcc: {  	v4 =	vld [tilespmem:s17+$0xFFFFFF50]  }
0xcd: {  	v21 =	vld [tilespmem:s17+$0x80]  }
0xce: {  	v20 =	vld [tilespmem:s17+$0xC0]  }
0xcf: {  	v11 =	vld [tilespmem:s17+$0xF0]  }
0xd0: {  	v2 =	vld [tilespmem:s17+$0xFFFFFF40]  }
0xd1: {  	v3 =	vld [tilespmem:s17+$0xB0]  }
0xd2: {  	v24 =	vld [tilespmem:s17+$0xE0]  }
0xd3: {  	s8 =	simm.s32 $0x0;
	v12 =	vld [tilespmem:s17+$0xFFFFFF30]  }
0xd4: {  	s18 =	sand.u32 $0x30, s8;
	v13 =	vld [tilespmem:s17+$0xFFFFFF10]  }
0xd5: {  	v14 =	vld [tilespmem:s18+$0xAC00]  }
0xd6: {  	v5 =	vld [tilespmem:s17+$0xFFFFFFC0]  }
0xd7: {  	v9 =	vld [tilespmem:s17+$0xFFFFFFD0]  }
0xd8: {  	s10 =	simm.s32 $0x1;
	s4 =	sand.u32 $0xC, s8;
	v15 =	vld [tilespmem:s17+$0xFFFFFFF0]  }
0xd9: {  	s9 =	simm.s32 $0x3;
	v7 =	vmov s4;
	s2 =	sand.u32 $0xD, s10;
	v26 =	vld [tilespmem:s17+$0xFFFFFFE0]  }
0xda: {  	v8 =	vmov s9;
	v22 =	vmov s2;
	v16 =	vld [tilespmem:s17+$0x0];
	v7 =	vperm.xlane v14, v7  }
0xdb: {  	v30 =	vld [tilespmem:s17+$0xFFFFFFA0];
	v27 =	vperm.xlane v14, v8;
	v8 =	vperm.xlane v14, v22  }
0xdc: {  	s4 =	simm.s32 $0x2;
	v18 =	vld [tilespmem:s17+$0x10];
	v23 =	vmul.f32 v2, v7;
	v13 =	vmul.f32 v13, v7  }
0xdd: {  	s4 =	sand.u32 $0xE, s4;
	v25 =	vld [tilespmem:s17+$0x20];
	v28 =	vmul.f32 v1, v7;
	v1 =	vmul.f32 v15, v8  }
0xde: {  	v29 =	vld [tilespmem:s17+$0xFFFFFF20];
	v2 =	vmov s4;
	v15 =	vmul.f32 v10, v8;
	v63 =	vmul.f32 v17, v27;
	[tilespmem:s17+$0xFFFFFF40] =	vst v23  }
0xdf: {  	v22 =	vld [tilespmem:s17+$0x30];
	v2 =	vperm.xlane v14, v2;
	v14 =	vmul.f32 v3, v27;
	[tilespmem:s17+$0xFFFFFFF0] =	vst v1  }
0xe0: {  	v10 =	vld [tilespmem:s17+$0x60];
	v17 =	vmul.f32 v30, v8;
	v24 =	vmul.f32 v24, v27;
	[tilespmem:s17+$0xFFFFFF10] =	vst v13  }
0xe1: {  	v23 =	vld [tilespmem:s17+$0xA0];
	v3 =	vmul.f32 v16, v2;
	[tilespmem:s17+$0xB0] =	vst v14;
	v14 =	vmul.f32 v11, v27  }
0xe2: {  	v1 =	vld [tilespmem:s17+$0x50];
	[tilespmem:s17+$0xFFFFFF60] =	vst v28;
	v11 =	vmul.f32 v4, v7;
	v16 =	vmul.f32 v25, v2  }
0xe3: {  	[tilespmem:s17+$0x90] =	vst v63;
	v4 =	vmul.f32 v18, v2;
	v18 =	vmul.f32 v12, v7;
	v12 =	vld [tilespmem:s17+$0x70]  }
0xe4: {  	v25 =	vmul.f32 v6, v7;
	v6 =	vmul.f32 v22, v2;
	[tilespmem:s17+$0x20] =	vst v16;
	v16 =	vld [tilespmem:s17+$0xFFFFFF00]  }
0xe5: {  	v22 =	vmul.f32 v20, v27;
	v20 =	vld [tilespmem:s17+$0xFFFFFFB0];
	[tilespmem:s17+$0xF0] =	vst v14;
	v14 =	vmul.f32 v29, v7  }
0xe6: {  	[tilespmem:s17+$0xFFFFFF70] =	vst v25;
	v13 =	vmul.f32 v23, v27;
	v23 =	vmul.f32 v21, v27;
	v21 =	vld [tilespmem:s17+$0x40]  }
0xe7: {  	s18 =	simm.s32 $0x2B00;
	[tilespmem:s17+$0xC0] =	vst v22;
	v25 =	vmul.f32 v19, v27;
	v22 =	vld [tilespmem:s17+$0xFFFFFF90];
	v19 =	vmul.f32 v26, v8  }
.LBB2_5:
0xe8: {  	[tilespmem:s17+$0xFFFFFF30] =	vst v18;
	v9 =	vmul.f32 v9, v8;
	v18 =	vmul.f32 v1, v2;
	v1 =	vld [tilespmem:s18+$0x50];
	s2 =	smov.u32 s8;
	s8 =	sadd.s32 $0x4, s8  }
0xe9: {  	v5 =	vmul.f32 v5, v8;
	s4 =	sand.u32 $0xC, s8;
	s9 =	sand.u32 $0x30, s8;
	v26 =	vld [tilespmem:s18+$0xFFFFFF80];
	p1 =	slt.u32 s8, $0x3C;
	v7 =	vmul.f32 v16, v7;
	[tilespmem:s17+$0x80] =	vst v23  }
0xea: {  	v12 =	vmul.f32 v12, v2;
	v16 =	vmov s4;
	v23 =	vld [tilespmem:s18+$0xFFFFFF70];
	v20 =	vmul.f32 v20, v8;
	[tilespmem:s17+$0xD0] =	vst v25  }
0xeb: {  	v25 =	vld [tilespmem:s18+$0xFFFFFF60];
	[tilespmem:s17+$0xFFFFFF80] =	vst v15;
	v15 =	vmul.f32 v21, v2  }
0xec: {  	s4 =	sadd.s32 $0x6, s2;
	v21 =	vld [tilespmem:s18+$0x90];
	v8 =	vmul.f32 v22, v8;
	[tilespmem:s17+$0xE0] =	vst v24  }
0xed: {  	s10 =	sadd.s32 $0x7, s2;
	s4 =	sand.u32 $0xE, s4;
	v22 =	vld [tilespmem:s18+$0xD0];
	[tilespmem:s17+$0xA0] =	vst v13  }
0xee: {  	v27 =	vmov s10;
	v24 =	vmov s4;
	v13 =	vld [tilespmem:s18+$0xFFFFFF50];
	[tilespmem:s17+$0xFFFFFF20] =	vst v14  }
0xef: {  	v28 =	vld [tilespmem:s18+$0x80];
	[tilespmem:s17+$0xFFFFFFA0] =	vst v17  }
0xf0: {  	v17 =	vld [tilespmem:s18+$0xC0];
	[tilespmem:s17+$0xFFFFFFE0] =	vst v19  }
0xf1: {  	v14 =	vld [tilespmem:s18+$0xF0];
	[tilespmem:s17+$0xFFFFFF90] =	vst v8  }
0xf2: {  	s2 =	sadd.s32 $0x5, s2;
	v19 =	vld [tilespmem:s18+$0xFFFFFF40];
	[tilespmem:s17+$0xFFFFFF50] =	vst v11  }
0xf3: {  	s2 =	sand.u32 $0xD, s2;
	v11 =	vld [tilespmem:s18+$0xB0];
	[tilespmem:s17+$0x40] =	vst v15  }
0xf4: {  	v8 =	vmov s2;
	v29 =	vld [tilespmem:s18+$0xE0];
	[tilespmem:s17+$0xFFFFFFD0] =	vst v9  }
0xf5: {  	v15 =	vld [tilespmem:s18+$0xFFFFFF30];
	[tilespmem:s17+$0xFFFFFFC0] =	vst v5  }
0xf6: {  	v30 =	vld [tilespmem:s18+$0xFFFFFF10];
	[tilespmem:s17+$0xFFFFFFB0] =	vst v20  }
0xf7: {  	v20 =	vld [tilespmem:s9+$0xAC00];
	[tilespmem:s17+$0x50] =	vst v18  }
0xf8: {  	v2 =	vmul.f32 v10, v2;
	v5 =	vld [tilespmem:s18+$0xFFFFFFC0];
	[tilespmem:s17+$0xFFFFFF00] =	vst v7  }
0xf9: {  	v9 =	vld [tilespmem:s18+$0xFFFFFFD0];
	[tilespmem:s17+$0x0] =	vst v3  }
0xfa: {  	v31 =	vld [tilespmem:s18+$0xFFFFFFE0];
	[tilespmem:s17+$0x60] =	vst v2  }
0xfb: {  	v3 =	vld [tilespmem:s18+$0xFFFFFFF0];
	[tilespmem:s17+$0x10] =	vst v4  }
0xfc: {  	v7 =	vperm.xlane v20, v16;
	v8 =	vperm.xlane v20, v8;
	v4 =	vld [tilespmem:s18+$0x0];
	[tilespmem:s17+$0x70] =	vst v12  }
0xfd: {  	v27 =	vperm.xlane v20, v27;
	v10 =	vld [tilespmem:s18+$0x10];
	[tilespmem:s17+$0x30] =	vst v6;
	s17 =	smov.u32 s18  }
0xfe: {  	v6 =	vmul.f32 v30, v7;
	v12 =	vmul.f32 v19, v7;
	v16 =	vld [tilespmem:s18+$0x20]  }
0xff: {  	v2 =	vperm.xlane v20, v24;
	v11 =	vmul.f32 v11, v27;
	v19 =	vld [tilespmem:s18+$0x30]  }
0x100: {  	v20 =	vmul.f32 v25, v7;
	[tilespmem:s18+$0xFFFFFF40] =	vst v12;
	v12 =	vmul.f32 v3, v8;
	v24 =	vld [tilespmem:s18+$0xA0]  }
0x101: {  	v14 =	vmul.f32 v14, v27;
	v25 =	vld [tilespmem:s18+$0xFFFFFF20];
	v3 =	vmul.f32 v4, v2;
	[tilespmem:s18+$0xB0] =	vst v11  }
0x102: {  	v11 =	vmul.f32 v13, v7;
	v30 =	vld [tilespmem:s18+$0xFFFFFFA0];
	[tilespmem:s18+$0xFFFFFFF0] =	vst v12;
	v4 =	vmul.f32 v10, v2  }
0x103: {  	v18 =	vmul.f32 v15, v7;
	v10 =	vmul.f32 v16, v2;
	[tilespmem:s18+$0xF0] =	vst v14  }
0x104: {  	v23 =	vmul.f32 v23, v7;
	[tilespmem:s18+$0xFFFFFF10] =	vst v6;
	v6 =	vmul.f32 v19, v2;
	v12 =	vld [tilespmem:s18+$0x70]  }
.Ltmp1:
0x105: {  	v15 =	vmul.f32 v26, v8;
	[tilespmem:s18+$0x20] =	vst v10;
	v10 =	vld [tilespmem:s18+$0x60];
	v13 =	vmul.f32 v24, v27;
	(pc) =	sbr.rel @p1 .LBB2_5-.Ltmp1, $4  }
0x106: {  	v19 =	vmul.f32 v17, v27;
	v16 =	vld [tilespmem:s18+$0xFFFFFF00];
	v14 =	vmul.f32 v25, v7;
	[tilespmem:s18+$0xFFFFFF70] =	vst v23  }
0x107: {  	v24 =	vmul.f32 v21, v27;
	v23 =	vmul.f32 v28, v27;
	[tilespmem:s18+$0xFFFFFF60] =	vst v20;
	v20 =	vld [tilespmem:s18+$0xFFFFFFB0]  }
0x108: {  	v25 =	vmul.f32 v22, v27;
	v17 =	vmul.f32 v30, v8;
	v21 =	vld [tilespmem:s18+$0x40];
	[tilespmem:s18+$0xC0] =	vst v19  }
0x109: {  	v19 =	vmul.f32 v31, v8;
	s18 =	sadd.s32 $0x200, s18;
	v22 =	vld [tilespmem:s17+$0xFFFFFF90];
	[tilespmem:s17+$0x90] =	vst v24;
	v24 =	vmul.f32 v29, v27  }
0x10a: {  	[tilespmem:s17+$0xFFFFFF30] =	vst v18  }
0x10b: {  	[tilespmem:s17+$0x80] =	vst v23  }
0x10c: {  	[tilespmem:s17+$0xD0] =	vst v25  }
0x10d: {  	[tilespmem:s17+$0xFFFFFF80] =	vst v15  }
0x10e: {  	[tilespmem:s17+$0xA0] =	vst v13  }
0x10f: {  	[tilespmem:s17+$0xFFFFFF20] =	vst v14  }
0x110: {  	[tilespmem:s17+$0xFFFFFFA0] =	vst v17  }
0x111: {  	[tilespmem:s17+$0xFFFFFF50] =	vst v11  }
0x112: {  	[tilespmem:s17+$0x0] =	vst v3  }
0x113: {  	[tilespmem:s17+$0x10] =	vst v4  }
0x114: {  	[tilespmem:s17+$0x30] =	vst v6  }
0x115: {  	v9 =	vmul.f32 v9, v8;
	[tilespmem:s17+$0xE0] =	vst v24  }
0x116: {  	v5 =	vmul.f32 v5, v8;
	[tilespmem:s17+$0xFFFFFFE0] =	vst v19  }
0x117: {  	v1 =	vmul.f32 v1, v2;
	[tilespmem:s17+$0xFFFFFFD0] =	vst v9  }
0x118: {  	[tilespmem:s17+$0xFFFFFFC0] =	vst v5;
	v5 =	vmul.f32 v16, v7  }
0x119: {  	[tilespmem:s17+$0x50] =	vst v1;
	v1 =	vmul.f32 v10, v2  }
0x11a: {  	v14 =	vmul.f32 v21, v2;
	[tilespmem:s17+$0xFFFFFF00] =	vst v5  }
0x11b: {  	v2 =	vmul.f32 v12, v2;
	[tilespmem:s17+$0x60] =	vst v1  }
0x11c: {  	v13 =	vmul.f32 v22, v8;
	[tilespmem:s17+$0x40] =	vst v14  }
0x11d: {  	v8 =	vmul.f32 v20, v8;
	[tilespmem:s17+$0x70] =	vst v2  }
0x11e: {  	[tilespmem:s17+$0xFFFFFF90] =	vst v13  }
0x11f: {  	s2 =	simm.s32 @!p0 $0x8;
	[tilespmem:s17+$0xFFFFFFB0] =	vst v8  }
0x120: {  	[spmem:s3] =	stream.indirect.scatter.add.f32 [tilespmem:s21], [sflag:$0x5], $0x80, s24, s22, $0xb8;
	[tilespmem:$0x1E940] =	vst v63  }
0x121: {  	_ =	swait.ge @!p0 [sflag:s2], $0x2000  }
0x122: {  	[sflag:s2] =	ssyncset.done @!p0 $0x0  }
0x123: {  	[sflag:s2] =	ssyncadd.s32 @!p0 $0xFFFFE000  }
0x124: {  	v1 =	vld [tilespmem:s16+$0xC0];
	_ =	sdelay $0x4  }
0x125: {  	v2 =	vand.u32 $0xFFFF, v1  }
0x126: {  	v1 =	vshrl.u32 v1, $0x10;
	[tilespmem:$0xA8C0] =	vst v2  }
0x127: {  	[tilespmem:$0xA9C0] =	vst v1  }
0x128: {  	v1 =	vld [tilespmem:s16+$0xD0];
	_ =	sdelay $0x4  }
0x129: {  	v2 =	vand.u32 $0xFFFF, v1  }
0x12a: {  	v1 =	vshrl.u32 v1, $0x10;
	[tilespmem:$0xA8D0] =	vst v2  }
0x12b: {  	[tilespmem:$0xA9D0] =	vst v1  }
0x12c: {  	v1 =	vld [tilespmem:s16+$0xE0];
	_ =	sdelay $0x4  }
0x12d: {  	v2 =	vand.u32 $0xFFFF, v1  }
0x12e: {  	v1 =	vshrl.u32 v1, $0x10;
	[tilespmem:$0xA8E0] =	vst v2  }
0x12f: {  	[tilespmem:$0xA9E0] =	vst v1  }
0x130: {  	v1 =	vld [tilespmem:s16+$0xF0];
	_ =	sdelay $0x4  }
0x131: {  	v2 =	vand.u32 $0xFFFF, v1  }
0x132: {  	v1 =	vshrl.u32 v1, $0x10;
	[tilespmem:$0xA8F0] =	vst v2  }
0x133: {  	[tilespmem:$0xA9F0] =	vst v1  }
0x134: {  	[tilespmem:s28], [sflag:$0x4] =	stream.indirect.gather [hbm4b:s1+s22], $0x80, s23, s22, $0xb8;
	[tilespmem:$0x1E940] =	vst v63  }
0x135: {  	s4 =	simm.s32 $0xAAC0  }
0x136: {  	[tilespmem:s4], [sflag:$0x4] =	stream.indirect.gather [hbm4b:s5+s22], $0x1, s7, s22, $0xb8;
	[tilespmem:$0x1E940] =	vst v63  }
0x137: {  	s8 =	simm.s32 $0xABC0  }
0x138: {  	[tilespmem:s8], [sflag:$0x4] =	stream.indirect.gather [hbm4b:s6+s22], $0x1, s23, s22, $0xb8;
	[tilespmem:$0x1E940] =	vst v63  }
0x139: {  	_ =	swait.ge [sflag:s11], $0x2000  }
0x13a: {  	[sflag:s11] =	ssyncset.done $0x0  }
0x13b: {  	[sflag:s11] =	ssyncadd.s32 $0xFFFFE000  }
0x13c: {  	_ =	swait.ge [sflag:s11], $0x40  }
0x13d: {  	[sflag:s11] =	ssyncset.done $0x0  }
0x13e: {  	[sflag:s11] =	ssyncadd.s32 $0xFFFFFFC0  }
0x13f: {  	_ =	swait.ge [sflag:s11], $0x40  }
0x140: {  	[sflag:s11] =	ssyncset.done $0x0  }
0x141: {  	[sflag:s11] =	ssyncadd.s32 $0xFFFFFFC0  }
0x142: {  	v1 =	vld [tilespmem:$0xAA40]  }
0x143: {  	v2 =	vld [tilespmem:$0xAB40];
	_ =	sdelay $0x4  }
0x144: {  	v1 =	vadd.f32 v2, v1;
	_ =	sdelay $0x1  }
0x145: {  	v1 =	vsub.f32 $0.0e+00, v1;
	_ =	sdelay $0x1  }
0x146: {  	v1 =	vmul.f32 $1.442695020e+00, v1;
	_ =	sdelay $0x1  }
0x147: {  	(erf) = vpow2.f32 v1  }
0x148: {  	v2 =	vld [tilespmem:$0xAB50]  }
0x149: {  	v1 =	vld [tilespmem:$0xAA50];
	_ =	sdelay $0x4  }
0x14a: {  	v1 =	vadd.f32 v2, v1;
	_ =	sdelay $0x1  }
0x14b: {  	v1 =	vsub.f32 $0.0e+00, v1;
	v2 =	vpop (erf)  }
0x14c: {  	v2 =	vadd.f32 $1.000000000e+00, v2  }
0x14d: {  	v1 =	vmul.f32 $1.442695020e+00, v1  }
0x14e: {  	(erf) = vrcp.f32 v2  }
0x14f: {  	(erf) = vpow2.f32 v1  }
0x150: {  	v2 =	vld [tilespmem:$0xAB60]  }
0x151: {  	v1 =	vld [tilespmem:$0xAA60];
	_ =	sdelay $0x4  }
0x152: {  	v1 =	vadd.f32 v2, v1  }
0x153: {  	v2 =	vpop (erf)  }
0x154: {  	v1 =	vsub.f32 $0.0e+00, v1;
	v3 =	vpop (erf)  }
0x155: {  	v3 =	vadd.f32 $1.000000000e+00, v3  }
0x156: {  	v1 =	vmul.f32 $1.442695020e+00, v1  }
0x157: {  	(erf) = vrcp.f32 v3  }
0x158: {  	(erf) = vpow2.f32 v1  }
0x159: {  	v3 =	vld [tilespmem:$0xAB70]  }
0x15a: {  	v1 =	vld [tilespmem:$0xAA70];
	_ =	sdelay $0x4  }
0x15b: {  	v1 =	vadd.f32 v3, v1  }
0x15c: {  	v3 =	vpop (erf)  }
0x15d: {  	v1 =	vsub.f32 $0.0e+00, v1;
	v4 =	vpop (erf)  }
0x15e: {  	v4 =	vadd.f32 $1.000000000e+00, v4  }
0x15f: {  	v1 =	vmul.f32 $1.442695020e+00, v1  }
0x160: {  	(erf) = vrcp.f32 v4  }
0x161: {  	(erf) = vpow2.f32 v1;
	_ =	sdelay $0x7  }
0x162: {  	v1 =	vpop (erf)  }
0x163: {  	v4 =	vpop (erf)  }
0x164: {  	v4 =	vadd.f32 $1.000000000e+00, v4;
	_ =	sdelay $0x1  }
0x165: {  	(erf) = vrcp.f32 v4;
	_ =	sdelay $0x6  }
0x166: {  	[tilespmem:$0xAC00] =	vst v2  }
0x167: {  	[tilespmem:$0xAC10] =	vst v3  }
0x168: {  	[tilespmem:$0xAC20] =	vst v1;
	v1 =	vpop (erf)  }
0x169: {  	s17 =	simm.s32 $0x4900;
	[tilespmem:$0xAC30] =	vst v1  }
0x16a: {  	v10 =	vld [tilespmem:s17+$0xFFFFFF80]  }
0x16b: {  	v6 =	vld [tilespmem:s17+$0xFFFFFF70]  }
0x16c: {  	v1 =	vld [tilespmem:s17+$0xFFFFFF60]  }
0x16d: {  	v17 =	vld [tilespmem:s17+$0x90]  }
0x16e: {  	v19 =	vld [tilespmem:s17+$0xD0]  }
0x16f: {  	v4 =	vld [tilespmem:s17+$0xFFFFFF50]  }
0x170: {  	v21 =	vld [tilespmem:s17+$0x80]  }
0x171: {  	v20 =	vld [tilespmem:s17+$0xC0]  }
0x172: {  	v11 =	vld [tilespmem:s17+$0xF0]  }
0x173: {  	v2 =	vld [tilespmem:s17+$0xFFFFFF40]  }
0x174: {  	v3 =	vld [tilespmem:s17+$0xB0]  }
0x175: {  	v24 =	vld [tilespmem:s17+$0xE0]  }
0x176: {  	s8 =	simm.s32 $0x0;
	v12 =	vld [tilespmem:s17+$0xFFFFFF30]  }
0x177: {  	s9 =	sand.u32 $0x30, s8;
	v13 =	vld [tilespmem:s17+$0xFFFFFF10]  }
0x178: {  	v14 =	vld [tilespmem:s9+$0xAC00]  }
0x179: {  	v5 =	vld [tilespmem:s17+$0xFFFFFFC0]  }
0x17a: {  	v9 =	vld [tilespmem:s17+$0xFFFFFFD0]  }
0x17b: {  	s4 =	simm.s32 $0x1;
	s10 =	sand.u32 $0xC, s8;
	v15 =	vld [tilespmem:s17+$0xFFFFFFF0]  }
0x17c: {  	s18 =	simm.s32 $0x3;
	v7 =	vmov s10;
	s10 =	sand.u32 $0xD, s4;
	v26 =	vld [tilespmem:s17+$0xFFFFFFE0]  }
0x17d: {  	v8 =	vmov s18;
	v22 =	vmov s10;
	v16 =	vld [tilespmem:s17+$0x0];
	v7 =	vperm.xlane v14, v7  }
0x17e: {  	v30 =	vld [tilespmem:s17+$0xFFFFFFA0];
	v27 =	vperm.xlane v14, v8;
	v8 =	vperm.xlane v14, v22  }
0x17f: {  	s9 =	simm.s32 $0x2;
	v18 =	vld [tilespmem:s17+$0x10];
	v23 =	vmul.f32 v2, v7;
	v13 =	vmul.f32 v13, v7  }
0x180: {  	v25 =	vld [tilespmem:s17+$0x20];
	s18 =	sand.u32 $0xE, s9;
	v28 =	vmul.f32 v1, v7;
	v1 =	vmul.f32 v15, v8  }
0x181: {  	v29 =	vld [tilespmem:s17+$0xFFFFFF20];
	v2 =	vmov s18;
	v15 =	vmul.f32 v10, v8;
	v63 =	vmul.f32 v17, v27;
	[tilespmem:s17+$0xFFFFFF40] =	vst v23  }
0x182: {  	v22 =	vld [tilespmem:s17+$0x30];
	v2 =	vperm.xlane v14, v2;
	v14 =	vmul.f32 v3, v27;
	[tilespmem:s17+$0xFFFFFFF0] =	vst v1  }
0x183: {  	v10 =	vld [tilespmem:s17+$0x60];
	v17 =	vmul.f32 v30, v8;
	v24 =	vmul.f32 v24, v27;
	[tilespmem:s17+$0xFFFFFF10] =	vst v13  }
0x184: {  	v23 =	vld [tilespmem:s17+$0xA0];
	v3 =	vmul.f32 v16, v2;
	[tilespmem:s17+$0xB0] =	vst v14;
	v14 =	vmul.f32 v11, v27  }
0x185: {  	v1 =	vld [tilespmem:s17+$0x50];
	[tilespmem:s17+$0xFFFFFF60] =	vst v28;
	v11 =	vmul.f32 v4, v7;
	v16 =	vmul.f32 v25, v2  }
0x186: {  	[tilespmem:s17+$0x90] =	vst v63;
	v4 =	vmul.f32 v18, v2;
	v18 =	vmul.f32 v12, v7;
	v12 =	vld [tilespmem:s17+$0x70]  }
0x187: {  	v25 =	vmul.f32 v6, v7;
	v6 =	vmul.f32 v22, v2;
	[tilespmem:s17+$0x20] =	vst v16;
	v16 =	vld [tilespmem:s17+$0xFFFFFF00]  }
0x188: {  	v22 =	vmul.f32 v20, v27;
	v20 =	vld [tilespmem:s17+$0xFFFFFFB0];
	[tilespmem:s17+$0xF0] =	vst v14;
	v14 =	vmul.f32 v29, v7  }
0x189: {  	[tilespmem:s17+$0xFFFFFF70] =	vst v25;
	v13 =	vmul.f32 v23, v27;
	v23 =	vmul.f32 v21, v27;
	v21 =	vld [tilespmem:s17+$0x40]  }
0x18a: {  	s18 =	simm.s32 $0x4B00;
	[tilespmem:s17+$0xC0] =	vst v22;
	v25 =	vmul.f32 v19, v27;
	v22 =	vld [tilespmem:s17+$0xFFFFFF90];
	v19 =	vmul.f32 v26, v8  }
.LBB2_7:
0x18b: {  	[tilespmem:s17+$0xFFFFFF30] =	vst v18;
	v9 =	vmul.f32 v9, v8;
	v18 =	vmul.f32 v1, v2;
	v1 =	vld [tilespmem:s18+$0x50];
	s2 =	smov.u32 s8;
	s8 =	sadd.s32 $0x4, s8  }
0x18c: {  	v5 =	vmul.f32 v5, v8;
	s4 =	sand.u32 $0xC, s8;
	s9 =	sand.u32 $0x30, s8;
	v26 =	vld [tilespmem:s18+$0xFFFFFF80];
	p0 =	slt.u32 s8, $0x3C;
	v7 =	vmul.f32 v16, v7;
	[tilespmem:s17+$0x80] =	vst v23  }
0x18d: {  	v12 =	vmul.f32 v12, v2;
	v16 =	vmov s4;
	v23 =	vld [tilespmem:s18+$0xFFFFFF70];
	v20 =	vmul.f32 v20, v8;
	[tilespmem:s17+$0xD0] =	vst v25  }
0x18e: {  	v25 =	vld [tilespmem:s18+$0xFFFFFF60];
	[tilespmem:s17+$0xFFFFFF80] =	vst v15;
	v15 =	vmul.f32 v21, v2  }
0x18f: {  	s4 =	sadd.s32 $0x6, s2;
	v21 =	vld [tilespmem:s18+$0x90];
	v8 =	vmul.f32 v22, v8;
	[tilespmem:s17+$0xE0] =	vst v24  }
0x190: {  	s10 =	sadd.s32 $0x7, s2;
	s4 =	sand.u32 $0xE, s4;
	v22 =	vld [tilespmem:s18+$0xD0];
	[tilespmem:s17+$0xA0] =	vst v13  }
0x191: {  	v27 =	vmov s10;
	v24 =	vmov s4;
	v13 =	vld [tilespmem:s18+$0xFFFFFF50];
	[tilespmem:s17+$0xFFFFFF20] =	vst v14  }
0x192: {  	v28 =	vld [tilespmem:s18+$0x80];
	[tilespmem:s17+$0xFFFFFFA0] =	vst v17  }
0x193: {  	v17 =	vld [tilespmem:s18+$0xC0];
	[tilespmem:s17+$0xFFFFFFE0] =	vst v19  }
0x194: {  	v14 =	vld [tilespmem:s18+$0xF0];
	[tilespmem:s17+$0xFFFFFF90] =	vst v8  }
0x195: {  	s2 =	sadd.s32 $0x5, s2;
	v19 =	vld [tilespmem:s18+$0xFFFFFF40];
	[tilespmem:s17+$0xFFFFFF50] =	vst v11  }
0x196: {  	s2 =	sand.u32 $0xD, s2;
	v11 =	vld [tilespmem:s18+$0xB0];
	[tilespmem:s17+$0x40] =	vst v15  }
0x197: {  	v8 =	vmov s2;
	v29 =	vld [tilespmem:s18+$0xE0];
	[tilespmem:s17+$0xFFFFFFD0] =	vst v9  }
0x198: {  	v15 =	vld [tilespmem:s18+$0xFFFFFF30];
	[tilespmem:s17+$0xFFFFFFC0] =	vst v5  }
0x199: {  	v30 =	vld [tilespmem:s18+$0xFFFFFF10];
	[tilespmem:s17+$0xFFFFFFB0] =	vst v20  }
0x19a: {  	v20 =	vld [tilespmem:s9+$0xAC00];
	[tilespmem:s17+$0x50] =	vst v18  }
0x19b: {  	v2 =	vmul.f32 v10, v2;
	v5 =	vld [tilespmem:s18+$0xFFFFFFC0];
	[tilespmem:s17+$0xFFFFFF00] =	vst v7  }
0x19c: {  	v9 =	vld [tilespmem:s18+$0xFFFFFFD0];
	[tilespmem:s17+$0x0] =	vst v3  }
0x19d: {  	v31 =	vld [tilespmem:s18+$0xFFFFFFE0];
	[tilespmem:s17+$0x60] =	vst v2  }
0x19e: {  	v3 =	vld [tilespmem:s18+$0xFFFFFFF0];
	[tilespmem:s17+$0x10] =	vst v4  }
0x19f: {  	v7 =	vperm.xlane v20, v16;
	v8 =	vperm.xlane v20, v8;
	v4 =	vld [tilespmem:s18+$0x0];
	[tilespmem:s17+$0x70] =	vst v12  }
0x1a0: {  	v27 =	vperm.xlane v20, v27;
	v10 =	vld [tilespmem:s18+$0x10];
	[tilespmem:s17+$0x30] =	vst v6;
	s17 =	smov.u32 s18  }
0x1a1: {  	v6 =	vmul.f32 v30, v7;
	v12 =	vmul.f32 v19, v7;
	v16 =	vld [tilespmem:s18+$0x20]  }
0x1a2: {  	v2 =	vperm.xlane v20, v24;
	v11 =	vmul.f32 v11, v27;
	v19 =	vld [tilespmem:s18+$0x30]  }
0x1a3: {  	v20 =	vmul.f32 v25, v7;
	[tilespmem:s18+$0xFFFFFF40] =	vst v12;
	v12 =	vmul.f32 v3, v8;
	v24 =	vld [tilespmem:s18+$0xA0]  }
0x1a4: {  	v14 =	vmul.f32 v14, v27;
	v25 =	vld [tilespmem:s18+$0xFFFFFF20];
	v3 =	vmul.f32 v4, v2;
	[tilespmem:s18+$0xB0] =	vst v11  }
0x1a5: {  	v11 =	vmul.f32 v13, v7;
	v30 =	vld [tilespmem:s18+$0xFFFFFFA0];
	[tilespmem:s18+$0xFFFFFFF0] =	vst v12;
	v4 =	vmul.f32 v10, v2  }
0x1a6: {  	v18 =	vmul.f32 v15, v7;
	v10 =	vmul.f32 v16, v2;
	[tilespmem:s18+$0xF0] =	vst v14  }
0x1a7: {  	v23 =	vmul.f32 v23, v7;
	[tilespmem:s18+$0xFFFFFF10] =	vst v6;
	v6 =	vmul.f32 v19, v2;
	v12 =	vld [tilespmem:s18+$0x70]  }
.Ltmp2:
0x1a8: {  	v15 =	vmul.f32 v26, v8;
	[tilespmem:s18+$0x20] =	vst v10;
	v10 =	vld [tilespmem:s18+$0x60];
	v13 =	vmul.f32 v24, v27;
	(pc) =	sbr.rel @p0 .LBB2_7-.Ltmp2, $4  }
0x1a9: {  	v19 =	vmul.f32 v17, v27;
	v16 =	vld [tilespmem:s18+$0xFFFFFF00];
	v14 =	vmul.f32 v25, v7;
	[tilespmem:s18+$0xFFFFFF70] =	vst v23  }
0x1aa: {  	v24 =	vmul.f32 v21, v27;
	v23 =	vmul.f32 v28, v27;
	[tilespmem:s18+$0xFFFFFF60] =	vst v20;
	v20 =	vld [tilespmem:s18+$0xFFFFFFB0]  }
0x1ab: {  	v25 =	vmul.f32 v22, v27;
	v17 =	vmul.f32 v30, v8;
	v21 =	vld [tilespmem:s18+$0x40];
	[tilespmem:s18+$0xC0] =	vst v19  }
0x1ac: {  	v19 =	vmul.f32 v31, v8;
	s18 =	sadd.s32 $0x200, s18;
	v22 =	vld [tilespmem:s17+$0xFFFFFF90];
	[tilespmem:s17+$0x90] =	vst v24;
	v24 =	vmul.f32 v29, v27  }
0x1ad: {  	[tilespmem:s17+$0xFFFFFF30] =	vst v18  }
0x1ae: {  	[tilespmem:s17+$0x80] =	vst v23  }
0x1af: {  	[tilespmem:s17+$0xD0] =	vst v25  }
0x1b0: {  	[tilespmem:s17+$0xFFFFFF80] =	vst v15  }
0x1b1: {  	[tilespmem:s17+$0xA0] =	vst v13  }
0x1b2: {  	[tilespmem:s17+$0xFFFFFF20] =	vst v14  }
0x1b3: {  	[tilespmem:s17+$0xFFFFFFA0] =	vst v17  }
0x1b4: {  	[tilespmem:s17+$0xFFFFFF50] =	vst v11  }
0x1b5: {  	[tilespmem:s17+$0x0] =	vst v3  }
0x1b6: {  	[tilespmem:s17+$0x10] =	vst v4  }
0x1b7: {  	[tilespmem:s17+$0x30] =	vst v6  }
0x1b8: {  	v9 =	vmul.f32 v9, v8;
	[tilespmem:s17+$0xE0] =	vst v24  }
0x1b9: {  	v5 =	vmul.f32 v5, v8;
	[tilespmem:s17+$0xFFFFFFE0] =	vst v19  }
0x1ba: {  	v1 =	vmul.f32 v1, v2;
	[tilespmem:s17+$0xFFFFFFD0] =	vst v9  }
0x1bb: {  	[tilespmem:s17+$0xFFFFFFC0] =	vst v5;
	v5 =	vmul.f32 v16, v7  }
0x1bc: {  	[tilespmem:s17+$0x50] =	vst v1;
	v1 =	vmul.f32 v10, v2  }
0x1bd: {  	v14 =	vmul.f32 v21, v2;
	[tilespmem:s17+$0xFFFFFF00] =	vst v5  }
0x1be: {  	v2 =	vmul.f32 v12, v2;
	[tilespmem:s17+$0x60] =	vst v1  }
0x1bf: {  	v13 =	vmul.f32 v22, v8;
	[tilespmem:s17+$0x40] =	vst v14  }
0x1c0: {  	v8 =	vmul.f32 v20, v8;
	[tilespmem:s17+$0x70] =	vst v2  }
0x1c1: {  	[tilespmem:s17+$0xFFFFFF90] =	vst v13  }
0x1c2: {  	[tilespmem:s17+$0xFFFFFFB0] =	vst v8  }
0x1c3: {  	[spmem:s3] =	stream.indirect.scatter.add.f32 [tilespmem:s29], [sflag:$0x6], $0x80, s30, s22, $0xb8;
	[tilespmem:$0x1E940] =	vst v63  }
0x1c4: {  	_ =	swait.ge [sflag:s12], $0x2000  }
0x1c5: {  	[sflag:s12] =	ssyncset.done $0x0  }
0x1c6: {  	p0 =	seq.s32 s19, $0x27;
	[sflag:s12] =	ssyncadd.s32 $0xFFFFE000  }
0x1c7: {  	v1 =	vld @!p0 [tilespmem:s16+$0x100];
	_ =	sdelay $0x4  }
0x1c8: {  	v2 =	vand.u32 @!p0 $0xFFFF, v1  }
0x1c9: {  	v1 =	vshrl.u32 @!p0 v1, $0x10;
	[tilespmem:$0xA800] =	vst @!p0 v2  }
0x1ca: {  	[tilespmem:$0xA900] =	vst @!p0 v1  }
0x1cb: {  	v1 =	vld @!p0 [tilespmem:s16+$0x110];
	_ =	sdelay $0x4  }
0x1cc: {  	v2 =	vand.u32 @!p0 $0xFFFF, v1  }
0x1cd: {  	v1 =	vshrl.u32 @!p0 v1, $0x10;
	[tilespmem:$0xA810] =	vst @!p0 v2  }
0x1ce: {  	[tilespmem:$0xA910] =	vst @!p0 v1  }
0x1cf: {  	v1 =	vld @!p0 [tilespmem:s16+$0x120];
	_ =	sdelay $0x4  }
0x1d0: {  	v2 =	vand.u32 @!p0 $0xFFFF, v1  }
0x1d1: {  	v1 =	vshrl.u32 @!p0 v1, $0x10;
	[tilespmem:$0xA820] =	vst @!p0 v2  }
0x1d2: {  	[tilespmem:$0xA920] =	vst @!p0 v1  }
0x1d3: {  	v1 =	vld @!p0 [tilespmem:s16+$0x130];
	_ =	sdelay $0x4  }
0x1d4: {  	v2 =	vand.u32 @!p0 $0xFFFF, v1  }
0x1d5: {  	v1 =	vshrl.u32 @!p0 v1, $0x10;
	[tilespmem:$0xA830] =	vst @!p0 v2  }
0x1d6: {  	s2 =	simm.s32 @!p0 $0x40;
	s4 =	simm.s32 @!p0 $0xA800;
	s8 =	simm.s32 @!p0 $0x2800;
	[tilespmem:$0xA930] =	vst @!p0 v1  }
0x1d7: {  	[tilespmem:s8], [sflag:$0x1] =	stream.indirect.gather @!p0 [hbm4b:s1+s2], $0x80, s4, s2, $0xb8;
	[tilespmem:$0x1E940] =	vst v63  }
0x1d8: {  	s9 =	simm.s32 @!p0 $0xAA00;
	s8 =	simm.s32 @!p0 $0xA900  }
0x1d9: {  	[tilespmem:s9], [sflag:$0x1] =	stream.indirect.gather @!p0 [hbm4b:s5+s2], $0x1, s8, s2, $0xb8;
	[tilespmem:$0x1E940] =	vst v63  }
0x1da: {  	s8 =	simm.s32 @!p0 $0xAB00  }
0x1db: {  	[tilespmem:s8], [sflag:$0x1] =	stream.indirect.gather @!p0 [hbm4b:s6+s2], $0x1, s4, s2, $0xb8;
	[tilespmem:$0x1E940] =	vst v63  }
0x1dc: {  	_ =	swait.ge [sflag:s13], $0x2000  }
0x1dd: {  	[sflag:s13] =	ssyncset.done $0x0  }
0x1de: {  	[sflag:s13] =	ssyncadd.s32 $0xFFFFE000  }
0x1df: {  	_ =	swait.ge [sflag:s13], $0x40  }
0x1e0: {  	[sflag:s13] =	ssyncset.done $0x0  }
0x1e1: {  	[sflag:s13] =	ssyncadd.s32 $0xFFFFFFC0  }
0x1e2: {  	_ =	swait.ge [sflag:s13], $0x40  }
0x1e3: {  	[sflag:s13] =	ssyncset.done $0x0  }
0x1e4: {  	[sflag:s13] =	ssyncadd.s32 $0xFFFFFFC0  }
0x1e5: {  	v1 =	vld [tilespmem:$0xAA80]  }
0x1e6: {  	v2 =	vld [tilespmem:$0xAB80];
	_ =	sdelay $0x4  }
0x1e7: {  	v1 =	vadd.f32 v2, v1;
	_ =	sdelay $0x1  }
0x1e8: {  	v1 =	vsub.f32 $0.0e+00, v1;
	_ =	sdelay $0x1  }
0x1e9: {  	v1 =	vmul.f32 $1.442695020e+00, v1;
	_ =	sdelay $0x1  }
0x1ea: {  	(erf) = vpow2.f32 v1  }
0x1eb: {  	v2 =	vld [tilespmem:$0xAB90]  }
0x1ec: {  	v1 =	vld [tilespmem:$0xAA90];
	_ =	sdelay $0x4  }
0x1ed: {  	v1 =	vadd.f32 v2, v1;
	_ =	sdelay $0x1  }
0x1ee: {  	v1 =	vsub.f32 $0.0e+00, v1;
	v2 =	vpop (erf)  }
0x1ef: {  	v2 =	vadd.f32 $1.000000000e+00, v2  }
0x1f0: {  	v1 =	vmul.f32 $1.442695020e+00, v1  }
0x1f1: {  	(erf) = vrcp.f32 v2  }
0x1f2: {  	(erf) = vpow2.f32 v1  }
0x1f3: {  	v2 =	vld [tilespmem:$0xABA0]  }
0x1f4: {  	v1 =	vld [tilespmem:$0xAAA0];
	_ =	sdelay $0x4  }
0x1f5: {  	v1 =	vadd.f32 v2, v1  }
0x1f6: {  	v2 =	vpop (erf)  }
0x1f7: {  	v1 =	vsub.f32 $0.0e+00, v1;
	v3 =	vpop (erf)  }
0x1f8: {  	v3 =	vadd.f32 $1.000000000e+00, v3  }
0x1f9: {  	v1 =	vmul.f32 $1.442695020e+00, v1  }
0x1fa: {  	(erf) = vrcp.f32 v3  }
0x1fb: {  	(erf) = vpow2.f32 v1  }
0x1fc: {  	v3 =	vld [tilespmem:$0xABB0]  }
0x1fd: {  	v1 =	vld [tilespmem:$0xAAB0];
	_ =	sdelay $0x4  }
0x1fe: {  	v1 =	vadd.f32 v3, v1  }
0x1ff: {  	v3 =	vpop (erf)  }
0x200: {  	v1 =	vsub.f32 $0.0e+00, v1;
	v4 =	vpop (erf)  }
0x201: {  	v4 =	vadd.f32 $1.000000000e+00, v4  }
0x202: {  	v1 =	vmul.f32 $1.442695020e+00, v1  }
0x203: {  	(erf) = vrcp.f32 v4  }
0x204: {  	(erf) = vpow2.f32 v1;
	_ =	sdelay $0x7  }
0x205: {  	v1 =	vpop (erf)  }
0x206: {  	v4 =	vpop (erf)  }
0x207: {  	v4 =	vadd.f32 $1.000000000e+00, v4;
	_ =	sdelay $0x1  }
0x208: {  	(erf) = vrcp.f32 v4;
	_ =	sdelay $0x6  }
0x209: {  	[tilespmem:$0xAC00] =	vst v2  }
0x20a: {  	[tilespmem:$0xAC10] =	vst v3  }
0x20b: {  	[tilespmem:$0xAC20] =	vst v1;
	v1 =	vpop (erf)  }
0x20c: {  	s17 =	simm.s32 $0x6900;
	[tilespmem:$0xAC30] =	vst v1  }
0x20d: {  	v10 =	vld [tilespmem:s17+$0xFFFFFF80]  }
0x20e: {  	v6 =	vld [tilespmem:s17+$0xFFFFFF70]  }
0x20f: {  	v1 =	vld [tilespmem:s17+$0xFFFFFF60]  }
0x210: {  	v17 =	vld [tilespmem:s17+$0x90]  }
0x211: {  	v19 =	vld [tilespmem:s17+$0xD0]  }
0x212: {  	v4 =	vld [tilespmem:s17+$0xFFFFFF50]  }
0x213: {  	v21 =	vld [tilespmem:s17+$0x80]  }
0x214: {  	v20 =	vld [tilespmem:s17+$0xC0]  }
0x215: {  	v11 =	vld [tilespmem:s17+$0xF0]  }
0x216: {  	v2 =	vld [tilespmem:s17+$0xFFFFFF40]  }
0x217: {  	v3 =	vld [tilespmem:s17+$0xB0]  }
0x218: {  	v24 =	vld [tilespmem:s17+$0xE0]  }
0x219: {  	s8 =	simm.s32 $0x0;
	v12 =	vld [tilespmem:s17+$0xFFFFFF30]  }
0x21a: {  	s18 =	sand.u32 $0x30, s8;
	v13 =	vld [tilespmem:s17+$0xFFFFFF10]  }
0x21b: {  	v14 =	vld [tilespmem:s18+$0xAC00]  }
0x21c: {  	v5 =	vld [tilespmem:s17+$0xFFFFFFC0]  }
0x21d: {  	v9 =	vld [tilespmem:s17+$0xFFFFFFD0]  }
0x21e: {  	s10 =	simm.s32 $0x1;
	s4 =	sand.u32 $0xC, s8;
	v15 =	vld [tilespmem:s17+$0xFFFFFFF0]  }
0x21f: {  	s10 =	sand.u32 $0xD, s10;
	s9 =	simm.s32 $0x3;
	v7 =	vmov s4;
	v26 =	vld [tilespmem:s17+$0xFFFFFFE0]  }
0x220: {  	v22 =	vmov s10;
	v8 =	vmov s9;
	v16 =	vld [tilespmem:s17+$0x0];
	v7 =	vperm.xlane v14, v7  }
0x221: {  	v30 =	vld [tilespmem:s17+$0xFFFFFFA0];
	v27 =	vperm.xlane v14, v8;
	v8 =	vperm.xlane v14, v22  }
0x222: {  	s18 =	simm.s32 $0x2;
	v18 =	vld [tilespmem:s17+$0x10];
	v23 =	vmul.f32 v2, v7;
	v13 =	vmul.f32 v13, v7  }
0x223: {  	v25 =	vld [tilespmem:s17+$0x20];
	s18 =	sand.u32 $0xE, s18;
	v28 =	vmul.f32 v1, v7;
	v1 =	vmul.f32 v15, v8  }
0x224: {  	v29 =	vld [tilespmem:s17+$0xFFFFFF20];
	v2 =	vmov s18;
	v15 =	vmul.f32 v10, v8;
	v63 =	vmul.f32 v17, v27;
	[tilespmem:s17+$0xFFFFFF40] =	vst v23  }
0x225: {  	v22 =	vld [tilespmem:s17+$0x30];
	v2 =	vperm.xlane v14, v2;
	v14 =	vmul.f32 v3, v27;
	[tilespmem:s17+$0xFFFFFFF0] =	vst v1  }
0x226: {  	v10 =	vld [tilespmem:s17+$0x60];
	v17 =	vmul.f32 v30, v8;
	v24 =	vmul.f32 v24, v27;
	[tilespmem:s17+$0xFFFFFF10] =	vst v13  }
0x227: {  	v23 =	vld [tilespmem:s17+$0xA0];
	v3 =	vmul.f32 v16, v2;
	[tilespmem:s17+$0xB0] =	vst v14;
	v14 =	vmul.f32 v11, v27  }
0x228: {  	v1 =	vld [tilespmem:s17+$0x50];
	[tilespmem:s17+$0xFFFFFF60] =	vst v28;
	v11 =	vmul.f32 v4, v7;
	v16 =	vmul.f32 v25, v2  }
0x229: {  	[tilespmem:s17+$0x90] =	vst v63;
	v4 =	vmul.f32 v18, v2;
	v18 =	vmul.f32 v12, v7;
	v12 =	vld [tilespmem:s17+$0x70]  }
0x22a: {  	v25 =	vmul.f32 v6, v7;
	v6 =	vmul.f32 v22, v2;
	[tilespmem:s17+$0x20] =	vst v16;
	v16 =	vld [tilespmem:s17+$0xFFFFFF00]  }
0x22b: {  	v22 =	vmul.f32 v20, v27;
	v20 =	vld [tilespmem:s17+$0xFFFFFFB0];
	[tilespmem:s17+$0xF0] =	vst v14;
	v14 =	vmul.f32 v29, v7  }
0x22c: {  	[tilespmem:s17+$0xFFFFFF70] =	vst v25;
	v13 =	vmul.f32 v23, v27;
	v23 =	vmul.f32 v21, v27;
	v21 =	vld [tilespmem:s17+$0x40]  }
0x22d: {  	s18 =	simm.s32 $0x6B00;
	[tilespmem:s17+$0xC0] =	vst v22;
	v25 =	vmul.f32 v19, v27;
	v22 =	vld [tilespmem:s17+$0xFFFFFF90];
	v19 =	vmul.f32 v26, v8  }
.LBB2_9:
0x22e: {  	[tilespmem:s17+$0xFFFFFF30] =	vst v18;
	v9 =	vmul.f32 v9, v8;
	v18 =	vmul.f32 v1, v2;
	v1 =	vld [tilespmem:s18+$0x50];
	s2 =	smov.u32 s8;
	s8 =	sadd.s32 $0x4, s8  }
0x22f: {  	v5 =	vmul.f32 v5, v8;
	s4 =	sand.u32 $0xC, s8;
	s9 =	sand.u32 $0x30, s8;
	v26 =	vld [tilespmem:s18+$0xFFFFFF80];
	p1 =	slt.u32 s8, $0x3C;
	v7 =	vmul.f32 v16, v7;
	[tilespmem:s17+$0x80] =	vst v23  }
0x230: {  	v12 =	vmul.f32 v12, v2;
	v16 =	vmov s4;
	v23 =	vld [tilespmem:s18+$0xFFFFFF70];
	v20 =	vmul.f32 v20, v8;
	[tilespmem:s17+$0xD0] =	vst v25  }
0x231: {  	v25 =	vld [tilespmem:s18+$0xFFFFFF60];
	[tilespmem:s17+$0xFFFFFF80] =	vst v15;
	v15 =	vmul.f32 v21, v2  }
0x232: {  	s4 =	sadd.s32 $0x6, s2;
	v21 =	vld [tilespmem:s18+$0x90];
	v8 =	vmul.f32 v22, v8;
	[tilespmem:s17+$0xE0] =	vst v24  }
0x233: {  	s10 =	sadd.s32 $0x7, s2;
	s4 =	sand.u32 $0xE, s4;
	v22 =	vld [tilespmem:s18+$0xD0];
	[tilespmem:s17+$0xA0] =	vst v13  }
0x234: {  	v27 =	vmov s10;
	v24 =	vmov s4;
	v13 =	vld [tilespmem:s18+$0xFFFFFF50];
	[tilespmem:s17+$0xFFFFFF20] =	vst v14  }
0x235: {  	v28 =	vld [tilespmem:s18+$0x80];
	[tilespmem:s17+$0xFFFFFFA0] =	vst v17  }
0x236: {  	v17 =	vld [tilespmem:s18+$0xC0];
	[tilespmem:s17+$0xFFFFFFE0] =	vst v19  }
0x237: {  	v14 =	vld [tilespmem:s18+$0xF0];
	[tilespmem:s17+$0xFFFFFF90] =	vst v8  }
0x238: {  	s2 =	sadd.s32 $0x5, s2;
	v19 =	vld [tilespmem:s18+$0xFFFFFF40];
	[tilespmem:s17+$0xFFFFFF50] =	vst v11  }
0x239: {  	s2 =	sand.u32 $0xD, s2;
	v11 =	vld [tilespmem:s18+$0xB0];
	[tilespmem:s17+$0x40] =	vst v15  }
0x23a: {  	v8 =	vmov s2;
	v29 =	vld [tilespmem:s18+$0xE0];
	[tilespmem:s17+$0xFFFFFFD0] =	vst v9  }
0x23b: {  	v15 =	vld [tilespmem:s18+$0xFFFFFF30];
	[tilespmem:s17+$0xFFFFFFC0] =	vst v5  }
0x23c: {  	v30 =	vld [tilespmem:s18+$0xFFFFFF10];
	[tilespmem:s17+$0xFFFFFFB0] =	vst v20  }
0x23d: {  	v20 =	vld [tilespmem:s9+$0xAC00];
	[tilespmem:s17+$0x50] =	vst v18  }
0x23e: {  	v2 =	vmul.f32 v10, v2;
	v5 =	vld [tilespmem:s18+$0xFFFFFFC0];
	[tilespmem:s17+$0xFFFFFF00] =	vst v7  }
0x23f: {  	v9 =	vld [tilespmem:s18+$0xFFFFFFD0];
	[tilespmem:s17+$0x0] =	vst v3  }
0x240: {  	v31 =	vld [tilespmem:s18+$0xFFFFFFE0];
	[tilespmem:s17+$0x60] =	vst v2  }
0x241: {  	v3 =	vld [tilespmem:s18+$0xFFFFFFF0];
	[tilespmem:s17+$0x10] =	vst v4  }
0x242: {  	v7 =	vperm.xlane v20, v16;
	v8 =	vperm.xlane v20, v8;
	v4 =	vld [tilespmem:s18+$0x0];
	[tilespmem:s17+$0x70] =	vst v12  }
0x243: {  	v27 =	vperm.xlane v20, v27;
	v10 =	vld [tilespmem:s18+$0x10];
	[tilespmem:s17+$0x30] =	vst v6;
	s17 =	smov.u32 s18  }
0x244: {  	v6 =	vmul.f32 v30, v7;
	v12 =	vmul.f32 v19, v7;
	v16 =	vld [tilespmem:s18+$0x20]  }
0x245: {  	v2 =	vperm.xlane v20, v24;
	v11 =	vmul.f32 v11, v27;
	v19 =	vld [tilespmem:s18+$0x30]  }
0x246: {  	v20 =	vmul.f32 v25, v7;
	[tilespmem:s18+$0xFFFFFF40] =	vst v12;
	v12 =	vmul.f32 v3, v8;
	v24 =	vld [tilespmem:s18+$0xA0]  }
0x247: {  	v14 =	vmul.f32 v14, v27;
	v25 =	vld [tilespmem:s18+$0xFFFFFF20];
	v3 =	vmul.f32 v4, v2;
	[tilespmem:s18+$0xB0] =	vst v11  }
0x248: {  	v11 =	vmul.f32 v13, v7;
	v30 =	vld [tilespmem:s18+$0xFFFFFFA0];
	[tilespmem:s18+$0xFFFFFFF0] =	vst v12;
	v4 =	vmul.f32 v10, v2  }
0x249: {  	v18 =	vmul.f32 v15, v7;
	v10 =	vmul.f32 v16, v2;
	[tilespmem:s18+$0xF0] =	vst v14  }
0x24a: {  	v23 =	vmul.f32 v23, v7;
	[tilespmem:s18+$0xFFFFFF10] =	vst v6;
	v6 =	vmul.f32 v19, v2;
	v12 =	vld [tilespmem:s18+$0x70]  }
.Ltmp3:
0x24b: {  	v15 =	vmul.f32 v26, v8;
	[tilespmem:s18+$0x20] =	vst v10;
	v10 =	vld [tilespmem:s18+$0x60];
	v13 =	vmul.f32 v24, v27;
	(pc) =	sbr.rel @p1 .LBB2_9-.Ltmp3, $4  }
0x24c: {  	v19 =	vmul.f32 v17, v27;
	v16 =	vld [tilespmem:s18+$0xFFFFFF00];
	v14 =	vmul.f32 v25, v7;
	[tilespmem:s18+$0xFFFFFF70] =	vst v23  }
0x24d: {  	v24 =	vmul.f32 v21, v27;
	v23 =	vmul.f32 v28, v27;
	[tilespmem:s18+$0xFFFFFF60] =	vst v20;
	v20 =	vld [tilespmem:s18+$0xFFFFFFB0]  }
0x24e: {  	v25 =	vmul.f32 v22, v27;
	v17 =	vmul.f32 v30, v8;
	v21 =	vld [tilespmem:s18+$0x40];
	[tilespmem:s18+$0xC0] =	vst v19  }
0x24f: {  	v19 =	vmul.f32 v31, v8;
	s18 =	sadd.s32 $0x200, s18;
	v22 =	vld [tilespmem:s17+$0xFFFFFF90];
	[tilespmem:s17+$0x90] =	vst v24;
	v24 =	vmul.f32 v29, v27  }
0x250: {  	[tilespmem:s17+$0xFFFFFF30] =	vst v18  }
0x251: {  	[tilespmem:s17+$0x80] =	vst v23  }
0x252: {  	[tilespmem:s17+$0xD0] =	vst v25  }
0x253: {  	[tilespmem:s17+$0xFFFFFF80] =	vst v15  }
0x254: {  	[tilespmem:s17+$0xA0] =	vst v13  }
0x255: {  	[tilespmem:s17+$0xFFFFFF20] =	vst v14  }
0x256: {  	[tilespmem:s17+$0xFFFFFFA0] =	vst v17  }
0x257: {  	[tilespmem:s17+$0xFFFFFF50] =	vst v11  }
0x258: {  	[tilespmem:s17+$0x0] =	vst v3  }
0x259: {  	[tilespmem:s17+$0x10] =	vst v4  }
0x25a: {  	[tilespmem:s17+$0x30] =	vst v6  }
0x25b: {  	v9 =	vmul.f32 v9, v8;
	[tilespmem:s17+$0xE0] =	vst v24  }
0x25c: {  	v5 =	vmul.f32 v5, v8;
	[tilespmem:s17+$0xFFFFFFE0] =	vst v19  }
0x25d: {  	v1 =	vmul.f32 v1, v2;
	[tilespmem:s17+$0xFFFFFFD0] =	vst v9  }
0x25e: {  	[tilespmem:s17+$0xFFFFFFC0] =	vst v5;
	v5 =	vmul.f32 v16, v7  }
0x25f: {  	[tilespmem:s17+$0x50] =	vst v1;
	v1 =	vmul.f32 v10, v2  }
0x260: {  	v14 =	vmul.f32 v21, v2;
	[tilespmem:s17+$0xFFFFFF00] =	vst v5  }
0x261: {  	v2 =	vmul.f32 v12, v2;
	[tilespmem:s17+$0x60] =	vst v1  }
0x262: {  	v13 =	vmul.f32 v22, v8;
	[tilespmem:s17+$0x40] =	vst v14  }
0x263: {  	v8 =	vmul.f32 v20, v8;
	[tilespmem:s17+$0x70] =	vst v2  }
0x264: {  	[tilespmem:s17+$0xFFFFFF90] =	vst v13  }
0x265: {  	[tilespmem:s17+$0xFFFFFFB0] =	vst v8  }
0x266: {  	[spmem:s3] =	stream.indirect.scatter.add.f32 [tilespmem:s26], [sflag:$0x7], $0x80, s31, s22, $0xb8;
	[tilespmem:$0x1E940] =	vst v63  }
0x267: {  	_ =	swait.ge [sflag:s14], $0x2000  }
0x268: {  	[sflag:s14] =	ssyncset.done $0x0  }
0x269: {  	[sflag:s14] =	ssyncadd.s32 $0xFFFFE000  }
0x26a: {  	v1 =	vld @!p0 [tilespmem:s16+$0x140];
	_ =	sdelay $0x4  }
0x26b: {  	v2 =	vand.u32 @!p0 $0xFFFF, v1  }
0x26c: {  	v1 =	vshrl.u32 @!p0 v1, $0x10;
	[tilespmem:$0xA840] =	vst @!p0 v2  }
0x26d: {  	[tilespmem:$0xA940] =	vst @!p0 v1  }
0x26e: {  	v1 =	vld @!p0 [tilespmem:s16+$0x150];
	_ =	sdelay $0x4  }
0x26f: {  	v2 =	vand.u32 @!p0 $0xFFFF, v1  }
0x270: {  	v1 =	vshrl.u32 @!p0 v1, $0x10;
	[tilespmem:$0xA850] =	vst @!p0 v2  }
0x271: {  	[tilespmem:$0xA950] =	vst @!p0 v1  }
0x272: {  	v1 =	vld @!p0 [tilespmem:s16+$0x160];
	_ =	sdelay $0x4  }
0x273: {  	v2 =	vand.u32 @!p0 $0xFFFF, v1  }
0x274: {  	v1 =	vshrl.u32 @!p0 v1, $0x10;
	[tilespmem:$0xA860] =	vst @!p0 v2  }
0x275: {  	[tilespmem:$0xA960] =	vst @!p0 v1  }
0x276: {  	v1 =	vld @!p0 [tilespmem:s16+$0x170];
	_ =	sdelay $0x4  }
0x277: {  	v2 =	vand.u32 @!p0 $0xFFFF, v1  }
0x278: {  	v1 =	vshrl.u32 @!p0 v1, $0x10;
	[tilespmem:$0xA870] =	vst @!p0 v2  }
0x279: {  	s2 =	simm.s32 @!p0 $0x40;
	s4 =	simm.s32 @!p0 $0xA840;
	s8 =	simm.s32 @!p0 $0x4800;
	[tilespmem:$0xA970] =	vst @!p0 v1  }
0x27a: {  	[tilespmem:s8], [sflag:$0x2] =	stream.indirect.gather @!p0 [hbm4b:s1+s2], $0x80, s4, s2, $0xb8;
	[tilespmem:$0x1E940] =	vst v63  }
0x27b: {  	s9 =	simm.s32 @!p0 $0xAA40;
	s8 =	simm.s32 @!p0 $0xA940  }
0x27c: {  	[tilespmem:s9], [sflag:$0x2] =	stream.indirect.gather @!p0 [hbm4b:s5+s2], $0x1, s8, s2, $0xb8;
	[tilespmem:$0x1E940] =	vst v63  }
0x27d: {  	s8 =	simm.s32 @!p0 $0xAB40  }
0x27e: {  	[tilespmem:s8], [sflag:$0x2] =	stream.indirect.gather @!p0 [hbm4b:s6+s2], $0x1, s4, s2, $0xb8;
	[tilespmem:$0x1E940] =	vst v63  }
0x27f: {  	_ =	swait.ge [sflag:s15], $0x2000  }
0x280: {  	[sflag:s15] =	ssyncset.done $0x0  }
0x281: {  	[sflag:s15] =	ssyncadd.s32 $0xFFFFE000  }
0x282: {  	_ =	swait.ge [sflag:s15], $0x40  }
0x283: {  	[sflag:s15] =	ssyncset.done $0x0  }
0x284: {  	[sflag:s15] =	ssyncadd.s32 $0xFFFFFFC0  }
0x285: {  	_ =	swait.ge [sflag:s15], $0x40  }
0x286: {  	[sflag:s15] =	ssyncset.done $0x0  }
0x287: {  	[sflag:s15] =	ssyncadd.s32 $0xFFFFFFC0  }
0x288: {  	v1 =	vld [tilespmem:$0xAAC0]  }
0x289: {  	v2 =	vld [tilespmem:$0xABC0];
	_ =	sdelay $0x4  }
0x28a: {  	v1 =	vadd.f32 v2, v1;
	_ =	sdelay $0x1  }
0x28b: {  	v1 =	vsub.f32 $0.0e+00, v1;
	_ =	sdelay $0x1  }
0x28c: {  	v1 =	vmul.f32 $1.442695020e+00, v1;
	_ =	sdelay $0x1  }
0x28d: {  	(erf) = vpow2.f32 v1  }
0x28e: {  	v2 =	vld [tilespmem:$0xABD0]  }
0x28f: {  	v1 =	vld [tilespmem:$0xAAD0];
	_ =	sdelay $0x4  }
0x290: {  	v1 =	vadd.f32 v2, v1;
	_ =	sdelay $0x1  }
0x291: {  	v1 =	vsub.f32 $0.0e+00, v1;
	v2 =	vpop (erf)  }
0x292: {  	v2 =	vadd.f32 $1.000000000e+00, v2  }
0x293: {  	v1 =	vmul.f32 $1.442695020e+00, v1  }
0x294: {  	(erf) = vrcp.f32 v2  }
0x295: {  	(erf) = vpow2.f32 v1  }
0x296: {  	v2 =	vld [tilespmem:$0xABE0]  }
0x297: {  	v1 =	vld [tilespmem:$0xAAE0];
	_ =	sdelay $0x4  }
0x298: {  	v1 =	vadd.f32 v2, v1  }
0x299: {  	v2 =	vpop (erf)  }
0x29a: {  	v1 =	vsub.f32 $0.0e+00, v1;
	v3 =	vpop (erf)  }
0x29b: {  	v3 =	vadd.f32 $1.000000000e+00, v3  }
0x29c: {  	v1 =	vmul.f32 $1.442695020e+00, v1  }
0x29d: {  	(erf) = vrcp.f32 v3  }
0x29e: {  	(erf) = vpow2.f32 v1  }
0x29f: {  	v3 =	vld [tilespmem:$0xABF0]  }
0x2a0: {  	v1 =	vld [tilespmem:$0xAAF0];
	_ =	sdelay $0x4  }
0x2a1: {  	v1 =	vadd.f32 v3, v1  }
0x2a2: {  	v3 =	vpop (erf)  }
0x2a3: {  	v1 =	vsub.f32 $0.0e+00, v1;
	v4 =	vpop (erf)  }
0x2a4: {  	v4 =	vadd.f32 $1.000000000e+00, v4  }
0x2a5: {  	v1 =	vmul.f32 $1.442695020e+00, v1  }
0x2a6: {  	(erf) = vrcp.f32 v4  }
0x2a7: {  	(erf) = vpow2.f32 v1;
	_ =	sdelay $0x7  }
0x2a8: {  	v1 =	vpop (erf)  }
0x2a9: {  	v4 =	vpop (erf)  }
0x2aa: {  	v4 =	vadd.f32 $1.000000000e+00, v4;
	_ =	sdelay $0x1  }
0x2ab: {  	(erf) = vrcp.f32 v4;
	_ =	sdelay $0x6  }
0x2ac: {  	[tilespmem:$0xAC00] =	vst v2  }
0x2ad: {  	[tilespmem:$0xAC10] =	vst v3  }
0x2ae: {  	[tilespmem:$0xAC20] =	vst v1;
	v1 =	vpop (erf)  }
0x2af: {  	s16 =	simm.s32 $0x8900;
	[tilespmem:$0xAC30] =	vst v1  }
0x2b0: {  	v10 =	vld [tilespmem:s16+$0xFFFFFF80]  }
0x2b1: {  	v6 =	vld [tilespmem:s16+$0xFFFFFF70]  }
0x2b2: {  	v1 =	vld [tilespmem:s16+$0xFFFFFF60]  }
0x2b3: {  	v17 =	vld [tilespmem:s16+$0x90]  }
0x2b4: {  	v19 =	vld [tilespmem:s16+$0xD0]  }
0x2b5: {  	v4 =	vld [tilespmem:s16+$0xFFFFFF50]  }
0x2b6: {  	v21 =	vld [tilespmem:s16+$0x80]  }
0x2b7: {  	v20 =	vld [tilespmem:s16+$0xC0]  }
0x2b8: {  	v11 =	vld [tilespmem:s16+$0xF0]  }
0x2b9: {  	v2 =	vld [tilespmem:s16+$0xFFFFFF40]  }
0x2ba: {  	v3 =	vld [tilespmem:s16+$0xB0]  }
0x2bb: {  	v24 =	vld [tilespmem:s16+$0xE0]  }
0x2bc: {  	s8 =	simm.s32 $0x0;
	v12 =	vld [tilespmem:s16+$0xFFFFFF30]  }
0x2bd: {  	s17 =	sand.u32 $0x30, s8;
	v13 =	vld [tilespmem:s16+$0xFFFFFF10]  }
0x2be: {  	v14 =	vld [tilespmem:s17+$0xAC00]  }
0x2bf: {  	v5 =	vld [tilespmem:s16+$0xFFFFFFC0]  }
0x2c0: {  	v9 =	vld [tilespmem:s16+$0xFFFFFFD0]  }
0x2c1: {  	s9 =	simm.s32 $0x1;
	s18 =	sand.u32 $0xC, s8;
	v15 =	vld [tilespmem:s16+$0xFFFFFFF0]  }
0x2c2: {  	s4 =	simm.s32 $0x3;
	v7 =	vmov s18;
	v26 =	vld [tilespmem:s16+$0xFFFFFFE0];
	s17 =	sand.u32 $0xD, s9  }
0x2c3: {  	v8 =	vmov s4;
	v16 =	vld [tilespmem:s16+$0x0];
	v22 =	vmov s17;
	v7 =	vperm.xlane v14, v7  }
0x2c4: {  	v30 =	vld [tilespmem:s16+$0xFFFFFFA0];
	v27 =	vperm.xlane v14, v8;
	v8 =	vperm.xlane v14, v22  }
0x2c5: {  	s10 =	simm.s32 $0x2;
	v18 =	vld [tilespmem:s16+$0x10];
	v23 =	vmul.f32 v2, v7;
	v13 =	vmul.f32 v13, v7  }
0x2c6: {  	s18 =	sand.u32 $0xE, s10;
	v25 =	vld [tilespmem:s16+$0x20];
	v28 =	vmul.f32 v1, v7;
	v1 =	vmul.f32 v15, v8  }
0x2c7: {  	v29 =	vld [tilespmem:s16+$0xFFFFFF20];
	v2 =	vmov s18;
	v15 =	vmul.f32 v10, v8;
	v63 =	vmul.f32 v17, v27;
	[tilespmem:s16+$0xFFFFFF40] =	vst v23  }
0x2c8: {  	v22 =	vld [tilespmem:s16+$0x30];
	v2 =	vperm.xlane v14, v2;
	v14 =	vmul.f32 v3, v27;
	[tilespmem:s16+$0xFFFFFFF0] =	vst v1  }
0x2c9: {  	v10 =	vld [tilespmem:s16+$0x60];
	v17 =	vmul.f32 v30, v8;
	v24 =	vmul.f32 v24, v27;
	[tilespmem:s16+$0xFFFFFF10] =	vst v13  }
0x2ca: {  	v23 =	vld [tilespmem:s16+$0xA0];
	v3 =	vmul.f32 v16, v2;
	[tilespmem:s16+$0xB0] =	vst v14;
	v14 =	vmul.f32 v11, v27  }
0x2cb: {  	v1 =	vld [tilespmem:s16+$0x50];
	[tilespmem:s16+$0xFFFFFF60] =	vst v28;
	v11 =	vmul.f32 v4, v7;
	v16 =	vmul.f32 v25, v2  }
0x2cc: {  	[tilespmem:s16+$0x90] =	vst v63;
	v4 =	vmul.f32 v18, v2;
	v18 =	vmul.f32 v12, v7;
	v12 =	vld [tilespmem:s16+$0x70]  }
0x2cd: {  	v25 =	vmul.f32 v6, v7;
	v6 =	vmul.f32 v22, v2;
	[tilespmem:s16+$0x20] =	vst v16;
	v16 =	vld [tilespmem:s16+$0xFFFFFF00]  }
0x2ce: {  	v22 =	vmul.f32 v20, v27;
	v20 =	vld [tilespmem:s16+$0xFFFFFFB0];
	[tilespmem:s16+$0xF0] =	vst v14;
	v14 =	vmul.f32 v29, v7  }
0x2cf: {  	[tilespmem:s16+$0xFFFFFF70] =	vst v25;
	v13 =	vmul.f32 v23, v27;
	v23 =	vmul.f32 v21, v27;
	v21 =	vld [tilespmem:s16+$0x40]  }
0x2d0: {  	s17 =	simm.s32 $0x8B00;
	[tilespmem:s16+$0xC0] =	vst v22;
	v25 =	vmul.f32 v19, v27;
	v22 =	vld [tilespmem:s16+$0xFFFFFF90];
	v19 =	vmul.f32 v26, v8  }
.LBB2_11:
0x2d1: {  	[tilespmem:s16+$0xFFFFFF30] =	vst v18;
	v9 =	vmul.f32 v9, v8;
	v18 =	vmul.f32 v1, v2;
	v1 =	vld [tilespmem:s17+$0x50];
	s2 =	smov.u32 s8;
	s8 =	sadd.s32 $0x4, s8  }
0x2d2: {  	v5 =	vmul.f32 v5, v8;
	s4 =	sand.u32 $0xC, s8;
	s9 =	sand.u32 $0x30, s8;
	v26 =	vld [tilespmem:s17+$0xFFFFFF80];
	p0 =	slt.u32 s8, $0x3C;
	v7 =	vmul.f32 v16, v7;
	[tilespmem:s16+$0x80] =	vst v23  }
0x2d3: {  	v12 =	vmul.f32 v12, v2;
	v16 =	vmov s4;
	v23 =	vld [tilespmem:s17+$0xFFFFFF70];
	v20 =	vmul.f32 v20, v8;
	[tilespmem:s16+$0xD0] =	vst v25  }
0x2d4: {  	v25 =	vld [tilespmem:s17+$0xFFFFFF60];
	[tilespmem:s16+$0xFFFFFF80] =	vst v15;
	v15 =	vmul.f32 v21, v2  }
0x2d5: {  	s4 =	sadd.s32 $0x6, s2;
	v21 =	vld [tilespmem:s17+$0x90];
	v8 =	vmul.f32 v22, v8;
	[tilespmem:s16+$0xE0] =	vst v24  }
0x2d6: {  	s10 =	sadd.s32 $0x7, s2;
	s4 =	sand.u32 $0xE, s4;
	v22 =	vld [tilespmem:s17+$0xD0];
	[tilespmem:s16+$0xA0] =	vst v13  }
0x2d7: {  	v27 =	vmov s10;
	v24 =	vmov s4;
	v13 =	vld [tilespmem:s17+$0xFFFFFF50];
	[tilespmem:s16+$0xFFFFFF20] =	vst v14  }
0x2d8: {  	v28 =	vld [tilespmem:s17+$0x80];
	[tilespmem:s16+$0xFFFFFFA0] =	vst v17  }
0x2d9: {  	v17 =	vld [tilespmem:s17+$0xC0];
	[tilespmem:s16+$0xFFFFFFE0] =	vst v19  }
0x2da: {  	v14 =	vld [tilespmem:s17+$0xF0];
	[tilespmem:s16+$0xFFFFFF90] =	vst v8  }
0x2db: {  	s2 =	sadd.s32 $0x5, s2;
	v19 =	vld [tilespmem:s17+$0xFFFFFF40];
	[tilespmem:s16+$0xFFFFFF50] =	vst v11  }
0x2dc: {  	s2 =	sand.u32 $0xD, s2;
	v11 =	vld [tilespmem:s17+$0xB0];
	[tilespmem:s16+$0x40] =	vst v15  }
0x2dd: {  	v8 =	vmov s2;
	v29 =	vld [tilespmem:s17+$0xE0];
	[tilespmem:s16+$0xFFFFFFD0] =	vst v9  }
0x2de: {  	v15 =	vld [tilespmem:s17+$0xFFFFFF30];
	[tilespmem:s16+$0xFFFFFFC0] =	vst v5  }
0x2df: {  	v30 =	vld [tilespmem:s17+$0xFFFFFF10];
	[tilespmem:s16+$0xFFFFFFB0] =	vst v20  }
0x2e0: {  	v20 =	vld [tilespmem:s9+$0xAC00];
	[tilespmem:s16+$0x50] =	vst v18  }
0x2e1: {  	v2 =	vmul.f32 v10, v2;
	v5 =	vld [tilespmem:s17+$0xFFFFFFC0];
	[tilespmem:s16+$0xFFFFFF00] =	vst v7  }
0x2e2: {  	v9 =	vld [tilespmem:s17+$0xFFFFFFD0];
	[tilespmem:s16+$0x0] =	vst v3  }
0x2e3: {  	v31 =	vld [tilespmem:s17+$0xFFFFFFE0];
	[tilespmem:s16+$0x60] =	vst v2  }
0x2e4: {  	v3 =	vld [tilespmem:s17+$0xFFFFFFF0];
	[tilespmem:s16+$0x10] =	vst v4  }
0x2e5: {  	v7 =	vperm.xlane v20, v16;
	v8 =	vperm.xlane v20, v8;
	v4 =	vld [tilespmem:s17+$0x0];
	[tilespmem:s16+$0x70] =	vst v12  }
0x2e6: {  	v27 =	vperm.xlane v20, v27;
	v10 =	vld [tilespmem:s17+$0x10];
	[tilespmem:s16+$0x30] =	vst v6;
	s16 =	smov.u32 s17  }
0x2e7: {  	v6 =	vmul.f32 v30, v7;
	v12 =	vmul.f32 v19, v7;
	v16 =	vld [tilespmem:s17+$0x20]  }
0x2e8: {  	v2 =	vperm.xlane v20, v24;
	v11 =	vmul.f32 v11, v27;
	v19 =	vld [tilespmem:s17+$0x30]  }
0x2e9: {  	v20 =	vmul.f32 v25, v7;
	[tilespmem:s17+$0xFFFFFF40] =	vst v12;
	v12 =	vmul.f32 v3, v8;
	v24 =	vld [tilespmem:s17+$0xA0]  }
0x2ea: {  	v14 =	vmul.f32 v14, v27;
	v25 =	vld [tilespmem:s17+$0xFFFFFF20];
	v3 =	vmul.f32 v4, v2;
	[tilespmem:s17+$0xB0] =	vst v11  }
0x2eb: {  	v11 =	vmul.f32 v13, v7;
	v30 =	vld [tilespmem:s17+$0xFFFFFFA0];
	[tilespmem:s17+$0xFFFFFFF0] =	vst v12;
	v4 =	vmul.f32 v10, v2  }
0x2ec: {  	v18 =	vmul.f32 v15, v7;
	v10 =	vmul.f32 v16, v2;
	[tilespmem:s17+$0xF0] =	vst v14  }
0x2ed: {  	v23 =	vmul.f32 v23, v7;
	[tilespmem:s17+$0xFFFFFF10] =	vst v6;
	v6 =	vmul.f32 v19, v2;
	v12 =	vld [tilespmem:s17+$0x70]  }
.Ltmp4:
0x2ee: {  	v15 =	vmul.f32 v26, v8;
	[tilespmem:s17+$0x20] =	vst v10;
	v10 =	vld [tilespmem:s17+$0x60];
	v13 =	vmul.f32 v24, v27;
	(pc) =	sbr.rel @p0 .LBB2_11-.Ltmp4, $4  }
0x2ef: {  	v19 =	vmul.f32 v17, v27;
	v16 =	vld [tilespmem:s17+$0xFFFFFF00];
	v14 =	vmul.f32 v25, v7;
	[tilespmem:s17+$0xFFFFFF70] =	vst v23  }
0x2f0: {  	v24 =	vmul.f32 v21, v27;
	v23 =	vmul.f32 v28, v27;
	[tilespmem:s17+$0xFFFFFF60] =	vst v20;
	v20 =	vld [tilespmem:s17+$0xFFFFFFB0]  }
0x2f1: {  	v25 =	vmul.f32 v22, v27;
	v17 =	vmul.f32 v30, v8;
	v21 =	vld [tilespmem:s17+$0x40];
	[tilespmem:s17+$0xC0] =	vst v19  }
0x2f2: {  	v19 =	vmul.f32 v31, v8;
	s17 =	sadd.s32 $0x200, s17;
	v22 =	vld [tilespmem:s16+$0xFFFFFF90];
	[tilespmem:s16+$0x90] =	vst v24;
	v24 =	vmul.f32 v29, v27  }
0x2f3: {  	[tilespmem:s16+$0xFFFFFF30] =	vst v18  }
0x2f4: {  	[tilespmem:s16+$0x80] =	vst v23  }
0x2f5: {  	[tilespmem:s16+$0xD0] =	vst v25  }
0x2f6: {  	[tilespmem:s16+$0xFFFFFF80] =	vst v15  }
0x2f7: {  	[tilespmem:s16+$0xA0] =	vst v13  }
0x2f8: {  	[tilespmem:s16+$0xFFFFFF20] =	vst v14  }
0x2f9: {  	[tilespmem:s16+$0xFFFFFFA0] =	vst v17  }
0x2fa: {  	[tilespmem:s16+$0xFFFFFF50] =	vst v11  }
0x2fb: {  	[tilespmem:s16+$0x0] =	vst v3  }
0x2fc: {  	[tilespmem:s16+$0x10] =	vst v4  }
0x2fd: {  	[tilespmem:s16+$0x30] =	vst v6  }
0x2fe: {  	v9 =	vmul.f32 v9, v8;
	[tilespmem:s16+$0xE0] =	vst v24  }
0x2ff: {  	v5 =	vmul.f32 v5, v8;
	[tilespmem:s16+$0xFFFFFFE0] =	vst v19  }
0x300: {  	v1 =	vmul.f32 v1, v2;
	[tilespmem:s16+$0xFFFFFFD0] =	vst v9  }
0x301: {  	v63 =	vmul.f32 v16, v7;
	[tilespmem:s16+$0xFFFFFFC0] =	vst v5  }
0x302: {  	v62 =	vmul.f32 v20, v8;
	[tilespmem:s16+$0x50] =	vst v1  }
0x303: {  	s19 =	sadd.s32 $0x1, s19;
	v1 =	vmul.f32 v10, v2;
	[tilespmem:s16+$0xFFFFFF00] =	vst v63  }
0x304: {  	p0 =	sne.s32 s19, $0x28;
	v61 =	vmul.f32 v21, v2;
	[tilespmem:s16+$0xFFFFFFB0] =	vst v62  }
.Ltmp5:
0x305: {  	v2 =	vmul.f32 v12, v2;
	[tilespmem:s16+$0x60] =	vst v1;
	(pc) =	sbr.rel @p0 .LBB2_4-.Ltmp5, $4  }
0x306: {  	v60 =	vmul.f32 v22, v8;
	[tilespmem:s16+$0x40] =	vst v61  }
0x307: {  	[tilespmem:s16+$0x70] =	vst v2  }
0x308: {  	[tilespmem:s16+$0xFFFFFF90] =	vst v60  }
0x309: {  	[spmem:s3] =	stream.indirect.scatter.add.f32 [tilespmem:s28], [sflag:$0x8], $0x80, s7, s22, $0xb8;
	[tilespmem:$0x1E940] =	vst v63  }
0x30a: {  	s2 =	simm.s32 $0x7  }
0x30b: {  	_ =	swait.ge [sflag:s2], $0x2000  }
0x30c: {  	[sflag:s2] =	ssyncset.done $0x0  }
0x30d: {  	s16 =	simm.s32 $0x8;
	[sflag:s2] =	ssyncadd.s32 $0xFFFFE000  }
0x30e: {  	_ =	swait.ge [sflag:s16], $0x2000  }
0x30f: {  	[sflag:s16] =	ssyncset.done $0x0  }
0x310: {  	[sflag:s16] =	ssyncadd.s32 $0xFFFFE000  }
0x311: {  	s17 =	stileid.u32;
	[bflag:$0x0] =	sbarrier.arrive $0xFFFF  }
0x312: {  	s2 =	sshll.u32 s17, $0x6;
	s9 =	rddreg [dreg:$0x5]  }
0x313: {  	s2 =	sor.u32 $0x1C09, s2;
	s8 =	rddreg [dreg:$0xf];
	s4 =	sshrl.u32 s9, $0x3  }
0x314: {  	[hbm:s8], [sflag:s2] =	dma.local [spmem:s4], $0x27A0  }
0x315: {  	_ =	swait.ge [sflag:s20], $0x27A0  }
0x316: {  	s18 =	rddreg [dreg:$0x11]  }
0x317: {  	s19 =	rddreg [dreg:$0x10];
	s4 =	sadd.s32 $0x1, s18  }
0x318: {  	p0 =	sne.s32 s4, s19  }
.Ltmp6:
0x319: {  	_ = 	snop;
	(pc) =	sbr.rel @p0 .LBB2_1-.Ltmp6, $3  }
0x31a: {  	_ =	sdelay $0x1  }
0x31b: {  	[sflag:s20] =	ssyncset.done $0x0  }
0x31c: {  	[sflag:s20] =	ssyncadd.s32 $0xFFFFD860  }
0x31d: {  	_ =	sfence.sel $0x180000  }
0x31e: {  	[bflag:$0x0] =	sbarrier.arrive $0xFFFF  }
0x31f: {  	_ =	strace $0x9000004A  }
0x320: {  	s0 =	stileid.u32;
	[bflag:$0x2] =	sbarrier.arrive $0xFFFF  }
0x321: {  	p0 =	sne.s32 s0, $0x0;
	s0 =	rddreg [dreg:$0x3]  }
0x322: {  	s0 =	sadd.s32 @!p0 $0x100000, s0  }
0x323: {  	[sflag:s0] =	ssyncadd.tile.s32 @!p0 $0x1;
	_ =	shalt  }
.Lfunc_end2:
_tile_overlayer_lowered:
.L_overlay_start_2:
0x324: {  	(tag) =	ssettag $0x2  }
0x325: {  	s0 =	rddreg [dreg:$0x0];
	s2 =	stileid.u32  }
0x326: {  	s1 =	rddreg [dreg:$0x1];
	p0 =	sne.s32 s2, $0x0  }
0x327: {  	s3 =	rddreg [dreg:$0x2];
	[bflag:$0x3] =	sbarrier.arrive $0xFFFF;
	s2 =	simm.s32 @!p0 $0x1C09  }
0x328: {  	[timem:s3], [sflag:s2] =	dma.local @!p0 [hbm:s0], s1  }
0x329: {  	s0 =	simm.s32 @!p0 $0x9  }
0x32a: {  	_ =	swait.ge @!p0 [sflag:s0], s1  }
0x32b: {  	s1 =	ssub.s32 @!p0 $0x0, s1;
	[sflag:s0] =	ssyncset.done @!p0 $0x0  }
0x32c: {  	[sflag:s0] =	ssyncadd.s32 @!p0 s1  }
0x32d: {  	[bflag:$0x3] =	sbarrier.arrive $0xFFFF  }
0x32e: {  	_ =	shalt  }

// kernel: kernel.7.cloned.1.call-start
scs
__scs_entry_jumppad:
0x0: {  	(pc) =	sbr.rel $0x88, $3  }
0x1: {  	(tag) =	ssettag $0x0;
	lr =	simm.s32 $0x1  }
0x2: {  	[smem:$0x3F89] =	sst lr;
	_ =	strace $0xD0000000  }
0x3: {  	_ = 	snop  }
0x4: {  	_ = 	snop  }
0x5: {  	_ = 	snop  }
0x6: {  	_ = 	snop  }
0x7: {  	_ = 	snop  }
__scs_overlays_trampoline_lowered:
0x8: {  	[smem:$0x3F98] =	sst s0  }
0x9: {  	[smem:$0x3F99] =	sst s1  }
0xa: {  	[smem:$0x3F9A] =	sst s2  }
0xb: {  	[smem:$0x3F9B] =	sst s3  }
0xc: {  	[smem:$0x3F9C] =	sst s4  }
0xd: {  	[smem:$0x3F9D] =	sst s5  }
0xe: {  	[smem:$0x3F9E] =	sst s6  }
0xf: {  	[smem:$0x3F9F] =	sst s7  }
0x10: {  	[smem:$0x3FA0] =	sst s8  }
0x11: {  	[smem:$0x3FA1] =	sst s9;
	s0 =	simm.s32 @!p0 $0x0  }
0x12: {  	s1 =	sld [smem:$0x3F87];
	s0 =	simm.s32 @p0 $0x1  }
0x13: {  	[smem:$0x3FA2] =	sst s0;
	s0 =	simm.s32 @!p1 $0x0  }
0x14: {  	s2 =	sld [smem:$0x3F86];
	s0 =	simm.s32 @p1 $0x1  }
0x15: {  	[smem:$0x3FA3] =	sst s0;
	s0 =	simm.s32 @!p2 $0x0  }
0x16: {  	s3 =	sld [smem:$0x3FDB];
	s0 =	simm.s32 @p2 $0x1  }
0x17: {  	s4 =	simm.s32 $0x1BF5;
	[smem:$0x3FA5] =	sst s0  }
0x18: {  	s0 =	sld [smem:$0x3F88];
	_ =	swait.ge [sflag:s4], $0x0  }
0x19: {  	s7 =	sld [smem:$0x3F89]  }
0x1a: {  	s8 =	sadd.s32 $0xFFFFE003, lr  }
0x1b: {  	s9 =	sadd.s32 $0xFFFFFEF7, lr;
	s5 =	simm.s32 $0xFFFFFFFF;
	p2 =	slt.u32 s8, $0xFFFFF086  }
0x1c: {  	p1 =	slt.u32 s9, $0xF7A;
	s5 =	simm.s32 @!p2 $0x0  }
0x1d: {  	s5 =	simm.s32 @p1 $0x1;
	p0 =	seq.s32 s7, s2  }
0x1e: {  	s7 =	smul.u32 @!p0 $0xF7A, s2;
	p2 =	seq.s32 @!p0 s5, $0x0  }
0x1f: {  	s9 =	smul.u32 $0xF7A, s1;
	s8 =	simm.s32 @!p0 $0x1BF5;
	p2 =	por !p2, p0  }
0x20: {  	[sflag:s8] =	ssyncset.s32 @!p0 $0xFFFFF086;
	s6 =	sadd.s32 @!p0 s3, s7;
	s7 =	simm.s32 @!p0 $0x108  }
0x21: {  	s3 =	sadd.s32 s3, s9;
	s6 =	sadd.s32 @!p0 $0x88, s6;
	s7 =	simm.s32 @p2 $0x1082  }
0x22: {  	[simem:s7], [sflag:s8] =	dma.local @!p0 [hbm:s6], $0xF7A  }
0x23: {  	s9 =	sor.u32 $0xD0000000, s2;
	s6 =	simm.s32 $0x108;
	_ =	swait.ge @!p0 [sflag:s8], $0x0  }
0x24: {  	s3 =	sadd.s32 $0x88, s3;
	s6 =	simm.s32 @!p1 $0x1082;
	[sflag:s4] =	ssyncset.s32 $0xFFFFF086  }
0x25: {  	[simem:s6], [sflag:s4] =	dma.local [hbm:s3], $0xF7A  }
0x26: {  	[smem:$0x3F89] =	sst s1;
	(tag) =	ssettag s2;
	_ =	strace s9  }
0x27: {  	s1 =	sld [smem:$0x3F99]  }
0x28: {  	s2 =	sld [smem:$0x3F9A]  }
0x29: {  	s4 =	sld [smem:$0x3F9C]  }
0x2a: {  	p0 =	seq.s32 s5, $0x0;
	s5 =	sld [smem:$0x3F9D]  }
0x2b: {  	s6 =	sld [smem:$0x3F9E]  }
0x2c: {  	s7 =	sld [smem:$0x3F9F]  }
0x2d: {  	s3 =	simm.s32 $0x108;
	s8 =	sld [smem:$0x3FA0]  }
0x2e: {  	s3 =	simm.s32 @!p0 $0x1082;
	s9 =	sld [smem:$0x3FA1]  }
0x2f: {  	lr =	sadd.s32 s0, s3;
	s0 =	sld [smem:$0x3F98]  }
0x30: {  	s3 =	sld [smem:$0x3F9B]  }
0x31: {  	[smem:$0x3FA4] =	sst s10  }
0x32: {  	s10 =	sld [smem:$0x3FA2];
	_ =	sdelay $0x3  }
0x33: {  	p0 =	seq.s32 s10, $0x1;
	s10 =	sld [smem:$0x3FA4];
	_ =	sdelay $0x3  }
0x34: {  	[smem:$0x3FA4] =	sst s10  }
0x35: {  	s10 =	sld [smem:$0x3FA3];
	_ =	sdelay $0x3  }
0x36: {  	p1 =	seq.s32 s10, $0x1;
	s10 =	sld [smem:$0x3FA4];
	_ =	sdelay $0x3  }
0x37: {  	[smem:$0x3FA4] =	sst s10  }
0x38: {  	s10 =	sld [smem:$0x3FA5]  }
0x39: {  	_ = 	snop;
	(pc) =	sbr.ind lr, $3  }
0x3a: {  	_ = 	snop  }
0x3b: {  	_ = 	snop  }
0x3c: {  	p2 =	seq.s32 s10, $0x1;
	s10 =	sld [smem:$0x3FA4]  }
0x3d: {  	_ =	shalt  }
0x3e: {  	_ =	shalt  }
0x3f: {  	_ =	shalt  }
0x40: {  	_ =	shalt  }
0x41: {  	_ =	shalt  }
0x42: {  	_ =	shalt  }
0x43: {  	_ =	shalt  }
0x44: {  	_ =	shalt  }
0x45: {  	_ =	shalt  }
0x46: {  	_ =	shalt  }
0x47: {  	_ =	shalt  }
0x48: {  	_ =	shalt  }
0x49: {  	_ =	shalt  }
0x4a: {  	_ =	shalt  }
0x4b: {  	_ =	shalt  }
0x4c: {  	_ =	shalt  }
0x4d: {  	_ =	shalt  }
0x4e: {  	_ =	shalt  }
0x4f: {  	_ =	shalt  }
0x50: {  	_ =	shalt  }
0x51: {  	_ =	shalt  }
0x52: {  	_ =	shalt  }
0x53: {  	_ =	shalt  }
0x54: {  	_ =	shalt  }
0x55: {  	_ =	shalt  }
0x56: {  	_ =	shalt  }
0x57: {  	_ =	shalt  }
0x58: {  	_ =	shalt  }
0x59: {  	_ =	shalt  }
0x5a: {  	_ =	shalt  }
0x5b: {  	_ =	shalt  }
0x5c: {  	_ =	shalt  }
0x5d: {  	_ =	shalt  }
0x5e: {  	_ =	shalt  }
0x5f: {  	_ =	shalt  }
0x60: {  	_ =	shalt  }
0x61: {  	_ =	shalt  }
0x62: {  	_ =	shalt  }
0x63: {  	_ =	shalt  }
0x64: {  	_ =	shalt  }
0x65: {  	_ =	shalt  }
0x66: {  	_ =	shalt  }
0x67: {  	_ =	shalt  }
0x68: {  	_ =	shalt  }
0x69: {  	_ =	shalt  }
0x6a: {  	_ =	shalt  }
0x6b: {  	_ =	shalt  }
0x6c: {  	_ =	shalt  }
0x6d: {  	_ =	shalt  }
0x6e: {  	_ =	shalt  }
0x6f: {  	_ =	shalt  }
0x70: {  	_ =	shalt  }
0x71: {  	_ =	shalt  }
0x72: {  	_ =	shalt  }
0x73: {  	_ =	shalt  }
0x74: {  	_ =	shalt  }
0x75: {  	_ =	shalt  }
0x76: {  	_ =	shalt  }
0x77: {  	_ =	shalt  }
0x78: {  	_ =	shalt  }
0x79: {  	_ =	shalt  }
0x7a: {  	_ =	shalt  }
0x7b: {  	_ =	shalt  }
0x7c: {  	_ =	shalt  }
0x7d: {  	_ =	shalt  }
0x7e: {  	_ =	shalt  }
0x7f: {  	_ =	shalt  }
0x80: {  	_ =	shalt  }
0x81: {  	_ =	shalt  }
0x82: {  	_ =	shalt  }
0x83: {  	_ =	shalt  }
0x84: {  	_ =	shalt  }
0x85: {  	_ =	shalt  }
0x86: {  	_ =	shalt  }
0x87: {  	_ =	shalt  }
.Lfunc_end0:
.L_simem_size_0:
called_computation_lowered:
.L_overlay_start_0:
0x88: {  	s2 =	sld [smem:$0x3FD9]  }
0x89: {  	s3 =	sld [smem:$0x3FFE];
	_ =	sdelay $0x1  }
0x8a: {  	s1 =	srdreg.scid  }
0x8b: {  	s0 =	sand.u32 $0x1, s1  }
0x8c: {  	s17 =	sshll.u32 s0, $0xA;
	s2 =	sadd.s32 s3, s2  }
0x8d: {  	s2 =	sadd.s32 s2, s17  }
0x8e: {  	[smem:$0x3FB0] =	sst s2  }
0x8f: {  	_ = 	snop  }
0x90: {  	s2 =	sld [smem:$0x3FD0];
	(tm) =	ssettm $0x1  }
0x91: {  	s18 =	sld [smem:$0x3FFB];
	_ =	sdelay $0x3  }
0x92: {  	_ =	strace s18  }
0x93: {  	s3 =	sld [smem:$0x3FFC];
	_ =	sdelay $0x3  }
0x94: {  	_ =	strace s3  }
0x95: {  	s3 =	sld [smem:$0x3FFD];
	_ =	sdelay $0x3  }
0x96: {  	_ =	strace s3  }
0x97: {  	_ =	strace $0x8FFFFFFF  }
0x98: {  	s19 =	sld [smem:$0x3FDB];
	_ =	sdelay $0x1  }
0x99: {  	s4 =	simm.s32 $_scs_section_size  }
0x9a: {  	s5 =	simm.s32 $_size__tile_overlayer_lowered;
	s6 =	simm.s32 $_tile_overlayer_lowered  }
0x9b: {  	s22 =	simm.s32 $0x1BFF;
	s21 =	sshll.u32 s6, $0x1;
	s3 =	sadd.s32 s4, s19  }
0x9c: {  	s7 =	simm.s32 $0x0;
	s20 =	sshll.u32 s5, $0x1;
	s5 =	sadd.s32 s21, s3  }
0x9d: {  	[timem:s7], [sflag:s22] =	dma.local [hbm:s5], s20  }
0x9e: {  	_ =	swait.ge [sflag:s22], s20  }
0x9f: {  	s4 =	ssub.s32 $0x0, s20;
	[sflag:s22] =	ssyncset.done $0x0  }
0xa0: {  	[sflag:s22] =	ssyncadd.s32 s4;
	_ =	sdelay $0x1  }
0xa1: {  	s23 =	simm.s32 $0x1B8B  }
0xa2: {  	_ =	swait.ge [sflag:s23], $0x1  }
0xa3: {  	[sflag:s23] =	ssyncset.done $0x0  }
0xa4: {  	s25 =	simm.s32 $0x1B8E;
	s24 =	sld [smem:$0x3FFE];
	[sflag:s23] =	ssyncadd.s32 $0xFFFFFFFF  }
0xa5: {  	s26 =	simm.s32 $execute0_lowered;
	[smem:$0x3FD2] =	sst s25  }
0xa6: {  	s5 =	sshll.u32 s26, $0x1;
	_ =	strace $0x80000046;
	[dreg:$0x1] =	wrdreg $0xFFFFFFFF  }
0xa7: {  	s28 =	simm.s32 $_size_execute0_lowered;
	s3 =	sadd.s32 s3, s5;
	[dreg:$0x0] =	wrdreg $0x0  }
0xa8: {  	s5 =	sshll.u32 s28, $0x1;
	[dreg:$0x2] =	wrdreg s3  }
0xa9: {  	[dreg:$0x3] =	wrdreg s5  }
0xaa: {  	[dreg:$0x4] =	wrdreg $0xC0  }
0xab: {  	_ =	task [dreg:s7], $0x5FFFF  }
0xac: {  	[dreg:$0x1] =	wrdreg $0xFFFFFFFF  }
0xad: {  	[dreg:$0x0] =	wrdreg $0x60  }
0xae: {  	[dreg:$0x2] =	wrdreg s2  }
0xaf: {  	[dreg:$0x3] =	wrdreg s24  }
0xb0: {  	[dreg:$0x4] =	wrdreg $0xAC400  }
0xb1: {  	[dreg:$0x5] =	wrdreg $0x9  }
0xb2: {  	_ =	task.clear_ibuf [dreg:s7], $0x6FFFF;
	_ =	strace $0x90000046  }
0xb3: {  	s29 =	simm.s32 $0x9;
	_ =	strace $0x80000048  }
0xb4: {  	_ =	swait.ge [sflag:s29], $0x1  }
0xb5: {  	[sflag:s29] =	ssyncadd.s32 $0xFFFFFFFF  }
0xb6: {  	_ =	strace $0x90000048  }
0xb7: {  	_ =	sfence  }
0xb8: {  	s30 =	sld [smem:$0x0];
	_ =	sdelay $0x2  }
0xb9: {  	s31 =	sshll.u32 s1, $0xD;
	s1 =	sshrl.u32 s1, $0x2  }
0xba: {  	s3 =	sand.u32 $0x4000, s31;
	s1 =	sadd.s32 s1, s30  }
0xbb: {  	s0 =	sor.u32 s3, s0;
	s1 =	sshll.u32 s1, $0x11  }
0xbc: {  	s0 =	sor.u32 s1, s0  }
0xbd: {  	s0 =	sadd.s32 $0x8F2B, s0  }
0xbe: {  	[sflag:s0] =	ssyncadd.remote.s32 $0x1  }
0xbf: {  	_ =	sfence.sel $0xFFFF  }
0xc0: {  	[dreg:$0x0] =	wrdreg $0xFFFFFFFF;
	(pc) =	sbr.abs _section_cstart, $3  }
0xc1: {  	[dreg:$0x1] =	wrdreg $0xFFFFFFFF  }
0xc2: {  	_ =	task.clear_ibuf [dreg:s7], $0x2FFFF;
	_ =	strace $0x9FFFFFFF  }
0xc3: {  	(tm) =	ssettm $0x7FFFFFFF  }
tec
execute0_lowered:
.L_overlay_start_1:
0x0: {  	(tag) =	ssettag $0x1  }
0x1: {  	s1 =	rddreg [dreg:$0x0]  }
0x2: {  	s0 =	srdreg.scid;
	s2 =	rddreg [dreg:$0x1]  }
0x3: {  	s9 =	stileid.u32;
	s3 =	rddreg [dreg:$0x2];
	s6 =	simm.s32 $0x0  }
0x4: {  	s29 =	simm.s32 $0x4800;
	s30 =	simm.s32 $0xA940;
	s31 =	simm.s32 $0xA980  }
0x5: {  	s28 =	simm.s32 $0x8800;
	s11 =	simm.s32 $0x2;
	s5 =	smul.u32 $0x2800, s9  }
0x6: {  	s12 =	simm.s32 $0x5;
	s13 =	simm.s32 $0x3;
	s7 =	smul.u32 $0x13D00, s9  }
0x7: {  	s14 =	simm.s32 $0x6;
	s0 =	sand.u32 $0x1, s0;
	s9 =	smul.u32 $0x4F400, s9  }
0x8: {  	s15 =	simm.s32 $0x4;
	[smem:$0x7FF] =	sst s6;
	s4 =	smul.u32 $0x28000, s0  }
0x9: {  	s6 =	sadd.s32 $0x52600, s2;
	s16 =	smul.u32 $0x13D000, s0;
	s17 =	sshrl.u32 s9, $0x2  }
0xa: {  	_ =	strace $0x80000047;
	s9 =	sadd.s32 s7, s3;
	s18 =	sadd.s32 s17, s3  }
0xb: {  	s0 =	ssub.s32 $0x2, s0;
	[dreg:$0x5] =	wrdreg s9;
	s19 =	sadd.s32 $0x2000, s18  }
0xc: {  	s10 =	sshrl.u32 s0, $0x1;
	s20 =	sadd.s32 $0x4000, s18;
	[dreg:$0x6] =	wrdreg s19  }
0xd: {  	s4 =	sadd.s32 s5, s4;
	s21 =	sadd.s32 $0x6000, s18;
	[dreg:$0x7] =	wrdreg s20  }
0xe: {  	s5 =	sadd.s32 $0x52C00, s2;
	s22 =	sadd.s32 $0x8000, s18;
	[dreg:$0x8] =	wrdreg s21  }
0xf: {  	s8 =	sadd.s32 s7, s16;
	s23 =	sadd.s32 $0xA000, s18;
	[dreg:$0x9] =	wrdreg s22  }
0x10: {  	s0 =	ssub.s32 s0, s10;
	s24 =	sadd.s32 $0xC000, s18;
	[dreg:$0xa] =	wrdreg s23  }
0x11: {  	s7 =	simm.s32 $0xA9C0;
	s25 =	sadd.s32 $0xE000, s18;
	[dreg:$0xb] =	wrdreg s24  }
0x12: {  	s4 =	sshrl.u32 s4, $0x3;
	s26 =	sadd.s32 $0x10000, s18;
	[dreg:$0xc] =	wrdreg s25  }
0x13: {  	s8 =	sshrl.u32 s8, $0x3;
	s0 =	smax.u32 s0, $0x1;
	[dreg:$0xd] =	wrdreg s26  }
0x14: {  	s4 =	sadd.s32 s4, s2;
	s2 =	sadd.s32 s8, s2;
	[dreg:$0x10] =	wrdreg s0  }
0x15: {  	s20 =	simm.s32 $0x9;
	s21 =	simm.s32 $0x2800;
	s22 =	simm.s32 $0x40  }
0x16: {  	s24 =	simm.s32 $0xA900;
	s25 =	simm.s32 $0xA880;
	s4 =	sadd.s32 $0x53200, s4  }
0x17: {  	s26 =	simm.s32 $0x6800;
	s2 =	sadd.s32 $0x5D200, s2;
	[dreg:$0x4] =	wrdreg s4  }
0x18: {  	s0 =	simm.s32 $0x1;
	s4 =	sadd.s32 $0x12000, s18;
	[dreg:$0xf] =	wrdreg s2  }
0x19: {  	v0 =	vimm.f32 $0.0e+00;
	s23 =	simm.s32 $0xA8C0;
	[dreg:$0xe] =	wrdreg s4;
	s4 =	simm.s32 $0x0  }
.LBB2_1:
0x1a: {  	[dreg:$0x11] =	wrdreg s4  }
0x1b: {  	s2 =	simm.s32 $0x0;
	s19 =	rddreg [dreg:$0x4]  }
0x1c: {  	[tilespmem:s2], [sflag:$0x9] =	stream.linear.gather [hbm4b:s19+s2], $0x2800, $0x38;
	[tilespmem:$0x1E940] =	vst v63  }
0x1d: {  	_ =	swait.ge [sflag:s20], $0x2800  }
0x1e: {  	[sflag:s20] =	ssyncset.done $0x0  }
0x1f: {  	s8 =	simm.s32 $0x0;
	s16 =	simm.s32 $0x200;
	[sflag:s20] =	ssyncadd.s32 $0xFFFFD800  }
.LBB2_2:
0x20: {  	p0 =	sne.s32 s16, $0x7E00;
	[tilespmem:s8+$0x2870] =	vst v0  }
0x21: {  	[tilespmem:s8+$0x2800] =	vst v0  }
0x22: {  	[tilespmem:s8+$0x2810] =	vst v0  }
.Ltmp0:
0x23: {  	[tilespmem:s8+$0x2820] =	vst v0;
	(pc) =	sbr.rel @p0 .LBB2_2-.Ltmp0, $4  }
0x24: {  	[tilespmem:s8+$0x2830] =	vst v0  }
0x25: {  	[tilespmem:s8+$0x2840] =	vst v0  }
0x26: {  	[tilespmem:s8+$0x2850] =	vst v0  }
0x27: {  	[tilespmem:s8+$0x2860] =	vst v0;
	s8 =	sshra.s32 s16, $0x2;
	s16 =	sadd.s32 $0x200, s16  }
0x28: {  	[tilespmem:s8+$0x2870] =	vst v0  }
0x29: {  	[tilespmem:s8+$0x2800] =	vst v0  }
0x2a: {  	[tilespmem:s8+$0x2810] =	vst v0  }
0x2b: {  	[tilespmem:s8+$0x2820] =	vst v0  }
0x2c: {  	[tilespmem:s8+$0x2830] =	vst v0  }
0x2d: {  	[tilespmem:s8+$0x2840] =	vst v0  }
0x2e: {  	[tilespmem:s8+$0x2850] =	vst v0  }
0x2f: {  	[tilespmem:s8+$0x2860] =	vst v0  }
0x30: {  	[spmem:s9] =	stream.linear.scatter [tilespmem:s21], [sflag:$0x9], $0x2000, $0x38;
	[tilespmem:$0x1E940] =	vst v63  }
0x31: {  	_ =	swait.ge [sflag:s20], $0x2000  }
0x32: {  	[sflag:s20] =	ssyncset.done $0x0  }
0x33: {  	s2 =	rddreg [dreg:$0x6];
	[sflag:s20] =	ssyncadd.s32 $0xFFFFE000  }
0x34: {  	[spmem:s2] =	stream.linear.scatter [tilespmem:s21], [sflag:$0x9], $0x2000, $0x38;
	[tilespmem:$0x1E940] =	vst v63  }
0x35: {  	_ =	swait.ge [sflag:s20], $0x2000  }
0x36: {  	[sflag:s20] =	ssyncset.done $0x0  }
0x37: {  	s10 =	rddreg [dreg:$0x7];
	[sflag:s20] =	ssyncadd.s32 $0xFFFFE000  }
0x38: {  	[spmem:s10] =	stream.linear.scatter [tilespmem:s21], [sflag:$0x9], $0x2000, $0x38;
	[tilespmem:$0x1E940] =	vst v63  }
0x39: {  	_ =	swait.ge [sflag:s20], $0x2000  }
0x3a: {  	[sflag:s20] =	ssyncset.done $0x0  }
0x3b: {  	s16 =	rddreg [dreg:$0x8];
	[sflag:s20] =	ssyncadd.s32 $0xFFFFE000  }
0x3c: {  	[spmem:s16] =	stream.linear.scatter [tilespmem:s21], [sflag:$0x9], $0x2000, $0x38;
	[tilespmem:$0x1E940] =	vst v63  }
0x3d: {  	_ =	swait.ge [sflag:s20], $0x2000  }
0x3e: {  	[sflag:s20] =	ssyncset.done $0x0  }
0x3f: {  	s17 =	rddreg [dreg:$0x9];
	[sflag:s20] =	ssyncadd.s32 $0xFFFFE000  }
0x40: {  	[spmem:s17] =	stream.linear.scatter [tilespmem:s21], [sflag:$0x9], $0x2000, $0x38;
	[tilespmem:$0x1E940] =	vst v63  }
0x41: {  	_ =	swait.ge [sflag:s20], $0x2000  }
0x42: {  	[sflag:s20] =	ssyncset.done $0x0  }
0x43: {  	s18 =	rddreg [dreg:$0xa];
	[sflag:s20] =	ssyncadd.s32 $0xFFFFE000  }
0x44: {  	[spmem:s18] =	stream.linear.scatter [tilespmem:s21], [sflag:$0x9], $0x2000, $0x38;
	[tilespmem:$0x1E940] =	vst v63  }
0x45: {  	_ =	swait.ge [sflag:s20], $0x2000  }
0x46: {  	[sflag:s20] =	ssyncset.done $0x0  }
0x47: {  	s19 =	rddreg [dreg:$0xb];
	[sflag:s20] =	ssyncadd.s32 $0xFFFFE000  }
0x48: {  	[spmem:s19] =	stream.linear.scatter [tilespmem:s21], [sflag:$0x9], $0x2000, $0x38;
	[tilespmem:$0x1E940] =	vst v63  }
0x49: {  	_ =	swait.ge [sflag:s20], $0x2000  }
0x4a: {  	[sflag:s20] =	ssyncset.done $0x0  }
0x4b: {  	s4 =	rddreg [dreg:$0xc];
	[sflag:s20] =	ssyncadd.s32 $0xFFFFE000  }
0x4c: {  	[spmem:s4] =	stream.linear.scatter [tilespmem:s21], [sflag:$0x9], $0x2000, $0x38;
	[tilespmem:$0x1E940] =	vst v63  }
0x4d: {  	_ =	swait.ge [sflag:s20], $0x2000  }
0x4e: {  	[sflag:s20] =	ssyncset.done $0x0  }
0x4f: {  	s8 =	rddreg [dreg:$0xd];
	[sflag:s20] =	ssyncadd.s32 $0xFFFFE000  }
0x50: {  	[spmem:s8] =	stream.linear.scatter [tilespmem:s21], [sflag:$0x9], $0x2000, $0x38;
	[tilespmem:$0x1E940] =	vst v63  }
0x51: {  	_ =	swait.ge [sflag:s20], $0x2000  }
0x52: {  	[sflag:s20] =	ssyncset.done $0x0  }
0x53: {  	s9 =	rddreg [dreg:$0xe];
	[sflag:s20] =	ssyncadd.s32 $0xFFFFE000  }
0x54: {  	[spmem:s9] =	stream.linear.scatter [tilespmem:s21], [sflag:$0x9], $0x1D00, $0x38;
	[tilespmem:$0x1E940] =	vst v63  }
0x55: {  	_ =	swait.ge [sflag:s20], $0x1D00  }
0x56: {  	[sflag:s20] =	ssyncset.done $0x0  }
0x57: {  	[sflag:s20] =	ssyncadd.s32 $0xFFFFE300  }
0x58: {  	[bflag:$0x0] =	sbarrier.arrive $0xFFFF  }
0x59: {  	v1 =	vld [tilespmem:$0x0];
	_ =	sdelay $0x1  }
0x5a: {  	v2 =	vld [tilespmem:$0x10];
	_ =	sdelay $0x1  }
0x5b: {  	v3 =	vld [tilespmem:$0x20]  }
0x5c: {  	v4 =	vand.u32 $0xFFFF, v1  }
0x5d: {  	v61 =	vld [tilespmem:$0x30];
	v1 =	vshrl.u32 v1, $0x10;
	[tilespmem:$0xA800] =	vst v4  }
0x5e: {  	[tilespmem:$0xA900] =	vst v1;
	v1 =	vand.u32 $0xFFFF, v2  }
0x5f: {  	[tilespmem:$0xA810] =	vst v1;
	v1 =	vshrl.u32 v2, $0x10  }
0x60: {  	[tilespmem:$0xA910] =	vst v1;
	v1 =	vand.u32 $0xFFFF, v3  }
0x61: {  	[tilespmem:$0xA820] =	vst v1;
	v1 =	vshrl.u32 v3, $0x10  }
0x62: {  	[tilespmem:$0xA920] =	vst v1;
	v1 =	vand.u32 $0xFFFF, v61  }
0x63: {  	[tilespmem:$0xA830] =	vst v1;
	v1 =	vshrl.u32 v61, $0x10  }
0x64: {  	s10 =	simm.s32 $0xA800;
	[tilespmem:$0xA930] =	vst v1  }
0x65: {  	[tilespmem:s21], [sflag:$0x1] =	stream.indirect.gather [hbm4b:s1+s22], $0x80, s10, s22, $0xb8;
	[tilespmem:$0x1E940] =	vst v63  }
0x66: {  	s4 =	simm.s32 $0xAA00  }
0x67: {  	[tilespmem:s4], [sflag:$0x1] =	stream.indirect.gather [hbm4b:s5+s22], $0x1, s24, s22, $0xb8;
	[tilespmem:$0x1E940] =	vst v63  }
0x68: {  	s16 =	simm.s32 $0xAB00  }
0x69: {  	[tilespmem:s16], [sflag:$0x1] =	stream.indirect.gather [hbm4b:s6+s22], $0x1, s10, s22, $0xb8;
	[tilespmem:$0x1E940] =	vst v63  }
0x6a: {  	v1 =	vld [tilespmem:$0x40];
	_ =	sdelay $0x1  }
0x6b: {  	v2 =	vld [tilespmem:$0x50];
	_ =	sdelay $0x1  }
0x6c: {  	v3 =	vld [tilespmem:$0x60]  }
0x6d: {  	v62 =	vand.u32 $0xFFFF, v1  }
0x6e: {  	v63 =	vld [tilespmem:$0x70];
	v1 =	vshrl.u32 v1, $0x10;
	[tilespmem:$0xA840] =	vst v62  }
0x6f: {  	[tilespmem:$0xA940] =	vst v1;
	v1 =	vand.u32 $0xFFFF, v2  }
0x70: {  	[tilespmem:$0xA850] =	vst v1;
	v1 =	vshrl.u32 v2, $0x10  }
0x71: {  	[tilespmem:$0xA950] =	vst v1;
	v1 =	vand.u32 $0xFFFF, v3  }
0x72: {  	[tilespmem:$0xA860] =	vst v1;
	v1 =	vshrl.u32 v3, $0x10  }
0x73: {  	[tilespmem:$0xA960] =	vst v1;
	v1 =	vand.u32 $0xFFFF, v63  }
0x74: {  	[tilespmem:$0xA870] =	vst v1;
	v1 =	vshrl.u32 v63, $0x10  }
0x75: {  	s17 =	simm.s32 $0xA840;
	[tilespmem:$0xA970] =	vst v1  }
0x76: {  	[tilespmem:s29], [sflag:$0x2] =	stream.indirect.gather [hbm4b:s1+s22], $0x80, s17, s22, $0xb8;
	[tilespmem:$0x1E940] =	vst v63  }
0x77: {  	s18 =	simm.s32 $0xAA40  }
0x78: {  	[tilespmem:s18], [sflag:$0x2] =	stream.indirect.gather [hbm4b:s5+s22], $0x1, s30, s22, $0xb8;
	[tilespmem:$0x1E940] =	vst v63  }
0x79: {  	s19 =	simm.s32 $0xAB40  }
0x7a: {  	[tilespmem:s19], [sflag:$0x2] =	stream.indirect.gather [hbm4b:s6+s22], $0x1, s17, s22, $0xb8;
	[tilespmem:$0x1E940] =	vst v63  }
0x7b: {  	s19 =	simm.s32 $0x0  }
.LBB2_4:
0x7c: {  	p0 =	seq.s32 s19, $0x0  }
0x7d: {  	s8 =	simm.s32 @!p0 $0x7  }
0x7e: {  	_ =	swait.ge @!p0 [sflag:s8], $0x2000  }
0x7f: {  	s16 =	sshll.u32 s19, $0xA;
	[sflag:s8] =	ssyncset.done @!p0 $0x0  }
0x80: {  	s16 =	sshrl.u32 s16, $0x2;
	[sflag:s8] =	ssyncadd.s32 @!p0 $0xFFFFE000  }
0x81: {  	v1 =	vld [tilespmem:s16+$0x80];
	_ =	sdelay $0x4  }
0x82: {  	v2 =	vand.u32 $0xFFFF, v1  }
0x83: {  	v1 =	vshrl.u32 v1, $0x10;
	[tilespmem:$0xA880] =	vst v2  }
0x84: {  	[tilespmem:$0xA980] =	vst v1  }
0x85: {  	v1 =	vld [tilespmem:s16+$0x90];
	_ =	sdelay $0x4  }
0x86: {  	v2 =	vand.u32 $0xFFFF, v1  }
0x87: {  	v1 =	vshrl.u32 v1, $0x10;
	[tilespmem:$0xA890] =	vst v2  }
0x88: {  	[tilespmem:$0xA990] =	vst v1  }
0x89: {  	v1 =	vld [tilespmem:s16+$0xA0];
	_ =	sdelay $0x4  }
0x8a: {  	v2 =	vand.u32 $0xFFFF, v1  }
0x8b: {  	v1 =	vshrl.u32 v1, $0x10;
	[tilespmem:$0xA8A0] =	vst v2  }
0x8c: {  	[tilespmem:$0xA9A0] =	vst v1  }
0x8d: {  	v1 =	vld [tilespmem:s16+$0xB0];
	_ =	sdelay $0x4  }
0x8e: {  	v2 =	vand.u32 $0xFFFF, v1  }
0x8f: {  	v1 =	vshrl.u32 v1, $0x10;
	[tilespmem:$0xA8B0] =	vst v2  }
0x90: {  	[tilespmem:$0xA9B0] =	vst v1  }
0x91: {  	[tilespmem:s26], [sflag:$0x3] =	stream.indirect.gather [hbm4b:s1+s22], $0x80, s25, s22, $0xb8;
	[tilespmem:$0x1E940] =	vst v63  }
0x92: {  	s2 =	simm.s32 $0xAA80  }
0x93: {  	[tilespmem:s2], [sflag:$0x3] =	stream.indirect.gather [hbm4b:s5+s22], $0x1, s31, s22, $0xb8;
	[tilespmem:$0x1E940] =	vst v63  }
0x94: {  	s18 =	simm.s32 $0xAB80  }
0x95: {  	[tilespmem:s18], [sflag:$0x3] =	stream.indirect.gather [hbm4b:s6+s22], $0x1, s25, s22, $0xb8;
	[tilespmem:$0x1E940] =	vst v63  }
0x96: {  	_ =	swait.ge [sflag:s0], $0x2000  }
0x97: {  	[sflag:s0] =	ssyncset.done $0x0  }
0x98: {  	[sflag:s0] =	ssyncadd.s32 $0xFFFFE000  }
0x99: {  	_ =	swait.ge [sflag:s0], $0x40  }
0x9a: {  	[sflag:s0] =	ssyncset.done $0x0  }
0x9b: {  	[sflag:s0] =	ssyncadd.s32 $0xFFFFFFC0  }
0x9c: {  	_ =	swait.ge [sflag:s0], $0x40  }
0x9d: {  	[sflag:s0] =	ssyncset.done $0x0  }
0x9e: {  	[sflag:s0] =	ssyncadd.s32 $0xFFFFFFC0  }
0x9f: {  	v1 =	vld [tilespmem:$0xAA00]  }
0xa0: {  	v2 =	vld [tilespmem:$0xAB00];
	_ =	sdelay $0x4  }
0xa1: {  	v1 =	vadd.f32 v2, v1;
	_ =	sdelay $0x1  }
0xa2: {  	v1 =	vsub.f32 $0.0e+00, v1;
	_ =	sdelay $0x1  }
0xa3: {  	v1 =	vmul.f32 $1.442695020e+00, v1;
	_ =	sdelay $0x1  }
0xa4: {  	(erf) = vpow2.f32 v1  }
0xa5: {  	v2 =	vld [tilespmem:$0xAB10]  }
0xa6: {  	v1 =	vld [tilespmem:$0xAA10];
	_ =	sdelay $0x4  }
0xa7: {  	v1 =	vadd.f32 v2, v1;
	_ =	sdelay $0x1  }
0xa8: {  	v1 =	vsub.f32 $0.0e+00, v1;
	v2 =	vpop (erf)  }
0xa9: {  	v2 =	vadd.f32 $1.000000000e+00, v2  }
0xaa: {  	v1 =	vmul.f32 $1.442695020e+00, v1  }
0xab: {  	(erf) = vrcp.f32 v2  }
0xac: {  	(erf) = vpow2.f32 v1  }
0xad: {  	v2 =	vld [tilespmem:$0xAB20]  }
0xae: {  	v1 =	vld [tilespmem:$0xAA20];
	_ =	sdelay $0x4  }
0xaf: {  	v1 =	vadd.f32 v2, v1  }
0xb0: {  	v2 =	vpop (erf)  }
0xb1: {  	v1 =	vsub.f32 $0.0e+00, v1;
	v3 =	vpop (erf)  }
0xb2: {  	v3 =	vadd.f32 $1.000000000e+00, v3  }
0xb3: {  	v1 =	vmul.f32 $1.442695020e+00, v1  }
0xb4: {  	(erf) = vrcp.f32 v3  }
0xb5: {  	(erf) = vpow2.f32 v1  }
0xb6: {  	v3 =	vld [tilespmem:$0xAB30]  }
0xb7: {  	v1 =	vld [tilespmem:$0xAA30];
	_ =	sdelay $0x4  }
0xb8: {  	v1 =	vadd.f32 v3, v1  }
0xb9: {  	v3 =	vpop (erf)  }
0xba: {  	v1 =	vsub.f32 $0.0e+00, v1;
	v4 =	vpop (erf)  }
0xbb: {  	v4 =	vadd.f32 $1.000000000e+00, v4  }
0xbc: {  	v1 =	vmul.f32 $1.442695020e+00, v1  }
0xbd: {  	(erf) = vrcp.f32 v4  }
0xbe: {  	(erf) = vpow2.f32 v1;
	_ =	sdelay $0x7  }
0xbf: {  	v1 =	vpop (erf)  }
0xc0: {  	v4 =	vpop (erf)  }
0xc1: {  	v4 =	vadd.f32 $1.000000000e+00, v4;
	_ =	sdelay $0x1  }
0xc2: {  	(erf) = vrcp.f32 v4;
	_ =	sdelay $0x6  }
0xc3: {  	[tilespmem:$0xAC00] =	vst v2  }
0xc4: {  	[tilespmem:$0xAC10] =	vst v3  }
0xc5: {  	[tilespmem:$0xAC20] =	vst v1;
	v1 =	vpop (erf)  }
0xc6: {  	s17 =	simm.s32 $0x2900;
	[tilespmem:$0xAC30] =	vst v1  }
0xc7: {  	v10 =	vld [tilespmem:s17+$0xFFFFFF80]  }
0xc8: {  	v6 =	vld [tilespmem:s17+$0xFFFFFF70]  }
0xc9: {  	v1 =	vld [tilespmem:s17+$0xFFFFFF60]  }
0xca: {  	v17 =	vld [tilespmem:s17+$0x90]  }
0xcb: {  	v19 =	vld [tilespmem:s17+$0xD0]  }
0xcc: {  	v4 =	vld [tilespmem:s17+$0xFFFFFF50]  }
0xcd: {  	v21 =	vld [tilespmem:s17+$0x80]  }
0xce: {  	v20 =	vld [tilespmem:s17+$0xC0]  }
0xcf: {  	v11 =	vld [tilespmem:s17+$0xF0]  }
0xd0: {  	v2 =	vld [tilespmem:s17+$0xFFFFFF40]  }
0xd1: {  	v3 =	vld [tilespmem:s17+$0xB0]  }
0xd2: {  	v24 =	vld [tilespmem:s17+$0xE0]  }
0xd3: {  	s8 =	simm.s32 $0x0;
	v12 =	vld [tilespmem:s17+$0xFFFFFF30]  }
0xd4: {  	s18 =	sand.u32 $0x30, s8;
	v13 =	vld [tilespmem:s17+$0xFFFFFF10]  }
0xd5: {  	v14 =	vld [tilespmem:s18+$0xAC00]  }
0xd6: {  	v5 =	vld [tilespmem:s17+$0xFFFFFFC0]  }
0xd7: {  	v9 =	vld [tilespmem:s17+$0xFFFFFFD0]  }
0xd8: {  	s10 =	simm.s32 $0x1;
	s4 =	sand.u32 $0xC, s8;
	v15 =	vld [tilespmem:s17+$0xFFFFFFF0]  }
0xd9: {  	s9 =	simm.s32 $0x3;
	v7 =	vmov s4;
	s2 =	sand.u32 $0xD, s10;
	v26 =	vld [tilespmem:s17+$0xFFFFFFE0]  }
0xda: {  	v8 =	vmov s9;
	v22 =	vmov s2;
	v16 =	vld [tilespmem:s17+$0x0];
	v7 =	vperm.xlane v14, v7  }
0xdb: {  	v30 =	vld [tilespmem:s17+$0xFFFFFFA0];
	v27 =	vperm.xlane v14, v8;
	v8 =	vperm.xlane v14, v22  }
0xdc: {  	s4 =	simm.s32 $0x2;
	v18 =	vld [tilespmem:s17+$0x10];
	v23 =	vmul.f32 v2, v7;
	v13 =	vmul.f32 v13, v7  }
0xdd: {  	s4 =	sand.u32 $0xE, s4;
	v25 =	vld [tilespmem:s17+$0x20];
	v28 =	vmul.f32 v1, v7;
	v1 =	vmul.f32 v15, v8  }
0xde: {  	v29 =	vld [tilespmem:s17+$0xFFFFFF20];
	v2 =	vmov s4;
	v15 =	vmul.f32 v10, v8;
	v63 =	vmul.f32 v17, v27;
	[tilespmem:s17+$0xFFFFFF40] =	vst v23  }
0xdf: {  	v22 =	vld [tilespmem:s17+$0x30];
	v2 =	vperm.xlane v14, v2;
	v14 =	vmul.f32 v3, v27;
	[tilespmem:s17+$0xFFFFFFF0] =	vst v1  }
0xe0: {  	v10 =	vld [tilespmem:s17+$0x60];
	v17 =	vmul.f32 v30, v8;
	v24 =	vmul.f32 v24, v27;
	[tilespmem:s17+$0xFFFFFF10] =	vst v13  }
0xe1: {  	v23 =	vld [tilespmem:s17+$0xA0];
	v3 =	vmul.f32 v16, v2;
	[tilespmem:s17+$0xB0] =	vst v14;
	v14 =	vmul.f32 v11, v27  }
0xe2: {  	v1 =	vld [tilespmem:s17+$0x50];
	[tilespmem:s17+$0xFFFFFF60] =	vst v28;
	v11 =	vmul.f32 v4, v7;
	v16 =	vmul.f32 v25, v2  }
0xe3: {  	[tilespmem:s17+$0x90] =	vst v63;
	v4 =	vmul.f32 v18, v2;
	v18 =	vmul.f32 v12, v7;
	v12 =	vld [tilespmem:s17+$0x70]  }
0xe4: {  	v25 =	vmul.f32 v6, v7;
	v6 =	vmul.f32 v22, v2;
	[tilespmem:s17+$0x20] =	vst v16;
	v16 =	vld [tilespmem:s17+$0xFFFFFF00]  }
0xe5: {  	v22 =	vmul.f32 v20, v27;
	v20 =	vld [tilespmem:s17+$0xFFFFFFB0];
	[tilespmem:s17+$0xF0] =	vst v14;
	v14 =	vmul.f32 v29, v7  }
0xe6: {  	[tilespmem:s17+$0xFFFFFF70] =	vst v25;
	v13 =	vmul.f32 v23, v27;
	v23 =	vmul.f32 v21, v27;
	v21 =	vld [tilespmem:s17+$0x40]  }
0xe7: {  	s18 =	simm.s32 $0x2B00;
	[tilespmem:s17+$0xC0] =	vst v22;
	v25 =	vmul.f32 v19, v27;
	v22 =	vld [tilespmem:s17+$0xFFFFFF90];
	v19 =	vmul.f32 v26, v8  }
.LBB2_5:
0xe8: {  	[tilespmem:s17+$0xFFFFFF30] =	vst v18;
	v9 =	vmul.f32 v9, v8;
	v18 =	vmul.f32 v1, v2;
	v1 =	vld [tilespmem:s18+$0x50];
	s2 =	smov.u32 s8;
	s8 =	sadd.s32 $0x4, s8  }
0xe9: {  	v5 =	vmul.f32 v5, v8;
	s4 =	sand.u32 $0xC, s8;
	s9 =	sand.u32 $0x30, s8;
	v26 =	vld [tilespmem:s18+$0xFFFFFF80];
	p1 =	slt.u32 s8, $0x3C;
	v7 =	vmul.f32 v16, v7;
	[tilespmem:s17+$0x80] =	vst v23  }
0xea: {  	v12 =	vmul.f32 v12, v2;
	v16 =	vmov s4;
	v23 =	vld [tilespmem:s18+$0xFFFFFF70];
	v20 =	vmul.f32 v20, v8;
	[tilespmem:s17+$0xD0] =	vst v25  }
0xeb: {  	v25 =	vld [tilespmem:s18+$0xFFFFFF60];
	[tilespmem:s17+$0xFFFFFF80] =	vst v15;
	v15 =	vmul.f32 v21, v2  }
0xec: {  	s4 =	sadd.s32 $0x6, s2;
	v21 =	vld [tilespmem:s18+$0x90];
	v8 =	vmul.f32 v22, v8;
	[tilespmem:s17+$0xE0] =	vst v24  }
0xed: {  	s10 =	sadd.s32 $0x7, s2;
	s4 =	sand.u32 $0xE, s4;
	v22 =	vld [tilespmem:s18+$0xD0];
	[tilespmem:s17+$0xA0] =	vst v13  }
0xee: {  	v27 =	vmov s10;
	v24 =	vmov s4;
	v13 =	vld [tilespmem:s18+$0xFFFFFF50];
	[tilespmem:s17+$0xFFFFFF20] =	vst v14  }
0xef: {  	v28 =	vld [tilespmem:s18+$0x80];
	[tilespmem:s17+$0xFFFFFFA0] =	vst v17  }
0xf0: {  	v17 =	vld [tilespmem:s18+$0xC0];
	[tilespmem:s17+$0xFFFFFFE0] =	vst v19  }
0xf1: {  	v14 =	vld [tilespmem:s18+$0xF0];
	[tilespmem:s17+$0xFFFFFF90] =	vst v8  }
0xf2: {  	s2 =	sadd.s32 $0x5, s2;
	v19 =	vld [tilespmem:s18+$0xFFFFFF40];
	[tilespmem:s17+$0xFFFFFF50] =	vst v11  }
0xf3: {  	s2 =	sand.u32 $0xD, s2;
	v11 =	vld [tilespmem:s18+$0xB0];
	[tilespmem:s17+$0x40] =	vst v15  }
0xf4: {  	v8 =	vmov s2;
	v29 =	vld [tilespmem:s18+$0xE0];
	[tilespmem:s17+$0xFFFFFFD0] =	vst v9  }
0xf5: {  	v15 =	vld [tilespmem:s18+$0xFFFFFF30];
	[tilespmem:s17+$0xFFFFFFC0] =	vst v5  }
0xf6: {  	v30 =	vld [tilespmem:s18+$0xFFFFFF10];
	[tilespmem:s17+$0xFFFFFFB0] =	vst v20  }
0xf7: {  	v20 =	vld [tilespmem:s9+$0xAC00];
	[tilespmem:s17+$0x50] =	vst v18  }
0xf8: {  	v2 =	vmul.f32 v10, v2;
	v5 =	vld [tilespmem:s18+$0xFFFFFFC0];
	[tilespmem:s17+$0xFFFFFF00] =	vst v7  }
0xf9: {  	v9 =	vld [tilespmem:s18+$0xFFFFFFD0];
	[tilespmem:s17+$0x0] =	vst v3  }
0xfa: {  	v31 =	vld [tilespmem:s18+$0xFFFFFFE0];
	[tilespmem:s17+$0x60] =	vst v2  }
0xfb: {  	v3 =	vld [tilespmem:s18+$0xFFFFFFF0];
	[tilespmem:s17+$0x10] =	vst v4  }
0xfc: {  	v7 =	vperm.xlane v20, v16;
	v8 =	vperm.xlane v20, v8;
	v4 =	vld [tilespmem:s18+$0x0];
	[tilespmem:s17+$0x70] =	vst v12  }
0xfd: {  	v27 =	vperm.xlane v20, v27;
	v10 =	vld [tilespmem:s18+$0x10];
	[tilespmem:s17+$0x30] =	vst v6;
	s17 =	smov.u32 s18  }
0xfe: {  	v6 =	vmul.f32 v30, v7;
	v12 =	vmul.f32 v19, v7;
	v16 =	vld [tilespmem:s18+$0x20]  }
0xff: {  	v2 =	vperm.xlane v20, v24;
	v11 =	vmul.f32 v11, v27;
	v19 =	vld [tilespmem:s18+$0x30]  }
0x100: {  	v20 =	vmul.f32 v25, v7;
	[tilespmem:s18+$0xFFFFFF40] =	vst v12;
	v12 =	vmul.f32 v3, v8;
	v24 =	vld [tilespmem:s18+$0xA0]  }
0x101: {  	v14 =	vmul.f32 v14, v27;
	v25 =	vld [tilespmem:s18+$0xFFFFFF20];
	v3 =	vmul.f32 v4, v2;
	[tilespmem:s18+$0xB0] =	vst v11  }
0x102: {  	v11 =	vmul.f32 v13, v7;
	v30 =	vld [tilespmem:s18+$0xFFFFFFA0];
	[tilespmem:s18+$0xFFFFFFF0] =	vst v12;
	v4 =	vmul.f32 v10, v2  }
0x103: {  	v18 =	vmul.f32 v15, v7;
	v10 =	vmul.f32 v16, v2;
	[tilespmem:s18+$0xF0] =	vst v14  }
0x104: {  	v23 =	vmul.f32 v23, v7;
	[tilespmem:s18+$0xFFFFFF10] =	vst v6;
	v6 =	vmul.f32 v19, v2;
	v12 =	vld [tilespmem:s18+$0x70]  }
.Ltmp1:
0x105: {  	v15 =	vmul.f32 v26, v8;
	[tilespmem:s18+$0x20] =	vst v10;
	v10 =	vld [tilespmem:s18+$0x60];
	v13 =	vmul.f32 v24, v27;
	(pc) =	sbr.rel @p1 .LBB2_5-.Ltmp1, $4  }
0x106: {  	v19 =	vmul.f32 v17, v27;
	v16 =	vld [tilespmem:s18+$0xFFFFFF00];
	v14 =	vmul.f32 v25, v7;
	[tilespmem:s18+$0xFFFFFF70] =	vst v23  }
0x107: {  	v24 =	vmul.f32 v21, v27;
	v23 =	vmul.f32 v28, v27;
	[tilespmem:s18+$0xFFFFFF60] =	vst v20;
	v20 =	vld [tilespmem:s18+$0xFFFFFFB0]  }
0x108: {  	v25 =	vmul.f32 v22, v27;
	v17 =	vmul.f32 v30, v8;
	v21 =	vld [tilespmem:s18+$0x40];
	[tilespmem:s18+$0xC0] =	vst v19  }
0x109: {  	v19 =	vmul.f32 v31, v8;
	s18 =	sadd.s32 $0x200, s18;
	v22 =	vld [tilespmem:s17+$0xFFFFFF90];
	[tilespmem:s17+$0x90] =	vst v24;
	v24 =	vmul.f32 v29, v27  }
0x10a: {  	[tilespmem:s17+$0xFFFFFF30] =	vst v18  }
0x10b: {  	[tilespmem:s17+$0x80] =	vst v23  }
0x10c: {  	[tilespmem:s17+$0xD0] =	vst v25  }
0x10d: {  	[tilespmem:s17+$0xFFFFFF80] =	vst v15  }
0x10e: {  	[tilespmem:s17+$0xA0] =	vst v13  }
0x10f: {  	[tilespmem:s17+$0xFFFFFF20] =	vst v14  }
0x110: {  	[tilespmem:s17+$0xFFFFFFA0] =	vst v17  }
0x111: {  	[tilespmem:s17+$0xFFFFFF50] =	vst v11  }
0x112: {  	[tilespmem:s17+$0x0] =	vst v3  }
0x113: {  	[tilespmem:s17+$0x10] =	vst v4  }
0x114: {  	[tilespmem:s17+$0x30] =	vst v6  }
0x115: {  	v9 =	vmul.f32 v9, v8;
	[tilespmem:s17+$0xE0] =	vst v24  }
0x116: {  	v5 =	vmul.f32 v5, v8;
	[tilespmem:s17+$0xFFFFFFE0] =	vst v19  }
0x117: {  	v1 =	vmul.f32 v1, v2;
	[tilespmem:s17+$0xFFFFFFD0] =	vst v9  }
0x118: {  	[tilespmem:s17+$0xFFFFFFC0] =	vst v5;
	v5 =	vmul.f32 v16, v7  }
0x119: {  	[tilespmem:s17+$0x50] =	vst v1;
	v1 =	vmul.f32 v10, v2  }
0x11a: {  	v14 =	vmul.f32 v21, v2;
	[tilespmem:s17+$0xFFFFFF00] =	vst v5  }
0x11b: {  	v2 =	vmul.f32 v12, v2;
	[tilespmem:s17+$0x60] =	vst v1  }
0x11c: {  	v13 =	vmul.f32 v22, v8;
	[tilespmem:s17+$0x40] =	vst v14  }
0x11d: {  	v8 =	vmul.f32 v20, v8;
	[tilespmem:s17+$0x70] =	vst v2  }
0x11e: {  	[tilespmem:s17+$0xFFFFFF90] =	vst v13  }
0x11f: {  	s2 =	simm.s32 @!p0 $0x8;
	[tilespmem:s17+$0xFFFFFFB0] =	vst v8  }
0x120: {  	[spmem:s3] =	stream.indirect.scatter.add.f32 [tilespmem:s21], [sflag:$0x5], $0x80, s24, s22, $0xb8;
	[tilespmem:$0x1E940] =	vst v63  }
0x121: {  	_ =	swait.ge @!p0 [sflag:s2], $0x2000  }
0x122: {  	[sflag:s2] =	ssyncset.done @!p0 $0x0  }
0x123: {  	[sflag:s2] =	ssyncadd.s32 @!p0 $0xFFFFE000  }
0x124: {  	v1 =	vld [tilespmem:s16+$0xC0];
	_ =	sdelay $0x4  }
0x125: {  	v2 =	vand.u32 $0xFFFF, v1  }
0x126: {  	v1 =	vshrl.u32 v1, $0x10;
	[tilespmem:$0xA8C0] =	vst v2  }
0x127: {  	[tilespmem:$0xA9C0] =	vst v1  }
0x128: {  	v1 =	vld [tilespmem:s16+$0xD0];
	_ =	sdelay $0x4  }
0x129: {  	v2 =	vand.u32 $0xFFFF, v1  }
0x12a: {  	v1 =	vshrl.u32 v1, $0x10;
	[tilespmem:$0xA8D0] =	vst v2  }
0x12b: {  	[tilespmem:$0xA9D0] =	vst v1  }
0x12c: {  	v1 =	vld [tilespmem:s16+$0xE0];
	_ =	sdelay $0x4  }
0x12d: {  	v2 =	vand.u32 $0xFFFF, v1  }
0x12e: {  	v1 =	vshrl.u32 v1, $0x10;
	[tilespmem:$0xA8E0] =	vst v2  }
0x12f: {  	[tilespmem:$0xA9E0] =	vst v1  }
0x130: {  	v1 =	vld [tilespmem:s16+$0xF0];
	_ =	sdelay $0x4  }
0x131: {  	v2 =	vand.u32 $0xFFFF, v1  }
0x132: {  	v1 =	vshrl.u32 v1, $0x10;
	[tilespmem:$0xA8F0] =	vst v2  }
0x133: {  	[tilespmem:$0xA9F0] =	vst v1  }
0x134: {  	[tilespmem:s28], [sflag:$0x4] =	stream.indirect.gather [hbm4b:s1+s22], $0x80, s23, s22, $0xb8;
	[tilespmem:$0x1E940] =	vst v63  }
0x135: {  	s4 =	simm.s32 $0xAAC0  }
0x136: {  	[tilespmem:s4], [sflag:$0x4] =	stream.indirect.gather [hbm4b:s5+s22], $0x1, s7, s22, $0xb8;
	[tilespmem:$0x1E940] =	vst v63  }
0x137: {  	s8 =	simm.s32 $0xABC0  }
0x138: {  	[tilespmem:s8], [sflag:$0x4] =	stream.indirect.gather [hbm4b:s6+s22], $0x1, s23, s22, $0xb8;
	[tilespmem:$0x1E940] =	vst v63  }
0x139: {  	_ =	swait.ge [sflag:s11], $0x2000  }
0x13a: {  	[sflag:s11] =	ssyncset.done $0x0  }
0x13b: {  	[sflag:s11] =	ssyncadd.s32 $0xFFFFE000  }
0x13c: {  	_ =	swait.ge [sflag:s11], $0x40  }
0x13d: {  	[sflag:s11] =	ssyncset.done $0x0  }
0x13e: {  	[sflag:s11] =	ssyncadd.s32 $0xFFFFFFC0  }
0x13f: {  	_ =	swait.ge [sflag:s11], $0x40  }
0x140: {  	[sflag:s11] =	ssyncset.done $0x0  }
0x141: {  	[sflag:s11] =	ssyncadd.s32 $0xFFFFFFC0  }
0x142: {  	v1 =	vld [tilespmem:$0xAA40]  }
0x143: {  	v2 =	vld [tilespmem:$0xAB40];
	_ =	sdelay $0x4  }
0x144: {  	v1 =	vadd.f32 v2, v1;
	_ =	sdelay $0x1  }
0x145: {  	v1 =	vsub.f32 $0.0e+00, v1;
	_ =	sdelay $0x1  }
0x146: {  	v1 =	vmul.f32 $1.442695020e+00, v1;
	_ =	sdelay $0x1  }
0x147: {  	(erf) = vpow2.f32 v1  }
0x148: {  	v2 =	vld [tilespmem:$0xAB50]  }
0x149: {  	v1 =	vld [tilespmem:$0xAA50];
	_ =	sdelay $0x4  }
0x14a: {  	v1 =	vadd.f32 v2, v1;
	_ =	sdelay $0x1  }
0x14b: {  	v1 =	vsub.f32 $0.0e+00, v1;
	v2 =	vpop (erf)  }
0x14c: {  	v2 =	vadd.f32 $1.000000000e+00, v2  }
0x14d: {  	v1 =	vmul.f32 $1.442695020e+00, v1  }
0x14e: {  	(erf) = vrcp.f32 v2  }
0x14f: {  	(erf) = vpow2.f32 v1  }
0x150: {  	v2 =	vld [tilespmem:$0xAB60]  }
0x151: {  	v1 =	vld [tilespmem:$0xAA60];
	_ =	sdelay $0x4  }
0x152: {  	v1 =	vadd.f32 v2, v1  }
0x153: {  	v2 =	vpop (erf)  }
0x154: {  	v1 =	vsub.f32 $0.0e+00, v1;
	v3 =	vpop (erf)  }
0x155: {  	v3 =	vadd.f32 $1.000000000e+00, v3  }
0x156: {  	v1 =	vmul.f32 $1.442695020e+00, v1  }
0x157: {  	(erf) = vrcp.f32 v3  }
0x158: {  	(erf) = vpow2.f32 v1  }
0x159: {  	v3 =	vld [tilespmem:$0xAB70]  }
0x15a: {  	v1 =	vld [tilespmem:$0xAA70];
	_ =	sdelay $0x4  }
0x15b: {  	v1 =	vadd.f32 v3, v1  }
0x15c: {  	v3 =	vpop (erf)  }
0x15d: {  	v1 =	vsub.f32 $0.0e+00, v1;
	v4 =	vpop (erf)  }
0x15e: {  	v4 =	vadd.f32 $1.000000000e+00, v4  }
0x15f: {  	v1 =	vmul.f32 $1.442695020e+00, v1  }
0x160: {  	(erf) = vrcp.f32 v4  }
0x161: {  	(erf) = vpow2.f32 v1;
	_ =	sdelay $0x7  }
0x162: {  	v1 =	vpop (erf)  }
0x163: {  	v4 =	vpop (erf)  }
0x164: {  	v4 =	vadd.f32 $1.000000000e+00, v4;
	_ =	sdelay $0x1  }
0x165: {  	(erf) = vrcp.f32 v4;
	_ =	sdelay $0x6  }
0x166: {  	[tilespmem:$0xAC00] =	vst v2  }
0x167: {  	[tilespmem:$0xAC10] =	vst v3  }
0x168: {  	[tilespmem:$0xAC20] =	vst v1;
	v1 =	vpop (erf)  }
0x169: {  	s17 =	simm.s32 $0x4900;
	[tilespmem:$0xAC30] =	vst v1  }
0x16a: {  	v10 =	vld [tilespmem:s17+$0xFFFFFF80]  }
0x16b: {  	v6 =	vld [tilespmem:s17+$0xFFFFFF70]  }
0x16c: {  	v1 =	vld [tilespmem:s17+$0xFFFFFF60]  }
0x16d: {  	v17 =	vld [tilespmem:s17+$0x90]  }
0x16e: {  	v19 =	vld [tilespmem:s17+$0xD0]  }
0x16f: {  	v4 =	vld [tilespmem:s17+$0xFFFFFF50]  }
0x170: {  	v21 =	vld [tilespmem:s17+$0x80]  }
0x171: {  	v20 =	vld [tilespmem:s17+$0xC0]  }
0x172: {  	v11 =	vld [tilespmem:s17+$0xF0]  }
0x173: {  	v2 =	vld [tilespmem:s17+$0xFFFFFF40]  }
0x174: {  	v3 =	vld [tilespmem:s17+$0xB0]  }
0x175: {  	v24 =	vld [tilespmem:s17+$0xE0]  }
0x176: {  	s8 =	simm.s32 $0x0;
	v12 =	vld [tilespmem:s17+$0xFFFFFF30]  }
0x177: {  	s9 =	sand.u32 $0x30, s8;
	v13 =	vld [tilespmem:s17+$0xFFFFFF10]  }
0x178: {  	v14 =	vld [tilespmem:s9+$0xAC00]  }
0x179: {  	v5 =	vld [tilespmem:s17+$0xFFFFFFC0]  }
0x17a: {  	v9 =	vld [tilespmem:s17+$0xFFFFFFD0]  }
0x17b: {  	s4 =	simm.s32 $0x1;
	s10 =	sand.u32 $0xC, s8;
	v15 =	vld [tilespmem:s17+$0xFFFFFFF0]  }
0x17c: {  	s18 =	simm.s32 $0x3;
	v7 =	vmov s10;
	s10 =	sand.u32 $0xD, s4;
	v26 =	vld [tilespmem:s17+$0xFFFFFFE0]  }
0x17d: {  	v8 =	vmov s18;
	v22 =	vmov s10;
	v16 =	vld [tilespmem:s17+$0x0];
	v7 =	vperm.xlane v14, v7  }
0x17e: {  	v30 =	vld [tilespmem:s17+$0xFFFFFFA0];
	v27 =	vperm.xlane v14, v8;
	v8 =	vperm.xlane v14, v22  }
0x17f: {  	s9 =	simm.s32 $0x2;
	v18 =	vld [tilespmem:s17+$0x10];
	v23 =	vmul.f32 v2, v7;
	v13 =	vmul.f32 v13, v7  }
0x180: {  	v25 =	vld [tilespmem:s17+$0x20];
	s18 =	sand.u32 $0xE, s9;
	v28 =	vmul.f32 v1, v7;
	v1 =	vmul.f32 v15, v8  }
0x181: {  	v29 =	vld [tilespmem:s17+$0xFFFFFF20];
	v2 =	vmov s18;
	v15 =	vmul.f32 v10, v8;
	v63 =	vmul.f32 v17, v27;
	[tilespmem:s17+$0xFFFFFF40] =	vst v23  }
0x182: {  	v22 =	vld [tilespmem:s17+$0x30];
	v2 =	vperm.xlane v14, v2;
	v14 =	vmul.f32 v3, v27;
	[tilespmem:s17+$0xFFFFFFF0] =	vst v1  }
0x183: {  	v10 =	vld [tilespmem:s17+$0x60];
	v17 =	vmul.f32 v30, v8;
	v24 =	vmul.f32 v24, v27;
	[tilespmem:s17+$0xFFFFFF10] =	vst v13  }
0x184: {  	v23 =	vld [tilespmem:s17+$0xA0];
	v3 =	vmul.f32 v16, v2;
	[tilespmem:s17+$0xB0] =	vst v14;
	v14 =	vmul.f32 v11, v27  }
0x185: {  	v1 =	vld [tilespmem:s17+$0x50];
	[tilespmem:s17+$0xFFFFFF60] =	vst v28;
	v11 =	vmul.f32 v4, v7;
	v16 =	vmul.f32 v25, v2  }
0x186: {  	[tilespmem:s17+$0x90] =	vst v63;
	v4 =	vmul.f32 v18, v2;
	v18 =	vmul.f32 v12, v7;
	v12 =	vld [tilespmem:s17+$0x70]  }
0x187: {  	v25 =	vmul.f32 v6, v7;
	v6 =	vmul.f32 v22, v2;
	[tilespmem:s17+$0x20] =	vst v16;
	v16 =	vld [tilespmem:s17+$0xFFFFFF00]  }
0x188: {  	v22 =	vmul.f32 v20, v27;
	v20 =	vld [tilespmem:s17+$0xFFFFFFB0];
	[tilespmem:s17+$0xF0] =	vst v14;
	v14 =	vmul.f32 v29, v7  }
0x189: {  	[tilespmem:s17+$0xFFFFFF70] =	vst v25;
	v13 =	vmul.f32 v23, v27;
	v23 =	vmul.f32 v21, v27;
	v21 =	vld [tilespmem:s17+$0x40]  }
0x18a: {  	s18 =	simm.s32 $0x4B00;
	[tilespmem:s17+$0xC0] =	vst v22;
	v25 =	vmul.f32 v19, v27;
	v22 =	vld [tilespmem:s17+$0xFFFFFF90];
	v19 =	vmul.f32 v26, v8  }
.LBB2_7:
0x18b: {  	[tilespmem:s17+$0xFFFFFF30] =	vst v18;
	v9 =	vmul.f32 v9, v8;
	v18 =	vmul.f32 v1, v2;
	v1 =	vld [tilespmem:s18+$0x50];
	s2 =	smov.u32 s8;
	s8 =	sadd.s32 $0x4, s8  }
0x18c: {  	v5 =	vmul.f32 v5, v8;
	s4 =	sand.u32 $0xC, s8;
	s9 =	sand.u32 $0x30, s8;
	v26 =	vld [tilespmem:s18+$0xFFFFFF80];
	p0 =	slt.u32 s8, $0x3C;
	v7 =	vmul.f32 v16, v7;
	[tilespmem:s17+$0x80] =	vst v23  }
0x18d: {  	v12 =	vmul.f32 v12, v2;
	v16 =	vmov s4;
	v23 =	vld [tilespmem:s18+$0xFFFFFF70];
	v20 =	vmul.f32 v20, v8;
	[tilespmem:s17+$0xD0] =	vst v25  }
0x18e: {  	v25 =	vld [tilespmem:s18+$0xFFFFFF60];
	[tilespmem:s17+$0xFFFFFF80] =	vst v15;
	v15 =	vmul.f32 v21, v2  }
0x18f: {  	s4 =	sadd.s32 $0x6, s2;
	v21 =	vld [tilespmem:s18+$0x90];
	v8 =	vmul.f32 v22, v8;
	[tilespmem:s17+$0xE0] =	vst v24  }
0x190: {  	s10 =	sadd.s32 $0x7, s2;
	s4 =	sand.u32 $0xE, s4;
	v22 =	vld [tilespmem:s18+$0xD0];
	[tilespmem:s17+$0xA0] =	vst v13  }
0x191: {  	v27 =	vmov s10;
	v24 =	vmov s4;
	v13 =	vld [tilespmem:s18+$0xFFFFFF50];
	[tilespmem:s17+$0xFFFFFF20] =	vst v14  }
0x192: {  	v28 =	vld [tilespmem:s18+$0x80];
	[tilespmem:s17+$0xFFFFFFA0] =	vst v17  }
0x193: {  	v17 =	vld [tilespmem:s18+$0xC0];
	[tilespmem:s17+$0xFFFFFFE0] =	vst v19  }
0x194: {  	v14 =	vld [tilespmem:s18+$0xF0];
	[tilespmem:s17+$0xFFFFFF90] =	vst v8  }
0x195: {  	s2 =	sadd.s32 $0x5, s2;
	v19 =	vld [tilespmem:s18+$0xFFFFFF40];
	[tilespmem:s17+$0xFFFFFF50] =	vst v11  }
0x196: {  	s2 =	sand.u32 $0xD, s2;
	v11 =	vld [tilespmem:s18+$0xB0];
	[tilespmem:s17+$0x40] =	vst v15  }
0x197: {  	v8 =	vmov s2;
	v29 =	vld [tilespmem:s18+$0xE0];
	[tilespmem:s17+$0xFFFFFFD0] =	vst v9  }
0x198: {  	v15 =	vld [tilespmem:s18+$0xFFFFFF30];
	[tilespmem:s17+$0xFFFFFFC0] =	vst v5  }
0x199: {  	v30 =	vld [tilespmem:s18+$0xFFFFFF10];
	[tilespmem:s17+$0xFFFFFFB0] =	vst v20  }
0x19a: {  	v20 =	vld [tilespmem:s9+$0xAC00];
	[tilespmem:s17+$0x50] =	vst v18  }
0x19b: {  	v2 =	vmul.f32 v10, v2;
	v5 =	vld [tilespmem:s18+$0xFFFFFFC0];
	[tilespmem:s17+$0xFFFFFF00] =	vst v7  }
0x19c: {  	v9 =	vld [tilespmem:s18+$0xFFFFFFD0];
	[tilespmem:s17+$0x0] =	vst v3  }
0x19d: {  	v31 =	vld [tilespmem:s18+$0xFFFFFFE0];
	[tilespmem:s17+$0x60] =	vst v2  }
0x19e: {  	v3 =	vld [tilespmem:s18+$0xFFFFFFF0];
	[tilespmem:s17+$0x10] =	vst v4  }
0x19f: {  	v7 =	vperm.xlane v20, v16;
	v8 =	vperm.xlane v20, v8;
	v4 =	vld [tilespmem:s18+$0x0];
	[tilespmem:s17+$0x70] =	vst v12  }
0x1a0: {  	v27 =	vperm.xlane v20, v27;
	v10 =	vld [tilespmem:s18+$0x10];
	[tilespmem:s17+$0x30] =	vst v6;
	s17 =	smov.u32 s18  }
0x1a1: {  	v6 =	vmul.f32 v30, v7;
	v12 =	vmul.f32 v19, v7;
	v16 =	vld [tilespmem:s18+$0x20]  }
0x1a2: {  	v2 =	vperm.xlane v20, v24;
	v11 =	vmul.f32 v11, v27;
	v19 =	vld [tilespmem:s18+$0x30]  }
0x1a3: {  	v20 =	vmul.f32 v25, v7;
	[tilespmem:s18+$0xFFFFFF40] =	vst v12;
	v12 =	vmul.f32 v3, v8;
	v24 =	vld [tilespmem:s18+$0xA0]  }
0x1a4: {  	v14 =	vmul.f32 v14, v27;
	v25 =	vld [tilespmem:s18+$0xFFFFFF20];
	v3 =	vmul.f32 v4, v2;
	[tilespmem:s18+$0xB0] =	vst v11  }
0x1a5: {  	v11 =	vmul.f32 v13, v7;
	v30 =	vld [tilespmem:s18+$0xFFFFFFA0];
	[tilespmem:s18+$0xFFFFFFF0] =	vst v12;
	v4 =	vmul.f32 v10, v2  }
0x1a6: {  	v18 =	vmul.f32 v15, v7;
	v10 =	vmul.f32 v16, v2;
	[tilespmem:s18+$0xF0] =	vst v14  }
0x1a7: {  	v23 =	vmul.f32 v23, v7;
	[tilespmem:s18+$0xFFFFFF10] =	vst v6;
	v6 =	vmul.f32 v19, v2;
	v12 =	vld [tilespmem:s18+$0x70]  }
.Ltmp2:
0x1a8: {  	v15 =	vmul.f32 v26, v8;
	[tilespmem:s18+$0x20] =	vst v10;
	v10 =	vld [tilespmem:s18+$0x60];
	v13 =	vmul.f32 v24, v27;
	(pc) =	sbr.rel @p0 .LBB2_7-.Ltmp2, $4  }
0x1a9: {  	v19 =	vmul.f32 v17, v27;
	v16 =	vld [tilespmem:s18+$0xFFFFFF00];
	v14 =	vmul.f32 v25, v7;
	[tilespmem:s18+$0xFFFFFF70] =	vst v23  }
0x1aa: {  	v24 =	vmul.f32 v21, v27;
	v23 =	vmul.f32 v28, v27;
	[tilespmem:s18+$0xFFFFFF60] =	vst v20;
	v20 =	vld [tilespmem:s18+$0xFFFFFFB0]  }
0x1ab: {  	v25 =	vmul.f32 v22, v27;
	v17 =	vmul.f32 v30, v8;
	v21 =	vld [tilespmem:s18+$0x40];
	[tilespmem:s18+$0xC0] =	vst v19  }
0x1ac: {  	v19 =	vmul.f32 v31, v8;
	s18 =	sadd.s32 $0x200, s18;
	v22 =	vld [tilespmem:s17+$0xFFFFFF90];
	[tilespmem:s17+$0x90] =	vst v24;
	v24 =	vmul.f32 v29, v27  }
0x1ad: {  	[tilespmem:s17+$0xFFFFFF30] =	vst v18  }
0x1ae: {  	[tilespmem:s17+$0x80] =	vst v23  }
0x1af: {  	[tilespmem:s17+$0xD0] =	vst v25  }
0x1b0: {  	[tilespmem:s17+$0xFFFFFF80] =	vst v15  }
0x1b1: {  	[tilespmem:s17+$0xA0] =	vst v13  }
0x1b2: {  	[tilespmem:s17+$0xFFFFFF20] =	vst v14  }
0x1b3: {  	[tilespmem:s17+$0xFFFFFFA0] =	vst v17  }
0x1b4: {  	[tilespmem:s17+$0xFFFFFF50] =	vst v11  }
0x1b5: {  	[tilespmem:s17+$0x0] =	vst v3  }
0x1b6: {  	[tilespmem:s17+$0x10] =	vst v4  }
0x1b7: {  	[tilespmem:s17+$0x30] =	vst v6  }
0x1b8: {  	v9 =	vmul.f32 v9, v8;
	[tilespmem:s17+$0xE0] =	vst v24  }
0x1b9: {  	v5 =	vmul.f32 v5, v8;
	[tilespmem:s17+$0xFFFFFFE0] =	vst v19  }
0x1ba: {  	v1 =	vmul.f32 v1, v2;
	[tilespmem:s17+$0xFFFFFFD0] =	vst v9  }
0x1bb: {  	[tilespmem:s17+$0xFFFFFFC0] =	vst v5;
	v5 =	vmul.f32 v16, v7  }
0x1bc: {  	[tilespmem:s17+$0x50] =	vst v1;
	v1 =	vmul.f32 v10, v2  }
0x1bd: {  	v14 =	vmul.f32 v21, v2;
	[tilespmem:s17+$0xFFFFFF00] =	vst v5  }
0x1be: {  	v2 =	vmul.f32 v12, v2;
	[tilespmem:s17+$0x60] =	vst v1  }
0x1bf: {  	v13 =	vmul.f32 v22, v8;
	[tilespmem:s17+$0x40] =	vst v14  }
0x1c0: {  	v8 =	vmul.f32 v20, v8;
	[tilespmem:s17+$0x70] =	vst v2  }
0x1c1: {  	[tilespmem:s17+$0xFFFFFF90] =	vst v13  }
0x1c2: {  	[tilespmem:s17+$0xFFFFFFB0] =	vst v8  }
0x1c3: {  	[spmem:s3] =	stream.indirect.scatter.add.f32 [tilespmem:s29], [sflag:$0x6], $0x80, s30, s22, $0xb8;
	[tilespmem:$0x1E940] =	vst v63  }
0x1c4: {  	_ =	swait.ge [sflag:s12], $0x2000  }
0x1c5: {  	[sflag:s12] =	ssyncset.done $0x0  }
0x1c6: {  	p0 =	seq.s32 s19, $0x27;
	[sflag:s12] =	ssyncadd.s32 $0xFFFFE000  }
0x1c7: {  	v1 =	vld @!p0 [tilespmem:s16+$0x100];
	_ =	sdelay $0x4  }
0x1c8: {  	v2 =	vand.u32 @!p0 $0xFFFF, v1  }
0x1c9: {  	v1 =	vshrl.u32 @!p0 v1, $0x10;
	[tilespmem:$0xA800] =	vst @!p0 v2  }
0x1ca: {  	[tilespmem:$0xA900] =	vst @!p0 v1  }
0x1cb: {  	v1 =	vld @!p0 [tilespmem:s16+$0x110];
	_ =	sdelay $0x4  }
0x1cc: {  	v2 =	vand.u32 @!p0 $0xFFFF, v1  }
0x1cd: {  	v1 =	vshrl.u32 @!p0 v1, $0x10;
	[tilespmem:$0xA810] =	vst @!p0 v2  }
0x1ce: {  	[tilespmem:$0xA910] =	vst @!p0 v1  }
0x1cf: {  	v1 =	vld @!p0 [tilespmem:s16+$0x120];
	_ =	sdelay $0x4  }
0x1d0: {  	v2 =	vand.u32 @!p0 $0xFFFF, v1  }
0x1d1: {  	v1 =	vshrl.u32 @!p0 v1, $0x10;
	[tilespmem:$0xA820] =	vst @!p0 v2  }
0x1d2: {  	[tilespmem:$0xA920] =	vst @!p0 v1  }
0x1d3: {  	v1 =	vld @!p0 [tilespmem:s16+$0x130];
	_ =	sdelay $0x4  }
0x1d4: {  	v2 =	vand.u32 @!p0 $0xFFFF, v1  }
0x1d5: {  	v1 =	vshrl.u32 @!p0 v1, $0x10;
	[tilespmem:$0xA830] =	vst @!p0 v2  }
0x1d6: {  	s2 =	simm.s32 @!p0 $0x40;
	s4 =	simm.s32 @!p0 $0xA800;
	s8 =	simm.s32 @!p0 $0x2800;
	[tilespmem:$0xA930] =	vst @!p0 v1  }
0x1d7: {  	[tilespmem:s8], [sflag:$0x1] =	stream.indirect.gather @!p0 [hbm4b:s1+s2], $0x80, s4, s2, $0xb8;
	[tilespmem:$0x1E940] =	vst v63  }
0x1d8: {  	s9 =	simm.s32 @!p0 $0xAA00;
	s8 =	simm.s32 @!p0 $0xA900  }
0x1d9: {  	[tilespmem:s9], [sflag:$0x1] =	stream.indirect.gather @!p0 [hbm4b:s5+s2], $0x1, s8, s2, $0xb8;
	[tilespmem:$0x1E940] =	vst v63  }
0x1da: {  	s8 =	simm.s32 @!p0 $0xAB00  }
0x1db: {  	[tilespmem:s8], [sflag:$0x1] =	stream.indirect.gather @!p0 [hbm4b:s6+s2], $0x1, s4, s2, $0xb8;
	[tilespmem:$0x1E940] =	vst v63  }
0x1dc: {  	_ =	swait.ge [sflag:s13], $0x2000  }
0x1dd: {  	[sflag:s13] =	ssyncset.done $0x0  }
0x1de: {  	[sflag:s13] =	ssyncadd.s32 $0xFFFFE000  }
0x1df: {  	_ =	swait.ge [sflag:s13], $0x40  }
0x1e0: {  	[sflag:s13] =	ssyncset.done $0x0  }
0x1e1: {  	[sflag:s13] =	ssyncadd.s32 $0xFFFFFFC0  }
0x1e2: {  	_ =	swait.ge [sflag:s13], $0x40  }
0x1e3: {  	[sflag:s13] =	ssyncset.done $0x0  }
0x1e4: {  	[sflag:s13] =	ssyncadd.s32 $0xFFFFFFC0  }
0x1e5: {  	v1 =	vld [tilespmem:$0xAA80]  }
0x1e6: {  	v2 =	vld [tilespmem:$0xAB80];
	_ =	sdelay $0x4  }
0x1e7: {  	v1 =	vadd.f32 v2, v1;
	_ =	sdelay $0x1  }
0x1e8: {  	v1 =	vsub.f32 $0.0e+00, v1;
	_ =	sdelay $0x1  }
0x1e9: {  	v1 =	vmul.f32 $1.442695020e+00, v1;
	_ =	sdelay $0x1  }
0x1ea: {  	(erf) = vpow2.f32 v1  }
0x1eb: {  	v2 =	vld [tilespmem:$0xAB90]  }
0x1ec: {  	v1 =	vld [tilespmem:$0xAA90];
	_ =	sdelay $0x4  }
0x1ed: {  	v1 =	vadd.f32 v2, v1;
	_ =	sdelay $0x1  }
0x1ee: {  	v1 =	vsub.f32 $0.0e+00, v1;
	v2 =	vpop (erf)  }
0x1ef: {  	v2 =	vadd.f32 $1.000000000e+00, v2  }
0x1f0: {  	v1 =	vmul.f32 $1.442695020e+00, v1  }
0x1f1: {  	(erf) = vrcp.f32 v2  }
0x1f2: {  	(erf) = vpow2.f32 v1  }
0x1f3: {  	v2 =	vld [tilespmem:$0xABA0]  }
0x1f4: {  	v1 =	vld [tilespmem:$0xAAA0];
	_ =	sdelay $0x4  }
0x1f5: {  	v1 =	vadd.f32 v2, v1  }
0x1f6: {  	v2 =	vpop (erf)  }
0x1f7: {  	v1 =	vsub.f32 $0.0e+00, v1;
	v3 =	vpop (erf)  }
0x1f8: {  	v3 =	vadd.f32 $1.000000000e+00, v3  }
0x1f9: {  	v1 =	vmul.f32 $1.442695020e+00, v1  }
0x1fa: {  	(erf) = vrcp.f32 v3  }
0x1fb: {  	(erf) = vpow2.f32 v1  }
0x1fc: {  	v3 =	vld [tilespmem:$0xABB0]  }
0x1fd: {  	v1 =	vld [tilespmem:$0xAAB0];
	_ =	sdelay $0x4  }
0x1fe: {  	v1 =	vadd.f32 v3, v1  }
0x1ff: {  	v3 =	vpop (erf)  }
0x200: {  	v1 =	vsub.f32 $0.0e+00, v1;
	v4 =	vpop (erf)  }
0x201: {  	v4 =	vadd.f32 $1.000000000e+00, v4  }
0x202: {  	v1 =	vmul.f32 $1.442695020e+00, v1  }
0x203: {  	(erf) = vrcp.f32 v4  }
0x204: {  	(erf) = vpow2.f32 v1;
	_ =	sdelay $0x7  }
0x205: {  	v1 =	vpop (erf)  }
0x206: {  	v4 =	vpop (erf)  }
0x207: {  	v4 =	vadd.f32 $1.000000000e+00, v4;
	_ =	sdelay $0x1  }
0x208: {  	(erf) = vrcp.f32 v4;
	_ =	sdelay $0x6  }
0x209: {  	[tilespmem:$0xAC00] =	vst v2  }
0x20a: {  	[tilespmem:$0xAC10] =	vst v3  }
0x20b: {  	[tilespmem:$0xAC20] =	vst v1;
	v1 =	vpop (erf)  }
0x20c: {  	s17 =	simm.s32 $0x6900;
	[tilespmem:$0xAC30] =	vst v1  }
0x20d: {  	v10 =	vld [tilespmem:s17+$0xFFFFFF80]  }
0x20e: {  	v6 =	vld [tilespmem:s17+$0xFFFFFF70]  }
0x20f: {  	v1 =	vld [tilespmem:s17+$0xFFFFFF60]  }
0x210: {  	v17 =	vld [tilespmem:s17+$0x90]  }
0x211: {  	v19 =	vld [tilespmem:s17+$0xD0]  }
0x212: {  	v4 =	vld [tilespmem:s17+$0xFFFFFF50]  }
0x213: {  	v21 =	vld [tilespmem:s17+$0x80]  }
0x214: {  	v20 =	vld [tilespmem:s17+$0xC0]  }
0x215: {  	v11 =	vld [tilespmem:s17+$0xF0]  }
0x216: {  	v2 =	vld [tilespmem:s17+$0xFFFFFF40]  }
0x217: {  	v3 =	vld [tilespmem:s17+$0xB0]  }
0x218: {  	v24 =	vld [tilespmem:s17+$0xE0]  }
0x219: {  	s8 =	simm.s32 $0x0;
	v12 =	vld [tilespmem:s17+$0xFFFFFF30]  }
0x21a: {  	s18 =	sand.u32 $0x30, s8;
	v13 =	vld [tilespmem:s17+$0xFFFFFF10]  }
0x21b: {  	v14 =	vld [tilespmem:s18+$0xAC00]  }
0x21c: {  	v5 =	vld [tilespmem:s17+$0xFFFFFFC0]  }
0x21d: {  	v9 =	vld [tilespmem:s17+$0xFFFFFFD0]  }
0x21e: {  	s10 =	simm.s32 $0x1;
	s4 =	sand.u32 $0xC, s8;
	v15 =	vld [tilespmem:s17+$0xFFFFFFF0]  }
0x21f: {  	s10 =	sand.u32 $0xD, s10;
	s9 =	simm.s32 $0x3;
	v7 =	vmov s4;
	v26 =	vld [tilespmem:s17+$0xFFFFFFE0]  }
0x220: {  	v22 =	vmov s10;
	v8 =	vmov s9;
	v16 =	vld [tilespmem:s17+$0x0];
	v7 =	vperm.xlane v14, v7  }
0x221: {  	v30 =	vld [tilespmem:s17+$0xFFFFFFA0];
	v27 =	vperm.xlane v14, v8;
	v8 =	vperm.xlane v14, v22  }
0x222: {  	s18 =	simm.s32 $0x2;
	v18 =	vld [tilespmem:s17+$0x10];
	v23 =	vmul.f32 v2, v7;
	v13 =	vmul.f32 v13, v7  }
0x223: {  	v25 =	vld [tilespmem:s17+$0x20];
	s18 =	sand.u32 $0xE, s18;
	v28 =	vmul.f32 v1, v7;
	v1 =	vmul.f32 v15, v8  }
0x224: {  	v29 =	vld [tilespmem:s17+$0xFFFFFF20];
	v2 =	vmov s18;
	v15 =	vmul.f32 v10, v8;
	v63 =	vmul.f32 v17, v27;
	[tilespmem:s17+$0xFFFFFF40] =	vst v23  }
0x225: {  	v22 =	vld [tilespmem:s17+$0x30];
	v2 =	vperm.xlane v14, v2;
	v14 =	vmul.f32 v3, v27;
	[tilespmem:s17+$0xFFFFFFF0] =	vst v1  }
0x226: {  	v10 =	vld [tilespmem:s17+$0x60];
	v17 =	vmul.f32 v30, v8;
	v24 =	vmul.f32 v24, v27;
	[tilespmem:s17+$0xFFFFFF10] =	vst v13  }
0x227: {  	v23 =	vld [tilespmem:s17+$0xA0];
	v3 =	vmul.f32 v16, v2;
	[tilespmem:s17+$0xB0] =	vst v14;
	v14 =	vmul.f32 v11, v27  }
0x228: {  	v1 =	vld [tilespmem:s17+$0x50];
	[tilespmem:s17+$0xFFFFFF60] =	vst v28;
	v11 =	vmul.f32 v4, v7;
	v16 =	vmul.f32 v25, v2  }
0x229: {  	[tilespmem:s17+$0x90] =	vst v63;
	v4 =	vmul.f32 v18, v2;
	v18 =	vmul.f32 v12, v7;
	v12 =	vld [tilespmem:s17+$0x70]  }
0x22a: {  	v25 =	vmul.f32 v6, v7;
	v6 =	vmul.f32 v22, v2;
	[tilespmem:s17+$0x20] =	vst v16;
	v16 =	vld [tilespmem:s17+$0xFFFFFF00]  }
0x22b: {  	v22 =	vmul.f32 v20, v27;
	v20 =	vld [tilespmem:s17+$0xFFFFFFB0];
	[tilespmem:s17+$0xF0] =	vst v14;
	v14 =	vmul.f32 v29, v7  }
0x22c: {  	[tilespmem:s17+$0xFFFFFF70] =	vst v25;
	v13 =	vmul.f32 v23, v27;
	v23 =	vmul.f32 v21, v27;
	v21 =	vld [tilespmem:s17+$0x40]  }
0x22d: {  	s18 =	simm.s32 $0x6B00;
	[tilespmem:s17+$0xC0] =	vst v22;
	v25 =	vmul.f32 v19, v27;
	v22 =	vld [tilespmem:s17+$0xFFFFFF90];
	v19 =	vmul.f32 v26, v8  }
.LBB2_9:
0x22e: {  	[tilespmem:s17+$0xFFFFFF30] =	vst v18;
	v9 =	vmul.f32 v9, v8;
	v18 =	vmul.f32 v1, v2;
	v1 =	vld [tilespmem:s18+$0x50];
	s2 =	smov.u32 s8;
	s8 =	sadd.s32 $0x4, s8  }
0x22f: {  	v5 =	vmul.f32 v5, v8;
	s4 =	sand.u32 $0xC, s8;
	s9 =	sand.u32 $0x30, s8;
	v26 =	vld [tilespmem:s18+$0xFFFFFF80];
	p1 =	slt.u32 s8, $0x3C;
	v7 =	vmul.f32 v16, v7;
	[tilespmem:s17+$0x80] =	vst v23  }
0x230: {  	v12 =	vmul.f32 v12, v2;
	v16 =	vmov s4;
	v23 =	vld [tilespmem:s18+$0xFFFFFF70];
	v20 =	vmul.f32 v20, v8;
	[tilespmem:s17+$0xD0] =	vst v25  }
0x231: {  	v25 =	vld [tilespmem:s18+$0xFFFFFF60];
	[tilespmem:s17+$0xFFFFFF80] =	vst v15;
	v15 =	vmul.f32 v21, v2  }
0x232: {  	s4 =	sadd.s32 $0x6, s2;
	v21 =	vld [tilespmem:s18+$0x90];
	v8 =	vmul.f32 v22, v8;
	[tilespmem:s17+$0xE0] =	vst v24  }
0x233: {  	s10 =	sadd.s32 $0x7, s2;
	s4 =	sand.u32 $0xE, s4;
	v22 =	vld [tilespmem:s18+$0xD0];
	[tilespmem:s17+$0xA0] =	vst v13  }
0x234: {  	v27 =	vmov s10;
	v24 =	vmov s4;
	v13 =	vld [tilespmem:s18+$0xFFFFFF50];
	[tilespmem:s17+$0xFFFFFF20] =	vst v14  }
0x235: {  	v28 =	vld [tilespmem:s18+$0x80];
	[tilespmem:s17+$0xFFFFFFA0] =	vst v17  }
0x236: {  	v17 =	vld [tilespmem:s18+$0xC0];
	[tilespmem:s17+$0xFFFFFFE0] =	vst v19  }
0x237: {  	v14 =	vld [tilespmem:s18+$0xF0];
	[tilespmem:s17+$0xFFFFFF90] =	vst v8  }
0x238: {  	s2 =	sadd.s32 $0x5, s2;
	v19 =	vld [tilespmem:s18+$0xFFFFFF40];
	[tilespmem:s17+$0xFFFFFF50] =	vst v11  }
0x239: {  	s2 =	sand.u32 $0xD, s2;
	v11 =	vld [tilespmem:s18+$0xB0];
	[tilespmem:s17+$0x40] =	vst v15  }
0x23a: {  	v8 =	vmov s2;
	v29 =	vld [tilespmem:s18+$0xE0];
	[tilespmem:s17+$0xFFFFFFD0] =	vst v9  }
0x23b: {  	v15 =	vld [tilespmem:s18+$0xFFFFFF30];
	[tilespmem:s17+$0xFFFFFFC0] =	vst v5  }
0x23c: {  	v30 =	vld [tilespmem:s18+$0xFFFFFF10];
	[tilespmem:s17+$0xFFFFFFB0] =	vst v20  }
0x23d: {  	v20 =	vld [tilespmem:s9+$0xAC00];
	[tilespmem:s17+$0x50] =	vst v18  }
0x23e: {  	v2 =	vmul.f32 v10, v2;
	v5 =	vld [tilespmem:s18+$0xFFFFFFC0];
	[tilespmem:s17+$0xFFFFFF00] =	vst v7  }
0x23f: {  	v9 =	vld [tilespmem:s18+$0xFFFFFFD0];
	[tilespmem:s17+$0x0] =	vst v3  }
0x240: {  	v31 =	vld [tilespmem:s18+$0xFFFFFFE0];
	[tilespmem:s17+$0x60] =	vst v2  }
0x241: {  	v3 =	vld [tilespmem:s18+$0xFFFFFFF0];
	[tilespmem:s17+$0x10] =	vst v4  }
0x242: {  	v7 =	vperm.xlane v20, v16;
	v8 =	vperm.xlane v20, v8;
	v4 =	vld [tilespmem:s18+$0x0];
	[tilespmem:s17+$0x70] =	vst v12  }
0x243: {  	v27 =	vperm.xlane v20, v27;
	v10 =	vld [tilespmem:s18+$0x10];
	[tilespmem:s17+$0x30] =	vst v6;
	s17 =	smov.u32 s18  }
0x244: {  	v6 =	vmul.f32 v30, v7;
	v12 =	vmul.f32 v19, v7;
	v16 =	vld [tilespmem:s18+$0x20]  }
0x245: {  	v2 =	vperm.xlane v20, v24;
	v11 =	vmul.f32 v11, v27;
	v19 =	vld [tilespmem:s18+$0x30]  }
0x246: {  	v20 =	vmul.f32 v25, v7;
	[tilespmem:s18+$0xFFFFFF40] =	vst v12;
	v12 =	vmul.f32 v3, v8;
	v24 =	vld [tilespmem:s18+$0xA0]  }
0x247: {  	v14 =	vmul.f32 v14, v27;
	v25 =	vld [tilespmem:s18+$0xFFFFFF20];
	v3 =	vmul.f32 v4, v2;
	[tilespmem:s18+$0xB0] =	vst v11  }
0x248: {  	v11 =	vmul.f32 v13, v7;
	v30 =	vld [tilespmem:s18+$0xFFFFFFA0];
	[tilespmem:s18+$0xFFFFFFF0] =	vst v12;
	v4 =	vmul.f32 v10, v2  }
0x249: {  	v18 =	vmul.f32 v15, v7;
	v10 =	vmul.f32 v16, v2;
	[tilespmem:s18+$0xF0] =	vst v14  }
0x24a: {  	v23 =	vmul.f32 v23, v7;
	[tilespmem:s18+$0xFFFFFF10] =	vst v6;
	v6 =	vmul.f32 v19, v2;
	v12 =	vld [tilespmem:s18+$0x70]  }
.Ltmp3:
0x24b: {  	v15 =	vmul.f32 v26, v8;
	[tilespmem:s18+$0x20] =	vst v10;
	v10 =	vld [tilespmem:s18+$0x60];
	v13 =	vmul.f32 v24, v27;
	(pc) =	sbr.rel @p1 .LBB2_9-.Ltmp3, $4  }
0x24c: {  	v19 =	vmul.f32 v17, v27;
	v16 =	vld [tilespmem:s18+$0xFFFFFF00];
	v14 =	vmul.f32 v25, v7;
	[tilespmem:s18+$0xFFFFFF70] =	vst v23  }
0x24d: {  	v24 =	vmul.f32 v21, v27;
	v23 =	vmul.f32 v28, v27;
	[tilespmem:s18+$0xFFFFFF60] =	vst v20;
	v20 =	vld [tilespmem:s18+$0xFFFFFFB0]  }
0x24e: {  	v25 =	vmul.f32 v22, v27;
	v17 =	vmul.f32 v30, v8;
	v21 =	vld [tilespmem:s18+$0x40];
	[tilespmem:s18+$0xC0] =	vst v19  }
0x24f: {  	v19 =	vmul.f32 v31, v8;
	s18 =	sadd.s32 $0x200, s18;
	v22 =	vld [tilespmem:s17+$0xFFFFFF90];
	[tilespmem:s17+$0x90] =	vst v24;
	v24 =	vmul.f32 v29, v27  }
0x250: {  	[tilespmem:s17+$0xFFFFFF30] =	vst v18  }
0x251: {  	[tilespmem:s17+$0x80] =	vst v23  }
0x252: {  	[tilespmem:s17+$0xD0] =	vst v25  }
0x253: {  	[tilespmem:s17+$0xFFFFFF80] =	vst v15  }
0x254: {  	[tilespmem:s17+$0xA0] =	vst v13  }
0x255: {  	[tilespmem:s17+$0xFFFFFF20] =	vst v14  }
0x256: {  	[tilespmem:s17+$0xFFFFFFA0] =	vst v17  }
0x257: {  	[tilespmem:s17+$0xFFFFFF50] =	vst v11  }
0x258: {  	[tilespmem:s17+$0x0] =	vst v3  }
0x259: {  	[tilespmem:s17+$0x10] =	vst v4  }
0x25a: {  	[tilespmem:s17+$0x30] =	vst v6  }
0x25b: {  	v9 =	vmul.f32 v9, v8;
	[tilespmem:s17+$0xE0] =	vst v24  }
0x25c: {  	v5 =	vmul.f32 v5, v8;
	[tilespmem:s17+$0xFFFFFFE0] =	vst v19  }
0x25d: {  	v1 =	vmul.f32 v1, v2;
	[tilespmem:s17+$0xFFFFFFD0] =	vst v9  }
0x25e: {  	[tilespmem:s17+$0xFFFFFFC0] =	vst v5;
	v5 =	vmul.f32 v16, v7  }
0x25f: {  	[tilespmem:s17+$0x50] =	vst v1;
	v1 =	vmul.f32 v10, v2  }
0x260: {  	v14 =	vmul.f32 v21, v2;
	[tilespmem:s17+$0xFFFFFF00] =	vst v5  }
0x261: {  	v2 =	vmul.f32 v12, v2;
	[tilespmem:s17+$0x60] =	vst v1  }
0x262: {  	v13 =	vmul.f32 v22, v8;
	[tilespmem:s17+$0x40] =	vst v14  }
0x263: {  	v8 =	vmul.f32 v20, v8;
	[tilespmem:s17+$0x70] =	vst v2  }
0x264: {  	[tilespmem:s17+$0xFFFFFF90] =	vst v13  }
0x265: {  	[tilespmem:s17+$0xFFFFFFB0] =	vst v8  }
0x266: {  	[spmem:s3] =	stream.indirect.scatter.add.f32 [tilespmem:s26], [sflag:$0x7], $0x80, s31, s22, $0xb8;
	[tilespmem:$0x1E940] =	vst v63  }
0x267: {  	_ =	swait.ge [sflag:s14], $0x2000  }
0x268: {  	[sflag:s14] =	ssyncset.done $0x0  }
0x269: {  	[sflag:s14] =	ssyncadd.s32 $0xFFFFE000  }
0x26a: {  	v1 =	vld @!p0 [tilespmem:s16+$0x140];
	_ =	sdelay $0x4  }
0x26b: {  	v2 =	vand.u32 @!p0 $0xFFFF, v1  }
0x26c: {  	v1 =	vshrl.u32 @!p0 v1, $0x10;
	[tilespmem:$0xA840] =	vst @!p0 v2  }
0x26d: {  	[tilespmem:$0xA940] =	vst @!p0 v1  }
0x26e: {  	v1 =	vld @!p0 [tilespmem:s16+$0x150];
	_ =	sdelay $0x4  }
0x26f: {  	v2 =	vand.u32 @!p0 $0xFFFF, v1  }
0x270: {  	v1 =	vshrl.u32 @!p0 v1, $0x10;
	[tilespmem:$0xA850] =	vst @!p0 v2  }
0x271: {  	[tilespmem:$0xA950] =	vst @!p0 v1  }
0x272: {  	v1 =	vld @!p0 [tilespmem:s16+$0x160];
	_ =	sdelay $0x4  }
0x273: {  	v2 =	vand.u32 @!p0 $0xFFFF, v1  }
0x274: {  	v1 =	vshrl.u32 @!p0 v1, $0x10;
	[tilespmem:$0xA860] =	vst @!p0 v2  }
0x275: {  	[tilespmem:$0xA960] =	vst @!p0 v1  }
0x276: {  	v1 =	vld @!p0 [tilespmem:s16+$0x170];
	_ =	sdelay $0x4  }
0x277: {  	v2 =	vand.u32 @!p0 $0xFFFF, v1  }
0x278: {  	v1 =	vshrl.u32 @!p0 v1, $0x10;
	[tilespmem:$0xA870] =	vst @!p0 v2  }
0x279: {  	s2 =	simm.s32 @!p0 $0x40;
	s4 =	simm.s32 @!p0 $0xA840;
	s8 =	simm.s32 @!p0 $0x4800;
	[tilespmem:$0xA970] =	vst @!p0 v1  }
0x27a: {  	[tilespmem:s8], [sflag:$0x2] =	stream.indirect.gather @!p0 [hbm4b:s1+s2], $0x80, s4, s2, $0xb8;
	[tilespmem:$0x1E940] =	vst v63  }
0x27b: {  	s9 =	simm.s32 @!p0 $0xAA40;
	s8 =	simm.s32 @!p0 $0xA940  }
0x27c: {  	[tilespmem:s9], [sflag:$0x2] =	stream.indirect.gather @!p0 [hbm4b:s5+s2], $0x1, s8, s2, $0xb8;
	[tilespmem:$0x1E940] =	vst v63  }
0x27d: {  	s8 =	simm.s32 @!p0 $0xAB40  }
0x27e: {  	[tilespmem:s8], [sflag:$0x2] =	stream.indirect.gather @!p0 [hbm4b:s6+s2], $0x1, s4, s2, $0xb8;
	[tilespmem:$0x1E940] =	vst v63  }
0x27f: {  	_ =	swait.ge [sflag:s15], $0x2000  }
0x280: {  	[sflag:s15] =	ssyncset.done $0x0  }
0x281: {  	[sflag:s15] =	ssyncadd.s32 $0xFFFFE000  }
0x282: {  	_ =	swait.ge [sflag:s15], $0x40  }
0x283: {  	[sflag:s15] =	ssyncset.done $0x0  }
0x284: {  	[sflag:s15] =	ssyncadd.s32 $0xFFFFFFC0  }
0x285: {  	_ =	swait.ge [sflag:s15], $0x40  }
0x286: {  	[sflag:s15] =	ssyncset.done $0x0  }
0x287: {  	[sflag:s15] =	ssyncadd.s32 $0xFFFFFFC0  }
0x288: {  	v1 =	vld [tilespmem:$0xAAC0]  }
0x289: {  	v2 =	vld [tilespmem:$0xABC0];
	_ =	sdelay $0x4  }
0x28a: {  	v1 =	vadd.f32 v2, v1;
	_ =	sdelay $0x1  }
0x28b: {  	v1 =	vsub.f32 $0.0e+00, v1;
	_ =	sdelay $0x1  }
0x28c: {  	v1 =	vmul.f32 $1.442695020e+00, v1;
	_ =	sdelay $0x1  }
0x28d: {  	(erf) = vpow2.f32 v1  }
0x28e: {  	v2 =	vld [tilespmem:$0xABD0]  }
0x28f: {  	v1 =	vld [tilespmem:$0xAAD0];
	_ =	sdelay $0x4  }
0x290: {  	v1 =	vadd.f32 v2, v1;
	_ =	sdelay $0x1  }
0x291: {  	v1 =	vsub.f32 $0.0e+00, v1;
	v2 =	vpop (erf)  }
0x292: {  	v2 =	vadd.f32 $1.000000000e+00, v2  }
0x293: {  	v1 =	vmul.f32 $1.442695020e+00, v1  }
0x294: {  	(erf) = vrcp.f32 v2  }
0x295: {  	(erf) = vpow2.f32 v1  }
0x296: {  	v2 =	vld [tilespmem:$0xABE0]  }
0x297: {  	v1 =	vld [tilespmem:$0xAAE0];
	_ =	sdelay $0x4  }
0x298: {  	v1 =	vadd.f32 v2, v1  }
0x299: {  	v2 =	vpop (erf)  }
0x29a: {  	v1 =	vsub.f32 $0.0e+00, v1;
	v3 =	vpop (erf)  }
0x29b: {  	v3 =	vadd.f32 $1.000000000e+00, v3  }
0x29c: {  	v1 =	vmul.f32 $1.442695020e+00, v1  }
0x29d: {  	(erf) = vrcp.f32 v3  }
0x29e: {  	(erf) = vpow2.f32 v1  }
0x29f: {  	v3 =	vld [tilespmem:$0xABF0]  }
0x2a0: {  	v1 =	vld [tilespmem:$0xAAF0];
	_ =	sdelay $0x4  }
0x2a1: {  	v1 =	vadd.f32 v3, v1  }
0x2a2: {  	v3 =	vpop (erf)  }
0x2a3: {  	v1 =	vsub.f32 $0.0e+00, v1;
	v4 =	vpop (erf)  }
0x2a4: {  	v4 =	vadd.f32 $1.000000000e+00, v4  }
0x2a5: {  	v1 =	vmul.f32 $1.442695020e+00, v1  }
0x2a6: {  	(erf) = vrcp.f32 v4  }
0x2a7: {  	(erf) = vpow2.f32 v1;
	_ =	sdelay $0x7  }
0x2a8: {  	v1 =	vpop (erf)  }
0x2a9: {  	v4 =	vpop (erf)  }
0x2aa: {  	v4 =	vadd.f32 $1.000000000e+00, v4;
	_ =	sdelay $0x1  }
0x2ab: {  	(erf) = vrcp.f32 v4;
	_ =	sdelay $0x6  }
0x2ac: {  	[tilespmem:$0xAC00] =	vst v2  }
0x2ad: {  	[tilespmem:$0xAC10] =	vst v3  }
0x2ae: {  	[tilespmem:$0xAC20] =	vst v1;
	v1 =	vpop (erf)  }
0x2af: {  	s16 =	simm.s32 $0x8900;
	[tilespmem:$0xAC30] =	vst v1  }
0x2b0: {  	v10 =	vld [tilespmem:s16+$0xFFFFFF80]  }
0x2b1: {  	v6 =	vld [tilespmem:s16+$0xFFFFFF70]  }
0x2b2: {  	v1 =	vld [tilespmem:s16+$0xFFFFFF60]  }
0x2b3: {  	v17 =	vld [tilespmem:s16+$0x90]  }
0x2b4: {  	v19 =	vld [tilespmem:s16+$0xD0]  }
0x2b5: {  	v4 =	vld [tilespmem:s16+$0xFFFFFF50]  }
0x2b6: {  	v21 =	vld [tilespmem:s16+$0x80]  }
0x2b7: {  	v20 =	vld [tilespmem:s16+$0xC0]  }
0x2b8: {  	v11 =	vld [tilespmem:s16+$0xF0]  }
0x2b9: {  	v2 =	vld [tilespmem:s16+$0xFFFFFF40]  }
0x2ba: {  	v3 =	vld [tilespmem:s16+$0xB0]  }
0x2bb: {  	v24 =	vld [tilespmem:s16+$0xE0]  }
0x2bc: {  	s8 =	simm.s32 $0x0;
	v12 =	vld [tilespmem:s16+$0xFFFFFF30]  }
0x2bd: {  	s17 =	sand.u32 $0x30, s8;
	v13 =	vld [tilespmem:s16+$0xFFFFFF10]  }
0x2be: {  	v14 =	vld [tilespmem:s17+$0xAC00]  }
0x2bf: {  	v5 =	vld [tilespmem:s16+$0xFFFFFFC0]  }
0x2c0: {  	v9 =	vld [tilespmem:s16+$0xFFFFFFD0]  }
0x2c1: {  	s9 =	simm.s32 $0x1;
	s18 =	sand.u32 $0xC, s8;
	v15 =	vld [tilespmem:s16+$0xFFFFFFF0]  }
0x2c2: {  	s4 =	simm.s32 $0x3;
	v7 =	vmov s18;
	v26 =	vld [tilespmem:s16+$0xFFFFFFE0];
	s17 =	sand.u32 $0xD, s9  }
0x2c3: {  	v8 =	vmov s4;
	v16 =	vld [tilespmem:s16+$0x0];
	v22 =	vmov s17;
	v7 =	vperm.xlane v14, v7  }
0x2c4: {  	v30 =	vld [tilespmem:s16+$0xFFFFFFA0];
	v27 =	vperm.xlane v14, v8;
	v8 =	vperm.xlane v14, v22  }
0x2c5: {  	s10 =	simm.s32 $0x2;
	v18 =	vld [tilespmem:s16+$0x10];
	v23 =	vmul.f32 v2, v7;
	v13 =	vmul.f32 v13, v7  }
0x2c6: {  	s18 =	sand.u32 $0xE, s10;
	v25 =	vld [tilespmem:s16+$0x20];
	v28 =	vmul.f32 v1, v7;
	v1 =	vmul.f32 v15, v8  }
0x2c7: {  	v29 =	vld [tilespmem:s16+$0xFFFFFF20];
	v2 =	vmov s18;
	v15 =	vmul.f32 v10, v8;
	v63 =	vmul.f32 v17, v27;
	[tilespmem:s16+$0xFFFFFF40] =	vst v23  }
0x2c8: {  	v22 =	vld [tilespmem:s16+$0x30];
	v2 =	vperm.xlane v14, v2;
	v14 =	vmul.f32 v3, v27;
	[tilespmem:s16+$0xFFFFFFF0] =	vst v1  }
0x2c9: {  	v10 =	vld [tilespmem:s16+$0x60];
	v17 =	vmul.f32 v30, v8;
	v24 =	vmul.f32 v24, v27;
	[tilespmem:s16+$0xFFFFFF10] =	vst v13  }
0x2ca: {  	v23 =	vld [tilespmem:s16+$0xA0];
	v3 =	vmul.f32 v16, v2;
	[tilespmem:s16+$0xB0] =	vst v14;
	v14 =	vmul.f32 v11, v27  }
0x2cb: {  	v1 =	vld [tilespmem:s16+$0x50];
	[tilespmem:s16+$0xFFFFFF60] =	vst v28;
	v11 =	vmul.f32 v4, v7;
	v16 =	vmul.f32 v25, v2  }
0x2cc: {  	[tilespmem:s16+$0x90] =	vst v63;
	v4 =	vmul.f32 v18, v2;
	v18 =	vmul.f32 v12, v7;
	v12 =	vld [tilespmem:s16+$0x70]  }
0x2cd: {  	v25 =	vmul.f32 v6, v7;
	v6 =	vmul.f32 v22, v2;
	[tilespmem:s16+$0x20] =	vst v16;
	v16 =	vld [tilespmem:s16+$0xFFFFFF00]  }
0x2ce: {  	v22 =	vmul.f32 v20, v27;
	v20 =	vld [tilespmem:s16+$0xFFFFFFB0];
	[tilespmem:s16+$0xF0] =	vst v14;
	v14 =	vmul.f32 v29, v7  }
0x2cf: {  	[tilespmem:s16+$0xFFFFFF70] =	vst v25;
	v13 =	vmul.f32 v23, v27;
	v23 =	vmul.f32 v21, v27;
	v21 =	vld [tilespmem:s16+$0x40]  }
0x2d0: {  	s17 =	simm.s32 $0x8B00;
	[tilespmem:s16+$0xC0] =	vst v22;
	v25 =	vmul.f32 v19, v27;
	v22 =	vld [tilespmem:s16+$0xFFFFFF90];
	v19 =	vmul.f32 v26, v8  }
.LBB2_11:
0x2d1: {  	[tilespmem:s16+$0xFFFFFF30] =	vst v18;
	v9 =	vmul.f32 v9, v8;
	v18 =	vmul.f32 v1, v2;
	v1 =	vld [tilespmem:s17+$0x50];
	s2 =	smov.u32 s8;
	s8 =	sadd.s32 $0x4, s8  }
0x2d2: {  	v5 =	vmul.f32 v5, v8;
	s4 =	sand.u32 $0xC, s8;
	s9 =	sand.u32 $0x30, s8;
	v26 =	vld [tilespmem:s17+$0xFFFFFF80];
	p0 =	slt.u32 s8, $0x3C;
	v7 =	vmul.f32 v16, v7;
	[tilespmem:s16+$0x80] =	vst v23  }
0x2d3: {  	v12 =	vmul.f32 v12, v2;
	v16 =	vmov s4;
	v23 =	vld [tilespmem:s17+$0xFFFFFF70];
	v20 =	vmul.f32 v20, v8;
	[tilespmem:s16+$0xD0] =	vst v25  }
0x2d4: {  	v25 =	vld [tilespmem:s17+$0xFFFFFF60];
	[tilespmem:s16+$0xFFFFFF80] =	vst v15;
	v15 =	vmul.f32 v21, v2  }
0x2d5: {  	s4 =	sadd.s32 $0x6, s2;
	v21 =	vld [tilespmem:s17+$0x90];
	v8 =	vmul.f32 v22, v8;
	[tilespmem:s16+$0xE0] =	vst v24  }
0x2d6: {  	s10 =	sadd.s32 $0x7, s2;
	s4 =	sand.u32 $0xE, s4;
	v22 =	vld [tilespmem:s17+$0xD0];
	[tilespmem:s16+$0xA0] =	vst v13  }
0x2d7: {  	v27 =	vmov s10;
	v24 =	vmov s4;
	v13 =	vld [tilespmem:s17+$0xFFFFFF50];
	[tilespmem:s16+$0xFFFFFF20] =	vst v14  }
0x2d8: {  	v28 =	vld [tilespmem:s17+$0x80];
	[tilespmem:s16+$0xFFFFFFA0] =	vst v17  }
0x2d9: {  	v17 =	vld [tilespmem:s17+$0xC0];
	[tilespmem:s16+$0xFFFFFFE0] =	vst v19  }
0x2da: {  	v14 =	vld [tilespmem:s17+$0xF0];
	[tilespmem:s16+$0xFFFFFF90] =	vst v8  }
0x2db: {  	s2 =	sadd.s32 $0x5, s2;
	v19 =	vld [tilespmem:s17+$0xFFFFFF40];
	[tilespmem:s16+$0xFFFFFF50] =	vst v11  }
0x2dc: {  	s2 =	sand.u32 $0xD, s2;
	v11 =	vld [tilespmem:s17+$0xB0];
	[tilespmem:s16+$0x40] =	vst v15  }
0x2dd: {  	v8 =	vmov s2;
	v29 =	vld [tilespmem:s17+$0xE0];
	[tilespmem:s16+$0xFFFFFFD0] =	vst v9  }
0x2de: {  	v15 =	vld [tilespmem:s17+$0xFFFFFF30];
	[tilespmem:s16+$0xFFFFFFC0] =	vst v5  }
0x2df: {  	v30 =	vld [tilespmem:s17+$0xFFFFFF10];
	[tilespmem:s16+$0xFFFFFFB0] =	vst v20  }
0x2e0: {  	v20 =	vld [tilespmem:s9+$0xAC00];
	[tilespmem:s16+$0x50] =	vst v18  }
0x2e1: {  	v2 =	vmul.f32 v10, v2;
	v5 =	vld [tilespmem:s17+$0xFFFFFFC0];
	[tilespmem:s16+$0xFFFFFF00] =	vst v7  }
0x2e2: {  	v9 =	vld [tilespmem:s17+$0xFFFFFFD0];
	[tilespmem:s16+$0x0] =	vst v3  }
0x2e3: {  	v31 =	vld [tilespmem:s17+$0xFFFFFFE0];
	[tilespmem:s16+$0x60] =	vst v2  }
0x2e4: {  	v3 =	vld [tilespmem:s17+$0xFFFFFFF0];
	[tilespmem:s16+$0x10] =	vst v4  }
0x2e5: {  	v7 =	vperm.xlane v20, v16;
	v8 =	vperm.xlane v20, v8;
	v4 =	vld [tilespmem:s17+$0x0];
	[tilespmem:s16+$0x70] =	vst v12  }
0x2e6: {  	v27 =	vperm.xlane v20, v27;
	v10 =	vld [tilespmem:s17+$0x10];
	[tilespmem:s16+$0x30] =	vst v6;
	s16 =	smov.u32 s17  }
0x2e7: {  	v6 =	vmul.f32 v30, v7;
	v12 =	vmul.f32 v19, v7;
	v16 =	vld [tilespmem:s17+$0x20]  }
0x2e8: {  	v2 =	vperm.xlane v20, v24;
	v11 =	vmul.f32 v11, v27;
	v19 =	vld [tilespmem:s17+$0x30]  }
0x2e9: {  	v20 =	vmul.f32 v25, v7;
	[tilespmem:s17+$0xFFFFFF40] =	vst v12;
	v12 =	vmul.f32 v3, v8;
	v24 =	vld [tilespmem:s17+$0xA0]  }
0x2ea: {  	v14 =	vmul.f32 v14, v27;
	v25 =	vld [tilespmem:s17+$0xFFFFFF20];
	v3 =	vmul.f32 v4, v2;
	[tilespmem:s17+$0xB0] =	vst v11  }
0x2eb: {  	v11 =	vmul.f32 v13, v7;
	v30 =	vld [tilespmem:s17+$0xFFFFFFA0];
	[tilespmem:s17+$0xFFFFFFF0] =	vst v12;
	v4 =	vmul.f32 v10, v2  }
0x2ec: {  	v18 =	vmul.f32 v15, v7;
	v10 =	vmul.f32 v16, v2;
	[tilespmem:s17+$0xF0] =	vst v14  }
0x2ed: {  	v23 =	vmul.f32 v23, v7;
	[tilespmem:s17+$0xFFFFFF10] =	vst v6;
	v6 =	vmul.f32 v19, v2;
	v12 =	vld [tilespmem:s17+$0x70]  }
.Ltmp4:
0x2ee: {  	v15 =	vmul.f32 v26, v8;
	[tilespmem:s17+$0x20] =	vst v10;
	v10 =	vld [tilespmem:s17+$0x60];
	v13 =	vmul.f32 v24, v27;
	(pc) =	sbr.rel @p0 .LBB2_11-.Ltmp4, $4  }
0x2ef: {  	v19 =	vmul.f32 v17, v27;
	v16 =	vld [tilespmem:s17+$0xFFFFFF00];
	v14 =	vmul.f32 v25, v7;
	[tilespmem:s17+$0xFFFFFF70] =	vst v23  }
0x2f0: {  	v24 =	vmul.f32 v21, v27;
	v23 =	vmul.f32 v28, v27;
	[tilespmem:s17+$0xFFFFFF60] =	vst v20;
	v20 =	vld [tilespmem:s17+$0xFFFFFFB0]  }
0x2f1: {  	v25 =	vmul.f32 v22, v27;
	v17 =	vmul.f32 v30, v8;
	v21 =	vld [tilespmem:s17+$0x40];
	[tilespmem:s17+$0xC0] =	vst v19  }
0x2f2: {  	v19 =	vmul.f32 v31, v8;
	s17 =	sadd.s32 $0x200, s17;
	v22 =	vld [tilespmem:s16+$0xFFFFFF90];
	[tilespmem:s16+$0x90] =	vst v24;
	v24 =	vmul.f32 v29, v27  }
0x2f3: {  	[tilespmem:s16+$0xFFFFFF30] =	vst v18  }
0x2f4: {  	[tilespmem:s16+$0x80] =	vst v23  }
0x2f5: {  	[tilespmem:s16+$0xD0] =	vst v25  }
0x2f6: {  	[tilespmem:s16+$0xFFFFFF80] =	vst v15  }
0x2f7: {  	[tilespmem:s16+$0xA0] =	vst v13  }
0x2f8: {  	[tilespmem:s16+$0xFFFFFF20] =	vst v14  }
0x2f9: {  	[tilespmem:s16+$0xFFFFFFA0] =	vst v17  }
0x2fa: {  	[tilespmem:s16+$0xFFFFFF50] =	vst v11  }
0x2fb: {  	[tilespmem:s16+$0x0] =	vst v3  }
0x2fc: {  	[tilespmem:s16+$0x10] =	vst v4  }
0x2fd: {  	[tilespmem:s16+$0x30] =	vst v6  }
0x2fe: {  	v9 =	vmul.f32 v9, v8;
	[tilespmem:s16+$0xE0] =	vst v24  }
0x2ff: {  	v5 =	vmul.f32 v5, v8;
	[tilespmem:s16+$0xFFFFFFE0] =	vst v19  }
0x300: {  	v1 =	vmul.f32 v1, v2;
	[tilespmem:s16+$0xFFFFFFD0] =	vst v9  }
0x301: {  	v63 =	vmul.f32 v16, v7;
	[tilespmem:s16+$0xFFFFFFC0] =	vst v5  }
0x302: {  	v62 =	vmul.f32 v20, v8;
	[tilespmem:s16+$0x50] =	vst v1  }
0x303: {  	s19 =	sadd.s32 $0x1, s19;
	v1 =	vmul.f32 v10, v2;
	[tilespmem:s16+$0xFFFFFF00] =	vst v63  }
0x304: {  	p0 =	sne.s32 s19, $0x28;
	v61 =	vmul.f32 v21, v2;
	[tilespmem:s16+$0xFFFFFFB0] =	vst v62  }
.Ltmp5:
0x305: {  	v2 =	vmul.f32 v12, v2;
	[tilespmem:s16+$0x60] =	vst v1;
	(pc) =	sbr.rel @p0 .LBB2_4-.Ltmp5, $4  }
0x306: {  	v60 =	vmul.f32 v22, v8;
	[tilespmem:s16+$0x40] =	vst v61  }
0x307: {  	[tilespmem:s16+$0x70] =	vst v2  }
0x308: {  	[tilespmem:s16+$0xFFFFFF90] =	vst v60  }
0x309: {  	[spmem:s3] =	stream.indirect.scatter.add.f32 [tilespmem:s28], [sflag:$0x8], $0x80, s7, s22, $0xb8;
	[tilespmem:$0x1E940] =	vst v63  }
0x30a: {  	s2 =	simm.s32 $0x7  }
0x30b: {  	_ =	swait.ge [sflag:s2], $0x2000  }
0x30c: {  	[sflag:s2] =	ssyncset.done $0x0  }
0x30d: {  	s16 =	simm.s32 $0x8;
	[sflag:s2] =	ssyncadd.s32 $0xFFFFE000  }
0x30e: {  	_ =	swait.ge [sflag:s16], $0x2000  }
0x30f: {  	[sflag:s16] =	ssyncset.done $0x0  }
0x310: {  	[sflag:s16] =	ssyncadd.s32 $0xFFFFE000  }
0x311: {  	s17 =	stileid.u32;
	[bflag:$0x0] =	sbarrier.arrive $0xFFFF  }
0x312: {  	s2 =	sshll.u32 s17, $0x6;
	s9 =	rddreg [dreg:$0x5]  }
0x313: {  	s2 =	sor.u32 $0x1C09, s2;
	s8 =	rddreg [dreg:$0xf];
	s4 =	sshrl.u32 s9, $0x3  }
0x314: {  	[hbm:s8], [sflag:s2] =	dma.local [spmem:s4], $0x27A0  }
0x315: {  	_ =	swait.ge [sflag:s20], $0x27A0  }
0x316: {  	s18 =	rddreg [dreg:$0x11]  }
0x317: {  	s19 =	rddreg [dreg:$0x10];
	s4 =	sadd.s32 $0x1, s18  }
0x318: {  	p0 =	sne.s32 s4, s19  }
.Ltmp6:
0x319: {  	_ = 	snop;
	(pc) =	sbr.rel @p0 .LBB2_1-.Ltmp6, $3  }
0x31a: {  	_ =	sdelay $0x1  }
0x31b: {  	[sflag:s20] =	ssyncset.done $0x0  }
0x31c: {  	[sflag:s20] =	ssyncadd.s32 $0xFFFFD860  }
0x31d: {  	_ =	sfence.sel $0x180000  }
0x31e: {  	[bflag:$0x0] =	sbarrier.arrive $0xFFFF  }
0x31f: {  	_ =	strace $0x90000047  }
0x320: {  	s0 =	stileid.u32;
	[bflag:$0x2] =	sbarrier.arrive $0xFFFF  }
0x321: {  	p0 =	sne.s32 s0, $0x0;
	s0 =	rddreg [dreg:$0x3]  }
0x322: {  	s0 =	sadd.s32 @!p0 $0x100000, s0  }
0x323: {  	[sflag:s0] =	ssyncadd.tile.s32 @!p0 $0x1;
	_ =	shalt  }
.Lfunc_end2:
_tile_overlayer_lowered:
.L_overlay_start_2:
0x324: {  	(tag) =	ssettag $0x2  }
0x325: {  	s0 =	rddreg [dreg:$0x0];
	s2 =	stileid.u32  }
0x326: {  	s1 =	rddreg [dreg:$0x1];
	p0 =	sne.s32 s2, $0x0  }
0x327: {  	s3 =	rddreg [dreg:$0x2];
	[bflag:$0x3] =	sbarrier.arrive $0xFFFF;
	s2 =	simm.s32 @!p0 $0x1C09  }
0x328: {  	[timem:s3], [sflag:s2] =	dma.local @!p0 [hbm:s0], s1  }
0x329: {  	s0 =	simm.s32 @!p0 $0x9  }
0x32a: {  	_ =	swait.ge @!p0 [sflag:s0], s1  }
0x32b: {  	s1 =	ssub.s32 @!p0 $0x0, s1;
	[sflag:s0] =	ssyncset.done @!p0 $0x0  }
0x32c: {  	[sflag:s0] =	ssyncadd.s32 @!p0 s1  }
0x32d: {  	[bflag:$0x3] =	sbarrier.arrive $0xFFFF  }
0x32e: {  	_ =	shalt  }

</sc_bundles>
